<compile_context>
chip_gen: v7x
topology: tpu7x:2x2x1
jax: 0.10.2.dev20260603
libtpu: 0.0.44.dev20260713+nightly
codegen_flags: <defaults>
</compile_context>

<pallas_src>
import functools

import jax
import jax.numpy as jnp
from jax import lax
from jax.experimental import pallas as pl
from jax.experimental.pallas import tpu as pltpu
from jax.experimental.pallas import tpu_sc as plsc

N = 640000
D = 128
B = 64

NC = 2
NS = 16
NW = NC * NS
L = 16

N_SC = 332800
N_TC = N - N_SC

ROWS_PER_TILE = N_SC // NW
CHUNK = 400
NCHUNK = ROWS_PER_TILE // CHUNK
GROUPS = CHUNK // L

RB = 1600
NB = N_TC // RB
TC_OFF = N_SC // RB


def _sc_partials(features_flat, batch_ids):
  mesh = plsc.VectorSubcoreMesh(core_axis_name="c", subcore_axis_name="s")

  @functools.partial(
      pl.kernel,
      mesh=mesh,
      out_type=[
          jax.ShapeDtypeStruct((NW * B * D,), jnp.float32),
          jax.ShapeDtypeStruct((NW * B * L,), jnp.float32),
      ],
      scratch_types=[
          pltpu.VMEM((CHUNK * D,), jnp.float32),
          pltpu.VMEM((CHUNK * D,), jnp.float32),
          pltpu.VMEM((CHUNK,), jnp.int32),
          pltpu.VMEM((CHUNK,), jnp.int32),
          pltpu.VMEM((B * D,), jnp.float32),
          pltpu.VMEM((B * L,), jnp.float32),
          pltpu.SemaphoreType.DMA,
          pltpu.SemaphoreType.DMA,
      ],
  )
  def k(feat_hbm, ids_hbm, sum_hbm, cnt_hbm,
        fbuf0, fbuf1, ibuf0, ibuf1, acc, cnt, sem0, sem1):
    wid = lax.axis_index("s") * NC + lax.axis_index("c")
    base = wid * ROWS_PER_TILE

    fbufs = (fbuf0, fbuf1)
    ibufs = (ibuf0, ibuf1)
    sems = (sem0, sem1)

    zeros = jnp.zeros((L,), jnp.float32)
    def _z(i, _):
      acc[pl.ds(i * L, L)] = zeros
      return 0
    lax.fori_loop(0, B * D // L, _z, 0)
    def _zc(i, _):
      cnt[pl.ds(i * L, L)] = zeros
      return 0
    lax.fori_loop(0, B, _zc, 0)

    ones = jnp.ones((L,), jnp.float32)

    def issue(ci, b):
      start = base + ci * CHUNK
      pltpu.async_copy(feat_hbm.at[pl.ds(start * D, CHUNK * D)],
                       fbufs[b], sems[b])
      pltpu.async_copy(ids_hbm.at[pl.ds(start, CHUNK)], ibufs[b], sems[b])

    def drain(b):
      pltpu.make_async_copy(
          feat_hbm.at[pl.ds(0, CHUNK * D)], fbufs[b], sems[b]).wait()
      pltpu.make_async_copy(
          ids_hbm.at[pl.ds(0, CHUNK)], ibufs[b], sems[b]).wait()

    def process(b):
      fbuf = fbufs[b]
      ibuf = ibufs[b]
      head = ibuf[pl.ds(0, L)]
      tail = ibuf[pl.ds(CHUNK - L, L)]
      first = head[0]
      uniform = first == tail[L - 1]

      @pl.when(uniform)
      def _fast():
        def rb(r, accs):
          off = r * D
          return tuple(accs[c] + fbuf[pl.ds(off + c * L, L)]
                       for c in range(D // L))
        accs = (zeros,) * (D // L)
        def rb8(q, accs):
          for u in range(8):
            accs = rb(8 * q + u, accs)
          return accs
        accs = lax.fori_loop(0, CHUNK // 8, rb8, accs)
        dst = first * D
        for c in range(D // L):
          plsc.addupdate(acc.at[pl.ds(dst + c * L, L)], accs[c])
        plsc.addupdate(cnt.at[pl.ds(first * L, L)], ones * float(CHUNK))

      @pl.when(jnp.logical_not(uniform))
      def _slow():
        def group_body(g, _):
          segs = ibuf[pl.ds(g * L, L)]
          dsts = segs * D
          csts = segs * L
          for r in range(L):
            off = (g * L + r) * D
            dst = dsts[r]
            plsc.addupdate(cnt.at[pl.ds(csts[r], L)], ones)
            for c in range(D // L):
              v = fbuf[pl.ds(off + c * L, L)]
              plsc.addupdate(acc.at[pl.ds(dst + c * L, L)], v)
          return 0
        lax.fori_loop(0, GROUPS, group_body, 0)

    issue(0, 0)
    def chunk_pair(p, _):
      ci = 2 * p
      issue(ci + 1, 1)
      drain(0)
      process(0)
      @pl.when(ci + 2 < NCHUNK)
      def _():
        issue(ci + 2, 0)
      drain(1)
      process(1)
      return 0
    lax.fori_loop(0, NCHUNK // 2, chunk_pair, 0)

    pltpu.sync_copy(acc, sum_hbm.at[pl.ds(wid * B * D, B * D)])
    pltpu.sync_copy(cnt, cnt_hbm.at[pl.ds(wid * B * L, B * L)])

  return k(features_flat, batch_ids)


def _tc_body(ids_ref, feat_ref, sum_ref, cnt_ref):
  i = pl.program_id(0)
  ids = ids_ref[0, 0, :]
  first = ids[0]
  uniform = first == ids[RB - 1]

  @pl.when(i == 0)
  def _():
    sum_ref[...] = jnp.zeros((B, D), jnp.float32)
    cnt_ref[...] = jnp.zeros((B, D), jnp.float32)

  @pl.when(uniform)
  def _fast():
    colsum = jnp.sum(feat_ref[...], axis=0)
    mask = (lax.broadcasted_iota(jnp.int32, (B, 1), 0) == first).astype(
        jnp.float32)
    sum_ref[...] += mask * colsum[None, :]
    cnt_ref[...] += mask * float(RB)

  @pl.when(jnp.logical_not(uniform))
  def _slow():
    seg_iota = lax.broadcasted_iota(jnp.int32, (B, RB), 0)
    oh = (ids[None, :] == seg_iota).astype(jnp.float32)
    sum_ref[...] += jnp.dot(oh, feat_ref[...],
                            preferred_element_type=jnp.float32)
    cnt_ref[...] += jnp.broadcast_to(jnp.sum(oh, axis=1)[:, None], (B, D))


def _tc_partials(feat, ids3d):
  return pl.pallas_call(
      _tc_body,
      grid=(NB,),
      in_specs=[
          pl.BlockSpec((1, 1, RB), lambda i: (i + TC_OFF, 0, 0)),
          pl.BlockSpec((RB, D), lambda i: (i + TC_OFF, 0)),
      ],
      out_specs=[
          pl.BlockSpec((B, D), lambda i: (0, 0)),
          pl.BlockSpec((B, D), lambda i: (0, 0)),
      ],
      out_shape=[
          jax.ShapeDtypeStruct((B, D), jnp.float32),
          jax.ShapeDtypeStruct((B, D), jnp.float32),
      ],
  )(ids3d, feat)


def _combine_kernel(sum_ref, cnt_ref, tsum_ref, tcnt_ref, out_ref):
  s = jnp.sum(sum_ref[...], axis=0) + tsum_ref[...]
  c = jnp.sum(cnt_ref[:, :, 0], axis=0) + tcnt_ref[:, 0]
  out_ref[...] = s / jnp.maximum(c, 1.0)[:, None]


def _combine(sums, cnts, tsum, tcnt):
  return pl.pallas_call(
      _combine_kernel,
      out_shape=jax.ShapeDtypeStruct((B, D), jnp.float32),
  )(sums, cnts, tsum, tcnt)


@jax.jit
def kernel(features, batch_ids):
  ids = batch_ids.astype(jnp.int32)
  tsum, tcnt = _tc_partials(features, ids.reshape((N // RB, 1, RB)))
  sums, cnts = _sc_partials(features.reshape((N * D,)), ids)
  return _combine(sums.reshape((NW, B, D)), cnts.reshape((NW, B, L)),
                  tsum, tcnt)

# --- scband reference (transcript-rebuilt; emitter-appended) ---
"""Pipeline reference for scband-minkowski-global-pooling-42949672960750 (READ-ONLY COPY).

The authoritative reference and input builder live on the scoring server;
editing this copy changes nothing except your own understanding.
"""

import jax, jax.numpy as jnp
import numpy as np

N = 640000
D = 128
B = 64

def setup_inputs(seed: int = 0) -> dict:
    key = jax.random.key(seed)
    k1, k2 = jax.random.split(key)
    features = jax.random.normal(k1, (N, D), dtype=jnp.float32)
    batch_ids = jnp.sort(jax.random.randint(k2, (N,), 0, B, dtype=jnp.int64))
    return {"features": features, "batch_ids": batch_ids}

def reference(features, batch_ids):
    # MinkowskiGlobalPooling with average=True: reduce each point cloud
    # (identified by its batch index) to a single averaged feature vector.
    sums = jax.ops.segment_sum(features, batch_ids, num_segments=B)
    num_nonzero = jax.ops.segment_sum(
        jnp.ones((features.shape[0],), dtype=jnp.float32), batch_ids, num_segments=B
    )
    out = sums / jnp.maximum(num_nonzero, 1.0)[:, None]
    return out

if __name__ == "__main__":
    import jax
    _d = setup_inputs()
    print(jax.jit(kernel)(*tuple(_d.values())))

</pallas_src>

<mosaic_0001>
#map = affine_map<(d0, d1) -> (0)>
module attributes {stable_mosaic.version = 14 : i64} {
  func.func @k(%arg0: i32, %arg1: i32, %arg2: memref<81920000xf32, #tpu.memory_space<hbm>>, %arg3: memref<640000xi32, #tpu.memory_space<hbm>>, %arg4: memref<262144xf32, #tpu.memory_space<hbm>>, %arg5: memref<32768xf32, #tpu.memory_space<hbm>>, %arg6: memref<51200xf32, #tpu.memory_space<vmem>>, %arg7: memref<51200xf32, #tpu.memory_space<vmem>>, %arg8: memref<400xi32, #tpu.memory_space<vmem>>, %arg9: memref<400xi32, #tpu.memory_space<vmem>>, %arg10: memref<8192xf32, #tpu.memory_space<vmem>>, %arg11: memref<1024xf32, #tpu.memory_space<vmem>>, %arg12: memref<!tpu.dma_semaphore, #tpu.memory_space<semaphore_mem>>, %arg13: memref<!tpu.dma_semaphore, #tpu.memory_space<semaphore_mem>>) attributes {dimension_semantics = [#tpu.dimension_semantics<core_parallel>, #tpu.dimension_semantics<subcore_parallel>], iteration_bounds = array<i64: 2, 16>, scalar_prefetch = 0 : i64, scratch_operands = 8 : i64, tpu.core_type = #tpu.core_type<sc_vector_subcore>, window_params = [{transform_indices = #map}, {transform_indices = #map}, {transform_indices = #map}, {transform_indices = #map}]} {
    %mul3A = arith.constant 2 : i32
    %mul3A_0 = arith.muli %arg1, %mul3A : i32
    %add3A = arith.addi %mul3A_0, %arg0 : i32
    %mul3A_1 = arith.constant 10400 : i32
    %mul3A_2 = arith.muli %add3A, %mul3A_1 : i32
    %broadcast_in_dim3A = arith.constant 0.000000e+00 : f32
    %broadcast_in_dim3A_3 = vector.broadcast %broadcast_in_dim3A : f32 to vector<16xf32>
    %scan3A = arith.constant 0 : i32
    %scan3A_4 = arith.constant 0 : i32
    %scan3A_5 = arith.constant 512 : i32
    %scan3A_6 = arith.addi %scan3A_4, %scan3A_5 : i32
    %scan3A_7 = arith.constant 1 : i32
    %scan3A_8 = scf.for %scan3A_41 = %scan3A_4 to %scan3A_6 step %scan3A_7 iter_args(%scan3A_42 = %scan3A) -> (i32)  : i32 {
      %mul3A_43 = arith.constant 16 : i32
      %mul3A_44 = arith.muli %scan3A_41, %mul3A_43 : i32
      %swap3A = arith.index_cast %mul3A_44 : i32 to index
      %swap3A_45 = tpu.vector_load %arg10[%swap3A] {strides = array<i32>} : memref<8192xf32, #tpu.memory_space<vmem>>, vector<16xf32>,
      %swap3A_46 = vector.shape_cast %swap3A_45 : vector<16xf32> to vector<16xf32>
      %swap3A_47 = vector.shape_cast %broadcast_in_dim3A_3 : vector<16xf32> to vector<16xf32>
      tpu.vector_store %arg10[%swap3A], %swap3A_47 {strides = array<i32>} : memref<8192xf32, #tpu.memory_space<vmem>>, vector<16xf32>,
      %scan3A_48 = arith.constant 0 : i32
      scf.yield %scan3A_48 : i32
    }
    %scan3A_9 = arith.constant 512 : i32
    %scan3A_10 = arith.constant 0 : i32
    %scan3A_11 = arith.constant 0 : i32
    %scan3A_12 = arith.constant 64 : i32
    %scan3A_13 = arith.addi %scan3A_11, %scan3A_12 : i32
    %scan3A_14 = arith.constant 1 : i32
    %scan3A_15 = scf.for %scan3A_41 = %scan3A_11 to %scan3A_13 step %scan3A_14 iter_args(%scan3A_42 = %scan3A_10) -> (i32)  : i32 {
      %mul3A_43 = arith.constant 16 : i32
      %mul3A_44 = arith.muli %scan3A_41, %mul3A_43 : i32
      %swap3A = arith.index_cast %mul3A_44 : i32 to index
      %swap3A_45 = tpu.vector_load %arg11[%swap3A] {strides = array<i32>} : memref<1024xf32, #tpu.memory_space<vmem>>, vector<16xf32>,
      %swap3A_46 = vector.shape_cast %swap3A_45 : vector<16xf32> to vector<16xf32>
      %swap3A_47 = vector.shape_cast %broadcast_in_dim3A_3 : vector<16xf32> to vector<16xf32>
      tpu.vector_store %arg11[%swap3A], %swap3A_47 {strides = array<i32>} : memref<1024xf32, #tpu.memory_space<vmem>>, vector<16xf32>,
      %scan3A_48 = arith.constant 0 : i32
      scf.yield %scan3A_48 : i32
    }
    %scan3A_16 = arith.constant 64 : i32
    %broadcast_in_dim3A_17 = arith.constant 1.000000e+00 : f32
    %broadcast_in_dim3A_18 = vector.broadcast %broadcast_in_dim3A_17 : f32 to vector<16xf32>
    %add3A_19 = arith.constant 0 : i32
    %add3A_20 = arith.addi %mul3A_2, %add3A_19 : i32
    %mul3A_21 = arith.constant 128 : i32
    %mul3A_22 = arith.muli %add3A_20, %mul3A_21 : i32
    %dma_start3A = tpu.memref_slice %arg2[%mul3A_22] : memref<81920000xf32, #tpu.memory_space<hbm>> -> memref<51200xf32, #tpu.memory_space<hbm>>
    %dma_start3A_23 = tpu.memref_slice %arg2[%mul3A_22] : memref<81920000xf32, #tpu.memory_space<hbm>> -> memref<51200xf32, #tpu.memory_space<hbm>>
    tpu.enqueue_dma source(%dma_start3A_23 : memref<51200xf32, #tpu.memory_space<hbm>>) target(%arg6 : memref<51200xf32, #tpu.memory_space<vmem>>) target_semaphore(%arg12 : memref<!tpu.dma_semaphore, #tpu.memory_space<semaphore_mem>>)
    %dma_start3A_24 = tpu.memref_slice %arg3[%add3A_20] : memref<640000xi32, #tpu.memory_space<hbm>> -> memref<400xi32, #tpu.memory_space<hbm>>
    %dma_start3A_25 = tpu.memref_slice %arg3[%add3A_20] : memref<640000xi32, #tpu.memory_space<hbm>> -> memref<400xi32, #tpu.memory_space<hbm>>
    tpu.enqueue_dma source(%dma_start3A_25 : memref<400xi32, #tpu.memory_space<hbm>>) target(%arg8 : memref<400xi32, #tpu.memory_space<vmem>>) target_semaphore(%arg12 : memref<!tpu.dma_semaphore, #tpu.memory_space<semaphore_mem>>)
    %scan3A_26 = arith.constant 0 : i32
    %scan3A_27 = arith.constant 0 : i32
    %scan3A_28 = arith.constant 13 : i32
    %scan3A_29 = arith.addi %scan3A_27, %scan3A_28 : i32
    %scan3A_30 = arith.constant 1 : i32
    %scan3A_31 = scf.for %scan3A_41 = %scan3A_27 to %scan3A_29 step %scan3A_30 iter_args(%scan3A_42 = %scan3A_26) -> (i32)  : i32 {
      %mul3A_43 = arith.constant 2 : i32
      %mul3A_44 = arith.muli %mul3A_43, %scan3A_41 : i32
      %add3A_45 = arith.constant 1 : i32
      %add3A_46 = arith.addi %mul3A_44, %add3A_45 : i32
      %mul3A_47 = arith.constant 400 : i32
      %mul3A_48 = arith.muli %add3A_46, %mul3A_47 : i32
      %add3A_49 = arith.addi %mul3A_2, %mul3A_48 : i32
      %mul3A_50 = arith.constant 128 : i32
      %mul3A_51 = arith.muli %add3A_49, %mul3A_50 : i32
      %dma_start3A_52 = tpu.memref_slice %arg2[%mul3A_51] : memref<81920000xf32, #tpu.memory_space<hbm>> -> memref<51200xf32, #tpu.memory_space<hbm>>
      %dma_start3A_53 = tpu.memref_slice %arg2[%mul3A_51] : memref<81920000xf32, #tpu.memory_space<hbm>> -> memref<51200xf32, #tpu.memory_space<hbm>>
      tpu.enqueue_dma source(%dma_start3A_53 : memref<51200xf32, #tpu.memory_space<hbm>>) target(%arg7 : memref<51200xf32, #tpu.memory_space<vmem>>) target_semaphore(%arg13 : memref<!tpu.dma_semaphore, #tpu.memory_space<semaphore_mem>>)
      %dma_start3A_54 = tpu.memref_slice %arg3[%add3A_49] : memref<640000xi32, #tpu.memory_space<hbm>> -> memref<400xi32, #tpu.memory_space<hbm>>
      %dma_start3A_55 = tpu.memref_slice %arg3[%add3A_49] : memref<640000xi32, #tpu.memory_space<hbm>> -> memref<400xi32, #tpu.memory_space<hbm>>
      tpu.enqueue_dma source(%dma_start3A_55 : memref<400xi32, #tpu.memory_space<hbm>>) target(%arg9 : memref<400xi32, #tpu.memory_space<vmem>>) target_semaphore(%arg13 : memref<!tpu.dma_semaphore, #tpu.memory_space<semaphore_mem>>)
      %dma_wait3A = arith.constant 0 : i32
      %dma_wait3A_56 = tpu.memref_slice %arg2[%dma_wait3A] : memref<81920000xf32, #tpu.memory_space<hbm>> -> memref<51200xf32, #tpu.memory_space<hbm>>
      %dma_wait3A_57 = arith.constant 0 : i32
      %dma_wait3A_58 = tpu.memref_slice %arg2[%dma_wait3A_57] : memref<81920000xf32, #tpu.memory_space<hbm>> -> memref<51200xf32, #tpu.memory_space<hbm>>
      tpu.wait_dma2 semaphore(%arg12 : memref<!tpu.dma_semaphore, #tpu.memory_space<semaphore_mem>>) src(%dma_wait3A_58 : memref<51200xf32, #tpu.memory_space<hbm>>) dst(%arg6 : memref<51200xf32, #tpu.memory_space<vmem>>)
      %dma_wait3A_59 = arith.constant 0 : i32
      %dma_wait3A_60 = tpu.memref_slice %arg3[%dma_wait3A_59] : memref<640000xi32, #tpu.memory_space<hbm>> -> memref<400xi32, #tpu.memory_space<hbm>>
      %dma_wait3A_61 = arith.constant 0 : i32
      %dma_wait3A_62 = tpu.memref_slice %arg3[%dma_wait3A_61] : memref<640000xi32, #tpu.memory_space<hbm>> -> memref<400xi32, #tpu.memory_space<hbm>>
      tpu.wait_dma2 semaphore(%arg12 : memref<!tpu.dma_semaphore, #tpu.memory_space<semaphore_mem>>) src(%dma_wait3A_62 : memref<400xi32, #tpu.memory_space<hbm>>) dst(%arg8 : memref<400xi32, #tpu.memory_space<vmem>>)
      %get3A = arith.constant 0 : index
      %get3A_63 = tpu.vector_load %arg8[%get3A] {strides = array<i32>} : memref<400xi32, #tpu.memory_space<vmem>>, vector<16xi32>,
      %get3A_64 = vector.shape_cast %get3A_63 : vector<16xi32> to vector<16xi32>
      %get3A_65 = arith.constant 384 : index
      %get3A_66 = tpu.vector_load %arg8[%get3A_65] {strides = array<i32>} : memref<400xi32, #tpu.memory_space<vmem>>, vector<16xi32>,
      %get3A_67 = vector.shape_cast %get3A_66 : vector<16xi32> to vector<16xi32>
      %slice3A = vector.extract_strided_slice %get3A_64 {offsets = [0], sizes = [1], strides = [1]} : vector<16xi32> to vector<1xi32>
      %squeeze3A = vector.extract %slice3A[0] : i32 from vector<1xi32>
      %slice3A_68 = vector.extract_strided_slice %get3A_67 {offsets = [15], sizes = [1], strides = [1]} : vector<16xi32> to vector<1xi32>
      %squeeze3A_69 = vector.extract %slice3A_68[0] : i32 from vector<1xi32>
      %eq3A = arith.cmpi eq, %squeeze3A, %squeeze3A_69 : i32
      %convert_element_type3A = arith.extui %eq3A : i1 to i32
      %cond3A = arith.constant 0 : i32
      %cond3A_70 = arith.cmpi ne, %convert_element_type3A, %cond3A : i32
      scf.if %cond3A_70 {
        %scan3A_109 = arith.constant 0 : i32
        %scan3A_110 = arith.constant 50 : i32
        %scan3A_111 = arith.addi %scan3A_109, %scan3A_110 : i32
        %scan3A_112 = arith.constant 1 : i32
        %scan3A_113:8 = scf.for %scan3A_173 = %scan3A_109 to %scan3A_111 step %scan3A_112 iter_args(%scan3A_174 = %broadcast_in_dim3A_3, %scan3A_175 = %broadcast_in_dim3A_3, %scan3A_176 = %broadcast_in_dim3A_3, %scan3A_177 = %broadcast_in_dim3A_3, %scan3A_178 = %broadcast_in_dim3A_3, %scan3A_179 = %broadcast_in_dim3A_3, %scan3A_180 = %broadcast_in_dim3A_3, %scan3A_181 = %broadcast_in_dim3A_3) -> (vector<16xf32>, vector<16xf32>, vector<16xf32>, vector<16xf32>, vector<16xf32>, vector<16xf32>, vector<16xf32>, vector<16xf32>)  : i32 {
          %mul3A_182 = arith.constant 8 : i32
          %mul3A_183 = arith.muli %mul3A_182, %scan3A_173 : i32
          %add3A_184 = arith.constant 0 : i32
          %add3A_185 = arith.addi %mul3A_183, %add3A_184 : i32
          %mul3A_186 = arith.constant 128 : i32
          %mul3A_187 = arith.muli %add3A_185, %mul3A_186 : i32
          %add3A_188 = arith.constant 0 : i32
          %add3A_189 = arith.addi %mul3A_187, %add3A_188 : i32
          %get3A_190 = arith.index_cast %add3A_189 : i32 to index
          %get3A_191 = tpu.vector_load %arg6[%get3A_190] {strides = array<i32>} : memref<51200xf32, #tpu.memory_space<vmem>>, vector<16xf32>,
          %get3A_192 = vector.shape_cast %get3A_191 : vector<16xf32> to vector<16xf32>
          %add3A_193 = arith.addf %scan3A_174, %get3A_192 : vector<16xf32>
          %add3A_194 = arith.constant 16 : i32
          %add3A_195 = arith.addi %mul3A_187, %add3A_194 : i32
          %get3A_196 = arith.index_cast %add3A_195 : i32 to index
          %get3A_197 = tpu.vector_load %arg6[%get3A_196] {strides = array<i32>} : memref<51200xf32, #tpu.memory_space<vmem>>, vector<16xf32>,
          %get3A_198 = vector.shape_cast %get3A_197 : vector<16xf32> to vector<16xf32>
          %add3A_199 = arith.addf %scan3A_175, %get3A_198 : vector<16xf32>
          %add3A_200 = arith.constant 32 : i32
          %add3A_201 = arith.addi %mul3A_187, %add3A_200 : i32
          %get3A_202 = arith.index_cast %add3A_201 : i32 to index
          %get3A_203 = tpu.vector_load %arg6[%get3A_202] {strides = array<i32>} : memref<51200xf32, #tpu.memory_space<vmem>>, vector<16xf32>,
          %get3A_204 = vector.shape_cast %get3A_203 : vector<16xf32> to vector<16xf32>
          %add3A_205 = arith.addf %scan3A_176, %get3A_204 : vector<16xf32>
          %add3A_206 = arith.constant 48 : i32
          %add3A_207 = arith.addi %mul3A_187, %add3A_206 : i32
          %get3A_208 = arith.index_cast %add3A_207 : i32 to index
          %get3A_209 = tpu.vector_load %arg6[%get3A_208] {strides = array<i32>} : memref<51200xf32, #tpu.memory_space<vmem>>, vector<16xf32>,
          %get3A_210 = vector.shape_cast %get3A_209 : vector<16xf32> to vector<16xf32>
          %add3A_211 = arith.addf %scan3A_177, %get3A_210 : vector<16xf32>
          %add3A_212 = arith.constant 64 : i32
          %add3A_213 = arith.addi %mul3A_187, %add3A_212 : i32
          %get3A_214 = arith.index_cast %add3A_213 : i32 to index
          %get3A_215 = tpu.vector_load %arg6[%get3A_214] {strides = array<i32>} : memref<51200xf32, #tpu.memory_space<vmem>>, vector<16xf32>,
          %get3A_216 = vector.shape_cast %get3A_215 : vector<16xf32> to vector<16xf32>
          %add3A_217 = arith.addf %scan3A_178, %get3A_216 : vector<16xf32>
          %add3A_218 = arith.constant 80 : i32
          %add3A_219 = arith.addi %mul3A_187, %add3A_218 : i32
          %get3A_220 = arith.index_cast %add3A_219 : i32 to index
          %get3A_221 = tpu.vector_load %arg6[%get3A_220] {strides = array<i32>} : memref<51200xf32, #tpu.memory_space<vmem>>, vector<16xf32>,
          %get3A_222 = vector.shape_cast %get3A_221 : vector<16xf32> to vector<16xf32>
          %add3A_223 = arith.addf %scan3A_179, %get3A_222 : vector<16xf32>
          %add3A_224 = arith.constant 96 : i32
          %add3A_225 = arith.addi %mul3A_187, %add3A_224 : i32
          %get3A_226 = arith.index_cast %add3A_225 : i32 to index
          %get3A_227 = tpu.vector_load %arg6[%get3A_226] {strides = array<i32>} : memref<51200xf32, #tpu.memory_space<vmem>>, vector<16xf32>,
          %get3A_228 = vector.shape_cast %get3A_227 : vector<16xf32> to vector<16xf32>
          %add3A_229 = arith.addf %scan3A_180, %get3A_228 : vector<16xf32>
          %add3A_230 = arith.constant 112 : i32
          %add3A_231 = arith.addi %mul3A_187, %add3A_230 : i32
          %get3A_232 = arith.index_cast %add3A_231 : i32 to index
          %get3A_233 = tpu.vector_load %arg6[%get3A_232] {strides = array<i32>} : memref<51200xf32, #tpu.memory_space<vmem>>, vector<16xf32>,
          %get3A_234 = vector.shape_cast %get3A_233 : vector<16xf32> to vector<16xf32>
          %add3A_235 = arith.addf %scan3A_181, %get3A_234 : vector<16xf32>
          %mul3A_236 = arith.constant 8 : i32
          %mul3A_237 = arith.muli %mul3A_236, %scan3A_173 : i32
          %add3A_238 = arith.constant 1 : i32
          %add3A_239 = arith.addi %mul3A_237, %add3A_238 : i32
          %mul3A_240 = arith.constant 128 : i32
          %mul3A_241 = arith.muli %add3A_239, %mul3A_240 : i32
          %add3A_242 = arith.constant 0 : i32
          %add3A_243 = arith.addi %mul3A_241, %add3A_242 : i32
          %get3A_244 = arith.index_cast %add3A_243 : i32 to index
          %get3A_245 = tpu.vector_load %arg6[%get3A_244] {strides = array<i32>} : memref<51200xf32, #tpu.memory_space<vmem>>, vector<16xf32>,
          %get3A_246 = vector.shape_cast %get3A_245 : vector<16xf32> to vector<16xf32>
          %add3A_247 = arith.addf %add3A_193, %get3A_246 : vector<16xf32>
          %add3A_248 = arith.constant 16 : i32
          %add3A_249 = arith.addi %mul3A_241, %add3A_248 : i32
          %get3A_250 = arith.index_cast %add3A_249 : i32 to index
          %get3A_251 = tpu.vector_load %arg6[%get3A_250] {strides = array<i32>} : memref<51200xf32, #tpu.memory_space<vmem>>, vector<16xf32>,
          %get3A_252 = vector.shape_cast %get3A_251 : vector<16xf32> to vector<16xf32>
          %add3A_253 = arith.addf %add3A_199, %get3A_252 : vector<16xf32>
          %add3A_254 = arith.constant 32 : i32
          %add3A_255 = arith.addi %mul3A_241, %add3A_254 : i32
          %get3A_256 = arith.index_cast %add3A_255 : i32 to index
          %get3A_257 = tpu.vector_load %arg6[%get3A_256] {strides = array<i32>} : memref<51200xf32, #tpu.memory_space<vmem>>, vector<16xf32>,
          %get3A_258 = vector.shape_cast %get3A_257 : vector<16xf32> to vector<16xf32>
          %add3A_259 = arith.addf %add3A_205, %get3A_258 : vector<16xf32>
          %add3A_260 = arith.constant 48 : i32
          %add3A_261 = arith.addi %mul3A_241, %add3A_260 : i32
          %get3A_262 = arith.index_cast %add3A_261 : i32 to index
          %get3A_263 = tpu.vector_load %arg6[%get3A_262] {strides = array<i32>} : memref<51200xf32, #tpu.memory_space<vmem>>, vector<16xf32>,
          %get3A_264 = vector.shape_cast %get3A_263 : vector<16xf32> to vector<16xf32>
          %add3A_265 = arith.addf %add3A_211, %get3A_264 : vector<16xf32>
          %add3A_266 = arith.constant 64 : i32
          %add3A_267 = arith.addi %mul3A_241, %add3A_266 : i32
          %get3A_268 = arith.index_cast %add3A_267 : i32 to index
          %get3A_269 = tpu.vector_load %arg6[%get3A_268] {strides = array<i32>} : memref<51200xf32, #tpu.memory_space<vmem>>, vector<16xf32>,
          %get3A_270 = vector.shape_cast %get3A_269 : vector<16xf32> to vector<16xf32>
          %add3A_271 = arith.addf %add3A_217, %get3A_270 : vector<16xf32>
          %add3A_272 = arith.constant 80 : i32
          %add3A_273 = arith.addi %mul3A_241, %add3A_272 : i32
          %get3A_274 = arith.index_cast %add3A_273 : i32 to index
          %get3A_275 = tpu.vector_load %arg6[%get3A_274] {strides = array<i32>} : memref<51200xf32, #tpu.memory_space<vmem>>, vector<16xf32>,
          %get3A_276 = vector.shape_cast %get3A_275 : vector<16xf32> to vector<16xf32>
          %add3A_277 = arith.addf %add3A_223, %get3A_276 : vector<16xf32>
          %add3A_278 = arith.constant 96 : i32
          %add3A_279 = arith.addi %mul3A_241, %add3A_278 : i32
          %get3A_280 = arith.index_cast %add3A_279 : i32 to index
          %get3A_281 = tpu.vector_load %arg6[%get3A_280] {strides = array<i32>} : memref<51200xf32, #tpu.memory_space<vmem>>, vector<16xf32>,
          %get3A_282 = vector.shape_cast %get3A_281 : vector<16xf32> to vector<16xf32>
          %add3A_283 = arith.addf %add3A_229, %get3A_282 : vector<16xf32>
          %add3A_284 = arith.constant 112 : i32
          %add3A_285 = arith.addi %mul3A_241, %add3A_284 : i32
          %get3A_286 = arith.index_cast %add3A_285 : i32 to index
          %get3A_287 = tpu.vector_load %arg6[%get3A_286] {strides = array<i32>} : memref<51200xf32, #tpu.memory_space<vmem>>, vector<16xf32>,
          %get3A_288 = vector.shape_cast %get3A_287 : vector<16xf32> to vector<16xf32>
          %add3A_289 = arith.addf %add3A_235, %get3A_288 : vector<16xf32>
          %mul3A_290 = arith.constant 8 : i32
          %mul3A_291 = arith.muli %mul3A_290, %scan3A_173 : i32
          %add3A_292 = arith.constant 2 : i32
          %add3A_293 = arith.addi %mul3A_291, %add3A_292 : i32
          %mul3A_294 = arith.constant 128 : i32
          %mul3A_295 = arith.muli %add3A_293, %mul3A_294 : i32
          %add3A_296 = arith.constant 0 : i32
          %add3A_297 = arith.addi %mul3A_295, %add3A_296 : i32
          %get3A_298 = arith.index_cast %add3A_297 : i32 to index
          %get3A_299 = tpu.vector_load %arg6[%get3A_298] {strides = array<i32>} : memref<51200xf32, #tpu.memory_space<vmem>>, vector<16xf32>,
          %get3A_300 = vector.shape_cast %get3A_299 : vector<16xf32> to vector<16xf32>
          %add3A_301 = arith.addf %add3A_247, %get3A_300 : vector<16xf32>
          %add3A_302 = arith.constant 16 : i32
          %add3A_303 = arith.addi %mul3A_295, %add3A_302 : i32
          %get3A_304 = arith.index_cast %add3A_303 : i32 to index
          %get3A_305 = tpu.vector_load %arg6[%get3A_304] {strides = array<i32>} : memref<51200xf32, #tpu.memory_space<vmem>>, vector<16xf32>,
          %get3A_306 = vector.shape_cast %get3A_305 : vector<16xf32> to vector<16xf32>
          %add3A_307 = arith.addf %add3A_253, %get3A_306 : vector<16xf32>
          %add3A_308 = arith.constant 32 : i32
          %add3A_309 = arith.addi %mul3A_295, %add3A_308 : i32
          %get3A_310 = arith.index_cast %add3A_309 : i32 to index
          %get3A_311 = tpu.vector_load %arg6[%get3A_310] {strides = array<i32>} : memref<51200xf32, #tpu.memory_space<vmem>>, vector<16xf32>,
          %get3A_312 = vector.shape_cast %get3A_311 : vector<16xf32> to vector<16xf32>
          %add3A_313 = arith.addf %add3A_259, %get3A_312 : vector<16xf32>
          %add3A_314 = arith.constant 48 : i32
          %add3A_315 = arith.addi %mul3A_295, %add3A_314 : i32
          %get3A_316 = arith.index_cast %add3A_315 : i32 to index
          %get3A_317 = tpu.vector_load %arg6[%get3A_316] {strides = array<i32>} : memref<51200xf32, #tpu.memory_space<vmem>>, vector<16xf32>,
          %get3A_318 = vector.shape_cast %get3A_317 : vector<16xf32> to vector<16xf32>
          %add3A_319 = arith.addf %add3A_265, %get3A_318 : vector<16xf32>
          %add3A_320 = arith.constant 64 : i32
          %add3A_321 = arith.addi %mul3A_295, %add3A_320 : i32
          %get3A_322 = arith.index_cast %add3A_321 : i32 to index
          %get3A_323 = tpu.vector_load %arg6[%get3A_322] {strides = array<i32>} : memref<51200xf32, #tpu.memory_space<vmem>>, vector<16xf32>,
          %get3A_324 = vector.shape_cast %get3A_323 : vector<16xf32> to vector<16xf32>
          %add3A_325 = arith.addf %add3A_271, %get3A_324 : vector<16xf32>
          %add3A_326 = arith.constant 80 : i32
          %add3A_327 = arith.addi %mul3A_295, %add3A_326 : i32
          %get3A_328 = arith.index_cast %add3A_327 : i32 to index
          %get3A_329 = tpu.vector_load %arg6[%get3A_328] {strides = array<i32>} : memref<51200xf32, #tpu.memory_space<vmem>>, vector<16xf32>,
          %get3A_330 = vector.shape_cast %get3A_329 : vector<16xf32> to vector<16xf32>
          %add3A_331 = arith.addf %add3A_277, %get3A_330 : vector<16xf32>
          %add3A_332 = arith.constant 96 : i32
          %add3A_333 = arith.addi %mul3A_295, %add3A_332 : i32
          %get3A_334 = arith.index_cast %add3A_333 : i32 to index
          %get3A_335 = tpu.vector_load %arg6[%get3A_334] {strides = array<i32>} : memref<51200xf32, #tpu.memory_space<vmem>>, vector<16xf32>,
          %get3A_336 = vector.shape_cast %get3A_335 : vector<16xf32> to vector<16xf32>
          %add3A_337 = arith.addf %add3A_283, %get3A_336 : vector<16xf32>
          %add3A_338 = arith.constant 112 : i32
          %add3A_339 = arith.addi %mul3A_295, %add3A_338 : i32
          %get3A_340 = arith.index_cast %add3A_339 : i32 to index
          %get3A_341 = tpu.vector_load %arg6[%get3A_340] {strides = array<i32>} : memref<51200xf32, #tpu.memory_space<vmem>>, vector<16xf32>,
          %get3A_342 = vector.shape_cast %get3A_341 : vector<16xf32> to vector<16xf32>
          %add3A_343 = arith.addf %add3A_289, %get3A_342 : vector<16xf32>
          %mul3A_344 = arith.constant 8 : i32
          %mul3A_345 = arith.muli %mul3A_344, %scan3A_173 : i32
          %add3A_346 = arith.constant 3 : i32
          %add3A_347 = arith.addi %mul3A_345, %add3A_346 : i32
          %mul3A_348 = arith.constant 128 : i32
          %mul3A_349 = arith.muli %add3A_347, %mul3A_348 : i32
          %add3A_350 = arith.constant 0 : i32
          %add3A_351 = arith.addi %mul3A_349, %add3A_350 : i32
          %get3A_352 = arith.index_cast %add3A_351 : i32 to index
          %get3A_353 = tpu.vector_load %arg6[%get3A_352] {strides = array<i32>} : memref<51200xf32, #tpu.memory_space<vmem>>, vector<16xf32>,
          %get3A_354 = vector.shape_cast %get3A_353 : vector<16xf32> to vector<16xf32>
          %add3A_355 = arith.addf %add3A_301, %get3A_354 : vector<16xf32>
          %add3A_356 = arith.constant 16 : i32
          %add3A_357 = arith.addi %mul3A_349, %add3A_356 : i32
          %get3A_358 = arith.index_cast %add3A_357 : i32 to index
          %get3A_359 = tpu.vector_load %arg6[%get3A_358] {strides = array<i32>} : memref<51200xf32, #tpu.memory_space<vmem>>, vector<16xf32>,
          %get3A_360 = vector.shape_cast %get3A_359 : vector<16xf32> to vector<16xf32>
          %add3A_361 = arith.addf %add3A_307, %get3A_360 : vector<16xf32>
          %add3A_362 = arith.constant 32 : i32
          %add3A_363 = arith.addi %mul3A_349, %add3A_362 : i32
          %get3A_364 = arith.index_cast %add3A_363 : i32 to index
          %get3A_365 = tpu.vector_load %arg6[%get3A_364] {strides = array<i32>} : memref<51200xf32, #tpu.memory_space<vmem>>, vector<16xf32>,
          %get3A_366 = vector.shape_cast %get3A_365 : vector<16xf32> to vector<16xf32>
          %add3A_367 = arith.addf %add3A_313, %get3A_366 : vector<16xf32>
          %add3A_368 = arith.constant 48 : i32
          %add3A_369 = arith.addi %mul3A_349, %add3A_368 : i32
          %get3A_370 = arith.index_cast %add3A_369 : i32 to index
          %get3A_371 = tpu.vector_load %arg6[%get3A_370] {strides = array<i32>} : memref<51200xf32, #tpu.memory_space<vmem>>, vector<16xf32>,
          %get3A_372 = vector.shape_cast %get3A_371 : vector<16xf32> to vector<16xf32>
          %add3A_373 = arith.addf %add3A_319, %get3A_372 : vector<16xf32>
          %add3A_374 = arith.constant 64 : i32
          %add3A_375 = arith.addi %mul3A_349, %add3A_374 : i32
          %get3A_376 = arith.index_cast %add3A_375 : i32 to index
          %get3A_377 = tpu.vector_load %arg6[%get3A_376] {strides = array<i32>} : memref<51200xf32, #tpu.memory_space<vmem>>, vector<16xf32>,
          %get3A_378 = vector.shape_cast %get3A_377 : vector<16xf32> to vector<16xf32>
          %add3A_379 = arith.addf %add3A_325, %get3A_378 : vector<16xf32>
          %add3A_380 = arith.constant 80 : i32
          %add3A_381 = arith.addi %mul3A_349, %add3A_380 : i32
          %get3A_382 = arith.index_cast %add3A_381 : i32 to index
          %get3A_383 = tpu.vector_load %arg6[%get3A_382] {strides = array<i32>} : memref<51200xf32, #tpu.memory_space<vmem>>, vector<16xf32>,
          %get3A_384 = vector.shape_cast %get3A_383 : vector<16xf32> to vector<16xf32>
          %add3A_385 = arith.addf %add3A_331, %get3A_384 : vector<16xf32>
          %add3A_386 = arith.constant 96 : i32
          %add3A_387 = arith.addi %mul3A_349, %add3A_386 : i32
          %get3A_388 = arith.index_cast %add3A_387 : i32 to index
          %get3A_389 = tpu.vector_load %arg6[%get3A_388] {strides = array<i32>} : memref<51200xf32, #tpu.memory_space<vmem>>, vector<16xf32>,
          %get3A_390 = vector.shape_cast %get3A_389 : vector<16xf32> to vector<16xf32>
          %add3A_391 = arith.addf %add3A_337, %get3A_390 : vector<16xf32>
          %add3A_392 = arith.constant 112 : i32
          %add3A_393 = arith.addi %mul3A_349, %add3A_392 : i32
          %get3A_394 = arith.index_cast %add3A_393 : i32 to index
          %get3A_395 = tpu.vector_load %arg6[%get3A_394] {strides = array<i32>} : memref<51200xf32, #tpu.memory_space<vmem>>, vector<16xf32>,
          %get3A_396 = vector.shape_cast %get3A_395 : vector<16xf32> to vector<16xf32>
          %add3A_397 = arith.addf %add3A_343, %get3A_396 : vector<16xf32>
          %mul3A_398 = arith.constant 8 : i32
          %mul3A_399 = arith.muli %mul3A_398, %scan3A_173 : i32
          %add3A_400 = arith.constant 4 : i32
          %add3A_401 = arith.addi %mul3A_399, %add3A_400 : i32
          %mul3A_402 = arith.constant 128 : i32
          %mul3A_403 = arith.muli %add3A_401, %mul3A_402 : i32
          %add3A_404 = arith.constant 0 : i32
          %add3A_405 = arith.addi %mul3A_403, %add3A_404 : i32
          %get3A_406 = arith.index_cast %add3A_405 : i32 to index
          %get3A_407 = tpu.vector_load %arg6[%get3A_406] {strides = array<i32>} : memref<51200xf32, #tpu.memory_space<vmem>>, vector<16xf32>,
          %get3A_408 = vector.shape_cast %get3A_407 : vector<16xf32> to vector<16xf32>
          %add3A_409 = arith.addf %add3A_355, %get3A_408 : vector<16xf32>
          %add3A_410 = arith.constant 16 : i32
          %add3A_411 = arith.addi %mul3A_403, %add3A_410 : i32
          %get3A_412 = arith.index_cast %add3A_411 : i32 to index
          %get3A_413 = tpu.vector_load %arg6[%get3A_412] {strides = array<i32>} : memref<51200xf32, #tpu.memory_space<vmem>>, vector<16xf32>,
          %get3A_414 = vector.shape_cast %get3A_413 : vector<16xf32> to vector<16xf32>
          %add3A_415 = arith.addf %add3A_361, %get3A_414 : vector<16xf32>
          %add3A_416 = arith.constant 32 : i32
          %add3A_417 = arith.addi %mul3A_403, %add3A_416 : i32
          %get3A_418 = arith.index_cast %add3A_417 : i32 to index
          %get3A_419 = tpu.vector_load %arg6[%get3A_418] {strides = array<i32>} : memref<51200xf32, #tpu.memory_space<vmem>>, vector<16xf32>,
          %get3A_420 = vector.shape_cast %get3A_419 : vector<16xf32> to vector<16xf32>
          %add3A_421 = arith.addf %add3A_367, %get3A_420 : vector<16xf32>
          %add3A_422 = arith.constant 48 : i32
          %add3A_423 = arith.addi %mul3A_403, %add3A_422 : i32
          %get3A_424 = arith.index_cast %add3A_423 : i32 to index
          %get3A_425 = tpu.vector_load %arg6[%get3A_424] {strides = array<i32>} : memref<51200xf32, #tpu.memory_space<vmem>>, vector<16xf32>,
          %get3A_426 = vector.shape_cast %get3A_425 : vector<16xf32> to vector<16xf32>
          %add3A_427 = arith.addf %add3A_373, %get3A_426 : vector<16xf32>
          %add3A_428 = arith.constant 64 : i32
          %add3A_429 = arith.addi %mul3A_403, %add3A_428 : i32
          %get3A_430 = arith.index_cast %add3A_429 : i32 to index
          %get3A_431 = tpu.vector_load %arg6[%get3A_430] {strides = array<i32>} : memref<51200xf32, #tpu.memory_space<vmem>>, vector<16xf32>,
          %get3A_432 = vector.shape_cast %get3A_431 : vector<16xf32> to vector<16xf32>
          %add3A_433 = arith.addf %add3A_379, %get3A_432 : vector<16xf32>
          %add3A_434 = arith.constant 80 : i32
          %add3A_435 = arith.addi %mul3A_403, %add3A_434 : i32
          %get3A_436 = arith.index_cast %add3A_435 : i32 to index
          %get3A_437 = tpu.vector_load %arg6[%get3A_436] {strides = array<i32>} : memref<51200xf32, #tpu.memory_space<vmem>>, vector<16xf32>,
          %get3A_438 = vector.shape_cast %get3A_437 : vector<16xf32> to vector<16xf32>
          %add3A_439 = arith.addf %add3A_385, %get3A_438 : vector<16xf32>
          %add3A_440 = arith.constant 96 : i32
          %add3A_441 = arith.addi %mul3A_403, %add3A_440 : i32
          %get3A_442 = arith.index_cast %add3A_441 : i32 to index
          %get3A_443 = tpu.vector_load %arg6[%get3A_442] {strides = array<i32>} : memref<51200xf32, #tpu.memory_space<vmem>>, vector<16xf32>,
          %get3A_444 = vector.shape_cast %get3A_443 : vector<16xf32> to vector<16xf32>
          %add3A_445 = arith.addf %add3A_391, %get3A_444 : vector<16xf32>
          %add3A_446 = arith.constant 112 : i32
          %add3A_447 = arith.addi %mul3A_403, %add3A_446 : i32
          %get3A_448 = arith.index_cast %add3A_447 : i32 to index
          %get3A_449 = tpu.vector_load %arg6[%get3A_448] {strides = array<i32>} : memref<51200xf32, #tpu.memory_space<vmem>>, vector<16xf32>,
          %get3A_450 = vector.shape_cast %get3A_449 : vector<16xf32> to vector<16xf32>
          %add3A_451 = arith.addf %add3A_397, %get3A_450 : vector<16xf32>
          %mul3A_452 = arith.constant 8 : i32
          %mul3A_453 = arith.muli %mul3A_452, %scan3A_173 : i32
          %add3A_454 = arith.constant 5 : i32
          %add3A_455 = arith.addi %mul3A_453, %add3A_454 : i32
          %mul3A_456 = arith.constant 128 : i32
          %mul3A_457 = arith.muli %add3A_455, %mul3A_456 : i32
          %add3A_458 = arith.constant 0 : i32
          %add3A_459 = arith.addi %mul3A_457, %add3A_458 : i32
          %get3A_460 = arith.index_cast %add3A_459 : i32 to index
          %get3A_461 = tpu.vector_load %arg6[%get3A_460] {strides = array<i32>} : memref<51200xf32, #tpu.memory_space<vmem>>, vector<16xf32>,
          %get3A_462 = vector.shape_cast %get3A_461 : vector<16xf32> to vector<16xf32>
          %add3A_463 = arith.addf %add3A_409, %get3A_462 : vector<16xf32>
          %add3A_464 = arith.constant 16 : i32
          %add3A_465 = arith.addi %mul3A_457, %add3A_464 : i32
          %get3A_466 = arith.index_cast %add3A_465 : i32 to index
          %get3A_467 = tpu.vector_load %arg6[%get3A_466] {strides = array<i32>} : memref<51200xf32, #tpu.memory_space<vmem>>, vector<16xf32>,
          %get3A_468 = vector.shape_cast %get3A_467 : vector<16xf32> to vector<16xf32>
          %add3A_469 = arith.addf %add3A_415, %get3A_468 : vector<16xf32>
          %add3A_470 = arith.constant 32 : i32
          %add3A_471 = arith.addi %mul3A_457, %add3A_470 : i32
          %get3A_472 = arith.index_cast %add3A_471 : i32 to index
          %get3A_473 = tpu.vector_load %arg6[%get3A_472] {strides = array<i32>} : memref<51200xf32, #tpu.memory_space<vmem>>, vector<16xf32>,
          %get3A_474 = vector.shape_cast %get3A_473 : vector<16xf32> to vector<16xf32>
          %add3A_475 = arith.addf %add3A_421, %get3A_474 : vector<16xf32>
          %add3A_476 = arith.constant 48 : i32
          %add3A_477 = arith.addi %mul3A_457, %add3A_476 : i32
          %get3A_478 = arith.index_cast %add3A_477 : i32 to index
          %get3A_479 = tpu.vector_load %arg6[%get3A_478] {strides = array<i32>} : memref<51200xf32, #tpu.memory_space<vmem>>, vector<16xf32>,
          %get3A_480 = vector.shape_cast %get3A_479 : vector<16xf32> to vector<16xf32>
          %add3A_481 = arith.addf %add3A_427, %get3A_480 : vector<16xf32>
          %add3A_482 = arith.constant 64 : i32
          %add3A_483 = arith.addi %mul3A_457, %add3A_482 : i32
          %get3A_484 = arith.index_cast %add3A_483 : i32 to index
          %get3A_485 = tpu.vector_load %arg6[%get3A_484] {strides = array<i32>} : memref<51200xf32, #tpu.memory_space<vmem>>, vector<16xf32>,
          %get3A_486 = vector.shape_cast %get3A_485 : vector<16xf32> to vector<16xf32>
          %add3A_487 = arith.addf %add3A_433, %get3A_486 : vector<16xf32>
          %add3A_488 = arith.constant 80 : i32
          %add3A_489 = arith.addi %mul3A_457, %add3A_488 : i32
          %get3A_490 = arith.index_cast %add3A_489 : i32 to index
          %get3A_491 = tpu.vector_load %arg6[%get3A_490] {strides = array<i32>} : memref<51200xf32, #tpu.memory_space<vmem>>, vector<16xf32>,
          %get3A_492 = vector.shape_cast %get3A_491 : vector<16xf32> to vector<16xf32>
          %add3A_493 = arith.addf %add3A_439, %get3A_492 : vector<16xf32>
          %add3A_494 = arith.constant 96 : i32
          %add3A_495 = arith.addi %mul3A_457, %add3A_494 : i32
          %get3A_496 = arith.index_cast %add3A_495 : i32 to index
          %get3A_497 = tpu.vector_load %arg6[%get3A_496] {strides = array<i32>} : memref<51200xf32, #tpu.memory_space<vmem>>, vector<16xf32>,
          %get3A_498 = vector.shape_cast %get3A_497 : vector<16xf32> to vector<16xf32>
          %add3A_499 = arith.addf %add3A_445, %get3A_498 : vector<16xf32>
          %add3A_500 = arith.constant 112 : i32
          %add3A_501 = arith.addi %mul3A_457, %add3A_500 : i32
          %get3A_502 = arith.index_cast %add3A_501 : i32 to index
          %get3A_503 = tpu.vector_load %arg6[%get3A_502] {strides = array<i32>} : memref<51200xf32, #tpu.memory_space<vmem>>, vector<16xf32>,
          %get3A_504 = vector.shape_cast %get3A_503 : vector<16xf32> to vector<16xf32>
          %add3A_505 = arith.addf %add3A_451, %get3A_504 : vector<16xf32>
          %mul3A_506 = arith.constant 8 : i32
          %mul3A_507 = arith.muli %mul3A_506, %scan3A_173 : i32
          %add3A_508 = arith.constant 6 : i32
          %add3A_509 = arith.addi %mul3A_507, %add3A_508 : i32
          %mul3A_510 = arith.constant 128 : i32
          %mul3A_511 = arith.muli %add3A_509, %mul3A_510 : i32
          %add3A_512 = arith.constant 0 : i32
          %add3A_513 = arith.addi %mul3A_511, %add3A_512 : i32
          %get3A_514 = arith.index_cast %add3A_513 : i32 to index
          %get3A_515 = tpu.vector_load %arg6[%get3A_514] {strides = array<i32>} : memref<51200xf32, #tpu.memory_space<vmem>>, vector<16xf32>,
          %get3A_516 = vector.shape_cast %get3A_515 : vector<16xf32> to vector<16xf32>
          %add3A_517 = arith.addf %add3A_463, %get3A_516 : vector<16xf32>
          %add3A_518 = arith.constant 16 : i32
          %add3A_519 = arith.addi %mul3A_511, %add3A_518 : i32
          %get3A_520 = arith.index_cast %add3A_519 : i32 to index
          %get3A_521 = tpu.vector_load %arg6[%get3A_520] {strides = array<i32>} : memref<51200xf32, #tpu.memory_space<vmem>>, vector<16xf32>,
          %get3A_522 = vector.shape_cast %get3A_521 : vector<16xf32> to vector<16xf32>
          %add3A_523 = arith.addf %add3A_469, %get3A_522 : vector<16xf32>
          %add3A_524 = arith.constant 32 : i32
          %add3A_525 = arith.addi %mul3A_511, %add3A_524 : i32
          %get3A_526 = arith.index_cast %add3A_525 : i32 to index
          %get3A_527 = tpu.vector_load %arg6[%get3A_526] {strides = array<i32>} : memref<51200xf32, #tpu.memory_space<vmem>>, vector<16xf32>,
          %get3A_528 = vector.shape_cast %get3A_527 : vector<16xf32> to vector<16xf32>
          %add3A_529 = arith.addf %add3A_475, %get3A_528 : vector<16xf32>
          %add3A_530 = arith.constant 48 : i32
          %add3A_531 = arith.addi %mul3A_511, %add3A_530 : i32
          %get3A_532 = arith.index_cast %add3A_531 : i32 to index
          %get3A_533 = tpu.vector_load %arg6[%get3A_532] {strides = array<i32>} : memref<51200xf32, #tpu.memory_space<vmem>>, vector<16xf32>,
          %get3A_534 = vector.shape_cast %get3A_533 : vector<16xf32> to vector<16xf32>
          %add3A_535 = arith.addf %add3A_481, %get3A_534 : vector<16xf32>
          %add3A_536 = arith.constant 64 : i32
          %add3A_537 = arith.addi %mul3A_511, %add3A_536 : i32
          %get3A_538 = arith.index_cast %add3A_537 : i32 to index
          %get3A_539 = tpu.vector_load %arg6[%get3A_538] {strides = array<i32>} : memref<51200xf32, #tpu.memory_space<vmem>>, vector<16xf32>,
          %get3A_540 = vector.shape_cast %get3A_539 : vector<16xf32> to vector<16xf32>
          %add3A_541 = arith.addf %add3A_487, %get3A_540 : vector<16xf32>
          %add3A_542 = arith.constant 80 : i32
          %add3A_543 = arith.addi %mul3A_511, %add3A_542 : i32
          %get3A_544 = arith.index_cast %add3A_543 : i32 to index
          %get3A_545 = tpu.vector_load %arg6[%get3A_544] {strides = array<i32>} : memref<51200xf32, #tpu.memory_space<vmem>>, vector<16xf32>,
          %get3A_546 = vector.shape_cast %get3A_545 : vector<16xf32> to vector<16xf32>
          %add3A_547 = arith.addf %add3A_493, %get3A_546 : vector<16xf32>
          %add3A_548 = arith.constant 96 : i32
          %add3A_549 = arith.addi %mul3A_511, %add3A_548 : i32
          %get3A_550 = arith.index_cast %add3A_549 : i32 to index
          %get3A_551 = tpu.vector_load %arg6[%get3A_550] {strides = array<i32>} : memref<51200xf32, #tpu.memory_space<vmem>>, vector<16xf32>,
          %get3A_552 = vector.shape_cast %get3A_551 : vector<16xf32> to vector<16xf32>
          %add3A_553 = arith.addf %add3A_499, %get3A_552 : vector<16xf32>
          %add3A_554 = arith.constant 112 : i32
          %add3A_555 = arith.addi %mul3A_511, %add3A_554 : i32
          %get3A_556 = arith.index_cast %add3A_555 : i32 to index
          %get3A_557 = tpu.vector_load %arg6[%get3A_556] {strides = array<i32>} : memref<51200xf32, #tpu.memory_space<vmem>>, vector<16xf32>,
          %get3A_558 = vector.shape_cast %get3A_557 : vector<16xf32> to vector<16xf32>
          %add3A_559 = arith.addf %add3A_505, %get3A_558 : vector<16xf32>
          %mul3A_560 = arith.constant 8 : i32
          %mul3A_561 = arith.muli %mul3A_560, %scan3A_173 : i32
          %add3A_562 = arith.constant 7 : i32
          %add3A_563 = arith.addi %mul3A_561, %add3A_562 : i32
          %mul3A_564 = arith.constant 128 : i32
          %mul3A_565 = arith.muli %add3A_563, %mul3A_564 : i32
          %add3A_566 = arith.constant 0 : i32
          %add3A_567 = arith.addi %mul3A_565, %add3A_566 : i32
          %get3A_568 = arith.index_cast %add3A_567 : i32 to index
          %get3A_569 = tpu.vector_load %arg6[%get3A_568] {strides = array<i32>} : memref<51200xf32, #tpu.memory_space<vmem>>, vector<16xf32>,
          %get3A_570 = vector.shape_cast %get3A_569 : vector<16xf32> to vector<16xf32>
          %add3A_571 = arith.addf %add3A_517, %get3A_570 : vector<16xf32>
          %add3A_572 = arith.constant 16 : i32
          %add3A_573 = arith.addi %mul3A_565, %add3A_572 : i32
          %get3A_574 = arith.index_cast %add3A_573 : i32 to index
          %get3A_575 = tpu.vector_load %arg6[%get3A_574] {strides = array<i32>} : memref<51200xf32, #tpu.memory_space<vmem>>, vector<16xf32>,
          %get3A_576 = vector.shape_cast %get3A_575 : vector<16xf32> to vector<16xf32>
          %add3A_577 = arith.addf %add3A_523, %get3A_576 : vector<16xf32>
          %add3A_578 = arith.constant 32 : i32
          %add3A_579 = arith.addi %mul3A_565, %add3A_578 : i32
          %get3A_580 = arith.index_cast %add3A_579 : i32 to index
          %get3A_581 = tpu.vector_load %arg6[%get3A_580] {strides = array<i32>} : memref<51200xf32, #tpu.memory_space<vmem>>, vector<16xf32>,
          %get3A_582 = vector.shape_cast %get3A_581 : vector<16xf32> to vector<16xf32>
          %add3A_583 = arith.addf %add3A_529, %get3A_582 : vector<16xf32>
          %add3A_584 = arith.constant 48 : i32
          %add3A_585 = arith.addi %mul3A_565, %add3A_584 : i32
          %get3A_586 = arith.index_cast %add3A_585 : i32 to index
          %get3A_587 = tpu.vector_load %arg6[%get3A_586] {strides = array<i32>} : memref<51200xf32, #tpu.memory_space<vmem>>, vector<16xf32>,
          %get3A_588 = vector.shape_cast %get3A_587 : vector<16xf32> to vector<16xf32>
          %add3A_589 = arith.addf %add3A_535, %get3A_588 : vector<16xf32>
          %add3A_590 = arith.constant 64 : i32
          %add3A_591 = arith.addi %mul3A_565, %add3A_590 : i32
          %get3A_592 = arith.index_cast %add3A_591 : i32 to index
          %get3A_593 = tpu.vector_load %arg6[%get3A_592] {strides = array<i32>} : memref<51200xf32, #tpu.memory_space<vmem>>, vector<16xf32>,
          %get3A_594 = vector.shape_cast %get3A_593 : vector<16xf32> to vector<16xf32>
          %add3A_595 = arith.addf %add3A_541, %get3A_594 : vector<16xf32>
          %add3A_596 = arith.constant 80 : i32
          %add3A_597 = arith.addi %mul3A_565, %add3A_596 : i32
          %get3A_598 = arith.index_cast %add3A_597 : i32 to index
          %get3A_599 = tpu.vector_load %arg6[%get3A_598] {strides = array<i32>} : memref<51200xf32, #tpu.memory_space<vmem>>, vector<16xf32>,
          %get3A_600 = vector.shape_cast %get3A_599 : vector<16xf32> to vector<16xf32>
          %add3A_601 = arith.addf %add3A_547, %get3A_600 : vector<16xf32>
          %add3A_602 = arith.constant 96 : i32
          %add3A_603 = arith.addi %mul3A_565, %add3A_602 : i32
          %get3A_604 = arith.index_cast %add3A_603 : i32 to index
          %get3A_605 = tpu.vector_load %arg6[%get3A_604] {strides = array<i32>} : memref<51200xf32, #tpu.memory_space<vmem>>, vector<16xf32>,
          %get3A_606 = vector.shape_cast %get3A_605 : vector<16xf32> to vector<16xf32>
          %add3A_607 = arith.addf %add3A_553, %get3A_606 : vector<16xf32>
          %add3A_608 = arith.constant 112 : i32
          %add3A_609 = arith.addi %mul3A_565, %add3A_608 : i32
          %get3A_610 = arith.index_cast %add3A_609 : i32 to index
          %get3A_611 = tpu.vector_load %arg6[%get3A_610] {strides = array<i32>} : memref<51200xf32, #tpu.memory_space<vmem>>, vector<16xf32>,
          %get3A_612 = vector.shape_cast %get3A_611 : vector<16xf32> to vector<16xf32>
          %add3A_613 = arith.addf %add3A_559, %get3A_612 : vector<16xf32>
          scf.yield %add3A_571, %add3A_577, %add3A_583, %add3A_589, %add3A_595, %add3A_601, %add3A_607, %add3A_613 : vector<16xf32>, vector<16xf32>, vector<16xf32>, vector<16xf32>, vector<16xf32>, vector<16xf32>, vector<16xf32>, vector<16xf32>
        }
        %scan3A_114 = arith.constant 50 : i32
        %mul3A_115 = arith.constant 128 : i32
        %mul3A_116 = arith.muli %squeeze3A, %mul3A_115 : i32
        %add3A_117 = arith.constant 0 : i32
        %add3A_118 = arith.addi %mul3A_116, %add3A_117 : i32
        %swap3A = arith.index_cast %add3A_118 : i32 to index
        %swap3A_119 = tpu.vector_load %arg10[%swap3A] {strides = array<i32>} : memref<8192xf32, #tpu.memory_space<vmem>>, vector<16xf32>,
        %swap3A_120 = vector.shape_cast %swap3A_119 : vector<16xf32> to vector<16xf32>
        %swap3A_121 = vector.shape_cast %scan3A_113#0 : vector<16xf32> to vector<16xf32>
        tpu.vector_store %arg10[%swap3A], %swap3A_121 {add = true, strides = array<i32>} : memref<8192xf32, #tpu.memory_space<vmem>>, vector<16xf32>,
        %add3A_122 = arith.constant 16 : i32
        %add3A_123 = arith.addi %mul3A_116, %add3A_122 : i32
        %swap3A_124 = arith.index_cast %add3A_123 : i32 to index
        %swap3A_125 = tpu.vector_load %arg10[%swap3A_124] {strides = array<i32>} : memref<8192xf32, #tpu.memory_space<vmem>>, vector<16xf32>,
        %swap3A_126 = vector.shape_cast %swap3A_125 : vector<16xf32> to vector<16xf32>
        %swap3A_127 = vector.shape_cast %scan3A_113#1 : vector<16xf32> to vector<16xf32>
        tpu.vector_store %arg10[%swap3A_124], %swap3A_127 {add = true, strides = array<i32>} : memref<8192xf32, #tpu.memory_space<vmem>>, vector<16xf32>,
        %add3A_128 = arith.constant 32 : i32
        %add3A_129 = arith.addi %mul3A_116, %add3A_128 : i32
        %swap3A_130 = arith.index_cast %add3A_129 : i32 to index
        %swap3A_131 = tpu.vector_load %arg10[%swap3A_130] {strides = array<i32>} : memref<8192xf32, #tpu.memory_space<vmem>>, vector<16xf32>,
        %swap3A_132 = vector.shape_cast %swap3A_131 : vector<16xf32> to vector<16xf32>
        %swap3A_133 = vector.shape_cast %scan3A_113#2 : vector<16xf32> to vector<16xf32>
        tpu.vector_store %arg10[%swap3A_130], %swap3A_133 {add = true, strides = array<i32>} : memref<8192xf32, #tpu.memory_space<vmem>>, vector<16xf32>,
        %add3A_134 = arith.constant 48 : i32
        %add3A_135 = arith.addi %mul3A_116, %add3A_134 : i32
        %swap3A_136 = arith.index_cast %add3A_135 : i32 to index
        %swap3A_137 = tpu.vector_load %arg10[%swap3A_136] {strides = array<i32>} : memref<8192xf32, #tpu.memory_space<vmem>>, vector<16xf32>,
        %swap3A_138 = vector.shape_cast %swap3A_137 : vector<16xf32> to vector<16xf32>
        %swap3A_139 = vector.shape_cast %scan3A_113#3 : vector<16xf32> to vector<16xf32>
        tpu.vector_store %arg10[%swap3A_136], %swap3A_139 {add = true, strides = array<i32>} : memref<8192xf32, #tpu.memory_space<vmem>>, vector<16xf32>,
        %add3A_140 = arith.constant 64 : i32
        %add3A_141 = arith.addi %mul3A_116, %add3A_140 : i32
        %swap3A_142 = arith.index_cast %add3A_141 : i32 to index
        %swap3A_143 = tpu.vector_load %arg10[%swap3A_142] {strides = array<i32>} : memref<8192xf32, #tpu.memory_space<vmem>>, vector<16xf32>,
        %swap3A_144 = vector.shape_cast %swap3A_143 : vector<16xf32> to vector<16xf32>
        %swap3A_145 = vector.shape_cast %scan3A_113#4 : vector<16xf32> to vector<16xf32>
        tpu.vector_store %arg10[%swap3A_142], %swap3A_145 {add = true, strides = array<i32>} : memref<8192xf32, #tpu.memory_space<vmem>>, vector<16xf32>,
        %add3A_146 = arith.constant 80 : i32
        %add3A_147 = arith.addi %mul3A_116, %add3A_146 : i32
        %swap3A_148 = arith.index_cast %add3A_147 : i32 to index
        %swap3A_149 = tpu.vector_load %arg10[%swap3A_148] {strides = array<i32>} : memref<8192xf32, #tpu.memory_space<vmem>>, vector<16xf32>,
        %swap3A_150 = vector.shape_cast %swap3A_149 : vector<16xf32> to vector<16xf32>
        %swap3A_151 = vector.shape_cast %scan3A_113#5 : vector<16xf32> to vector<16xf32>
        tpu.vector_store %arg10[%swap3A_148], %swap3A_151 {add = true, strides = array<i32>} : memref<8192xf32, #tpu.memory_space<vmem>>, vector<16xf32>,
        %add3A_152 = arith.constant 96 : i32
        %add3A_153 = arith.addi %mul3A_116, %add3A_152 : i32
        %swap3A_154 = arith.index_cast %add3A_153 : i32 to index
        %swap3A_155 = tpu.vector_load %arg10[%swap3A_154] {strides = array<i32>} : memref<8192xf32, #tpu.memory_space<vmem>>, vector<16xf32>,
        %swap3A_156 = vector.shape_cast %swap3A_155 : vector<16xf32> to vector<16xf32>
        %swap3A_157 = vector.shape_cast %scan3A_113#6 : vector<16xf32> to vector<16xf32>
        tpu.vector_store %arg10[%swap3A_154], %swap3A_157 {add = true, strides = array<i32>} : memref<8192xf32, #tpu.memory_space<vmem>>, vector<16xf32>,
        %add3A_158 = arith.constant 112 : i32
        %add3A_159 = arith.addi %mul3A_116, %add3A_158 : i32
        %swap3A_160 = arith.index_cast %add3A_159 : i32 to index
        %swap3A_161 = tpu.vector_load %arg10[%swap3A_160] {strides = array<i32>} : memref<8192xf32, #tpu.memory_space<vmem>>, vector<16xf32>,
        %swap3A_162 = vector.shape_cast %swap3A_161 : vector<16xf32> to vector<16xf32>
        %swap3A_163 = vector.shape_cast %scan3A_113#7 : vector<16xf32> to vector<16xf32>
        tpu.vector_store %arg10[%swap3A_160], %swap3A_163 {add = true, strides = array<i32>} : memref<8192xf32, #tpu.memory_space<vmem>>, vector<16xf32>,
        %mul3A_164 = arith.constant 16 : i32
        %mul3A_165 = arith.muli %squeeze3A, %mul3A_164 : i32
        %mul3A_166 = arith.constant 4.000000e+02 : f32
        %mul3A_167 = vector.broadcast %mul3A_166 : f32 to vector<16xf32>
        %mul3A_168 = arith.mulf %broadcast_in_dim3A_18, %mul3A_167 : vector<16xf32>
        %swap3A_169 = arith.index_cast %mul3A_165 : i32 to index
        %swap3A_170 = tpu.vector_load %arg11[%swap3A_169] {strides = array<i32>} : memref<1024xf32, #tpu.memory_space<vmem>>, vector<16xf32>,
        %swap3A_171 = vector.shape_cast %swap3A_170 : vector<16xf32> to vector<16xf32>
        %swap3A_172 = vector.shape_cast %mul3A_168 : vector<16xf32> to vector<16xf32>
        tpu.vector_store %arg11[%swap3A_169], %swap3A_172 {add = true, strides = array<i32>} : memref<1024xf32, #tpu.memory_space<vmem>>, vector<16xf32>,
      } else {
      }
      %not3A = arith.constant true
      %not3A_71 = arith.xori %eq3A, %not3A : i1
      %convert_element_type3A_72 = arith.extui %not3A_71 : i1 to i32
      %cond3A_73 = arith.constant 0 : i32
      %cond3A_74 = arith.cmpi ne, %convert_element_type3A_72, %cond3A_73 : i32
      scf.if %cond3A_74 {
        %scan3A_109 = arith.constant 0 : i32
        %scan3A_110 = arith.constant 0 : i32
        %scan3A_111 = arith.constant 25 : i32
        %scan3A_112 = arith.addi %scan3A_110, %scan3A_111 : i32
        %scan3A_113 = arith.constant 1 : i32
        %scan3A_114 = scf.for %scan3A_116 = %scan3A_110 to %scan3A_112 step %scan3A_113 iter_args(%scan3A_117 = %scan3A_109) -> (i32)  : i32 {
          %mul3A_118 = arith.constant 16 : i32
          %mul3A_119 = arith.muli %scan3A_116, %mul3A_118 : i32
          %get3A_120 = arith.index_cast %mul3A_119 : i32 to index
          %get3A_121 = tpu.vector_load %arg8[%get3A_120] {strides = array<i32>} : memref<400xi32, #tpu.memory_space<vmem>>, vector<16xi32>,
          %get3A_122 = vector.shape_cast %get3A_121 : vector<16xi32> to vector<16xi32>
          %mul3A_123 = arith.constant 128 : i32
          %mul3A_124 = vector.broadcast %mul3A_123 : i32 to vector<16xi32>
          %mul3A_125 = arith.muli %get3A_122, %mul3A_124 : vector<16xi32>
          %mul3A_126 = arith.constant 16 : i32
          %mul3A_127 = vector.broadcast %mul3A_126 : i32 to vector<16xi32>
          %mul3A_128 = arith.muli %get3A_122, %mul3A_127 : vector<16xi32>
          %mul3A_129 = arith.constant 16 : i32
          %mul3A_130 = arith.muli %scan3A_116, %mul3A_129 : i32
          %add3A_131 = arith.constant 0 : i32
          %add3A_132 = arith.addi %mul3A_130, %add3A_131 : i32
          %mul3A_133 = arith.constant 128 : i32
          %mul3A_134 = arith.muli %add3A_132, %mul3A_133 : i32
          %slice3A_135 = vector.extract_strided_slice %mul3A_125 {offsets = [0], sizes = [1], strides = [1]} : vector<16xi32> to vector<1xi32>
          %squeeze3A_136 = vector.extract %slice3A_135[0] : i32 from vector<1xi32>
          %slice3A_137 = vector.extract_strided_slice %mul3A_128 {offsets = [0], sizes = [1], strides = [1]} : vector<16xi32> to vector<1xi32>
          %squeeze3A_138 = vector.extract %slice3A_137[0] : i32 from vector<1xi32>
          %swap3A = arith.index_cast %squeeze3A_138 : i32 to index
          %swap3A_139 = tpu.vector_load %arg11[%swap3A] {strides = array<i32>} : memref<1024xf32, #tpu.memory_space<vmem>>, vector<16xf32>,
          %swap3A_140 = vector.shape_cast %swap3A_139 : vector<16xf32> to vector<16xf32>
          %swap3A_141 = vector.shape_cast %broadcast_in_dim3A_18 : vector<16xf32> to vector<16xf32>
          tpu.vector_store %arg11[%swap3A], %swap3A_141 {add = true, strides = array<i32>} : memref<1024xf32, #tpu.memory_space<vmem>>, vector<16xf32>,
          %add3A_142 = arith.constant 0 : i32
          %add3A_143 = arith.addi %mul3A_134, %add3A_142 : i32
          %get3A_144 = arith.index_cast %add3A_143 : i32 to index
          %get3A_145 = tpu.vector_load %arg6[%get3A_144] {strides = array<i32>} : memref<51200xf32, #tpu.memory_space<vmem>>, vector<16xf32>,
          %get3A_146 = vector.shape_cast %get3A_145 : vector<16xf32> to vector<16xf32>
          %add3A_147 = arith.constant 0 : i32
          %add3A_148 = arith.addi %squeeze3A_136, %add3A_147 : i32
          %swap3A_149 = arith.index_cast %add3A_148 : i32 to index
          %swap3A_150 = tpu.vector_load %arg10[%swap3A_149] {strides = array<i32>} : memref<8192xf32, #tpu.memory_space<vmem>>, vector<16xf32>,
          %swap3A_151 = vector.shape_cast %swap3A_150 : vector<16xf32> to vector<16xf32>
          %swap3A_152 = vector.shape_cast %get3A_146 : vector<16xf32> to vector<16xf32>
          tpu.vector_store %arg10[%swap3A_149], %swap3A_152 {add = true, strides = array<i32>} : memref<8192xf32, #tpu.memory_space<vmem>>, vector<16xf32>,
          %add3A_153 = arith.constant 16 : i32
          %add3A_154 = arith.addi %mul3A_134, %add3A_153 : i32
          %get3A_155 = arith.index_cast %add3A_154 : i32 to index
          %get3A_156 = tpu.vector_load %arg6[%get3A_155] {strides = array<i32>} : memref<51200xf32, #tpu.memory_space<vmem>>, vector<16xf32>,
          %get3A_157 = vector.shape_cast %get3A_156 : vector<16xf32> to vector<16xf32>
          %add3A_158 = arith.constant 16 : i32
          %add3A_159 = arith.addi %squeeze3A_136, %add3A_158 : i32
          %swap3A_160 = arith.index_cast %add3A_159 : i32 to index
          %swap3A_161 = tpu.vector_load %arg10[%swap3A_160] {strides = array<i32>} : memref<8192xf32, #tpu.memory_space<vmem>>, vector<16xf32>,
          %swap3A_162 = vector.shape_cast %swap3A_161 : vector<16xf32> to vector<16xf32>
          %swap3A_163 = vector.shape_cast %get3A_157 : vector<16xf32> to vector<16xf32>
          tpu.vector_store %arg10[%swap3A_160], %swap3A_163 {add = true, strides = array<i32>} : memref<8192xf32, #tpu.memory_space<vmem>>, vector<16xf32>,
          %add3A_164 = arith.constant 32 : i32
          %add3A_165 = arith.addi %mul3A_134, %add3A_164 : i32
          %get3A_166 = arith.index_cast %add3A_165 : i32 to index
          %get3A_167 = tpu.vector_load %arg6[%get3A_166] {strides = array<i32>} : memref<51200xf32, #tpu.memory_space<vmem>>, vector<16xf32>,
          %get3A_168 = vector.shape_cast %get3A_167 : vector<16xf32> to vector<16xf32>
          %add3A_169 = arith.constant 32 : i32
          %add3A_170 = arith.addi %squeeze3A_136, %add3A_169 : i32
          %swap3A_171 = arith.index_cast %add3A_170 : i32 to index
          %swap3A_172 = tpu.vector_load %arg10[%swap3A_171] {strides = array<i32>} : memref<8192xf32, #tpu.memory_space<vmem>>, vector<16xf32>,
          %swap3A_173 = vector.shape_cast %swap3A_172 : vector<16xf32> to vector<16xf32>
          %swap3A_174 = vector.shape_cast %get3A_168 : vector<16xf32> to vector<16xf32>
          tpu.vector_store %arg10[%swap3A_171], %swap3A_174 {add = true, strides = array<i32>} : memref<8192xf32, #tpu.memory_space<vmem>>, vector<16xf32>,
          %add3A_175 = arith.constant 48 : i32
          %add3A_176 = arith.addi %mul3A_134, %add3A_175 : i32
          %get3A_177 = arith.index_cast %add3A_176 : i32 to index
          %get3A_178 = tpu.vector_load %arg6[%get3A_177] {strides = array<i32>} : memref<51200xf32, #tpu.memory_space<vmem>>, vector<16xf32>,
          %get3A_179 = vector.shape_cast %get3A_178 : vector<16xf32> to vector<16xf32>
          %add3A_180 = arith.constant 48 : i32
          %add3A_181 = arith.addi %squeeze3A_136, %add3A_180 : i32
          %swap3A_182 = arith.index_cast %add3A_181 : i32 to index
          %swap3A_183 = tpu.vector_load %arg10[%swap3A_182] {strides = array<i32>} : memref<8192xf32, #tpu.memory_space<vmem>>, vector<16xf32>,
          %swap3A_184 = vector.shape_cast %swap3A_183 : vector<16xf32> to vector<16xf32>
          %swap3A_185 = vector.shape_cast %get3A_179 : vector<16xf32> to vector<16xf32>
          tpu.vector_store %arg10[%swap3A_182], %swap3A_185 {add = true, strides = array<i32>} : memref<8192xf32, #tpu.memory_space<vmem>>, vector<16xf32>,
          %add3A_186 = arith.constant 64 : i32
          %add3A_187 = arith.addi %mul3A_134, %add3A_186 : i32
          %get3A_188 = arith.index_cast %add3A_187 : i32 to index
          %get3A_189 = tpu.vector_load %arg6[%get3A_188] {strides = array<i32>} : memref<51200xf32, #tpu.memory_space<vmem>>, vector<16xf32>,
          %get3A_190 = vector.shape_cast %get3A_189 : vector<16xf32> to vector<16xf32>
          %add3A_191 = arith.constant 64 : i32
          %add3A_192 = arith.addi %squeeze3A_136, %add3A_191 : i32
          %swap3A_193 = arith.index_cast %add3A_192 : i32 to index
          %swap3A_194 = tpu.vector_load %arg10[%swap3A_193] {strides = array<i32>} : memref<8192xf32, #tpu.memory_space<vmem>>, vector<16xf32>,
          %swap3A_195 = vector.shape_cast %swap3A_194 : vector<16xf32> to vector<16xf32>
          %swap3A_196 = vector.shape_cast %get3A_190 : vector<16xf32> to vector<16xf32>
          tpu.vector_store %arg10[%swap3A_193], %swap3A_196 {add = true, strides = array<i32>} : memref<8192xf32, #tpu.memory_space<vmem>>, vector<16xf32>,
          %add3A_197 = arith.constant 80 : i32
          %add3A_198 = arith.addi %mul3A_134, %add3A_197 : i32
          %get3A_199 = arith.index_cast %add3A_198 : i32 to index
          %get3A_200 = tpu.vector_load %arg6[%get3A_199] {strides = array<i32>} : memref<51200xf32, #tpu.memory_space<vmem>>, vector<16xf32>,
          %get3A_201 = vector.shape_cast %get3A_200 : vector<16xf32> to vector<16xf32>
          %add3A_202 = arith.constant 80 : i32
          %add3A_203 = arith.addi %squeeze3A_136, %add3A_202 : i32
          %swap3A_204 = arith.index_cast %add3A_203 : i32 to index
          %swap3A_205 = tpu.vector_load %arg10[%swap3A_204] {strides = array<i32>} : memref<8192xf32, #tpu.memory_space<vmem>>, vector<16xf32>,
          %swap3A_206 = vector.shape_cast %swap3A_205 : vector<16xf32> to vector<16xf32>
          %swap3A_207 = vector.shape_cast %get3A_201 : vector<16xf32> to vector<16xf32>
          tpu.vector_store %arg10[%swap3A_204], %swap3A_207 {add = true, strides = array<i32>} : memref<8192xf32, #tpu.memory_space<vmem>>, vector<16xf32>,
          %add3A_208 = arith.constant 96 : i32
          %add3A_209 = arith.addi %mul3A_134, %add3A_208 : i32
          %get3A_210 = arith.index_cast %add3A_209 : i32 to index
          %get3A_211 = tpu.vector_load %arg6[%get3A_210] {strides = array<i32>} : memref<51200xf32, #tpu.memory_space<vmem>>, vector<16xf32>,
          %get3A_212 = vector.shape_cast %get3A_211 : vector<16xf32> to vector<16xf32>
          %add3A_213 = arith.constant 96 : i32
          %add3A_214 = arith.addi %squeeze3A_136, %add3A_213 : i32
          %swap3A_215 = arith.index_cast %add3A_214 : i32 to index
          %swap3A_216 = tpu.vector_load %arg10[%swap3A_215] {strides = array<i32>} : memref<8192xf32, #tpu.memory_space<vmem>>, vector<16xf32>,
          %swap3A_217 = vector.shape_cast %swap3A_216 : vector<16xf32> to vector<16xf32>
          %swap3A_218 = vector.shape_cast %get3A_212 : vector<16xf32> to vector<16xf32>
          tpu.vector_store %arg10[%swap3A_215], %swap3A_218 {add = true, strides = array<i32>} : memref<8192xf32, #tpu.memory_space<vmem>>, vector<16xf32>,
          %add3A_219 = arith.constant 112 : i32
          %add3A_220 = arith.addi %mul3A_134, %add3A_219 : i32
          %get3A_221 = arith.index_cast %add3A_220 : i32 to index
          %get3A_222 = tpu.vector_load %arg6[%get3A_221] {strides = array<i32>} : memref<51200xf32, #tpu.memory_space<vmem>>, vector<16xf32>,
          %get3A_223 = vector.shape_cast %get3A_222 : vector<16xf32> to vector<16xf32>
          %add3A_224 = arith.constant 112 : i32
          %add3A_225 = arith.addi %squeeze3A_136, %add3A_224 : i32
          %swap3A_226 = arith.index_cast %add3A_225 : i32 to index
          %swap3A_227 = tpu.vector_load %arg10[%swap3A_226] {strides = array<i32>} : memref<8192xf32, #tpu.memory_space<vmem>>, vector<16xf32>,
          %swap3A_228 = vector.shape_cast %swap3A_227 : vector<16xf32> to vector<16xf32>
          %swap3A_229 = vector.shape_cast %get3A_223 : vector<16xf32> to vector<16xf32>
          tpu.vector_store %arg10[%swap3A_226], %swap3A_229 {add = true, strides = array<i32>} : memref<8192xf32, #tpu.memory_space<vmem>>, vector<16xf32>,
          %mul3A_230 = arith.constant 16 : i32
          %mul3A_231 = arith.muli %scan3A_116, %mul3A_230 : i32
          %add3A_232 = arith.constant 1 : i32
          %add3A_233 = arith.addi %mul3A_231, %add3A_232 : i32
          %mul3A_234 = arith.constant 128 : i32
          %mul3A_235 = arith.muli %add3A_233, %mul3A_234 : i32
          %slice3A_236 = vector.extract_strided_slice %mul3A_125 {offsets = [1], sizes = [1], strides = [1]} : vector<16xi32> to vector<1xi32>
          %squeeze3A_237 = vector.extract %slice3A_236[0] : i32 from vector<1xi32>
          %slice3A_238 = vector.extract_strided_slice %mul3A_128 {offsets = [1], sizes = [1], strides = [1]} : vector<16xi32> to vector<1xi32>
          %squeeze3A_239 = vector.extract %slice3A_238[0] : i32 from vector<1xi32>
          %swap3A_240 = arith.index_cast %squeeze3A_239 : i32 to index
          %swap3A_241 = tpu.vector_load %arg11[%swap3A_240] {strides = array<i32>} : memref<1024xf32, #tpu.memory_space<vmem>>, vector<16xf32>,
          %swap3A_242 = vector.shape_cast %swap3A_241 : vector<16xf32> to vector<16xf32>
          %swap3A_243 = vector.shape_cast %broadcast_in_dim3A_18 : vector<16xf32> to vector<16xf32>
          tpu.vector_store %arg11[%swap3A_240], %swap3A_243 {add = true, strides = array<i32>} : memref<1024xf32, #tpu.memory_space<vmem>>, vector<16xf32>,
          %add3A_244 = arith.constant 0 : i32
          %add3A_245 = arith.addi %mul3A_235, %add3A_244 : i32
          %get3A_246 = arith.index_cast %add3A_245 : i32 to index
          %get3A_247 = tpu.vector_load %arg6[%get3A_246] {strides = array<i32>} : memref<51200xf32, #tpu.memory_space<vmem>>, vector<16xf32>,
          %get3A_248 = vector.shape_cast %get3A_247 : vector<16xf32> to vector<16xf32>
          %add3A_249 = arith.constant 0 : i32
          %add3A_250 = arith.addi %squeeze3A_237, %add3A_249 : i32
          %swap3A_251 = arith.index_cast %add3A_250 : i32 to index
          %swap3A_252 = tpu.vector_load %arg10[%swap3A_251] {strides = array<i32>} : memref<8192xf32, #tpu.memory_space<vmem>>, vector<16xf32>,
          %swap3A_253 = vector.shape_cast %swap3A_252 : vector<16xf32> to vector<16xf32>
          %swap3A_254 = vector.shape_cast %get3A_248 : vector<16xf32> to vector<16xf32>
          tpu.vector_store %arg10[%swap3A_251], %swap3A_254 {add = true, strides = array<i32>} : memref<8192xf32, #tpu.memory_space<vmem>>, vector<16xf32>,
          %add3A_255 = arith.constant 16 : i32
          %add3A_256 = arith.addi %mul3A_235, %add3A_255 : i32
          %get3A_257 = arith.index_cast %add3A_256 : i32 to index
          %get3A_258 = tpu.vector_load %arg6[%get3A_257] {strides = array<i32>} : memref<51200xf32, #tpu.memory_space<vmem>>, vector<16xf32>,
          %get3A_259 = vector.shape_cast %get3A_258 : vector<16xf32> to vector<16xf32>
          %add3A_260 = arith.constant 16 : i32
          %add3A_261 = arith.addi %squeeze3A_237, %add3A_260 : i32
          %swap3A_262 = arith.index_cast %add3A_261 : i32 to index
          %swap3A_263 = tpu.vector_load %arg10[%swap3A_262] {strides = array<i32>} : memref<8192xf32, #tpu.memory_space<vmem>>, vector<16xf32>,
          %swap3A_264 = vector.shape_cast %swap3A_263 : vector<16xf32> to vector<16xf32>
          %swap3A_265 = vector.shape_cast %get3A_259 : vector<16xf32> to vector<16xf32>
          tpu.vector_store %arg10[%swap3A_262], %swap3A_265 {add = true, strides = array<i32>} : memref<8192xf32, #tpu.memory_space<vmem>>, vector<16xf32>,
          %add3A_266 = arith.constant 32 : i32
          %add3A_267 = arith.addi %mul3A_235, %add3A_266 : i32
          %get3A_268 = arith.index_cast %add3A_267 : i32 to index
          %get3A_269 = tpu.vector_load %arg6[%get3A_268] {strides = array<i32>} : memref<51200xf32, #tpu.memory_space<vmem>>, vector<16xf32>,
          %get3A_270 = vector.shape_cast %get3A_269 : vector<16xf32> to vector<16xf32>
          %add3A_271 = arith.constant 32 : i32
          %add3A_272 = arith.addi %squeeze3A_237, %add3A_271 : i32
          %swap3A_273 = arith.index_cast %add3A_272 : i32 to index
          %swap3A_274 = tpu.vector_load %arg10[%swap3A_273] {strides = array<i32>} : memref<8192xf32, #tpu.memory_space<vmem>>, vector<16xf32>,
          %swap3A_275 = vector.shape_cast %swap3A_274 : vector<16xf32> to vector<16xf32>
          %swap3A_276 = vector.shape_cast %get3A_270 : vector<16xf32> to vector<16xf32>
          tpu.vector_store %arg10[%swap3A_273], %swap3A_276 {add = true, strides = array<i32>} : memref<8192xf32, #tpu.memory_space<vmem>>, vector<16xf32>,
          %add3A_277 = arith.constant 48 : i32
          %add3A_278 = arith.addi %mul3A_235, %add3A_277 : i32
          %get3A_279 = arith.index_cast %add3A_278 : i32 to index
          %get3A_280 = tpu.vector_load %arg6[%get3A_279] {strides = array<i32>} : memref<51200xf32, #tpu.memory_space<vmem>>, vector<16xf32>,
          %get3A_281 = vector.shape_cast %get3A_280 : vector<16xf32> to vector<16xf32>
          %add3A_282 = arith.constant 48 : i32
          %add3A_283 = arith.addi %squeeze3A_237, %add3A_282 : i32
          %swap3A_284 = arith.index_cast %add3A_283 : i32 to index
          %swap3A_285 = tpu.vector_load %arg10[%swap3A_284] {strides = array<i32>} : memref<8192xf32, #tpu.memory_space<vmem>>, vector<16xf32>,
          %swap3A_286 = vector.shape_cast %swap3A_285 : vector<16xf32> to vector<16xf32>
          %swap3A_287 = vector.shape_cast %get3A_281 : vector<16xf32> to vector<16xf32>
          tpu.vector_store %arg10[%swap3A_284], %swap3A_287 {add = true, strides = array<i32>} : memref<8192xf32, #tpu.memory_space<vmem>>, vector<16xf32>,
          %add3A_288 = arith.constant 64 : i32
          %add3A_289 = arith.addi %mul3A_235, %add3A_288 : i32
          %get3A_290 = arith.index_cast %add3A_289 : i32 to index
          %get3A_291 = tpu.vector_load %arg6[%get3A_290] {strides = array<i32>} : memref<51200xf32, #tpu.memory_space<vmem>>, vector<16xf32>,
          %get3A_292 = vector.shape_cast %get3A_291 : vector<16xf32> to vector<16xf32>
          %add3A_293 = arith.constant 64 : i32
          %add3A_294 = arith.addi %squeeze3A_237, %add3A_293 : i32
          %swap3A_295 = arith.index_cast %add3A_294 : i32 to index
          %swap3A_296 = tpu.vector_load %arg10[%swap3A_295] {strides = array<i32>} : memref<8192xf32, #tpu.memory_space<vmem>>, vector<16xf32>,
          %swap3A_297 = vector.shape_cast %swap3A_296 : vector<16xf32> to vector<16xf32>
          %swap3A_298 = vector.shape_cast %get3A_292 : vector<16xf32> to vector<16xf32>
          tpu.vector_store %arg10[%swap3A_295], %swap3A_298 {add = true, strides = array<i32>} : memref<8192xf32, #tpu.memory_space<vmem>>, vector<16xf32>,
          %add3A_299 = arith.constant 80 : i32
          %add3A_300 = arith.addi %mul3A_235, %add3A_299 : i32
          %get3A_301 = arith.index_cast %add3A_300 : i32 to index
          %get3A_302 = tpu.vector_load %arg6[%get3A_301] {strides = array<i32>} : memref<51200xf32, #tpu.memory_space<vmem>>, vector<16xf32>,
          %get3A_303 = vector.shape_cast %get3A_302 : vector<16xf32> to vector<16xf32>
          %add3A_304 = arith.constant 80 : i32
          %add3A_305 = arith.addi %squeeze3A_237, %add3A_304 : i32
          %swap3A_306 = arith.index_cast %add3A_305 : i32 to index
          %swap3A_307 = tpu.vector_load %arg10[%swap3A_306] {strides = array<i32>} : memref<8192xf32, #tpu.memory_space<vmem>>, vector<16xf32>,
          %swap3A_308 = vector.shape_cast %swap3A_307 : vector<16xf32> to vector<16xf32>
          %swap3A_309 = vector.shape_cast %get3A_303 : vector<16xf32> to vector<16xf32>
          tpu.vector_store %arg10[%swap3A_306], %swap3A_309 {add = true, strides = array<i32>} : memref<8192xf32, #tpu.memory_space<vmem>>, vector<16xf32>,
          %add3A_310 = arith.constant 96 : i32
          %add3A_311 = arith.addi %mul3A_235, %add3A_310 : i32
          %get3A_312 = arith.index_cast %add3A_311 : i32 to index
          %get3A_313 = tpu.vector_load %arg6[%get3A_312] {strides = array<i32>} : memref<51200xf32, #tpu.memory_space<vmem>>, vector<16xf32>,
          %get3A_314 = vector.shape_cast %get3A_313 : vector<16xf32> to vector<16xf32>
          %add3A_315 = arith.constant 96 : i32
          %add3A_316 = arith.addi %squeeze3A_237, %add3A_315 : i32
          %swap3A_317 = arith.index_cast %add3A_316 : i32 to index
          %swap3A_318 = tpu.vector_load %arg10[%swap3A_317] {strides = array<i32>} : memref<8192xf32, #tpu.memory_space<vmem>>, vector<16xf32>,
          %swap3A_319 = vector.shape_cast %swap3A_318 : vector<16xf32> to vector<16xf32>
          %swap3A_320 = vector.shape_cast %get3A_314 : vector<16xf32> to vector<16xf32>
          tpu.vector_store %arg10[%swap3A_317], %swap3A_320 {add = true, strides = array<i32>} : memref<8192xf32, #tpu.memory_space<vmem>>, vector<16xf32>,
          %add3A_321 = arith.constant 112 : i32
          %add3A_322 = arith.addi %mul3A_235, %add3A_321 : i32
          %get3A_323 = arith.index_cast %add3A_322 : i32 to index
          %get3A_324 = tpu.vector_load %arg6[%get3A_323] {strides = array<i32>} : memref<51200xf32, #tpu.memory_space<vmem>>, vector<16xf32>,
          %get3A_325 = vector.shape_cast %get3A_324 : vector<16xf32> to vector<16xf32>
          %add3A_326 = arith.constant 112 : i32
          %add3A_327 = arith.addi %squeeze3A_237, %add3A_326 : i32
          %swap3A_328 = arith.index_cast %add3A_327 : i32 to index
          %swap3A_329 = tpu.vector_load %arg10[%swap3A_328] {strides = array<i32>} : memref<8192xf32, #tpu.memory_space<vmem>>, vector<16xf32>,
          %swap3A_330 = vector.shape_cast %swap3A_329 : vector<16xf32> to vector<16xf32>
          %swap3A_331 = vector.shape_cast %get3A_325 : vector<16xf32> to vector<16xf32>
          tpu.vector_store %arg10[%swap3A_328], %swap3A_331 {add = true, strides = array<i32>} : memref<8192xf32, #tpu.memory_space<vmem>>, vector<16xf32>,
          %mul3A_332 = arith.constant 16 : i32
          %mul3A_333 = arith.muli %scan3A_116, %mul3A_332 : i32
          %add3A_334 = arith.constant 2 : i32
          %add3A_335 = arith.addi %mul3A_333, %add3A_334 : i32
          %mul3A_336 = arith.constant 128 : i32
          %mul3A_337 = arith.muli %add3A_335, %mul3A_336 : i32
          %slice3A_338 = vector.extract_strided_slice %mul3A_125 {offsets = [2], sizes = [1], strides = [1]} : vector<16xi32> to vector<1xi32>
          %squeeze3A_339 = vector.extract %slice3A_338[0] : i32 from vector<1xi32>
          %slice3A_340 = vector.extract_strided_slice %mul3A_128 {offsets = [2], sizes = [1], strides = [1]} : vector<16xi32> to vector<1xi32>
          %squeeze3A_341 = vector.extract %slice3A_340[0] : i32 from vector<1xi32>
          %swap3A_342 = arith.index_cast %squeeze3A_341 : i32 to index
          %swap3A_343 = tpu.vector_load %arg11[%swap3A_342] {strides = array<i32>} : memref<1024xf32, #tpu.memory_space<vmem>>, vector<16xf32>,
          %swap3A_344 = vector.shape_cast %swap3A_343 : vector<16xf32> to vector<16xf32>
          %swap3A_345 = vector.shape_cast %broadcast_in_dim3A_18 : vector<16xf32> to vector<16xf32>
          tpu.vector_store %arg11[%swap3A_342], %swap3A_345 {add = true, strides = array<i32>} : memref<1024xf32, #tpu.memory_space<vmem>>, vector<16xf32>,
          %add3A_346 = arith.constant 0 : i32
          %add3A_347 = arith.addi %mul3A_337, %add3A_346 : i32
          %get3A_348 = arith.index_cast %add3A_347 : i32 to index
          %get3A_349 = tpu.vector_load %arg6[%get3A_348] {strides = array<i32>} : memref<51200xf32, #tpu.memory_space<vmem>>, vector<16xf32>,
          %get3A_350 = vector.shape_cast %get3A_349 : vector<16xf32> to vector<16xf32>
          %add3A_351 = arith.constant 0 : i32
          %add3A_352 = arith.addi %squeeze3A_339, %add3A_351 : i32
          %swap3A_353 = arith.index_cast %add3A_352 : i32 to index
          %swap3A_354 = tpu.vector_load %arg10[%swap3A_353] {strides = array<i32>} : memref<8192xf32, #tpu.memory_space<vmem>>, vector<16xf32>,
          %swap3A_355 = vector.shape_cast %swap3A_354 : vector<16xf32> to vector<16xf32>
          %swap3A_356 = vector.shape_cast %get3A_350 : vector<16xf32> to vector<16xf32>
          tpu.vector_store %arg10[%swap3A_353], %swap3A_356 {add = true, strides = array<i32>} : memref<8192xf32, #tpu.memory_space<vmem>>, vector<16xf32>,
          %add3A_357 = arith.constant 16 : i32
          %add3A_358 = arith.addi %mul3A_337, %add3A_357 : i32
          %get3A_359 = arith.index_cast %add3A_358 : i32 to index
          %get3A_360 = tpu.vector_load %arg6[%get3A_359] {strides = array<i32>} : memref<51200xf32, #tpu.memory_space<vmem>>, vector<16xf32>,
          %get3A_361 = vector.shape_cast %get3A_360 : vector<16xf32> to vector<16xf32>
          %add3A_362 = arith.constant 16 : i32
          %add3A_363 = arith.addi %squeeze3A_339, %add3A_362 : i32
          %swap3A_364 = arith.index_cast %add3A_363 : i32 to index
          %swap3A_365 = tpu.vector_load %arg10[%swap3A_364] {strides = array<i32>} : memref<8192xf32, #tpu.memory_space<vmem>>, vector<16xf32>,
          %swap3A_366 = vector.shape_cast %swap3A_365 : vector<16xf32> to vector<16xf32>
          %swap3A_367 = vector.shape_cast %get3A_361 : vector<16xf32> to vector<16xf32>
          tpu.vector_store %arg10[%swap3A_364], %swap3A_367 {add = true, strides = array<i32>} : memref<8192xf32, #tpu.memory_space<vmem>>, vector<16xf32>,
          %add3A_368 = arith.constant 32 : i32
          %add3A_369 = arith.addi %mul3A_337, %add3A_368 : i32
          %get3A_370 = arith.index_cast %add3A_369 : i32 to index
          %get3A_371 = tpu.vector_load %arg6[%get3A_370] {strides = array<i32>} : memref<51200xf32, #tpu.memory_space<vmem>>, vector<16xf32>,
          %get3A_372 = vector.shape_cast %get3A_371 : vector<16xf32> to vector<16xf32>
          %add3A_373 = arith.constant 32 : i32
          %add3A_374 = arith.addi %squeeze3A_339, %add3A_373 : i32
          %swap3A_375 = arith.index_cast %add3A_374 : i32 to index
          %swap3A_376 = tpu.vector_load %arg10[%swap3A_375] {strides = array<i32>} : memref<8192xf32, #tpu.memory_space<vmem>>, vector<16xf32>,
          %swap3A_377 = vector.shape_cast %swap3A_376 : vector<16xf32> to vector<16xf32>
          %swap3A_378 = vector.shape_cast %get3A_372 : vector<16xf32> to vector<16xf32>
          tpu.vector_store %arg10[%swap3A_375], %swap3A_378 {add = true, strides = array<i32>} : memref<8192xf32, #tpu.memory_space<vmem>>, vector<16xf32>,
          %add3A_379 = arith.constant 48 : i32
          %add3A_380 = arith.addi %mul3A_337, %add3A_379 : i32
          %get3A_381 = arith.index_cast %add3A_380 : i32 to index
          %get3A_382 = tpu.vector_load %arg6[%get3A_381] {strides = array<i32>} : memref<51200xf32, #tpu.memory_space<vmem>>, vector<16xf32>,
          %get3A_383 = vector.shape_cast %get3A_382 : vector<16xf32> to vector<16xf32>
          %add3A_384 = arith.constant 48 : i32
          %add3A_385 = arith.addi %squeeze3A_339, %add3A_384 : i32
          %swap3A_386 = arith.index_cast %add3A_385 : i32 to index
          %swap3A_387 = tpu.vector_load %arg10[%swap3A_386] {strides = array<i32>} : memref<8192xf32, #tpu.memory_space<vmem>>, vector<16xf32>,
          %swap3A_388 = vector.shape_cast %swap3A_387 : vector<16xf32> to vector<16xf32>
          %swap3A_389 = vector.shape_cast %get3A_383 : vector<16xf32> to vector<16xf32>
          tpu.vector_store %arg10[%swap3A_386], %swap3A_389 {add = true, strides = array<i32>} : memref<8192xf32, #tpu.memory_space<vmem>>, vector<16xf32>,
          %add3A_390 = arith.constant 64 : i32
          %add3A_391 = arith.addi %mul3A_337, %add3A_390 : i32
          %get3A_392 = arith.index_cast %add3A_391 : i32 to index
          %get3A_393 = tpu.vector_load %arg6[%get3A_392] {strides = array<i32>} : memref<51200xf32, #tpu.memory_space<vmem>>, vector<16xf32>,
          %get3A_394 = vector.shape_cast %get3A_393 : vector<16xf32> to vector<16xf32>
          %add3A_395 = arith.constant 64 : i32
          %add3A_396 = arith.addi %squeeze3A_339, %add3A_395 : i32
          %swap3A_397 = arith.index_cast %add3A_396 : i32 to index
          %swap3A_398 = tpu.vector_load %arg10[%swap3A_397] {strides = array<i32>} : memref<8192xf32, #tpu.memory_space<vmem>>, vector<16xf32>,
          %swap3A_399 = vector.shape_cast %swap3A_398 : vector<16xf32> to vector<16xf32>
          %swap3A_400 = vector.shape_cast %get3A_394 : vector<16xf32> to vector<16xf32>
          tpu.vector_store %arg10[%swap3A_397], %swap3A_400 {add = true, strides = array<i32>} : memref<8192xf32, #tpu.memory_space<vmem>>, vector<16xf32>,
          %add3A_401 = arith.constant 80 : i32
          %add3A_402 = arith.addi %mul3A_337, %add3A_401 : i32
          %get3A_403 = arith.index_cast %add3A_402 : i32 to index
          %get3A_404 = tpu.vector_load %arg6[%get3A_403] {strides = array<i32>} : memref<51200xf32, #tpu.memory_space<vmem>>, vector<16xf32>,
          %get3A_405 = vector.shape_cast %get3A_404 : vector<16xf32> to vector<16xf32>
          %add3A_406 = arith.constant 80 : i32
          %add3A_407 = arith.addi %squeeze3A_339, %add3A_406 : i32
          %swap3A_408 = arith.index_cast %add3A_407 : i32 to index
          %swap3A_409 = tpu.vector_load %arg10[%swap3A_408] {strides = array<i32>} : memref<8192xf32, #tpu.memory_space<vmem>>, vector<16xf32>,
          %swap3A_410 = vector.shape_cast %swap3A_409 : vector<16xf32> to vector<16xf32>
          %swap3A_411 = vector.shape_cast %get3A_405 : vector<16xf32> to vector<16xf32>
          tpu.vector_store %arg10[%swap3A_408], %swap3A_411 {add = true, strides = array<i32>} : memref<8192xf32, #tpu.memory_space<vmem>>, vector<16xf32>,
          %add3A_412 = arith.constant 96 : i32
          %add3A_413 = arith.addi %mul3A_337, %add3A_412 : i32
          %get3A_414 = arith.index_cast %add3A_413 : i32 to index
          %get3A_415 = tpu.vector_load %arg6[%get3A_414] {strides = array<i32>} : memref<51200xf32, #tpu.memory_space<vmem>>, vector<16xf32>,
          %get3A_416 = vector.shape_cast %get3A_415 : vector<16xf32> to vector<16xf32>
          %add3A_417 = arith.constant 96 : i32
          %add3A_418 = arith.addi %squeeze3A_339, %add3A_417 : i32
          %swap3A_419 = arith.index_cast %add3A_418 : i32 to index
          %swap3A_420 = tpu.vector_load %arg10[%swap3A_419] {strides = array<i32>} : memref<8192xf32, #tpu.memory_space<vmem>>, vector<16xf32>,
          %swap3A_421 = vector.shape_cast %swap3A_420 : vector<16xf32> to vector<16xf32>
          %swap3A_422 = vector.shape_cast %get3A_416 : vector<16xf32> to vector<16xf32>
          tpu.vector_store %arg10[%swap3A_419], %swap3A_422 {add = true, strides = array<i32>} : memref<8192xf32, #tpu.memory_space<vmem>>, vector<16xf32>,
          %add3A_423 = arith.constant 112 : i32
          %add3A_424 = arith.addi %mul3A_337, %add3A_423 : i32
          %get3A_425 = arith.index_cast %add3A_424 : i32 to index
          %get3A_426 = tpu.vector_load %arg6[%get3A_425] {strides = array<i32>} : memref<51200xf32, #tpu.memory_space<vmem>>, vector<16xf32>,
          %get3A_427 = vector.shape_cast %get3A_426 : vector<16xf32> to vector<16xf32>
          %add3A_428 = arith.constant 112 : i32
          %add3A_429 = arith.addi %squeeze3A_339, %add3A_428 : i32
          %swap3A_430 = arith.index_cast %add3A_429 : i32 to index
          %swap3A_431 = tpu.vector_load %arg10[%swap3A_430] {strides = array<i32>} : memref<8192xf32, #tpu.memory_space<vmem>>, vector<16xf32>,
          %swap3A_432 = vector.shape_cast %swap3A_431 : vector<16xf32> to vector<16xf32>
          %swap3A_433 = vector.shape_cast %get3A_427 : vector<16xf32> to vector<16xf32>
          tpu.vector_store %arg10[%swap3A_430], %swap3A_433 {add = true, strides = array<i32>} : memref<8192xf32, #tpu.memory_space<vmem>>, vector<16xf32>,
          %mul3A_434 = arith.constant 16 : i32
          %mul3A_435 = arith.muli %scan3A_116, %mul3A_434 : i32
          %add3A_436 = arith.constant 3 : i32
          %add3A_437 = arith.addi %mul3A_435, %add3A_436 : i32
          %mul3A_438 = arith.constant 128 : i32
          %mul3A_439 = arith.muli %add3A_437, %mul3A_438 : i32
          %slice3A_440 = vector.extract_strided_slice %mul3A_125 {offsets = [3], sizes = [1], strides = [1]} : vector<16xi32> to vector<1xi32>
          %squeeze3A_441 = vector.extract %slice3A_440[0] : i32 from vector<1xi32>
          %slice3A_442 = vector.extract_strided_slice %mul3A_128 {offsets = [3], sizes = [1], strides = [1]} : vector<16xi32> to vector<1xi32>
          %squeeze3A_443 = vector.extract %slice3A_442[0] : i32 from vector<1xi32>
          %swap3A_444 = arith.index_cast %squeeze3A_443 : i32 to index
          %swap3A_445 = tpu.vector_load %arg11[%swap3A_444] {strides = array<i32>} : memref<1024xf32, #tpu.memory_space<vmem>>, vector<16xf32>,
          %swap3A_446 = vector.shape_cast %swap3A_445 : vector<16xf32> to vector<16xf32>
          %swap3A_447 = vector.shape_cast %broadcast_in_dim3A_18 : vector<16xf32> to vector<16xf32>
          tpu.vector_store %arg11[%swap3A_444], %swap3A_447 {add = true, strides = array<i32>} : memref<1024xf32, #tpu.memory_space<vmem>>, vector<16xf32>,
          %add3A_448 = arith.constant 0 : i32
          %add3A_449 = arith.addi %mul3A_439, %add3A_448 : i32
          %get3A_450 = arith.index_cast %add3A_449 : i32 to index
          %get3A_451 = tpu.vector_load %arg6[%get3A_450] {strides = array<i32>} : memref<51200xf32, #tpu.memory_space<vmem>>, vector<16xf32>,
          %get3A_452 = vector.shape_cast %get3A_451 : vector<16xf32> to vector<16xf32>
          %add3A_453 = arith.constant 0 : i32
          %add3A_454 = arith.addi %squeeze3A_441, %add3A_453 : i32
          %swap3A_455 = arith.index_cast %add3A_454 : i32 to index
          %swap3A_456 = tpu.vector_load %arg10[%swap3A_455] {strides = array<i32>} : memref<8192xf32, #tpu.memory_space<vmem>>, vector<16xf32>,
          %swap3A_457 = vector.shape_cast %swap3A_456 : vector<16xf32> to vector<16xf32>
          %swap3A_458 = vector.shape_cast %get3A_452 : vector<16xf32> to vector<16xf32>
          tpu.vector_store %arg10[%swap3A_455], %swap3A_458 {add = true, strides = array<i32>} : memref<8192xf32, #tpu.memory_space<vmem>>, vector<16xf32>,
          %add3A_459 = arith.constant 16 : i32
          %add3A_460 = arith.addi %mul3A_439, %add3A_459 : i32
          %get3A_461 = arith.index_cast %add3A_460 : i32 to index
          %get3A_462 = tpu.vector_load %arg6[%get3A_461] {strides = array<i32>} : memref<51200xf32, #tpu.memory_space<vmem>>, vector<16xf32>,
          %get3A_463 = vector.shape_cast %get3A_462 : vector<16xf32> to vector<16xf32>
          %add3A_464 = arith.constant 16 : i32
          %add3A_465 = arith.addi %squeeze3A_441, %add3A_464 : i32
          %swap3A_466 = arith.index_cast %add3A_465 : i32 to index
          %swap3A_467 = tpu.vector_load %arg10[%swap3A_466] {strides = array<i32>} : memref<8192xf32, #tpu.memory_space<vmem>>, vector<16xf32>,
          %swap3A_468 = vector.shape_cast %swap3A_467 : vector<16xf32> to vector<16xf32>
          %swap3A_469 = vector.shape_cast %get3A_463 : vector<16xf32> to vector<16xf32>
          tpu.vector_store %arg10[%swap3A_466], %swap3A_469 {add = true, strides = array<i32>} : memref<8192xf32, #tpu.memory_space<vmem>>, vector<16xf32>,
          %add3A_470 = arith.constant 32 : i32
          %add3A_471 = arith.addi %mul3A_439, %add3A_470 : i32
          %get3A_472 = arith.index_cast %add3A_471 : i32 to index
          %get3A_473 = tpu.vector_load %arg6[%get3A_472] {strides = array<i32>} : memref<51200xf32, #tpu.memory_space<vmem>>, vector<16xf32>,
          %get3A_474 = vector.shape_cast %get3A_473 : vector<16xf32> to vector<16xf32>
          %add3A_475 = arith.constant 32 : i32
          %add3A_476 = arith.addi %squeeze3A_441, %add3A_475 : i32
          %swap3A_477 = arith.index_cast %add3A_476 : i32 to index
          %swap3A_478 = tpu.vector_load %arg10[%swap3A_477] {strides = array<i32>} : memref<8192xf32, #tpu.memory_space<vmem>>, vector<16xf32>,
          %swap3A_479 = vector.shape_cast %swap3A_478 : vector<16xf32> to vector<16xf32>
          %swap3A_480 = vector.shape_cast %get3A_474 : vector<16xf32> to vector<16xf32>
          tpu.vector_store %arg10[%swap3A_477], %swap3A_480 {add = true, strides = array<i32>} : memref<8192xf32, #tpu.memory_space<vmem>>, vector<16xf32>,
          %add3A_481 = arith.constant 48 : i32
          %add3A_482 = arith.addi %mul3A_439, %add3A_481 : i32
          %get3A_483 = arith.index_cast %add3A_482 : i32 to index
          %get3A_484 = tpu.vector_load %arg6[%get3A_483] {strides = array<i32>} : memref<51200xf32, #tpu.memory_space<vmem>>, vector<16xf32>,
          %get3A_485 = vector.shape_cast %get3A_484 : vector<16xf32> to vector<16xf32>
          %add3A_486 = arith.constant 48 : i32
          %add3A_487 = arith.addi %squeeze3A_441, %add3A_486 : i32
          %swap3A_488 = arith.index_cast %add3A_487 : i32 to index
          %swap3A_489 = tpu.vector_load %arg10[%swap3A_488] {strides = array<i32>} : memref<8192xf32, #tpu.memory_space<vmem>>, vector<16xf32>,
          %swap3A_490 = vector.shape_cast %swap3A_489 : vector<16xf32> to vector<16xf32>
          %swap3A_491 = vector.shape_cast %get3A_485 : vector<16xf32> to vector<16xf32>
          tpu.vector_store %arg10[%swap3A_488], %swap3A_491 {add = true, strides = array<i32>} : memref<8192xf32, #tpu.memory_space<vmem>>, vector<16xf32>,
          %add3A_492 = arith.constant 64 : i32
          %add3A_493 = arith.addi %mul3A_439, %add3A_492 : i32
          %get3A_494 = arith.index_cast %add3A_493 : i32 to index
          %get3A_495 = tpu.vector_load %arg6[%get3A_494] {strides = array<i32>} : memref<51200xf32, #tpu.memory_space<vmem>>, vector<16xf32>,
          %get3A_496 = vector.shape_cast %get3A_495 : vector<16xf32> to vector<16xf32>
          %add3A_497 = arith.constant 64 : i32
          %add3A_498 = arith.addi %squeeze3A_441, %add3A_497 : i32
          %swap3A_499 = arith.index_cast %add3A_498 : i32 to index
          %swap3A_500 = tpu.vector_load %arg10[%swap3A_499] {strides = array<i32>} : memref<8192xf32, #tpu.memory_space<vmem>>, vector<16xf32>,
          %swap3A_501 = vector.shape_cast %swap3A_500 : vector<16xf32> to vector<16xf32>
          %swap3A_502 = vector.shape_cast %get3A_496 : vector<16xf32> to vector<16xf32>
          tpu.vector_store %arg10[%swap3A_499], %swap3A_502 {add = true, strides = array<i32>} : memref<8192xf32, #tpu.memory_space<vmem>>, vector<16xf32>,
          %add3A_503 = arith.constant 80 : i32
          %add3A_504 = arith.addi %mul3A_439, %add3A_503 : i32
          %get3A_505 = arith.index_cast %add3A_504 : i32 to index
          %get3A_506 = tpu.vector_load %arg6[%get3A_505] {strides = array<i32>} : memref<51200xf32, #tpu.memory_space<vmem>>, vector<16xf32>,
          %get3A_507 = vector.shape_cast %get3A_506 : vector<16xf32> to vector<16xf32>
          %add3A_508 = arith.constant 80 : i32
          %add3A_509 = arith.addi %squeeze3A_441, %add3A_508 : i32
          %swap3A_510 = arith.index_cast %add3A_509 : i32 to index
          %swap3A_511 = tpu.vector_load %arg10[%swap3A_510] {strides = array<i32>} : memref<8192xf32, #tpu.memory_space<vmem>>, vector<16xf32>,
          %swap3A_512 = vector.shape_cast %swap3A_511 : vector<16xf32> to vector<16xf32>
          %swap3A_513 = vector.shape_cast %get3A_507 : vector<16xf32> to vector<16xf32>
          tpu.vector_store %arg10[%swap3A_510], %swap3A_513 {add = true, strides = array<i32>} : memref<8192xf32, #tpu.memory_space<vmem>>, vector<16xf32>,
          %add3A_514 = arith.constant 96 : i32
          %add3A_515 = arith.addi %mul3A_439, %add3A_514 : i32
          %get3A_516 = arith.index_cast %add3A_515 : i32 to index
          %get3A_517 = tpu.vector_load %arg6[%get3A_516] {strides = array<i32>} : memref<51200xf32, #tpu.memory_space<vmem>>, vector<16xf32>,
          %get3A_518 = vector.shape_cast %get3A_517 : vector<16xf32> to vector<16xf32>
          %add3A_519 = arith.constant 96 : i32
          %add3A_520 = arith.addi %squeeze3A_441, %add3A_519 : i32
          %swap3A_521 = arith.index_cast %add3A_520 : i32 to index
          %swap3A_522 = tpu.vector_load %arg10[%swap3A_521] {strides = array<i32>} : memref<8192xf32, #tpu.memory_space<vmem>>, vector<16xf32>,
          %swap3A_523 = vector.shape_cast %swap3A_522 : vector<16xf32> to vector<16xf32>
          %swap3A_524 = vector.shape_cast %get3A_518 : vector<16xf32> to vector<16xf32>
          tpu.vector_store %arg10[%swap3A_521], %swap3A_524 {add = true, strides = array<i32>} : memref<8192xf32, #tpu.memory_space<vmem>>, vector<16xf32>,
          %add3A_525 = arith.constant 112 : i32
          %add3A_526 = arith.addi %mul3A_439, %add3A_525 : i32
          %get3A_527 = arith.index_cast %add3A_526 : i32 to index
          %get3A_528 = tpu.vector_load %arg6[%get3A_527] {strides = array<i32>} : memref<51200xf32, #tpu.memory_space<vmem>>, vector<16xf32>,
          %get3A_529 = vector.shape_cast %get3A_528 : vector<16xf32> to vector<16xf32>
          %add3A_530 = arith.constant 112 : i32
          %add3A_531 = arith.addi %squeeze3A_441, %add3A_530 : i32
          %swap3A_532 = arith.index_cast %add3A_531 : i32 to index
          %swap3A_533 = tpu.vector_load %arg10[%swap3A_532] {strides = array<i32>} : memref<8192xf32, #tpu.memory_space<vmem>>, vector<16xf32>,
          %swap3A_534 = vector.shape_cast %swap3A_533 : vector<16xf32> to vector<16xf32>
          %swap3A_535 = vector.shape_cast %get3A_529 : vector<16xf32> to vector<16xf32>
          tpu.vector_store %arg10[%swap3A_532], %swap3A_535 {add = true, strides = array<i32>} : memref<8192xf32, #tpu.memory_space<vmem>>, vector<16xf32>,
          %mul3A_536 = arith.constant 16 : i32
          %mul3A_537 = arith.muli %scan3A_116, %mul3A_536 : i32
          %add3A_538 = arith.constant 4 : i32
          %add3A_539 = arith.addi %mul3A_537, %add3A_538 : i32
          %mul3A_540 = arith.constant 128 : i32
          %mul3A_541 = arith.muli %add3A_539, %mul3A_540 : i32
          %slice3A_542 = vector.extract_strided_slice %mul3A_125 {offsets = [4], sizes = [1], strides = [1]} : vector<16xi32> to vector<1xi32>
          %squeeze3A_543 = vector.extract %slice3A_542[0] : i32 from vector<1xi32>
          %slice3A_544 = vector.extract_strided_slice %mul3A_128 {offsets = [4], sizes = [1], strides = [1]} : vector<16xi32> to vector<1xi32>
          %squeeze3A_545 = vector.extract %slice3A_544[0] : i32 from vector<1xi32>
          %swap3A_546 = arith.index_cast %squeeze3A_545 : i32 to index
          %swap3A_547 = tpu.vector_load %arg11[%swap3A_546] {strides = array<i32>} : memref<1024xf32, #tpu.memory_space<vmem>>, vector<16xf32>,
          %swap3A_548 = vector.shape_cast %swap3A_547 : vector<16xf32> to vector<16xf32>
          %swap3A_549 = vector.shape_cast %broadcast_in_dim3A_18 : vector<16xf32> to vector<16xf32>
          tpu.vector_store %arg11[%swap3A_546], %swap3A_549 {add = true, strides = array<i32>} : memref<1024xf32, #tpu.memory_space<vmem>>, vector<16xf32>,
          %add3A_550 = arith.constant 0 : i32
          %add3A_551 = arith.addi %mul3A_541, %add3A_550 : i32
          %get3A_552 = arith.index_cast %add3A_551 : i32 to index
          %get3A_553 = tpu.vector_load %arg6[%get3A_552] {strides = array<i32>} : memref<51200xf32, #tpu.memory_space<vmem>>, vector<16xf32>,
          %get3A_554 = vector.shape_cast %get3A_553 : vector<16xf32> to vector<16xf32>
          %add3A_555 = arith.constant 0 : i32
          %add3A_556 = arith.addi %squeeze3A_543, %add3A_555 : i32
          %swap3A_557 = arith.index_cast %add3A_556 : i32 to index
          %swap3A_558 = tpu.vector_load %arg10[%swap3A_557] {strides = array<i32>} : memref<8192xf32, #tpu.memory_space<vmem>>, vector<16xf32>,
          %swap3A_559 = vector.shape_cast %swap3A_558 : vector<16xf32> to vector<16xf32>
          %swap3A_560 = vector.shape_cast %get3A_554 : vector<16xf32> to vector<16xf32>
          tpu.vector_store %arg10[%swap3A_557], %swap3A_560 {add = true, strides = array<i32>} : memref<8192xf32, #tpu.memory_space<vmem>>, vector<16xf32>,
          %add3A_561 = arith.constant 16 : i32
          %add3A_562 = arith.addi %mul3A_541, %add3A_561 : i32
          %get3A_563 = arith.index_cast %add3A_562 : i32 to index
          %get3A_564 = tpu.vector_load %arg6[%get3A_563] {strides = array<i32>} : memref<51200xf32, #tpu.memory_space<vmem>>, vector<16xf32>,
          %get3A_565 = vector.shape_cast %get3A_564 : vector<16xf32> to vector<16xf32>
          %add3A_566 = arith.constant 16 : i32
          %add3A_567 = arith.addi %squeeze3A_543, %add3A_566 : i32
          %swap3A_568 = arith.index_cast %add3A_567 : i32 to index
          %swap3A_569 = tpu.vector_load %arg10[%swap3A_568] {strides = array<i32>} : memref<8192xf32, #tpu.memory_space<vmem>>, vector<16xf32>,
          %swap3A_570 = vector.shape_cast %swap3A_569 : vector<16xf32> to vector<16xf32>
          %swap3A_571 = vector.shape_cast %get3A_565 : vector<16xf32> to vector<16xf32>
          tpu.vector_store %arg10[%swap3A_568], %swap3A_571 {add = true, strides = array<i32>} : memref<8192xf32, #tpu.memory_space<vmem>>, vector<16xf32>,
          %add3A_572 = arith.constant 32 : i32
          %add3A_573 = arith.addi %mul3A_541, %add3A_572 : i32
          %get3A_574 = arith.index_cast %add3A_573 : i32 to index
          %get3A_575 = tpu.vector_load %arg6[%get3A_574] {strides = array<i32>} : memref<51200xf32, #tpu.memory_space<vmem>>, vector<16xf32>,
          %get3A_576 = vector.shape_cast %get3A_575 : vector<16xf32> to vector<16xf32>
          %add3A_577 = arith.constant 32 : i32
          %add3A_578 = arith.addi %squeeze3A_543, %add3A_577 : i32
          %swap3A_579 = arith.index_cast %add3A_578 : i32 to index
          %swap3A_580 = tpu.vector_load %arg10[%swap3A_579] {strides = array<i32>} : memref<8192xf32, #tpu.memory_space<vmem>>, vector<16xf32>,
          %swap3A_581 = vector.shape_cast %swap3A_580 : vector<16xf32> to vector<16xf32>
          %swap3A_582 = vector.shape_cast %get3A_576 : vector<16xf32> to vector<16xf32>
          tpu.vector_store %arg10[%swap3A_579], %swap3A_582 {add = true, strides = array<i32>} : memref<8192xf32, #tpu.memory_space<vmem>>, vector<16xf32>,
          %add3A_583 = arith.constant 48 : i32
          %add3A_584 = arith.addi %mul3A_541, %add3A_583 : i32
          %get3A_585 = arith.index_cast %add3A_584 : i32 to index
          %get3A_586 = tpu.vector_load %arg6[%get3A_585] {strides = array<i32>} : memref<51200xf32, #tpu.memory_space<vmem>>, vector<16xf32>,
          %get3A_587 = vector.shape_cast %get3A_586 : vector<16xf32> to vector<16xf32>
          %add3A_588 = arith.constant 48 : i32
          %add3A_589 = arith.addi %squeeze3A_543, %add3A_588 : i32
          %swap3A_590 = arith.index_cast %add3A_589 : i32 to index
          %swap3A_591 = tpu.vector_load %arg10[%swap3A_590] {strides = array<i32>} : memref<8192xf32, #tpu.memory_space<vmem>>, vector<16xf32>,
          %swap3A_592 = vector.shape_cast %swap3A_591 : vector<16xf32> to vector<16xf32>
          %swap3A_593 = vector.shape_cast %get3A_587 : vector<16xf32> to vector<16xf32>
          tpu.vector_store %arg10[%swap3A_590], %swap3A_593 {add = true, strides = array<i32>} : memref<8192xf32, #tpu.memory_space<vmem>>, vector<16xf32>,
          %add3A_594 = arith.constant 64 : i32
          %add3A_595 = arith.addi %mul3A_541, %add3A_594 : i32
          %get3A_596 = arith.index_cast %add3A_595 : i32 to index
          %get3A_597 = tpu.vector_load %arg6[%get3A_596] {strides = array<i32>} : memref<51200xf32, #tpu.memory_space<vmem>>, vector<16xf32>,
          %get3A_598 = vector.shape_cast %get3A_597 : vector<16xf32> to vector<16xf32>
          %add3A_599 = arith.constant 64 : i32
          %add3A_600 = arith.addi %squeeze3A_543, %add3A_599 : i32
          %swap3A_601 = arith.index_cast %add3A_600 : i32 to index
          %swap3A_602 = tpu.vector_load %arg10[%swap3A_601] {strides = array<i32>} : memref<8192xf32, #tpu.memory_space<vmem>>, vector<16xf32>,
          %swap3A_603 = vector.shape_cast %swap3A_602 : vector<16xf32> to vector<16xf32>
          %swap3A_604 = vector.shape_cast %get3A_598 : vector<16xf32> to vector<16xf32>
          tpu.vector_store %arg10[%swap3A_601], %swap3A_604 {add = true, strides = array<i32>} : memref<8192xf32, #tpu.memory_space<vmem>>, vector<16xf32>,
          %add3A_605 = arith.constant 80 : i32
          %add3A_606 = arith.addi %mul3A_541, %add3A_605 : i32
          %get3A_607 = arith.index_cast %add3A_606 : i32 to index
          %get3A_608 = tpu.vector_load %arg6[%get3A_607] {strides = array<i32>} : memref<51200xf32, #tpu.memory_space<vmem>>, vector<16xf32>,
          %get3A_609 = vector.shape_cast %get3A_608 : vector<16xf32> to vector<16xf32>
          %add3A_610 = arith.constant 80 : i32
          %add3A_611 = arith.addi %squeeze3A_543, %add3A_610 : i32
          %swap3A_612 = arith.index_cast %add3A_611 : i32 to index
          %swap3A_613 = tpu.vector_load %arg10[%swap3A_612] {strides = array<i32>} : memref<8192xf32, #tpu.memory_space<vmem>>, vector<16xf32>,
          %swap3A_614 = vector.shape_cast %swap3A_613 : vector<16xf32> to vector<16xf32>
          %swap3A_615 = vector.shape_cast %get3A_609 : vector<16xf32> to vector<16xf32>
          tpu.vector_store %arg10[%swap3A_612], %swap3A_615 {add = true, strides = array<i32>} : memref<8192xf32, #tpu.memory_space<vmem>>, vector<16xf32>,
          %add3A_616 = arith.constant 96 : i32
          %add3A_617 = arith.addi %mul3A_541, %add3A_616 : i32
          %get3A_618 = arith.index_cast %add3A_617 : i32 to index
          %get3A_619 = tpu.vector_load %arg6[%get3A_618] {strides = array<i32>} : memref<51200xf32, #tpu.memory_space<vmem>>, vector<16xf32>,
          %get3A_620 = vector.shape_cast %get3A_619 : vector<16xf32> to vector<16xf32>
          %add3A_621 = arith.constant 96 : i32
          %add3A_622 = arith.addi %squeeze3A_543, %add3A_621 : i32
          %swap3A_623 = arith.index_cast %add3A_622 : i32 to index
          %swap3A_624 = tpu.vector_load %arg10[%swap3A_623] {strides = array<i32>} : memref<8192xf32, #tpu.memory_space<vmem>>, vector<16xf32>,
          %swap3A_625 = vector.shape_cast %swap3A_624 : vector<16xf32> to vector<16xf32>
          %swap3A_626 = vector.shape_cast %get3A_620 : vector<16xf32> to vector<16xf32>
          tpu.vector_store %arg10[%swap3A_623], %swap3A_626 {add = true, strides = array<i32>} : memref<8192xf32, #tpu.memory_space<vmem>>, vector<16xf32>,
          %add3A_627 = arith.constant 112 : i32
          %add3A_628 = arith.addi %mul3A_541, %add3A_627 : i32
          %get3A_629 = arith.index_cast %add3A_628 : i32 to index
          %get3A_630 = tpu.vector_load %arg6[%get3A_629] {strides = array<i32>} : memref<51200xf32, #tpu.memory_space<vmem>>, vector<16xf32>,
          %get3A_631 = vector.shape_cast %get3A_630 : vector<16xf32> to vector<16xf32>
          %add3A_632 = arith.constant 112 : i32
          %add3A_633 = arith.addi %squeeze3A_543, %add3A_632 : i32
          %swap3A_634 = arith.index_cast %add3A_633 : i32 to index
          %swap3A_635 = tpu.vector_load %arg10[%swap3A_634] {strides = array<i32>} : memref<8192xf32, #tpu.memory_space<vmem>>, vector<16xf32>,
          %swap3A_636 = vector.shape_cast %swap3A_635 : vector<16xf32> to vector<16xf32>
          %swap3A_637 = vector.shape_cast %get3A_631 : vector<16xf32> to vector<16xf32>
          tpu.vector_store %arg10[%swap3A_634], %swap3A_637 {add = true, strides = array<i32>} : memref<8192xf32, #tpu.memory_space<vmem>>, vector<16xf32>,
          %mul3A_638 = arith.constant 16 : i32
          %mul3A_639 = arith.muli %scan3A_116, %mul3A_638 : i32
          %add3A_640 = arith.constant 5 : i32
          %add3A_641 = arith.addi %mul3A_639, %add3A_640 : i32
          %mul3A_642 = arith.constant 128 : i32
          %mul3A_643 = arith.muli %add3A_641, %mul3A_642 : i32
          %slice3A_644 = vector.extract_strided_slice %mul3A_125 {offsets = [5], sizes = [1], strides = [1]} : vector<16xi32> to vector<1xi32>
          %squeeze3A_645 = vector.extract %slice3A_644[0] : i32 from vector<1xi32>
          %slice3A_646 = vector.extract_strided_slice %mul3A_128 {offsets = [5], sizes = [1], strides = [1]} : vector<16xi32> to vector<1xi32>
          %squeeze3A_647 = vector.extract %slice3A_646[0] : i32 from vector<1xi32>
          %swap3A_648 = arith.index_cast %squeeze3A_647 : i32 to index
          %swap3A_649 = tpu.vector_load %arg11[%swap3A_648] {strides = array<i32>} : memref<1024xf32, #tpu.memory_space<vmem>>, vector<16xf32>,
          %swap3A_650 = vector.shape_cast %swap3A_649 : vector<16xf32> to vector<16xf32>
          %swap3A_651 = vector.shape_cast %broadcast_in_dim3A_18 : vector<16xf32> to vector<16xf32>
          tpu.vector_store %arg11[%swap3A_648], %swap3A_651 {add = true, strides = array<i32>} : memref<1024xf32, #tpu.memory_space<vmem>>, vector<16xf32>,
          %add3A_652 = arith.constant 0 : i32
          %add3A_653 = arith.addi %mul3A_643, %add3A_652 : i32
          %get3A_654 = arith.index_cast %add3A_653 : i32 to index
          %get3A_655 = tpu.vector_load %arg6[%get3A_654] {strides = array<i32>} : memref<51200xf32, #tpu.memory_space<vmem>>, vector<16xf32>,
          %get3A_656 = vector.shape_cast %get3A_655 : vector<16xf32> to vector<16xf32>
          %add3A_657 = arith.constant 0 : i32
          %add3A_658 = arith.addi %squeeze3A_645, %add3A_657 : i32
          %swap3A_659 = arith.index_cast %add3A_658 : i32 to index
          %swap3A_660 = tpu.vector_load %arg10[%swap3A_659] {strides = array<i32>} : memref<8192xf32, #tpu.memory_space<vmem>>, vector<16xf32>,
          %swap3A_661 = vector.shape_cast %swap3A_660 : vector<16xf32> to vector<16xf32>
          %swap3A_662 = vector.shape_cast %get3A_656 : vector<16xf32> to vector<16xf32>
          tpu.vector_store %arg10[%swap3A_659], %swap3A_662 {add = true, strides = array<i32>} : memref<8192xf32, #tpu.memory_space<vmem>>, vector<16xf32>,
          %add3A_663 = arith.constant 16 : i32
          %add3A_664 = arith.addi %mul3A_643, %add3A_663 : i32
          %get3A_665 = arith.index_cast %add3A_664 : i32 to index
          %get3A_666 = tpu.vector_load %arg6[%get3A_665] {strides = array<i32>} : memref<51200xf32, #tpu.memory_space<vmem>>, vector<16xf32>,
          %get3A_667 = vector.shape_cast %get3A_666 : vector<16xf32> to vector<16xf32>
          %add3A_668 = arith.constant 16 : i32
          %add3A_669 = arith.addi %squeeze3A_645, %add3A_668 : i32
          %swap3A_670 = arith.index_cast %add3A_669 : i32 to index
          %swap3A_671 = tpu.vector_load %arg10[%swap3A_670] {strides = array<i32>} : memref<8192xf32, #tpu.memory_space<vmem>>, vector<16xf32>,
          %swap3A_672 = vector.shape_cast %swap3A_671 : vector<16xf32> to vector<16xf32>
          %swap3A_673 = vector.shape_cast %get3A_667 : vector<16xf32> to vector<16xf32>
          tpu.vector_store %arg10[%swap3A_670], %swap3A_673 {add = true, strides = array<i32>} : memref<8192xf32, #tpu.memory_space<vmem>>, vector<16xf32>,
          %add3A_674 = arith.constant 32 : i32
          %add3A_675 = arith.addi %mul3A_643, %add3A_674 : i32
          %get3A_676 = arith.index_cast %add3A_675 : i32 to index
          %get3A_677 = tpu.vector_load %arg6[%get3A_676] {strides = array<i32>} : memref<51200xf32, #tpu.memory_space<vmem>>, vector<16xf32>,
          %get3A_678 = vector.shape_cast %get3A_677 : vector<16xf32> to vector<16xf32>
          %add3A_679 = arith.constant 32 : i32
          %add3A_680 = arith.addi %squeeze3A_645, %add3A_679 : i32
          %swap3A_681 = arith.index_cast %add3A_680 : i32 to index
          %swap3A_682 = tpu.vector_load %arg10[%swap3A_681] {strides = array<i32>} : memref<8192xf32, #tpu.memory_space<vmem>>, vector<16xf32>,
          %swap3A_683 = vector.shape_cast %swap3A_682 : vector<16xf32> to vector<16xf32>
          %swap3A_684 = vector.shape_cast %get3A_678 : vector<16xf32> to vector<16xf32>
          tpu.vector_store %arg10[%swap3A_681], %swap3A_684 {add = true, strides = array<i32>} : memref<8192xf32, #tpu.memory_space<vmem>>, vector<16xf32>,
          %add3A_685 = arith.constant 48 : i32
          %add3A_686 = arith.addi %mul3A_643, %add3A_685 : i32
          %get3A_687 = arith.index_cast %add3A_686 : i32 to index
          %get3A_688 = tpu.vector_load %arg6[%get3A_687] {strides = array<i32>} : memref<51200xf32, #tpu.memory_space<vmem>>, vector<16xf32>,
          %get3A_689 = vector.shape_cast %get3A_688 : vector<16xf32> to vector<16xf32>
          %add3A_690 = arith.constant 48 : i32
          %add3A_691 = arith.addi %squeeze3A_645, %add3A_690 : i32
          %swap3A_692 = arith.index_cast %add3A_691 : i32 to index
          %swap3A_693 = tpu.vector_load %arg10[%swap3A_692] {strides = array<i32>} : memref<8192xf32, #tpu.memory_space<vmem>>, vector<16xf32>,
          %swap3A_694 = vector.shape_cast %swap3A_693 : vector<16xf32> to vector<16xf32>
          %swap3A_695 = vector.shape_cast %get3A_689 : vector<16xf32> to vector<16xf32>
          tpu.vector_store %arg10[%swap3A_692], %swap3A_695 {add = true, strides = array<i32>} : memref<8192xf32, #tpu.memory_space<vmem>>, vector<16xf32>,
          %add3A_696 = arith.constant 64 : i32
          %add3A_697 = arith.addi %mul3A_643, %add3A_696 : i32
          %get3A_698 = arith.index_cast %add3A_697 : i32 to index
          %get3A_699 = tpu.vector_load %arg6[%get3A_698] {strides = array<i32>} : memref<51200xf32, #tpu.memory_space<vmem>>, vector<16xf32>,
          %get3A_700 = vector.shape_cast %get3A_699 : vector<16xf32> to vector<16xf32>
          %add3A_701 = arith.constant 64 : i32
          %add3A_702 = arith.addi %squeeze3A_645, %add3A_701 : i32
          %swap3A_703 = arith.index_cast %add3A_702 : i32 to index
          %swap3A_704 = tpu.vector_load %arg10[%swap3A_703] {strides = array<i32>} : memref<8192xf32, #tpu.memory_space<vmem>>, vector<16xf32>,
          %swap3A_705 = vector.shape_cast %swap3A_704 : vector<16xf32> to vector<16xf32>
          %swap3A_706 = vector.shape_cast %get3A_700 : vector<16xf32> to vector<16xf32>
          tpu.vector_store %arg10[%swap3A_703], %swap3A_706 {add = true, strides = array<i32>} : memref<8192xf32, #tpu.memory_space<vmem>>, vector<16xf32>,
          %add3A_707 = arith.constant 80 : i32
          %add3A_708 = arith.addi %mul3A_643, %add3A_707 : i32
          %get3A_709 = arith.index_cast %add3A_708 : i32 to index
          %get3A_710 = tpu.vector_load %arg6[%get3A_709] {strides = array<i32>} : memref<51200xf32, #tpu.memory_space<vmem>>, vector<16xf32>,
          %get3A_711 = vector.shape_cast %get3A_710 : vector<16xf32> to vector<16xf32>
          %add3A_712 = arith.constant 80 : i32
          %add3A_713 = arith.addi %squeeze3A_645, %add3A_712 : i32
          %swap3A_714 = arith.index_cast %add3A_713 : i32 to index
          %swap3A_715 = tpu.vector_load %arg10[%swap3A_714] {strides = array<i32>} : memref<8192xf32, #tpu.memory_space<vmem>>, vector<16xf32>,
          %swap3A_716 = vector.shape_cast %swap3A_715 : vector<16xf32> to vector<16xf32>
          %swap3A_717 = vector.shape_cast %get3A_711 : vector<16xf32> to vector<16xf32>
          tpu.vector_store %arg10[%swap3A_714], %swap3A_717 {add = true, strides = array<i32>} : memref<8192xf32, #tpu.memory_space<vmem>>, vector<16xf32>,
          %add3A_718 = arith.constant 96 : i32
          %add3A_719 = arith.addi %mul3A_643, %add3A_718 : i32
          %get3A_720 = arith.index_cast %add3A_719 : i32 to index
          %get3A_721 = tpu.vector_load %arg6[%get3A_720] {strides = array<i32>} : memref<51200xf32, #tpu.memory_space<vmem>>, vector<16xf32>,
          %get3A_722 = vector.shape_cast %get3A_721 : vector<16xf32> to vector<16xf32>
          %add3A_723 = arith.constant 96 : i32
          %add3A_724 = arith.addi %squeeze3A_645, %add3A_723 : i32
          %swap3A_725 = arith.index_cast %add3A_724 : i32 to index
          %swap3A_726 = tpu.vector_load %arg10[%swap3A_725] {strides = array<i32>} : memref<8192xf32, #tpu.memory_space<vmem>>, vector<16xf32>,
          %swap3A_727 = vector.shape_cast %swap3A_726 : vector<16xf32> to vector<16xf32>
          %swap3A_728 = vector.shape_cast %get3A_722 : vector<16xf32> to vector<16xf32>
          tpu.vector_store %arg10[%swap3A_725], %swap3A_728 {add = true, strides = array<i32>} : memref<8192xf32, #tpu.memory_space<vmem>>, vector<16xf32>,
          %add3A_729 = arith.constant 112 : i32
          %add3A_730 = arith.addi %mul3A_643, %add3A_729 : i32
          %get3A_731 = arith.index_cast %add3A_730 : i32 to index
          %get3A_732 = tpu.vector_load %arg6[%get3A_731] {strides = array<i32>} : memref<51200xf32, #tpu.memory_space<vmem>>, vector<16xf32>,
          %get3A_733 = vector.shape_cast %get3A_732 : vector<16xf32> to vector<16xf32>
          %add3A_734 = arith.constant 112 : i32
          %add3A_735 = arith.addi %squeeze3A_645, %add3A_734 : i32
          %swap3A_736 = arith.index_cast %add3A_735 : i32 to index
          %swap3A_737 = tpu.vector_load %arg10[%swap3A_736] {strides = array<i32>} : memref<8192xf32, #tpu.memory_space<vmem>>, vector<16xf32>,
          %swap3A_738 = vector.shape_cast %swap3A_737 : vector<16xf32> to vector<16xf32>
          %swap3A_739 = vector.shape_cast %get3A_733 : vector<16xf32> to vector<16xf32>
          tpu.vector_store %arg10[%swap3A_736], %swap3A_739 {add = true, strides = array<i32>} : memref<8192xf32, #tpu.memory_space<vmem>>, vector<16xf32>,
          %mul3A_740 = arith.constant 16 : i32
          %mul3A_741 = arith.muli %scan3A_116, %mul3A_740 : i32
          %add3A_742 = arith.constant 6 : i32
          %add3A_743 = arith.addi %mul3A_741, %add3A_742 : i32
          %mul3A_744 = arith.constant 128 : i32
          %mul3A_745 = arith.muli %add3A_743, %mul3A_744 : i32
          %slice3A_746 = vector.extract_strided_slice %mul3A_125 {offsets = [6], sizes = [1], strides = [1]} : vector<16xi32> to vector<1xi32>
          %squeeze3A_747 = vector.extract %slice3A_746[0] : i32 from vector<1xi32>
          %slice3A_748 = vector.extract_strided_slice %mul3A_128 {offsets = [6], sizes = [1], strides = [1]} : vector<16xi32> to vector<1xi32>
          %squeeze3A_749 = vector.extract %slice3A_748[0] : i32 from vector<1xi32>
          %swap3A_750 = arith.index_cast %squeeze3A_749 : i32 to index
          %swap3A_751 = tpu.vector_load %arg11[%swap3A_750] {strides = array<i32>} : memref<1024xf32, #tpu.memory_space<vmem>>, vector<16xf32>,
          %swap3A_752 = vector.shape_cast %swap3A_751 : vector<16xf32> to vector<16xf32>
          %swap3A_753 = vector.shape_cast %broadcast_in_dim3A_18 : vector<16xf32> to vector<16xf32>
          tpu.vector_store %arg11[%swap3A_750], %swap3A_753 {add = true, strides = array<i32>} : memref<1024xf32, #tpu.memory_space<vmem>>, vector<16xf32>,
          %add3A_754 = arith.constant 0 : i32
          %add3A_755 = arith.addi %mul3A_745, %add3A_754 : i32
          %get3A_756 = arith.index_cast %add3A_755 : i32 to index
          %get3A_757 = tpu.vector_load %arg6[%get3A_756] {strides = array<i32>} : memref<51200xf32, #tpu.memory_space<vmem>>, vector<16xf32>,
          %get3A_758 = vector.shape_cast %get3A_757 : vector<16xf32> to vector<16xf32>
          %add3A_759 = arith.constant 0 : i32
          %add3A_760 = arith.addi %squeeze3A_747, %add3A_759 : i32
          %swap3A_761 = arith.index_cast %add3A_760 : i32 to index
          %swap3A_762 = tpu.vector_load %arg10[%swap3A_761] {strides = array<i32>} : memref<8192xf32, #tpu.memory_space<vmem>>, vector<16xf32>,
          %swap3A_763 = vector.shape_cast %swap3A_762 : vector<16xf32> to vector<16xf32>
          %swap3A_764 = vector.shape_cast %get3A_758 : vector<16xf32> to vector<16xf32>
          tpu.vector_store %arg10[%swap3A_761], %swap3A_764 {add = true, strides = array<i32>} : memref<8192xf32, #tpu.memory_space<vmem>>, vector<16xf32>,
          %add3A_765 = arith.constant 16 : i32
          %add3A_766 = arith.addi %mul3A_745, %add3A_765 : i32
          %get3A_767 = arith.index_cast %add3A_766 : i32 to index
          %get3A_768 = tpu.vector_load %arg6[%get3A_767] {strides = array<i32>} : memref<51200xf32, #tpu.memory_space<vmem>>, vector<16xf32>,
          %get3A_769 = vector.shape_cast %get3A_768 : vector<16xf32> to vector<16xf32>
          %add3A_770 = arith.constant 16 : i32
          %add3A_771 = arith.addi %squeeze3A_747, %add3A_770 : i32
          %swap3A_772 = arith.index_cast %add3A_771 : i32 to index
          %swap3A_773 = tpu.vector_load %arg10[%swap3A_772] {strides = array<i32>} : memref<8192xf32, #tpu.memory_space<vmem>>, vector<16xf32>,
          %swap3A_774 = vector.shape_cast %swap3A_773 : vector<16xf32> to vector<16xf32>
          %swap3A_775 = vector.shape_cast %get3A_769 : vector<16xf32> to vector<16xf32>
          tpu.vector_store %arg10[%swap3A_772], %swap3A_775 {add = true, strides = array<i32>} : memref<8192xf32, #tpu.memory_space<vmem>>, vector<16xf32>,
          %add3A_776 = arith.constant 32 : i32
          %add3A_777 = arith.addi %mul3A_745, %add3A_776 : i32
          %get3A_778 = arith.index_cast %add3A_777 : i32 to index
          %get3A_779 = tpu.vector_load %arg6[%get3A_778] {strides = array<i32>} : memref<51200xf32, #tpu.memory_space<vmem>>, vector<16xf32>,
          %get3A_780 = vector.shape_cast %get3A_779 : vector<16xf32> to vector<16xf32>
          %add3A_781 = arith.constant 32 : i32
          %add3A_782 = arith.addi %squeeze3A_747, %add3A_781 : i32
          %swap3A_783 = arith.index_cast %add3A_782 : i32 to index
          %swap3A_784 = tpu.vector_load %arg10[%swap3A_783] {strides = array<i32>} : memref<8192xf32, #tpu.memory_space<vmem>>, vector<16xf32>,
          %swap3A_785 = vector.shape_cast %swap3A_784 : vector<16xf32> to vector<16xf32>
          %swap3A_786 = vector.shape_cast %get3A_780 : vector<16xf32> to vector<16xf32>
          tpu.vector_store %arg10[%swap3A_783], %swap3A_786 {add = true, strides = array<i32>} : memref<8192xf32, #tpu.memory_space<vmem>>, vector<16xf32>,
          %add3A_787 = arith.constant 48 : i32
          %add3A_788 = arith.addi %mul3A_745, %add3A_787 : i32
          %get3A_789 = arith.index_cast %add3A_788 : i32 to index
          %get3A_790 = tpu.vector_load %arg6[%get3A_789] {strides = array<i32>} : memref<51200xf32, #tpu.memory_space<vmem>>, vector<16xf32>,
          %get3A_791 = vector.shape_cast %get3A_790 : vector<16xf32> to vector<16xf32>
          %add3A_792 = arith.constant 48 : i32
          %add3A_793 = arith.addi %squeeze3A_747, %add3A_792 : i32
          %swap3A_794 = arith.index_cast %add3A_793 : i32 to index
          %swap3A_795 = tpu.vector_load %arg10[%swap3A_794] {strides = array<i32>} : memref<8192xf32, #tpu.memory_space<vmem>>, vector<16xf32>,
          %swap3A_796 = vector.shape_cast %swap3A_795 : vector<16xf32> to vector<16xf32>
          %swap3A_797 = vector.shape_cast %get3A_791 : vector<16xf32> to vector<16xf32>
          tpu.vector_store %arg10[%swap3A_794], %swap3A_797 {add = true, strides = array<i32>} : memref<8192xf32, #tpu.memory_space<vmem>>, vector<16xf32>,
          %add3A_798 = arith.constant 64 : i32
          %add3A_799 = arith.addi %mul3A_745, %add3A_798 : i32
          %get3A_800 = arith.index_cast %add3A_799 : i32 to index
          %get3A_801 = tpu.vector_load %arg6[%get3A_800] {strides = array<i32>} : memref<51200xf32, #tpu.memory_space<vmem>>, vector<16xf32>,
          %get3A_802 = vector.shape_cast %get3A_801 : vector<16xf32> to vector<16xf32>
          %add3A_803 = arith.constant 64 : i32
          %add3A_804 = arith.addi %squeeze3A_747, %add3A_803 : i32
          %swap3A_805 = arith.index_cast %add3A_804 : i32 to index
          %swap3A_806 = tpu.vector_load %arg10[%swap3A_805] {strides = array<i32>} : memref<8192xf32, #tpu.memory_space<vmem>>, vector<16xf32>,
          %swap3A_807 = vector.shape_cast %swap3A_806 : vector<16xf32> to vector<16xf32>
          %swap3A_808 = vector.shape_cast %get3A_802 : vector<16xf32> to vector<16xf32>
          tpu.vector_store %arg10[%swap3A_805], %swap3A_808 {add = true, strides = array<i32>} : memref<8192xf32, #tpu.memory_space<vmem>>, vector<16xf32>,
          %add3A_809 = arith.constant 80 : i32
          %add3A_810 = arith.addi %mul3A_745, %add3A_809 : i32
          %get3A_811 = arith.index_cast %add3A_810 : i32 to index
          %get3A_812 = tpu.vector_load %arg6[%get3A_811] {strides = array<i32>} : memref<51200xf32, #tpu.memory_space<vmem>>, vector<16xf32>,
          %get3A_813 = vector.shape_cast %get3A_812 : vector<16xf32> to vector<16xf32>
          %add3A_814 = arith.constant 80 : i32
          %add3A_815 = arith.addi %squeeze3A_747, %add3A_814 : i32
          %swap3A_816 = arith.index_cast %add3A_815 : i32 to index
          %swap3A_817 = tpu.vector_load %arg10[%swap3A_816] {strides = array<i32>} : memref<8192xf32, #tpu.memory_space<vmem>>, vector<16xf32>,
          %swap3A_818 = vector.shape_cast %swap3A_817 : vector<16xf32> to vector<16xf32>
          %swap3A_819 = vector.shape_cast %get3A_813 : vector<16xf32> to vector<16xf32>
          tpu.vector_store %arg10[%swap3A_816], %swap3A_819 {add = true, strides = array<i32>} : memref<8192xf32, #tpu.memory_space<vmem>>, vector<16xf32>,
          %add3A_820 = arith.constant 96 : i32
          %add3A_821 = arith.addi %mul3A_745, %add3A_820 : i32
          %get3A_822 = arith.index_cast %add3A_821 : i32 to index
          %get3A_823 = tpu.vector_load %arg6[%get3A_822] {strides = array<i32>} : memref<51200xf32, #tpu.memory_space<vmem>>, vector<16xf32>,
          %get3A_824 = vector.shape_cast %get3A_823 : vector<16xf32> to vector<16xf32>
          %add3A_825 = arith.constant 96 : i32
          %add3A_826 = arith.addi %squeeze3A_747, %add3A_825 : i32
          %swap3A_827 = arith.index_cast %add3A_826 : i32 to index
          %swap3A_828 = tpu.vector_load %arg10[%swap3A_827] {strides = array<i32>} : memref<8192xf32, #tpu.memory_space<vmem>>, vector<16xf32>,
          %swap3A_829 = vector.shape_cast %swap3A_828 : vector<16xf32> to vector<16xf32>
          %swap3A_830 = vector.shape_cast %get3A_824 : vector<16xf32> to vector<16xf32>
          tpu.vector_store %arg10[%swap3A_827], %swap3A_830 {add = true, strides = array<i32>} : memref<8192xf32, #tpu.memory_space<vmem>>, vector<16xf32>,
          %add3A_831 = arith.constant 112 : i32
          %add3A_832 = arith.addi %mul3A_745, %add3A_831 : i32
          %get3A_833 = arith.index_cast %add3A_832 : i32 to index
          %get3A_834 = tpu.vector_load %arg6[%get3A_833] {strides = array<i32>} : memref<51200xf32, #tpu.memory_space<vmem>>, vector<16xf32>,
          %get3A_835 = vector.shape_cast %get3A_834 : vector<16xf32> to vector<16xf32>
          %add3A_836 = arith.constant 112 : i32
          %add3A_837 = arith.addi %squeeze3A_747, %add3A_836 : i32
          %swap3A_838 = arith.index_cast %add3A_837 : i32 to index
          %swap3A_839 = tpu.vector_load %arg10[%swap3A_838] {strides = array<i32>} : memref<8192xf32, #tpu.memory_space<vmem>>, vector<16xf32>,
          %swap3A_840 = vector.shape_cast %swap3A_839 : vector<16xf32> to vector<16xf32>
          %swap3A_841 = vector.shape_cast %get3A_835 : vector<16xf32> to vector<16xf32>
          tpu.vector_store %arg10[%swap3A_838], %swap3A_841 {add = true, strides = array<i32>} : memref<8192xf32, #tpu.memory_space<vmem>>, vector<16xf32>,
          %mul3A_842 = arith.constant 16 : i32
          %mul3A_843 = arith.muli %scan3A_116, %mul3A_842 : i32
          %add3A_844 = arith.constant 7 : i32
          %add3A_845 = arith.addi %mul3A_843, %add3A_844 : i32
          %mul3A_846 = arith.constant 128 : i32
          %mul3A_847 = arith.muli %add3A_845, %mul3A_846 : i32
          %slice3A_848 = vector.extract_strided_slice %mul3A_125 {offsets = [7], sizes = [1], strides = [1]} : vector<16xi32> to vector<1xi32>
          %squeeze3A_849 = vector.extract %slice3A_848[0] : i32 from vector<1xi32>
          %slice3A_850 = vector.extract_strided_slice %mul3A_128 {offsets = [7], sizes = [1], strides = [1]} : vector<16xi32> to vector<1xi32>
          %squeeze3A_851 = vector.extract %slice3A_850[0] : i32 from vector<1xi32>
          %swap3A_852 = arith.index_cast %squeeze3A_851 : i32 to index
          %swap3A_853 = tpu.vector_load %arg11[%swap3A_852] {strides = array<i32>} : memref<1024xf32, #tpu.memory_space<vmem>>, vector<16xf32>,
          %swap3A_854 = vector.shape_cast %swap3A_853 : vector<16xf32> to vector<16xf32>
          %swap3A_855 = vector.shape_cast %broadcast_in_dim3A_18 : vector<16xf32> to vector<16xf32>
          tpu.vector_store %arg11[%swap3A_852], %swap3A_855 {add = true, strides = array<i32>} : memref<1024xf32, #tpu.memory_space<vmem>>, vector<16xf32>,
          %add3A_856 = arith.constant 0 : i32
          %add3A_857 = arith.addi %mul3A_847, %add3A_856 : i32
          %get3A_858 = arith.index_cast %add3A_857 : i32 to index
          %get3A_859 = tpu.vector_load %arg6[%get3A_858] {strides = array<i32>} : memref<51200xf32, #tpu.memory_space<vmem>>, vector<16xf32>,
          %get3A_860 = vector.shape_cast %get3A_859 : vector<16xf32> to vector<16xf32>
          %add3A_861 = arith.constant 0 : i32
          %add3A_862 = arith.addi %squeeze3A_849, %add3A_861 : i32
          %swap3A_863 = arith.index_cast %add3A_862 : i32 to index
          %swap3A_864 = tpu.vector_load %arg10[%swap3A_863] {strides = array<i32>} : memref<8192xf32, #tpu.memory_space<vmem>>, vector<16xf32>,
          %swap3A_865 = vector.shape_cast %swap3A_864 : vector<16xf32> to vector<16xf32>
          %swap3A_866 = vector.shape_cast %get3A_860 : vector<16xf32> to vector<16xf32>
          tpu.vector_store %arg10[%swap3A_863], %swap3A_866 {add = true, strides = array<i32>} : memref<8192xf32, #tpu.memory_space<vmem>>, vector<16xf32>,
          %add3A_867 = arith.constant 16 : i32
          %add3A_868 = arith.addi %mul3A_847, %add3A_867 : i32
          %get3A_869 = arith.index_cast %add3A_868 : i32 to index
          %get3A_870 = tpu.vector_load %arg6[%get3A_869] {strides = array<i32>} : memref<51200xf32, #tpu.memory_space<vmem>>, vector<16xf32>,
          %get3A_871 = vector.shape_cast %get3A_870 : vector<16xf32> to vector<16xf32>
          %add3A_872 = arith.constant 16 : i32
          %add3A_873 = arith.addi %squeeze3A_849, %add3A_872 : i32
          %swap3A_874 = arith.index_cast %add3A_873 : i32 to index
          %swap3A_875 = tpu.vector_load %arg10[%swap3A_874] {strides = array<i32>} : memref<8192xf32, #tpu.memory_space<vmem>>, vector<16xf32>,
          %swap3A_876 = vector.shape_cast %swap3A_875 : vector<16xf32> to vector<16xf32>
          %swap3A_877 = vector.shape_cast %get3A_871 : vector<16xf32> to vector<16xf32>
          tpu.vector_store %arg10[%swap3A_874], %swap3A_877 {add = true, strides = array<i32>} : memref<8192xf32, #tpu.memory_space<vmem>>, vector<16xf32>,
          %add3A_878 = arith.constant 32 : i32
          %add3A_879 = arith.addi %mul3A_847, %add3A_878 : i32
          %get3A_880 = arith.index_cast %add3A_879 : i32 to index
          %get3A_881 = tpu.vector_load %arg6[%get3A_880] {strides = array<i32>} : memref<51200xf32, #tpu.memory_space<vmem>>, vector<16xf32>,
          %get3A_882 = vector.shape_cast %get3A_881 : vector<16xf32> to vector<16xf32>
          %add3A_883 = arith.constant 32 : i32
          %add3A_884 = arith.addi %squeeze3A_849, %add3A_883 : i32
          %swap3A_885 = arith.index_cast %add3A_884 : i32 to index
          %swap3A_886 = tpu.vector_load %arg10[%swap3A_885] {strides = array<i32>} : memref<8192xf32, #tpu.memory_space<vmem>>, vector<16xf32>,
          %swap3A_887 = vector.shape_cast %swap3A_886 : vector<16xf32> to vector<16xf32>
          %swap3A_888 = vector.shape_cast %get3A_882 : vector<16xf32> to vector<16xf32>
          tpu.vector_store %arg10[%swap3A_885], %swap3A_888 {add = true, strides = array<i32>} : memref<8192xf32, #tpu.memory_space<vmem>>, vector<16xf32>,
          %add3A_889 = arith.constant 48 : i32
          %add3A_890 = arith.addi %mul3A_847, %add3A_889 : i32
          %get3A_891 = arith.index_cast %add3A_890 : i32 to index
          %get3A_892 = tpu.vector_load %arg6[%get3A_891] {strides = array<i32>} : memref<51200xf32, #tpu.memory_space<vmem>>, vector<16xf32>,
          %get3A_893 = vector.shape_cast %get3A_892 : vector<16xf32> to vector<16xf32>
          %add3A_894 = arith.constant 48 : i32
          %add3A_895 = arith.addi %squeeze3A_849, %add3A_894 : i32
          %swap3A_896 = arith.index_cast %add3A_895 : i32 to index
          %swap3A_897 = tpu.vector_load %arg10[%swap3A_896] {strides = array<i32>} : memref<8192xf32, #tpu.memory_space<vmem>>, vector<16xf32>,
          %swap3A_898 = vector.shape_cast %swap3A_897 : vector<16xf32> to vector<16xf32>
          %swap3A_899 = vector.shape_cast %get3A_893 : vector<16xf32> to vector<16xf32>
          tpu.vector_store %arg10[%swap3A_896], %swap3A_899 {add = true, strides = array<i32>} : memref<8192xf32, #tpu.memory_space<vmem>>, vector<16xf32>,
          %add3A_900 = arith.constant 64 : i32
          %add3A_901 = arith.addi %mul3A_847, %add3A_900 : i32
          %get3A_902 = arith.index_cast %add3A_901 : i32 to index
          %get3A_903 = tpu.vector_load %arg6[%get3A_902] {strides = array<i32>} : memref<51200xf32, #tpu.memory_space<vmem>>, vector<16xf32>,
          %get3A_904 = vector.shape_cast %get3A_903 : vector<16xf32> to vector<16xf32>
          %add3A_905 = arith.constant 64 : i32
          %add3A_906 = arith.addi %squeeze3A_849, %add3A_905 : i32
          %swap3A_907 = arith.index_cast %add3A_906 : i32 to index
          %swap3A_908 = tpu.vector_load %arg10[%swap3A_907] {strides = array<i32>} : memref<8192xf32, #tpu.memory_space<vmem>>, vector<16xf32>,
          %swap3A_909 = vector.shape_cast %swap3A_908 : vector<16xf32> to vector<16xf32>
          %swap3A_910 = vector.shape_cast %get3A_904 : vector<16xf32> to vector<16xf32>
          tpu.vector_store %arg10[%swap3A_907], %swap3A_910 {add = true, strides = array<i32>} : memref<8192xf32, #tpu.memory_space<vmem>>, vector<16xf32>,
          %add3A_911 = arith.constant 80 : i32
          %add3A_912 = arith.addi %mul3A_847, %add3A_911 : i32
          %get3A_913 = arith.index_cast %add3A_912 : i32 to index
          %get3A_914 = tpu.vector_load %arg6[%get3A_913] {strides = array<i32>} : memref<51200xf32, #tpu.memory_space<vmem>>, vector<16xf32>,
          %get3A_915 = vector.shape_cast %get3A_914 : vector<16xf32> to vector<16xf32>
          %add3A_916 = arith.constant 80 : i32
          %add3A_917 = arith.addi %squeeze3A_849, %add3A_916 : i32
          %swap3A_918 = arith.index_cast %add3A_917 : i32 to index
          %swap3A_919 = tpu.vector_load %arg10[%swap3A_918] {strides = array<i32>} : memref<8192xf32, #tpu.memory_space<vmem>>, vector<16xf32>,
          %swap3A_920 = vector.shape_cast %swap3A_919 : vector<16xf32> to vector<16xf32>
          %swap3A_921 = vector.shape_cast %get3A_915 : vector<16xf32> to vector<16xf32>
          tpu.vector_store %arg10[%swap3A_918], %swap3A_921 {add = true, strides = array<i32>} : memref<8192xf32, #tpu.memory_space<vmem>>, vector<16xf32>,
          %add3A_922 = arith.constant 96 : i32
          %add3A_923 = arith.addi %mul3A_847, %add3A_922 : i32
          %get3A_924 = arith.index_cast %add3A_923 : i32 to index
          %get3A_925 = tpu.vector_load %arg6[%get3A_924] {strides = array<i32>} : memref<51200xf32, #tpu.memory_space<vmem>>, vector<16xf32>,
          %get3A_926 = vector.shape_cast %get3A_925 : vector<16xf32> to vector<16xf32>
          %add3A_927 = arith.constant 96 : i32
          %add3A_928 = arith.addi %squeeze3A_849, %add3A_927 : i32
          %swap3A_929 = arith.index_cast %add3A_928 : i32 to index
          %swap3A_930 = tpu.vector_load %arg10[%swap3A_929] {strides = array<i32>} : memref<8192xf32, #tpu.memory_space<vmem>>, vector<16xf32>,
          %swap3A_931 = vector.shape_cast %swap3A_930 : vector<16xf32> to vector<16xf32>
          %swap3A_932 = vector.shape_cast %get3A_926 : vector<16xf32> to vector<16xf32>
          tpu.vector_store %arg10[%swap3A_929], %swap3A_932 {add = true, strides = array<i32>} : memref<8192xf32, #tpu.memory_space<vmem>>, vector<16xf32>,
          %add3A_933 = arith.constant 112 : i32
          %add3A_934 = arith.addi %mul3A_847, %add3A_933 : i32
          %get3A_935 = arith.index_cast %add3A_934 : i32 to index
          %get3A_936 = tpu.vector_load %arg6[%get3A_935] {strides = array<i32>} : memref<51200xf32, #tpu.memory_space<vmem>>, vector<16xf32>,
          %get3A_937 = vector.shape_cast %get3A_936 : vector<16xf32> to vector<16xf32>
          %add3A_938 = arith.constant 112 : i32
          %add3A_939 = arith.addi %squeeze3A_849, %add3A_938 : i32
          %swap3A_940 = arith.index_cast %add3A_939 : i32 to index
          %swap3A_941 = tpu.vector_load %arg10[%swap3A_940] {strides = array<i32>} : memref<8192xf32, #tpu.memory_space<vmem>>, vector<16xf32>,
          %swap3A_942 = vector.shape_cast %swap3A_941 : vector<16xf32> to vector<16xf32>
          %swap3A_943 = vector.shape_cast %get3A_937 : vector<16xf32> to vector<16xf32>
          tpu.vector_store %arg10[%swap3A_940], %swap3A_943 {add = true, strides = array<i32>} : memref<8192xf32, #tpu.memory_space<vmem>>, vector<16xf32>,
          %mul3A_944 = arith.constant 16 : i32
          %mul3A_945 = arith.muli %scan3A_116, %mul3A_944 : i32
          %add3A_946 = arith.constant 8 : i32
          %add3A_947 = arith.addi %mul3A_945, %add3A_946 : i32
          %mul3A_948 = arith.constant 128 : i32
          %mul3A_949 = arith.muli %add3A_947, %mul3A_948 : i32
          %slice3A_950 = vector.extract_strided_slice %mul3A_125 {offsets = [8], sizes = [1], strides = [1]} : vector<16xi32> to vector<1xi32>
          %squeeze3A_951 = vector.extract %slice3A_950[0] : i32 from vector<1xi32>
          %slice3A_952 = vector.extract_strided_slice %mul3A_128 {offsets = [8], sizes = [1], strides = [1]} : vector<16xi32> to vector<1xi32>
          %squeeze3A_953 = vector.extract %slice3A_952[0] : i32 from vector<1xi32>
          %swap3A_954 = arith.index_cast %squeeze3A_953 : i32 to index
          %swap3A_955 = tpu.vector_load %arg11[%swap3A_954] {strides = array<i32>} : memref<1024xf32, #tpu.memory_space<vmem>>, vector<16xf32>,
          %swap3A_956 = vector.shape_cast %swap3A_955 : vector<16xf32> to vector<16xf32>
          %swap3A_957 = vector.shape_cast %broadcast_in_dim3A_18 : vector<16xf32> to vector<16xf32>
          tpu.vector_store %arg11[%swap3A_954], %swap3A_957 {add = true, strides = array<i32>} : memref<1024xf32, #tpu.memory_space<vmem>>, vector<16xf32>,
          %add3A_958 = arith.constant 0 : i32
          %add3A_959 = arith.addi %mul3A_949, %add3A_958 : i32
          %get3A_960 = arith.index_cast %add3A_959 : i32 to index
          %get3A_961 = tpu.vector_load %arg6[%get3A_960] {strides = array<i32>} : memref<51200xf32, #tpu.memory_space<vmem>>, vector<16xf32>,
          %get3A_962 = vector.shape_cast %get3A_961 : vector<16xf32> to vector<16xf32>
          %add3A_963 = arith.constant 0 : i32
          %add3A_964 = arith.addi %squeeze3A_951, %add3A_963 : i32
          %swap3A_965 = arith.index_cast %add3A_964 : i32 to index
          %swap3A_966 = tpu.vector_load %arg10[%swap3A_965] {strides = array<i32>} : memref<8192xf32, #tpu.memory_space<vmem>>, vector<16xf32>,
          %swap3A_967 = vector.shape_cast %swap3A_966 : vector<16xf32> to vector<16xf32>
          %swap3A_968 = vector.shape_cast %get3A_962 : vector<16xf32> to vector<16xf32>
          tpu.vector_store %arg10[%swap3A_965], %swap3A_968 {add = true, strides = array<i32>} : memref<8192xf32, #tpu.memory_space<vmem>>, vector<16xf32>,
          %add3A_969 = arith.constant 16 : i32
          %add3A_970 = arith.addi %mul3A_949, %add3A_969 : i32
          %get3A_971 = arith.index_cast %add3A_970 : i32 to index
          %get3A_972 = tpu.vector_load %arg6[%get3A_971] {strides = array<i32>} : memref<51200xf32, #tpu.memory_space<vmem>>, vector<16xf32>,
          %get3A_973 = vector.shape_cast %get3A_972 : vector<16xf32> to vector<16xf32>
          %add3A_974 = arith.constant 16 : i32
          %add3A_975 = arith.addi %squeeze3A_951, %add3A_974 : i32
          %swap3A_976 = arith.index_cast %add3A_975 : i32 to index
          %swap3A_977 = tpu.vector_load %arg10[%swap3A_976] {strides = array<i32>} : memref<8192xf32, #tpu.memory_space<vmem>>, vector<16xf32>,
          %swap3A_978 = vector.shape_cast %swap3A_977 : vector<16xf32> to vector<16xf32>
          %swap3A_979 = vector.shape_cast %get3A_973 : vector<16xf32> to vector<16xf32>
          tpu.vector_store %arg10[%swap3A_976], %swap3A_979 {add = true, strides = array<i32>} : memref<8192xf32, #tpu.memory_space<vmem>>, vector<16xf32>,
          %add3A_980 = arith.constant 32 : i32
          %add3A_981 = arith.addi %mul3A_949, %add3A_980 : i32
          %get3A_982 = arith.index_cast %add3A_981 : i32 to index
          %get3A_983 = tpu.vector_load %arg6[%get3A_982] {strides = array<i32>} : memref<51200xf32, #tpu.memory_space<vmem>>, vector<16xf32>,
          %get3A_984 = vector.shape_cast %get3A_983 : vector<16xf32> to vector<16xf32>
          %add3A_985 = arith.constant 32 : i32
          %add3A_986 = arith.addi %squeeze3A_951, %add3A_985 : i32
          %swap3A_987 = arith.index_cast %add3A_986 : i32 to index
          %swap3A_988 = tpu.vector_load %arg10[%swap3A_987] {strides = array<i32>} : memref<8192xf32, #tpu.memory_space<vmem>>, vector<16xf32>,
          %swap3A_989 = vector.shape_cast %swap3A_988 : vector<16xf32> to vector<16xf32>
          %swap3A_990 = vector.shape_cast %get3A_984 : vector<16xf32> to vector<16xf32>
          tpu.vector_store %arg10[%swap3A_987], %swap3A_990 {add = true, strides = array<i32>} : memref<8192xf32, #tpu.memory_space<vmem>>, vector<16xf32>,
          %add3A_991 = arith.constant 48 : i32
          %add3A_992 = arith.addi %mul3A_949, %add3A_991 : i32
          %get3A_993 = arith.index_cast %add3A_992 : i32 to index
          %get3A_994 = tpu.vector_load %arg6[%get3A_993] {strides = array<i32>} : memref<51200xf32, #tpu.memory_space<vmem>>, vector<16xf32>,
          %get3A_995 = vector.shape_cast %get3A_994 : vector<16xf32> to vector<16xf32>
          %add3A_996 = arith.constant 48 : i32
          %add3A_997 = arith.addi %squeeze3A_951, %add3A_996 : i32
          %swap3A_998 = arith.index_cast %add3A_997 : i32 to index
          %swap3A_999 = tpu.vector_load %arg10[%swap3A_998] {strides = array<i32>} : memref<8192xf32, #tpu.memory_space<vmem>>, vector<16xf32>,
          %swap3A_1000 = vector.shape_cast %swap3A_999 : vector<16xf32> to vector<16xf32>
          %swap3A_1001 = vector.shape_cast %get3A_995 : vector<16xf32> to vector<16xf32>
          tpu.vector_store %arg10[%swap3A_998], %swap3A_1001 {add = true, strides = array<i32>} : memref<8192xf32, #tpu.memory_space<vmem>>, vector<16xf32>,
          %add3A_1002 = arith.constant 64 : i32
          %add3A_1003 = arith.addi %mul3A_949, %add3A_1002 : i32
          %get3A_1004 = arith.index_cast %add3A_1003 : i32 to index
          %get3A_1005 = tpu.vector_load %arg6[%get3A_1004] {strides = array<i32>} : memref<51200xf32, #tpu.memory_space<vmem>>, vector<16xf32>,
          %get3A_1006 = vector.shape_cast %get3A_1005 : vector<16xf32> to vector<16xf32>
          %add3A_1007 = arith.constant 64 : i32
          %add3A_1008 = arith.addi %squeeze3A_951, %add3A_1007 : i32
          %swap3A_1009 = arith.index_cast %add3A_1008 : i32 to index
          %swap3A_1010 = tpu.vector_load %arg10[%swap3A_1009] {strides = array<i32>} : memref<8192xf32, #tpu.memory_space<vmem>>, vector<16xf32>,
          %swap3A_1011 = vector.shape_cast %swap3A_1010 : vector<16xf32> to vector<16xf32>
          %swap3A_1012 = vector.shape_cast %get3A_1006 : vector<16xf32> to vector<16xf32>
          tpu.vector_store %arg10[%swap3A_1009], %swap3A_1012 {add = true, strides = array<i32>} : memref<8192xf32, #tpu.memory_space<vmem>>, vector<16xf32>,
          %add3A_1013 = arith.constant 80 : i32
          %add3A_1014 = arith.addi %mul3A_949, %add3A_1013 : i32
          %get3A_1015 = arith.index_cast %add3A_1014 : i32 to index
          %get3A_1016 = tpu.vector_load %arg6[%get3A_1015] {strides = array<i32>} : memref<51200xf32, #tpu.memory_space<vmem>>, vector<16xf32>,
          %get3A_1017 = vector.shape_cast %get3A_1016 : vector<16xf32> to vector<16xf32>
          %add3A_1018 = arith.constant 80 : i32
          %add3A_1019 = arith.addi %squeeze3A_951, %add3A_1018 : i32
          %swap3A_1020 = arith.index_cast %add3A_1019 : i32 to index
          %swap3A_1021 = tpu.vector_load %arg10[%swap3A_1020] {strides = array<i32>} : memref<8192xf32, #tpu.memory_space<vmem>>, vector<16xf32>,
          %swap3A_1022 = vector.shape_cast %swap3A_1021 : vector<16xf32> to vector<16xf32>
          %swap3A_1023 = vector.shape_cast %get3A_1017 : vector<16xf32> to vector<16xf32>
          tpu.vector_store %arg10[%swap3A_1020], %swap3A_1023 {add = true, strides = array<i32>} : memref<8192xf32, #tpu.memory_space<vmem>>, vector<16xf32>,
          %add3A_1024 = arith.constant 96 : i32
          %add3A_1025 = arith.addi %mul3A_949, %add3A_1024 : i32
          %get3A_1026 = arith.index_cast %add3A_1025 : i32 to index
          %get3A_1027 = tpu.vector_load %arg6[%get3A_1026] {strides = array<i32>} : memref<51200xf32, #tpu.memory_space<vmem>>, vector<16xf32>,
          %get3A_1028 = vector.shape_cast %get3A_1027 : vector<16xf32> to vector<16xf32>
          %add3A_1029 = arith.constant 96 : i32
          %add3A_1030 = arith.addi %squeeze3A_951, %add3A_1029 : i32
          %swap3A_1031 = arith.index_cast %add3A_1030 : i32 to index
          %swap3A_1032 = tpu.vector_load %arg10[%swap3A_1031] {strides = array<i32>} : memref<8192xf32, #tpu.memory_space<vmem>>, vector<16xf32>,
          %swap3A_1033 = vector.shape_cast %swap3A_1032 : vector<16xf32> to vector<16xf32>
          %swap3A_1034 = vector.shape_cast %get3A_1028 : vector<16xf32> to vector<16xf32>
          tpu.vector_store %arg10[%swap3A_1031], %swap3A_1034 {add = true, strides = array<i32>} : memref<8192xf32, #tpu.memory_space<vmem>>, vector<16xf32>,
          %add3A_1035 = arith.constant 112 : i32
          %add3A_1036 = arith.addi %mul3A_949, %add3A_1035 : i32
          %get3A_1037 = arith.index_cast %add3A_1036 : i32 to index
          %get3A_1038 = tpu.vector_load %arg6[%get3A_1037] {strides = array<i32>} : memref<51200xf32, #tpu.memory_space<vmem>>, vector<16xf32>,
          %get3A_1039 = vector.shape_cast %get3A_1038 : vector<16xf32> to vector<16xf32>
          %add3A_1040 = arith.constant 112 : i32
          %add3A_1041 = arith.addi %squeeze3A_951, %add3A_1040 : i32
          %swap3A_1042 = arith.index_cast %add3A_1041 : i32 to index
          %swap3A_1043 = tpu.vector_load %arg10[%swap3A_1042] {strides = array<i32>} : memref<8192xf32, #tpu.memory_space<vmem>>, vector<16xf32>,
          %swap3A_1044 = vector.shape_cast %swap3A_1043 : vector<16xf32> to vector<16xf32>
          %swap3A_1045 = vector.shape_cast %get3A_1039 : vector<16xf32> to vector<16xf32>
          tpu.vector_store %arg10[%swap3A_1042], %swap3A_1045 {add = true, strides = array<i32>} : memref<8192xf32, #tpu.memory_space<vmem>>, vector<16xf32>,
          %mul3A_1046 = arith.constant 16 : i32
          %mul3A_1047 = arith.muli %scan3A_116, %mul3A_1046 : i32
          %add3A_1048 = arith.constant 9 : i32
          %add3A_1049 = arith.addi %mul3A_1047, %add3A_1048 : i32
          %mul3A_1050 = arith.constant 128 : i32
          %mul3A_1051 = arith.muli %add3A_1049, %mul3A_1050 : i32
          %slice3A_1052 = vector.extract_strided_slice %mul3A_125 {offsets = [9], sizes = [1], strides = [1]} : vector<16xi32> to vector<1xi32>
          %squeeze3A_1053 = vector.extract %slice3A_1052[0] : i32 from vector<1xi32>
          %slice3A_1054 = vector.extract_strided_slice %mul3A_128 {offsets = [9], sizes = [1], strides = [1]} : vector<16xi32> to vector<1xi32>
          %squeeze3A_1055 = vector.extract %slice3A_1054[0] : i32 from vector<1xi32>
          %swap3A_1056 = arith.index_cast %squeeze3A_1055 : i32 to index
          %swap3A_1057 = tpu.vector_load %arg11[%swap3A_1056] {strides = array<i32>} : memref<1024xf32, #tpu.memory_space<vmem>>, vector<16xf32>,
          %swap3A_1058 = vector.shape_cast %swap3A_1057 : vector<16xf32> to vector<16xf32>
          %swap3A_1059 = vector.shape_cast %broadcast_in_dim3A_18 : vector<16xf32> to vector<16xf32>
          tpu.vector_store %arg11[%swap3A_1056], %swap3A_1059 {add = true, strides = array<i32>} : memref<1024xf32, #tpu.memory_space<vmem>>, vector<16xf32>,
          %add3A_1060 = arith.constant 0 : i32
          %add3A_1061 = arith.addi %mul3A_1051, %add3A_1060 : i32
          %get3A_1062 = arith.index_cast %add3A_1061 : i32 to index
          %get3A_1063 = tpu.vector_load %arg6[%get3A_1062] {strides = array<i32>} : memref<51200xf32, #tpu.memory_space<vmem>>, vector<16xf32>,
          %get3A_1064 = vector.shape_cast %get3A_1063 : vector<16xf32> to vector<16xf32>
          %add3A_1065 = arith.constant 0 : i32
          %add3A_1066 = arith.addi %squeeze3A_1053, %add3A_1065 : i32
          %swap3A_1067 = arith.index_cast %add3A_1066 : i32 to index
          %swap3A_1068 = tpu.vector_load %arg10[%swap3A_1067] {strides = array<i32>} : memref<8192xf32, #tpu.memory_space<vmem>>, vector<16xf32>,
          %swap3A_1069 = vector.shape_cast %swap3A_1068 : vector<16xf32> to vector<16xf32>
          %swap3A_1070 = vector.shape_cast %get3A_1064 : vector<16xf32> to vector<16xf32>
          tpu.vector_store %arg10[%swap3A_1067], %swap3A_1070 {add = true, strides = array<i32>} : memref<8192xf32, #tpu.memory_space<vmem>>, vector<16xf32>,
          %add3A_1071 = arith.constant 16 : i32
          %add3A_1072 = arith.addi %mul3A_1051, %add3A_1071 : i32
          %get3A_1073 = arith.index_cast %add3A_1072 : i32 to index
          %get3A_1074 = tpu.vector_load %arg6[%get3A_1073] {strides = array<i32>} : memref<51200xf32, #tpu.memory_space<vmem>>, vector<16xf32>,
          %get3A_1075 = vector.shape_cast %get3A_1074 : vector<16xf32> to vector<16xf32>
          %add3A_1076 = arith.constant 16 : i32
          %add3A_1077 = arith.addi %squeeze3A_1053, %add3A_1076 : i32
          %swap3A_1078 = arith.index_cast %add3A_1077 : i32 to index
          %swap3A_1079 = tpu.vector_load %arg10[%swap3A_1078] {strides = array<i32>} : memref<8192xf32, #tpu.memory_space<vmem>>, vector<16xf32>,
          %swap3A_1080 = vector.shape_cast %swap3A_1079 : vector<16xf32> to vector<16xf32>
          %swap3A_1081 = vector.shape_cast %get3A_1075 : vector<16xf32> to vector<16xf32>
          tpu.vector_store %arg10[%swap3A_1078], %swap3A_1081 {add = true, strides = array<i32>} : memref<8192xf32, #tpu.memory_space<vmem>>, vector<16xf32>,
          %add3A_1082 = arith.constant 32 : i32
          %add3A_1083 = arith.addi %mul3A_1051, %add3A_1082 : i32
          %get3A_1084 = arith.index_cast %add3A_1083 : i32 to index
          %get3A_1085 = tpu.vector_load %arg6[%get3A_1084] {strides = array<i32>} : memref<51200xf32, #tpu.memory_space<vmem>>, vector<16xf32>,
          %get3A_1086 = vector.shape_cast %get3A_1085 : vector<16xf32> to vector<16xf32>
          %add3A_1087 = arith.constant 32 : i32
          %add3A_1088 = arith.addi %squeeze3A_1053, %add3A_1087 : i32
          %swap3A_1089 = arith.index_cast %add3A_1088 : i32 to index
          %swap3A_1090 = tpu.vector_load %arg10[%swap3A_1089] {strides = array<i32>} : memref<8192xf32, #tpu.memory_space<vmem>>, vector<16xf32>,
          %swap3A_1091 = vector.shape_cast %swap3A_1090 : vector<16xf32> to vector<16xf32>
          %swap3A_1092 = vector.shape_cast %get3A_1086 : vector<16xf32> to vector<16xf32>
          tpu.vector_store %arg10[%swap3A_1089], %swap3A_1092 {add = true, strides = array<i32>} : memref<8192xf32, #tpu.memory_space<vmem>>, vector<16xf32>,
          %add3A_1093 = arith.constant 48 : i32
          %add3A_1094 = arith.addi %mul3A_1051, %add3A_1093 : i32
          %get3A_1095 = arith.index_cast %add3A_1094 : i32 to index
          %get3A_1096 = tpu.vector_load %arg6[%get3A_1095] {strides = array<i32>} : memref<51200xf32, #tpu.memory_space<vmem>>, vector<16xf32>,
          %get3A_1097 = vector.shape_cast %get3A_1096 : vector<16xf32> to vector<16xf32>
          %add3A_1098 = arith.constant 48 : i32
          %add3A_1099 = arith.addi %squeeze3A_1053, %add3A_1098 : i32
          %swap3A_1100 = arith.index_cast %add3A_1099 : i32 to index
          %swap3A_1101 = tpu.vector_load %arg10[%swap3A_1100] {strides = array<i32>} : memref<8192xf32, #tpu.memory_space<vmem>>, vector<16xf32>,
          %swap3A_1102 = vector.shape_cast %swap3A_1101 : vector<16xf32> to vector<16xf32>
          %swap3A_1103 = vector.shape_cast %get3A_1097 : vector<16xf32> to vector<16xf32>
          tpu.vector_store %arg10[%swap3A_1100], %swap3A_1103 {add = true, strides = array<i32>} : memref<8192xf32, #tpu.memory_space<vmem>>, vector<16xf32>,
          %add3A_1104 = arith.constant 64 : i32
          %add3A_1105 = arith.addi %mul3A_1051, %add3A_1104 : i32
          %get3A_1106 = arith.index_cast %add3A_1105 : i32 to index
          %get3A_1107 = tpu.vector_load %arg6[%get3A_1106] {strides = array<i32>} : memref<51200xf32, #tpu.memory_space<vmem>>, vector<16xf32>,
          %get3A_1108 = vector.shape_cast %get3A_1107 : vector<16xf32> to vector<16xf32>
          %add3A_1109 = arith.constant 64 : i32
          %add3A_1110 = arith.addi %squeeze3A_1053, %add3A_1109 : i32
          %swap3A_1111 = arith.index_cast %add3A_1110 : i32 to index
          %swap3A_1112 = tpu.vector_load %arg10[%swap3A_1111] {strides = array<i32>} : memref<8192xf32, #tpu.memory_space<vmem>>, vector<16xf32>,
          %swap3A_1113 = vector.shape_cast %swap3A_1112 : vector<16xf32> to vector<16xf32>
          %swap3A_1114 = vector.shape_cast %get3A_1108 : vector<16xf32> to vector<16xf32>
          tpu.vector_store %arg10[%swap3A_1111], %swap3A_1114 {add = true, strides = array<i32>} : memref<8192xf32, #tpu.memory_space<vmem>>, vector<16xf32>,
          %add3A_1115 = arith.constant 80 : i32
          %add3A_1116 = arith.addi %mul3A_1051, %add3A_1115 : i32
          %get3A_1117 = arith.index_cast %add3A_1116 : i32 to index
          %get3A_1118 = tpu.vector_load %arg6[%get3A_1117] {strides = array<i32>} : memref<51200xf32, #tpu.memory_space<vmem>>, vector<16xf32>,
          %get3A_1119 = vector.shape_cast %get3A_1118 : vector<16xf32> to vector<16xf32>
          %add3A_1120 = arith.constant 80 : i32
          %add3A_1121 = arith.addi %squeeze3A_1053, %add3A_1120 : i32
          %swap3A_1122 = arith.index_cast %add3A_1121 : i32 to index
          %swap3A_1123 = tpu.vector_load %arg10[%swap3A_1122] {strides = array<i32>} : memref<8192xf32, #tpu.memory_space<vmem>>, vector<16xf32>,
          %swap3A_1124 = vector.shape_cast %swap3A_1123 : vector<16xf32> to vector<16xf32>
          %swap3A_1125 = vector.shape_cast %get3A_1119 : vector<16xf32> to vector<16xf32>
          tpu.vector_store %arg10[%swap3A_1122], %swap3A_1125 {add = true, strides = array<i32>} : memref<8192xf32, #tpu.memory_space<vmem>>, vector<16xf32>,
          %add3A_1126 = arith.constant 96 : i32
          %add3A_1127 = arith.addi %mul3A_1051, %add3A_1126 : i32
          %get3A_1128 = arith.index_cast %add3A_1127 : i32 to index
          %get3A_1129 = tpu.vector_load %arg6[%get3A_1128] {strides = array<i32>} : memref<51200xf32, #tpu.memory_space<vmem>>, vector<16xf32>,
          %get3A_1130 = vector.shape_cast %get3A_1129 : vector<16xf32> to vector<16xf32>
          %add3A_1131 = arith.constant 96 : i32
          %add3A_1132 = arith.addi %squeeze3A_1053, %add3A_1131 : i32
          %swap3A_1133 = arith.index_cast %add3A_1132 : i32 to index
          %swap3A_1134 = tpu.vector_load %arg10[%swap3A_1133] {strides = array<i32>} : memref<8192xf32, #tpu.memory_space<vmem>>, vector<16xf32>,
          %swap3A_1135 = vector.shape_cast %swap3A_1134 : vector<16xf32> to vector<16xf32>
          %swap3A_1136 = vector.shape_cast %get3A_1130 : vector<16xf32> to vector<16xf32>
          tpu.vector_store %arg10[%swap3A_1133], %swap3A_1136 {add = true, strides = array<i32>} : memref<8192xf32, #tpu.memory_space<vmem>>, vector<16xf32>,
          %add3A_1137 = arith.constant 112 : i32
          %add3A_1138 = arith.addi %mul3A_1051, %add3A_1137 : i32
          %get3A_1139 = arith.index_cast %add3A_1138 : i32 to index
          %get3A_1140 = tpu.vector_load %arg6[%get3A_1139] {strides = array<i32>} : memref<51200xf32, #tpu.memory_space<vmem>>, vector<16xf32>,
          %get3A_1141 = vector.shape_cast %get3A_1140 : vector<16xf32> to vector<16xf32>
          %add3A_1142 = arith.constant 112 : i32
          %add3A_1143 = arith.addi %squeeze3A_1053, %add3A_1142 : i32
          %swap3A_1144 = arith.index_cast %add3A_1143 : i32 to index
          %swap3A_1145 = tpu.vector_load %arg10[%swap3A_1144] {strides = array<i32>} : memref<8192xf32, #tpu.memory_space<vmem>>, vector<16xf32>,
          %swap3A_1146 = vector.shape_cast %swap3A_1145 : vector<16xf32> to vector<16xf32>
          %swap3A_1147 = vector.shape_cast %get3A_1141 : vector<16xf32> to vector<16xf32>
          tpu.vector_store %arg10[%swap3A_1144], %swap3A_1147 {add = true, strides = array<i32>} : memref<8192xf32, #tpu.memory_space<vmem>>, vector<16xf32>,
          %mul3A_1148 = arith.constant 16 : i32
          %mul3A_1149 = arith.muli %scan3A_116, %mul3A_1148 : i32
          %add3A_1150 = arith.constant 10 : i32
          %add3A_1151 = arith.addi %mul3A_1149, %add3A_1150 : i32
          %mul3A_1152 = arith.constant 128 : i32
          %mul3A_1153 = arith.muli %add3A_1151, %mul3A_1152 : i32
          %slice3A_1154 = vector.extract_strided_slice %mul3A_125 {offsets = [10], sizes = [1], strides = [1]} : vector<16xi32> to vector<1xi32>
          %squeeze3A_1155 = vector.extract %slice3A_1154[0] : i32 from vector<1xi32>
          %slice3A_1156 = vector.extract_strided_slice %mul3A_128 {offsets = [10], sizes = [1], strides = [1]} : vector<16xi32> to vector<1xi32>
          %squeeze3A_1157 = vector.extract %slice3A_1156[0] : i32 from vector<1xi32>
          %swap3A_1158 = arith.index_cast %squeeze3A_1157 : i32 to index
          %swap3A_1159 = tpu.vector_load %arg11[%swap3A_1158] {strides = array<i32>} : memref<1024xf32, #tpu.memory_space<vmem>>, vector<16xf32>,
          %swap3A_1160 = vector.shape_cast %swap3A_1159 : vector<16xf32> to vector<16xf32>
          %swap3A_1161 = vector.shape_cast %broadcast_in_dim3A_18 : vector<16xf32> to vector<16xf32>
          tpu.vector_store %arg11[%swap3A_1158], %swap3A_1161 {add = true, strides = array<i32>} : memref<1024xf32, #tpu.memory_space<vmem>>, vector<16xf32>,
          %add3A_1162 = arith.constant 0 : i32
          %add3A_1163 = arith.addi %mul3A_1153, %add3A_1162 : i32
          %get3A_1164 = arith.index_cast %add3A_1163 : i32 to index
          %get3A_1165 = tpu.vector_load %arg6[%get3A_1164] {strides = array<i32>} : memref<51200xf32, #tpu.memory_space<vmem>>, vector<16xf32>,
          %get3A_1166 = vector.shape_cast %get3A_1165 : vector<16xf32> to vector<16xf32>
          %add3A_1167 = arith.constant 0 : i32
          %add3A_1168 = arith.addi %squeeze3A_1155, %add3A_1167 : i32
          %swap3A_1169 = arith.index_cast %add3A_1168 : i32 to index
          %swap3A_1170 = tpu.vector_load %arg10[%swap3A_1169] {strides = array<i32>} : memref<8192xf32, #tpu.memory_space<vmem>>, vector<16xf32>,
          %swap3A_1171 = vector.shape_cast %swap3A_1170 : vector<16xf32> to vector<16xf32>
          %swap3A_1172 = vector.shape_cast %get3A_1166 : vector<16xf32> to vector<16xf32>
          tpu.vector_store %arg10[%swap3A_1169], %swap3A_1172 {add = true, strides = array<i32>} : memref<8192xf32, #tpu.memory_space<vmem>>, vector<16xf32>,
          %add3A_1173 = arith.constant 16 : i32
          %add3A_1174 = arith.addi %mul3A_1153, %add3A_1173 : i32
          %get3A_1175 = arith.index_cast %add3A_1174 : i32 to index
          %get3A_1176 = tpu.vector_load %arg6[%get3A_1175] {strides = array<i32>} : memref<51200xf32, #tpu.memory_space<vmem>>, vector<16xf32>,
          %get3A_1177 = vector.shape_cast %get3A_1176 : vector<16xf32> to vector<16xf32>
          %add3A_1178 = arith.constant 16 : i32
          %add3A_1179 = arith.addi %squeeze3A_1155, %add3A_1178 : i32
          %swap3A_1180 = arith.index_cast %add3A_1179 : i32 to index
          %swap3A_1181 = tpu.vector_load %arg10[%swap3A_1180] {strides = array<i32>} : memref<8192xf32, #tpu.memory_space<vmem>>, vector<16xf32>,
          %swap3A_1182 = vector.shape_cast %swap3A_1181 : vector<16xf32> to vector<16xf32>
          %swap3A_1183 = vector.shape_cast %get3A_1177 : vector<16xf32> to vector<16xf32>
          tpu.vector_store %arg10[%swap3A_1180], %swap3A_1183 {add = true, strides = array<i32>} : memref<8192xf32, #tpu.memory_space<vmem>>, vector<16xf32>,
          %add3A_1184 = arith.constant 32 : i32
          %add3A_1185 = arith.addi %mul3A_1153, %add3A_1184 : i32
          %get3A_1186 = arith.index_cast %add3A_1185 : i32 to index
          %get3A_1187 = tpu.vector_load %arg6[%get3A_1186] {strides = array<i32>} : memref<51200xf32, #tpu.memory_space<vmem>>, vector<16xf32>,
          %get3A_1188 = vector.shape_cast %get3A_1187 : vector<16xf32> to vector<16xf32>
          %add3A_1189 = arith.constant 32 : i32
          %add3A_1190 = arith.addi %squeeze3A_1155, %add3A_1189 : i32
          %swap3A_1191 = arith.index_cast %add3A_1190 : i32 to index
          %swap3A_1192 = tpu.vector_load %arg10[%swap3A_1191] {strides = array<i32>} : memref<8192xf32, #tpu.memory_space<vmem>>, vector<16xf32>,
          %swap3A_1193 = vector.shape_cast %swap3A_1192 : vector<16xf32> to vector<16xf32>
          %swap3A_1194 = vector.shape_cast %get3A_1188 : vector<16xf32> to vector<16xf32>
          tpu.vector_store %arg10[%swap3A_1191], %swap3A_1194 {add = true, strides = array<i32>} : memref<8192xf32, #tpu.memory_space<vmem>>, vector<16xf32>,
          %add3A_1195 = arith.constant 48 : i32
          %add3A_1196 = arith.addi %mul3A_1153, %add3A_1195 : i32
          %get3A_1197 = arith.index_cast %add3A_1196 : i32 to index
          %get3A_1198 = tpu.vector_load %arg6[%get3A_1197] {strides = array<i32>} : memref<51200xf32, #tpu.memory_space<vmem>>, vector<16xf32>,
          %get3A_1199 = vector.shape_cast %get3A_1198 : vector<16xf32> to vector<16xf32>
          %add3A_1200 = arith.constant 48 : i32
          %add3A_1201 = arith.addi %squeeze3A_1155, %add3A_1200 : i32
          %swap3A_1202 = arith.index_cast %add3A_1201 : i32 to index
          %swap3A_1203 = tpu.vector_load %arg10[%swap3A_1202] {strides = array<i32>} : memref<8192xf32, #tpu.memory_space<vmem>>, vector<16xf32>,
          %swap3A_1204 = vector.shape_cast %swap3A_1203 : vector<16xf32> to vector<16xf32>
          %swap3A_1205 = vector.shape_cast %get3A_1199 : vector<16xf32> to vector<16xf32>
          tpu.vector_store %arg10[%swap3A_1202], %swap3A_1205 {add = true, strides = array<i32>} : memref<8192xf32, #tpu.memory_space<vmem>>, vector<16xf32>,
          %add3A_1206 = arith.constant 64 : i32
          %add3A_1207 = arith.addi %mul3A_1153, %add3A_1206 : i32
          %get3A_1208 = arith.index_cast %add3A_1207 : i32 to index
          %get3A_1209 = tpu.vector_load %arg6[%get3A_1208] {strides = array<i32>} : memref<51200xf32, #tpu.memory_space<vmem>>, vector<16xf32>,
          %get3A_1210 = vector.shape_cast %get3A_1209 : vector<16xf32> to vector<16xf32>
          %add3A_1211 = arith.constant 64 : i32
          %add3A_1212 = arith.addi %squeeze3A_1155, %add3A_1211 : i32
          %swap3A_1213 = arith.index_cast %add3A_1212 : i32 to index
          %swap3A_1214 = tpu.vector_load %arg10[%swap3A_1213] {strides = array<i32>} : memref<8192xf32, #tpu.memory_space<vmem>>, vector<16xf32>,
          %swap3A_1215 = vector.shape_cast %swap3A_1214 : vector<16xf32> to vector<16xf32>
          %swap3A_1216 = vector.shape_cast %get3A_1210 : vector<16xf32> to vector<16xf32>
          tpu.vector_store %arg10[%swap3A_1213], %swap3A_1216 {add = true, strides = array<i32>} : memref<8192xf32, #tpu.memory_space<vmem>>, vector<16xf32>,
          %add3A_1217 = arith.constant 80 : i32
          %add3A_1218 = arith.addi %mul3A_1153, %add3A_1217 : i32
          %get3A_1219 = arith.index_cast %add3A_1218 : i32 to index
          %get3A_1220 = tpu.vector_load %arg6[%get3A_1219] {strides = array<i32>} : memref<51200xf32, #tpu.memory_space<vmem>>, vector<16xf32>,
          %get3A_1221 = vector.shape_cast %get3A_1220 : vector<16xf32> to vector<16xf32>
          %add3A_1222 = arith.constant 80 : i32
          %add3A_1223 = arith.addi %squeeze3A_1155, %add3A_1222 : i32
          %swap3A_1224 = arith.index_cast %add3A_1223 : i32 to index
          %swap3A_1225 = tpu.vector_load %arg10[%swap3A_1224] {strides = array<i32>} : memref<8192xf32, #tpu.memory_space<vmem>>, vector<16xf32>,
          %swap3A_1226 = vector.shape_cast %swap3A_1225 : vector<16xf32> to vector<16xf32>
          %swap3A_1227 = vector.shape_cast %get3A_1221 : vector<16xf32> to vector<16xf32>
          tpu.vector_store %arg10[%swap3A_1224], %swap3A_1227 {add = true, strides = array<i32>} : memref<8192xf32, #tpu.memory_space<vmem>>, vector<16xf32>,
          %add3A_1228 = arith.constant 96 : i32
          %add3A_1229 = arith.addi %mul3A_1153, %add3A_1228 : i32
          %get3A_1230 = arith.index_cast %add3A_1229 : i32 to index
          %get3A_1231 = tpu.vector_load %arg6[%get3A_1230] {strides = array<i32>} : memref<51200xf32, #tpu.memory_space<vmem>>, vector<16xf32>,
          %get3A_1232 = vector.shape_cast %get3A_1231 : vector<16xf32> to vector<16xf32>
          %add3A_1233 = arith.constant 96 : i32
          %add3A_1234 = arith.addi %squeeze3A_1155, %add3A_1233 : i32
          %swap3A_1235 = arith.index_cast %add3A_1234 : i32 to index
          %swap3A_1236 = tpu.vector_load %arg10[%swap3A_1235] {strides = array<i32>} : memref<8192xf32, #tpu.memory_space<vmem>>, vector<16xf32>,
          %swap3A_1237 = vector.shape_cast %swap3A_1236 : vector<16xf32> to vector<16xf32>
          %swap3A_1238 = vector.shape_cast %get3A_1232 : vector<16xf32> to vector<16xf32>
          tpu.vector_store %arg10[%swap3A_1235], %swap3A_1238 {add = true, strides = array<i32>} : memref<8192xf32, #tpu.memory_space<vmem>>, vector<16xf32>,
          %add3A_1239 = arith.constant 112 : i32
          %add3A_1240 = arith.addi %mul3A_1153, %add3A_1239 : i32
          %get3A_1241 = arith.index_cast %add3A_1240 : i32 to index
          %get3A_1242 = tpu.vector_load %arg6[%get3A_1241] {strides = array<i32>} : memref<51200xf32, #tpu.memory_space<vmem>>, vector<16xf32>,
          %get3A_1243 = vector.shape_cast %get3A_1242 : vector<16xf32> to vector<16xf32>
          %add3A_1244 = arith.constant 112 : i32
          %add3A_1245 = arith.addi %squeeze3A_1155, %add3A_1244 : i32
          %swap3A_1246 = arith.index_cast %add3A_1245 : i32 to index
          %swap3A_1247 = tpu.vector_load %arg10[%swap3A_1246] {strides = array<i32>} : memref<8192xf32, #tpu.memory_space<vmem>>, vector<16xf32>,
          %swap3A_1248 = vector.shape_cast %swap3A_1247 : vector<16xf32> to vector<16xf32>
          %swap3A_1249 = vector.shape_cast %get3A_1243 : vector<16xf32> to vector<16xf32>
          tpu.vector_store %arg10[%swap3A_1246], %swap3A_1249 {add = true, strides = array<i32>} : memref<8192xf32, #tpu.memory_space<vmem>>, vector<16xf32>,
          %mul3A_1250 = arith.constant 16 : i32
          %mul3A_1251 = arith.muli %scan3A_116, %mul3A_1250 : i32
          %add3A_1252 = arith.constant 11 : i32
          %add3A_1253 = arith.addi %mul3A_1251, %add3A_1252 : i32
          %mul3A_1254 = arith.constant 128 : i32
          %mul3A_1255 = arith.muli %add3A_1253, %mul3A_1254 : i32
          %slice3A_1256 = vector.extract_strided_slice %mul3A_125 {offsets = [11], sizes = [1], strides = [1]} : vector<16xi32> to vector<1xi32>
          %squeeze3A_1257 = vector.extract %slice3A_1256[0] : i32 from vector<1xi32>
          %slice3A_1258 = vector.extract_strided_slice %mul3A_128 {offsets = [11], sizes = [1], strides = [1]} : vector<16xi32> to vector<1xi32>
          %squeeze3A_1259 = vector.extract %slice3A_1258[0] : i32 from vector<1xi32>
          %swap3A_1260 = arith.index_cast %squeeze3A_1259 : i32 to index
          %swap3A_1261 = tpu.vector_load %arg11[%swap3A_1260] {strides = array<i32>} : memref<1024xf32, #tpu.memory_space<vmem>>, vector<16xf32>,
          %swap3A_1262 = vector.shape_cast %swap3A_1261 : vector<16xf32> to vector<16xf32>
          %swap3A_1263 = vector.shape_cast %broadcast_in_dim3A_18 : vector<16xf32> to vector<16xf32>
          tpu.vector_store %arg11[%swap3A_1260], %swap3A_1263 {add = true, strides = array<i32>} : memref<1024xf32, #tpu.memory_space<vmem>>, vector<16xf32>,
          %add3A_1264 = arith.constant 0 : i32
          %add3A_1265 = arith.addi %mul3A_1255, %add3A_1264 : i32
          %get3A_1266 = arith.index_cast %add3A_1265 : i32 to index
          %get3A_1267 = tpu.vector_load %arg6[%get3A_1266] {strides = array<i32>} : memref<51200xf32, #tpu.memory_space<vmem>>, vector<16xf32>,
          %get3A_1268 = vector.shape_cast %get3A_1267 : vector<16xf32> to vector<16xf32>
          %add3A_1269 = arith.constant 0 : i32
          %add3A_1270 = arith.addi %squeeze3A_1257, %add3A_1269 : i32
          %swap3A_1271 = arith.index_cast %add3A_1270 : i32 to index
          %swap3A_1272 = tpu.vector_load %arg10[%swap3A_1271] {strides = array<i32>} : memref<8192xf32, #tpu.memory_space<vmem>>, vector<16xf32>,
          %swap3A_1273 = vector.shape_cast %swap3A_1272 : vector<16xf32> to vector<16xf32>
          %swap3A_1274 = vector.shape_cast %get3A_1268 : vector<16xf32> to vector<16xf32>
          tpu.vector_store %arg10[%swap3A_1271], %swap3A_1274 {add = true, strides = array<i32>} : memref<8192xf32, #tpu.memory_space<vmem>>, vector<16xf32>,
          %add3A_1275 = arith.constant 16 : i32
          %add3A_1276 = arith.addi %mul3A_1255, %add3A_1275 : i32
          %get3A_1277 = arith.index_cast %add3A_1276 : i32 to index
          %get3A_1278 = tpu.vector_load %arg6[%get3A_1277] {strides = array<i32>} : memref<51200xf32, #tpu.memory_space<vmem>>, vector<16xf32>,
          %get3A_1279 = vector.shape_cast %get3A_1278 : vector<16xf32> to vector<16xf32>
          %add3A_1280 = arith.constant 16 : i32
          %add3A_1281 = arith.addi %squeeze3A_1257, %add3A_1280 : i32
          %swap3A_1282 = arith.index_cast %add3A_1281 : i32 to index
          %swap3A_1283 = tpu.vector_load %arg10[%swap3A_1282] {strides = array<i32>} : memref<8192xf32, #tpu.memory_space<vmem>>, vector<16xf32>,
          %swap3A_1284 = vector.shape_cast %swap3A_1283 : vector<16xf32> to vector<16xf32>
          %swap3A_1285 = vector.shape_cast %get3A_1279 : vector<16xf32> to vector<16xf32>
          tpu.vector_store %arg10[%swap3A_1282], %swap3A_1285 {add = true, strides = array<i32>} : memref<8192xf32, #tpu.memory_space<vmem>>, vector<16xf32>,
          %add3A_1286 = arith.constant 32 : i32
          %add3A_1287 = arith.addi %mul3A_1255, %add3A_1286 : i32
          %get3A_1288 = arith.index_cast %add3A_1287 : i32 to index
          %get3A_1289 = tpu.vector_load %arg6[%get3A_1288] {strides = array<i32>} : memref<51200xf32, #tpu.memory_space<vmem>>, vector<16xf32>,
          %get3A_1290 = vector.shape_cast %get3A_1289 : vector<16xf32> to vector<16xf32>
          %add3A_1291 = arith.constant 32 : i32
          %add3A_1292 = arith.addi %squeeze3A_1257, %add3A_1291 : i32
          %swap3A_1293 = arith.index_cast %add3A_1292 : i32 to index
          %swap3A_1294 = tpu.vector_load %arg10[%swap3A_1293] {strides = array<i32>} : memref<8192xf32, #tpu.memory_space<vmem>>, vector<16xf32>,
          %swap3A_1295 = vector.shape_cast %swap3A_1294 : vector<16xf32> to vector<16xf32>
          %swap3A_1296 = vector.shape_cast %get3A_1290 : vector<16xf32> to vector<16xf32>
          tpu.vector_store %arg10[%swap3A_1293], %swap3A_1296 {add = true, strides = array<i32>} : memref<8192xf32, #tpu.memory_space<vmem>>, vector<16xf32>,
          %add3A_1297 = arith.constant 48 : i32
          %add3A_1298 = arith.addi %mul3A_1255, %add3A_1297 : i32
          %get3A_1299 = arith.index_cast %add3A_1298 : i32 to index
          %get3A_1300 = tpu.vector_load %arg6[%get3A_1299] {strides = array<i32>} : memref<51200xf32, #tpu.memory_space<vmem>>, vector<16xf32>,
          %get3A_1301 = vector.shape_cast %get3A_1300 : vector<16xf32> to vector<16xf32>
          %add3A_1302 = arith.constant 48 : i32
          %add3A_1303 = arith.addi %squeeze3A_1257, %add3A_1302 : i32
          %swap3A_1304 = arith.index_cast %add3A_1303 : i32 to index
          %swap3A_1305 = tpu.vector_load %arg10[%swap3A_1304] {strides = array<i32>} : memref<8192xf32, #tpu.memory_space<vmem>>, vector<16xf32>,
          %swap3A_1306 = vector.shape_cast %swap3A_1305 : vector<16xf32> to vector<16xf32>
          %swap3A_1307 = vector.shape_cast %get3A_1301 : vector<16xf32> to vector<16xf32>
          tpu.vector_store %arg10[%swap3A_1304], %swap3A_1307 {add = true, strides = array<i32>} : memref<8192xf32, #tpu.memory_space<vmem>>, vector<16xf32>,
          %add3A_1308 = arith.constant 64 : i32
          %add3A_1309 = arith.addi %mul3A_1255, %add3A_1308 : i32
          %get3A_1310 = arith.index_cast %add3A_1309 : i32 to index
          %get3A_1311 = tpu.vector_load %arg6[%get3A_1310] {strides = array<i32>} : memref<51200xf32, #tpu.memory_space<vmem>>, vector<16xf32>,
          %get3A_1312 = vector.shape_cast %get3A_1311 : vector<16xf32> to vector<16xf32>
          %add3A_1313 = arith.constant 64 : i32
          %add3A_1314 = arith.addi %squeeze3A_1257, %add3A_1313 : i32
          %swap3A_1315 = arith.index_cast %add3A_1314 : i32 to index
          %swap3A_1316 = tpu.vector_load %arg10[%swap3A_1315] {strides = array<i32>} : memref<8192xf32, #tpu.memory_space<vmem>>, vector<16xf32>,
          %swap3A_1317 = vector.shape_cast %swap3A_1316 : vector<16xf32> to vector<16xf32>
          %swap3A_1318 = vector.shape_cast %get3A_1312 : vector<16xf32> to vector<16xf32>
          tpu.vector_store %arg10[%swap3A_1315], %swap3A_1318 {add = true, strides = array<i32>} : memref<8192xf32, #tpu.memory_space<vmem>>, vector<16xf32>,
          %add3A_1319 = arith.constant 80 : i32
          %add3A_1320 = arith.addi %mul3A_1255, %add3A_1319 : i32
          %get3A_1321 = arith.index_cast %add3A_1320 : i32 to index
          %get3A_1322 = tpu.vector_load %arg6[%get3A_1321] {strides = array<i32>} : memref<51200xf32, #tpu.memory_space<vmem>>, vector<16xf32>,
          %get3A_1323 = vector.shape_cast %get3A_1322 : vector<16xf32> to vector<16xf32>
          %add3A_1324 = arith.constant 80 : i32
          %add3A_1325 = arith.addi %squeeze3A_1257, %add3A_1324 : i32
          %swap3A_1326 = arith.index_cast %add3A_1325 : i32 to index
          %swap3A_1327 = tpu.vector_load %arg10[%swap3A_1326] {strides = array<i32>} : memref<8192xf32, #tpu.memory_space<vmem>>, vector<16xf32>,
          %swap3A_1328 = vector.shape_cast %swap3A_1327 : vector<16xf32> to vector<16xf32>
          %swap3A_1329 = vector.shape_cast %get3A_1323 : vector<16xf32> to vector<16xf32>
          tpu.vector_store %arg10[%swap3A_1326], %swap3A_1329 {add = true, strides = array<i32>} : memref<8192xf32, #tpu.memory_space<vmem>>, vector<16xf32>,
          %add3A_1330 = arith.constant 96 : i32
          %add3A_1331 = arith.addi %mul3A_1255, %add3A_1330 : i32
          %get3A_1332 = arith.index_cast %add3A_1331 : i32 to index
          %get3A_1333 = tpu.vector_load %arg6[%get3A_1332] {strides = array<i32>} : memref<51200xf32, #tpu.memory_space<vmem>>, vector<16xf32>,
          %get3A_1334 = vector.shape_cast %get3A_1333 : vector<16xf32> to vector<16xf32>
          %add3A_1335 = arith.constant 96 : i32
          %add3A_1336 = arith.addi %squeeze3A_1257, %add3A_1335 : i32
          %swap3A_1337 = arith.index_cast %add3A_1336 : i32 to index
          %swap3A_1338 = tpu.vector_load %arg10[%swap3A_1337] {strides = array<i32>} : memref<8192xf32, #tpu.memory_space<vmem>>, vector<16xf32>,
          %swap3A_1339 = vector.shape_cast %swap3A_1338 : vector<16xf32> to vector<16xf32>
          %swap3A_1340 = vector.shape_cast %get3A_1334 : vector<16xf32> to vector<16xf32>
          tpu.vector_store %arg10[%swap3A_1337], %swap3A_1340 {add = true, strides = array<i32>} : memref<8192xf32, #tpu.memory_space<vmem>>, vector<16xf32>,
          %add3A_1341 = arith.constant 112 : i32
          %add3A_1342 = arith.addi %mul3A_1255, %add3A_1341 : i32
          %get3A_1343 = arith.index_cast %add3A_1342 : i32 to index
          %get3A_1344 = tpu.vector_load %arg6[%get3A_1343] {strides = array<i32>} : memref<51200xf32, #tpu.memory_space<vmem>>, vector<16xf32>,
          %get3A_1345 = vector.shape_cast %get3A_1344 : vector<16xf32> to vector<16xf32>
          %add3A_1346 = arith.constant 112 : i32
          %add3A_1347 = arith.addi %squeeze3A_1257, %add3A_1346 : i32
          %swap3A_1348 = arith.index_cast %add3A_1347 : i32 to index
          %swap3A_1349 = tpu.vector_load %arg10[%swap3A_1348] {strides = array<i32>} : memref<8192xf32, #tpu.memory_space<vmem>>, vector<16xf32>,
          %swap3A_1350 = vector.shape_cast %swap3A_1349 : vector<16xf32> to vector<16xf32>
          %swap3A_1351 = vector.shape_cast %get3A_1345 : vector<16xf32> to vector<16xf32>
          tpu.vector_store %arg10[%swap3A_1348], %swap3A_1351 {add = true, strides = array<i32>} : memref<8192xf32, #tpu.memory_space<vmem>>, vector<16xf32>,
          %mul3A_1352 = arith.constant 16 : i32
          %mul3A_1353 = arith.muli %scan3A_116, %mul3A_1352 : i32
          %add3A_1354 = arith.constant 12 : i32
          %add3A_1355 = arith.addi %mul3A_1353, %add3A_1354 : i32
          %mul3A_1356 = arith.constant 128 : i32
          %mul3A_1357 = arith.muli %add3A_1355, %mul3A_1356 : i32
          %slice3A_1358 = vector.extract_strided_slice %mul3A_125 {offsets = [12], sizes = [1], strides = [1]} : vector<16xi32> to vector<1xi32>
          %squeeze3A_1359 = vector.extract %slice3A_1358[0] : i32 from vector<1xi32>
          %slice3A_1360 = vector.extract_strided_slice %mul3A_128 {offsets = [12], sizes = [1], strides = [1]} : vector<16xi32> to vector<1xi32>
          %squeeze3A_1361 = vector.extract %slice3A_1360[0] : i32 from vector<1xi32>
          %swap3A_1362 = arith.index_cast %squeeze3A_1361 : i32 to index
          %swap3A_1363 = tpu.vector_load %arg11[%swap3A_1362] {strides = array<i32>} : memref<1024xf32, #tpu.memory_space<vmem>>, vector<16xf32>,
          %swap3A_1364 = vector.shape_cast %swap3A_1363 : vector<16xf32> to vector<16xf32>
          %swap3A_1365 = vector.shape_cast %broadcast_in_dim3A_18 : vector<16xf32> to vector<16xf32>
          tpu.vector_store %arg11[%swap3A_1362], %swap3A_1365 {add = true, strides = array<i32>} : memref<1024xf32, #tpu.memory_space<vmem>>, vector<16xf32>,
          %add3A_1366 = arith.constant 0 : i32
          %add3A_1367 = arith.addi %mul3A_1357, %add3A_1366 : i32
          %get3A_1368 = arith.index_cast %add3A_1367 : i32 to index
          %get3A_1369 = tpu.vector_load %arg6[%get3A_1368] {strides = array<i32>} : memref<51200xf32, #tpu.memory_space<vmem>>, vector<16xf32>,
          %get3A_1370 = vector.shape_cast %get3A_1369 : vector<16xf32> to vector<16xf32>
          %add3A_1371 = arith.constant 0 : i32
          %add3A_1372 = arith.addi %squeeze3A_1359, %add3A_1371 : i32
          %swap3A_1373 = arith.index_cast %add3A_1372 : i32 to index
          %swap3A_1374 = tpu.vector_load %arg10[%swap3A_1373] {strides = array<i32>} : memref<8192xf32, #tpu.memory_space<vmem>>, vector<16xf32>,
          %swap3A_1375 = vector.shape_cast %swap3A_1374 : vector<16xf32> to vector<16xf32>
          %swap3A_1376 = vector.shape_cast %get3A_1370 : vector<16xf32> to vector<16xf32>
          tpu.vector_store %arg10[%swap3A_1373], %swap3A_1376 {add = true, strides = array<i32>} : memref<8192xf32, #tpu.memory_space<vmem>>, vector<16xf32>,
          %add3A_1377 = arith.constant 16 : i32
          %add3A_1378 = arith.addi %mul3A_1357, %add3A_1377 : i32
          %get3A_1379 = arith.index_cast %add3A_1378 : i32 to index
          %get3A_1380 = tpu.vector_load %arg6[%get3A_1379] {strides = array<i32>} : memref<51200xf32, #tpu.memory_space<vmem>>, vector<16xf32>,
          %get3A_1381 = vector.shape_cast %get3A_1380 : vector<16xf32> to vector<16xf32>
          %add3A_1382 = arith.constant 16 : i32
          %add3A_1383 = arith.addi %squeeze3A_1359, %add3A_1382 : i32
          %swap3A_1384 = arith.index_cast %add3A_1383 : i32 to index
          %swap3A_1385 = tpu.vector_load %arg10[%swap3A_1384] {strides = array<i32>} : memref<8192xf32, #tpu.memory_space<vmem>>, vector<16xf32>,
          %swap3A_1386 = vector.shape_cast %swap3A_1385 : vector<16xf32> to vector<16xf32>
          %swap3A_1387 = vector.shape_cast %get3A_1381 : vector<16xf32> to vector<16xf32>
          tpu.vector_store %arg10[%swap3A_1384], %swap3A_1387 {add = true, strides = array<i32>} : memref<8192xf32, #tpu.memory_space<vmem>>, vector<16xf32>,
          %add3A_1388 = arith.constant 32 : i32
          %add3A_1389 = arith.addi %mul3A_1357, %add3A_1388 : i32
          %get3A_1390 = arith.index_cast %add3A_1389 : i32 to index
          %get3A_1391 = tpu.vector_load %arg6[%get3A_1390] {strides = array<i32>} : memref<51200xf32, #tpu.memory_space<vmem>>, vector<16xf32>,
          %get3A_1392 = vector.shape_cast %get3A_1391 : vector<16xf32> to vector<16xf32>
          %add3A_1393 = arith.constant 32 : i32
          %add3A_1394 = arith.addi %squeeze3A_1359, %add3A_1393 : i32
          %swap3A_1395 = arith.index_cast %add3A_1394 : i32 to index
          %swap3A_1396 = tpu.vector_load %arg10[%swap3A_1395] {strides = array<i32>} : memref<8192xf32, #tpu.memory_space<vmem>>, vector<16xf32>,
          %swap3A_1397 = vector.shape_cast %swap3A_1396 : vector<16xf32> to vector<16xf32>
          %swap3A_1398 = vector.shape_cast %get3A_1392 : vector<16xf32> to vector<16xf32>
          tpu.vector_store %arg10[%swap3A_1395], %swap3A_1398 {add = true, strides = array<i32>} : memref<8192xf32, #tpu.memory_space<vmem>>, vector<16xf32>,
          %add3A_1399 = arith.constant 48 : i32
          %add3A_1400 = arith.addi %mul3A_1357, %add3A_1399 : i32
          %get3A_1401 = arith.index_cast %add3A_1400 : i32 to index
          %get3A_1402 = tpu.vector_load %arg6[%get3A_1401] {strides = array<i32>} : memref<51200xf32, #tpu.memory_space<vmem>>, vector<16xf32>,
          %get3A_1403 = vector.shape_cast %get3A_1402 : vector<16xf32> to vector<16xf32>
          %add3A_1404 = arith.constant 48 : i32
          %add3A_1405 = arith.addi %squeeze3A_1359, %add3A_1404 : i32
          %swap3A_1406 = arith.index_cast %add3A_1405 : i32 to index
          %swap3A_1407 = tpu.vector_load %arg10[%swap3A_1406] {strides = array<i32>} : memref<8192xf32, #tpu.memory_space<vmem>>, vector<16xf32>,
          %swap3A_1408 = vector.shape_cast %swap3A_1407 : vector<16xf32> to vector<16xf32>
          %swap3A_1409 = vector.shape_cast %get3A_1403 : vector<16xf32> to vector<16xf32>
          tpu.vector_store %arg10[%swap3A_1406], %swap3A_1409 {add = true, strides = array<i32>} : memref<8192xf32, #tpu.memory_space<vmem>>, vector<16xf32>,
          %add3A_1410 = arith.constant 64 : i32
          %add3A_1411 = arith.addi %mul3A_1357, %add3A_1410 : i32
          %get3A_1412 = arith.index_cast %add3A_1411 : i32 to index
          %get3A_1413 = tpu.vector_load %arg6[%get3A_1412] {strides = array<i32>} : memref<51200xf32, #tpu.memory_space<vmem>>, vector<16xf32>,
          %get3A_1414 = vector.shape_cast %get3A_1413 : vector<16xf32> to vector<16xf32>
          %add3A_1415 = arith.constant 64 : i32
          %add3A_1416 = arith.addi %squeeze3A_1359, %add3A_1415 : i32
          %swap3A_1417 = arith.index_cast %add3A_1416 : i32 to index
          %swap3A_1418 = tpu.vector_load %arg10[%swap3A_1417] {strides = array<i32>} : memref<8192xf32, #tpu.memory_space<vmem>>, vector<16xf32>,
          %swap3A_1419 = vector.shape_cast %swap3A_1418 : vector<16xf32> to vector<16xf32>
          %swap3A_1420 = vector.shape_cast %get3A_1414 : vector<16xf32> to vector<16xf32>
          tpu.vector_store %arg10[%swap3A_1417], %swap3A_1420 {add = true, strides = array<i32>} : memref<8192xf32, #tpu.memory_space<vmem>>, vector<16xf32>,
          %add3A_1421 = arith.constant 80 : i32
          %add3A_1422 = arith.addi %mul3A_1357, %add3A_1421 : i32
          %get3A_1423 = arith.index_cast %add3A_1422 : i32 to index
          %get3A_1424 = tpu.vector_load %arg6[%get3A_1423] {strides = array<i32>} : memref<51200xf32, #tpu.memory_space<vmem>>, vector<16xf32>,
          %get3A_1425 = vector.shape_cast %get3A_1424 : vector<16xf32> to vector<16xf32>
          %add3A_1426 = arith.constant 80 : i32
          %add3A_1427 = arith.addi %squeeze3A_1359, %add3A_1426 : i32
          %swap3A_1428 = arith.index_cast %add3A_1427 : i32 to index
          %swap3A_1429 = tpu.vector_load %arg10[%swap3A_1428] {strides = array<i32>} : memref<8192xf32, #tpu.memory_space<vmem>>, vector<16xf32>,
          %swap3A_1430 = vector.shape_cast %swap3A_1429 : vector<16xf32> to vector<16xf32>
          %swap3A_1431 = vector.shape_cast %get3A_1425 : vector<16xf32> to vector<16xf32>
          tpu.vector_store %arg10[%swap3A_1428], %swap3A_1431 {add = true, strides = array<i32>} : memref<8192xf32, #tpu.memory_space<vmem>>, vector<16xf32>,
          %add3A_1432 = arith.constant 96 : i32
          %add3A_1433 = arith.addi %mul3A_1357, %add3A_1432 : i32
          %get3A_1434 = arith.index_cast %add3A_1433 : i32 to index
          %get3A_1435 = tpu.vector_load %arg6[%get3A_1434] {strides = array<i32>} : memref<51200xf32, #tpu.memory_space<vmem>>, vector<16xf32>,
          %get3A_1436 = vector.shape_cast %get3A_1435 : vector<16xf32> to vector<16xf32>
          %add3A_1437 = arith.constant 96 : i32
          %add3A_1438 = arith.addi %squeeze3A_1359, %add3A_1437 : i32
          %swap3A_1439 = arith.index_cast %add3A_1438 : i32 to index
          %swap3A_1440 = tpu.vector_load %arg10[%swap3A_1439] {strides = array<i32>} : memref<8192xf32, #tpu.memory_space<vmem>>, vector<16xf32>,
          %swap3A_1441 = vector.shape_cast %swap3A_1440 : vector<16xf32> to vector<16xf32>
          %swap3A_1442 = vector.shape_cast %get3A_1436 : vector<16xf32> to vector<16xf32>
          tpu.vector_store %arg10[%swap3A_1439], %swap3A_1442 {add = true, strides = array<i32>} : memref<8192xf32, #tpu.memory_space<vmem>>, vector<16xf32>,
          %add3A_1443 = arith.constant 112 : i32
          %add3A_1444 = arith.addi %mul3A_1357, %add3A_1443 : i32
          %get3A_1445 = arith.index_cast %add3A_1444 : i32 to index
          %get3A_1446 = tpu.vector_load %arg6[%get3A_1445] {strides = array<i32>} : memref<51200xf32, #tpu.memory_space<vmem>>, vector<16xf32>,
          %get3A_1447 = vector.shape_cast %get3A_1446 : vector<16xf32> to vector<16xf32>
          %add3A_1448 = arith.constant 112 : i32
          %add3A_1449 = arith.addi %squeeze3A_1359, %add3A_1448 : i32
          %swap3A_1450 = arith.index_cast %add3A_1449 : i32 to index
          %swap3A_1451 = tpu.vector_load %arg10[%swap3A_1450] {strides = array<i32>} : memref<8192xf32, #tpu.memory_space<vmem>>, vector<16xf32>,
          %swap3A_1452 = vector.shape_cast %swap3A_1451 : vector<16xf32> to vector<16xf32>
          %swap3A_1453 = vector.shape_cast %get3A_1447 : vector<16xf32> to vector<16xf32>
          tpu.vector_store %arg10[%swap3A_1450], %swap3A_1453 {add = true, strides = array<i32>} : memref<8192xf32, #tpu.memory_space<vmem>>, vector<16xf32>,
          %mul3A_1454 = arith.constant 16 : i32
          %mul3A_1455 = arith.muli %scan3A_116, %mul3A_1454 : i32
          %add3A_1456 = arith.constant 13 : i32
          %add3A_1457 = arith.addi %mul3A_1455, %add3A_1456 : i32
          %mul3A_1458 = arith.constant 128 : i32
          %mul3A_1459 = arith.muli %add3A_1457, %mul3A_1458 : i32
          %slice3A_1460 = vector.extract_strided_slice %mul3A_125 {offsets = [13], sizes = [1], strides = [1]} : vector<16xi32> to vector<1xi32>
          %squeeze3A_1461 = vector.extract %slice3A_1460[0] : i32 from vector<1xi32>
          %slice3A_1462 = vector.extract_strided_slice %mul3A_128 {offsets = [13], sizes = [1], strides = [1]} : vector<16xi32> to vector<1xi32>
          %squeeze3A_1463 = vector.extract %slice3A_1462[0] : i32 from vector<1xi32>
          %swap3A_1464 = arith.index_cast %squeeze3A_1463 : i32 to index
          %swap3A_1465 = tpu.vector_load %arg11[%swap3A_1464] {strides = array<i32>} : memref<1024xf32, #tpu.memory_space<vmem>>, vector<16xf32>,
          %swap3A_1466 = vector.shape_cast %swap3A_1465 : vector<16xf32> to vector<16xf32>
          %swap3A_1467 = vector.shape_cast %broadcast_in_dim3A_18 : vector<16xf32> to vector<16xf32>
          tpu.vector_store %arg11[%swap3A_1464], %swap3A_1467 {add = true, strides = array<i32>} : memref<1024xf32, #tpu.memory_space<vmem>>, vector<16xf32>,
          %add3A_1468 = arith.constant 0 : i32
          %add3A_1469 = arith.addi %mul3A_1459, %add3A_1468 : i32
          %get3A_1470 = arith.index_cast %add3A_1469 : i32 to index
          %get3A_1471 = tpu.vector_load %arg6[%get3A_1470] {strides = array<i32>} : memref<51200xf32, #tpu.memory_space<vmem>>, vector<16xf32>,
          %get3A_1472 = vector.shape_cast %get3A_1471 : vector<16xf32> to vector<16xf32>
          %add3A_1473 = arith.constant 0 : i32
          %add3A_1474 = arith.addi %squeeze3A_1461, %add3A_1473 : i32
          %swap3A_1475 = arith.index_cast %add3A_1474 : i32 to index
          %swap3A_1476 = tpu.vector_load %arg10[%swap3A_1475] {strides = array<i32>} : memref<8192xf32, #tpu.memory_space<vmem>>, vector<16xf32>,
          %swap3A_1477 = vector.shape_cast %swap3A_1476 : vector<16xf32> to vector<16xf32>
          %swap3A_1478 = vector.shape_cast %get3A_1472 : vector<16xf32> to vector<16xf32>
          tpu.vector_store %arg10[%swap3A_1475], %swap3A_1478 {add = true, strides = array<i32>} : memref<8192xf32, #tpu.memory_space<vmem>>, vector<16xf32>,
          %add3A_1479 = arith.constant 16 : i32
          %add3A_1480 = arith.addi %mul3A_1459, %add3A_1479 : i32
          %get3A_1481 = arith.index_cast %add3A_1480 : i32 to index
          %get3A_1482 = tpu.vector_load %arg6[%get3A_1481] {strides = array<i32>} : memref<51200xf32, #tpu.memory_space<vmem>>, vector<16xf32>,
          %get3A_1483 = vector.shape_cast %get3A_1482 : vector<16xf32> to vector<16xf32>
          %add3A_1484 = arith.constant 16 : i32
          %add3A_1485 = arith.addi %squeeze3A_1461, %add3A_1484 : i32
          %swap3A_1486 = arith.index_cast %add3A_1485 : i32 to index
          %swap3A_1487 = tpu.vector_load %arg10[%swap3A_1486] {strides = array<i32>} : memref<8192xf32, #tpu.memory_space<vmem>>, vector<16xf32>,
          %swap3A_1488 = vector.shape_cast %swap3A_1487 : vector<16xf32> to vector<16xf32>
          %swap3A_1489 = vector.shape_cast %get3A_1483 : vector<16xf32> to vector<16xf32>
          tpu.vector_store %arg10[%swap3A_1486], %swap3A_1489 {add = true, strides = array<i32>} : memref<8192xf32, #tpu.memory_space<vmem>>, vector<16xf32>,
          %add3A_1490 = arith.constant 32 : i32
          %add3A_1491 = arith.addi %mul3A_1459, %add3A_1490 : i32
          %get3A_1492 = arith.index_cast %add3A_1491 : i32 to index
          %get3A_1493 = tpu.vector_load %arg6[%get3A_1492] {strides = array<i32>} : memref<51200xf32, #tpu.memory_space<vmem>>, vector<16xf32>,
          %get3A_1494 = vector.shape_cast %get3A_1493 : vector<16xf32> to vector<16xf32>
          %add3A_1495 = arith.constant 32 : i32
          %add3A_1496 = arith.addi %squeeze3A_1461, %add3A_1495 : i32
          %swap3A_1497 = arith.index_cast %add3A_1496 : i32 to index
          %swap3A_1498 = tpu.vector_load %arg10[%swap3A_1497] {strides = array<i32>} : memref<8192xf32, #tpu.memory_space<vmem>>, vector<16xf32>,
          %swap3A_1499 = vector.shape_cast %swap3A_1498 : vector<16xf32> to vector<16xf32>
          %swap3A_1500 = vector.shape_cast %get3A_1494 : vector<16xf32> to vector<16xf32>
          tpu.vector_store %arg10[%swap3A_1497], %swap3A_1500 {add = true, strides = array<i32>} : memref<8192xf32, #tpu.memory_space<vmem>>, vector<16xf32>,
          %add3A_1501 = arith.constant 48 : i32
          %add3A_1502 = arith.addi %mul3A_1459, %add3A_1501 : i32
          %get3A_1503 = arith.index_cast %add3A_1502 : i32 to index
          %get3A_1504 = tpu.vector_load %arg6[%get3A_1503] {strides = array<i32>} : memref<51200xf32, #tpu.memory_space<vmem>>, vector<16xf32>,
          %get3A_1505 = vector.shape_cast %get3A_1504 : vector<16xf32> to vector<16xf32>
          %add3A_1506 = arith.constant 48 : i32
          %add3A_1507 = arith.addi %squeeze3A_1461, %add3A_1506 : i32
          %swap3A_1508 = arith.index_cast %add3A_1507 : i32 to index
          %swap3A_1509 = tpu.vector_load %arg10[%swap3A_1508] {strides = array<i32>} : memref<8192xf32, #tpu.memory_space<vmem>>, vector<16xf32>,
          %swap3A_1510 = vector.shape_cast %swap3A_1509 : vector<16xf32> to vector<16xf32>
          %swap3A_1511 = vector.shape_cast %get3A_1505 : vector<16xf32> to vector<16xf32>
          tpu.vector_store %arg10[%swap3A_1508], %swap3A_1511 {add = true, strides = array<i32>} : memref<8192xf32, #tpu.memory_space<vmem>>, vector<16xf32>,
          %add3A_1512 = arith.constant 64 : i32
          %add3A_1513 = arith.addi %mul3A_1459, %add3A_1512 : i32
          %get3A_1514 = arith.index_cast %add3A_1513 : i32 to index
          %get3A_1515 = tpu.vector_load %arg6[%get3A_1514] {strides = array<i32>} : memref<51200xf32, #tpu.memory_space<vmem>>, vector<16xf32>,
          %get3A_1516 = vector.shape_cast %get3A_1515 : vector<16xf32> to vector<16xf32>
          %add3A_1517 = arith.constant 64 : i32
          %add3A_1518 = arith.addi %squeeze3A_1461, %add3A_1517 : i32
          %swap3A_1519 = arith.index_cast %add3A_1518 : i32 to index
          %swap3A_1520 = tpu.vector_load %arg10[%swap3A_1519] {strides = array<i32>} : memref<8192xf32, #tpu.memory_space<vmem>>, vector<16xf32>,
          %swap3A_1521 = vector.shape_cast %swap3A_1520 : vector<16xf32> to vector<16xf32>
          %swap3A_1522 = vector.shape_cast %get3A_1516 : vector<16xf32> to vector<16xf32>
          tpu.vector_store %arg10[%swap3A_1519], %swap3A_1522 {add = true, strides = array<i32>} : memref<8192xf32, #tpu.memory_space<vmem>>, vector<16xf32>,
          %add3A_1523 = arith.constant 80 : i32
          %add3A_1524 = arith.addi %mul3A_1459, %add3A_1523 : i32
          %get3A_1525 = arith.index_cast %add3A_1524 : i32 to index
          %get3A_1526 = tpu.vector_load %arg6[%get3A_1525] {strides = array<i32>} : memref<51200xf32, #tpu.memory_space<vmem>>, vector<16xf32>,
          %get3A_1527 = vector.shape_cast %get3A_1526 : vector<16xf32> to vector<16xf32>
          %add3A_1528 = arith.constant 80 : i32
          %add3A_1529 = arith.addi %squeeze3A_1461, %add3A_1528 : i32
          %swap3A_1530 = arith.index_cast %add3A_1529 : i32 to index
          %swap3A_1531 = tpu.vector_load %arg10[%swap3A_1530] {strides = array<i32>} : memref<8192xf32, #tpu.memory_space<vmem>>, vector<16xf32>,
          %swap3A_1532 = vector.shape_cast %swap3A_1531 : vector<16xf32> to vector<16xf32>
          %swap3A_1533 = vector.shape_cast %get3A_1527 : vector<16xf32> to vector<16xf32>
          tpu.vector_store %arg10[%swap3A_1530], %swap3A_1533 {add = true, strides = array<i32>} : memref<8192xf32, #tpu.memory_space<vmem>>, vector<16xf32>,
          %add3A_1534 = arith.constant 96 : i32
          %add3A_1535 = arith.addi %mul3A_1459, %add3A_1534 : i32
          %get3A_1536 = arith.index_cast %add3A_1535 : i32 to index
          %get3A_1537 = tpu.vector_load %arg6[%get3A_1536] {strides = array<i32>} : memref<51200xf32, #tpu.memory_space<vmem>>, vector<16xf32>,
          %get3A_1538 = vector.shape_cast %get3A_1537 : vector<16xf32> to vector<16xf32>
          %add3A_1539 = arith.constant 96 : i32
          %add3A_1540 = arith.addi %squeeze3A_1461, %add3A_1539 : i32
          %swap3A_1541 = arith.index_cast %add3A_1540 : i32 to index
          %swap3A_1542 = tpu.vector_load %arg10[%swap3A_1541] {strides = array<i32>} : memref<8192xf32, #tpu.memory_space<vmem>>, vector<16xf32>,
          %swap3A_1543 = vector.shape_cast %swap3A_1542 : vector<16xf32> to vector<16xf32>
          %swap3A_1544 = vector.shape_cast %get3A_1538 : vector<16xf32> to vector<16xf32>
          tpu.vector_store %arg10[%swap3A_1541], %swap3A_1544 {add = true, strides = array<i32>} : memref<8192xf32, #tpu.memory_space<vmem>>, vector<16xf32>,
          %add3A_1545 = arith.constant 112 : i32
          %add3A_1546 = arith.addi %mul3A_1459, %add3A_1545 : i32
          %get3A_1547 = arith.index_cast %add3A_1546 : i32 to index
          %get3A_1548 = tpu.vector_load %arg6[%get3A_1547] {strides = array<i32>} : memref<51200xf32, #tpu.memory_space<vmem>>, vector<16xf32>,
          %get3A_1549 = vector.shape_cast %get3A_1548 : vector<16xf32> to vector<16xf32>
          %add3A_1550 = arith.constant 112 : i32
          %add3A_1551 = arith.addi %squeeze3A_1461, %add3A_1550 : i32
          %swap3A_1552 = arith.index_cast %add3A_1551 : i32 to index
          %swap3A_1553 = tpu.vector_load %arg10[%swap3A_1552] {strides = array<i32>} : memref<8192xf32, #tpu.memory_space<vmem>>, vector<16xf32>,
          %swap3A_1554 = vector.shape_cast %swap3A_1553 : vector<16xf32> to vector<16xf32>
          %swap3A_1555 = vector.shape_cast %get3A_1549 : vector<16xf32> to vector<16xf32>
          tpu.vector_store %arg10[%swap3A_1552], %swap3A_1555 {add = true, strides = array<i32>} : memref<8192xf32, #tpu.memory_space<vmem>>, vector<16xf32>,
          %mul3A_1556 = arith.constant 16 : i32
          %mul3A_1557 = arith.muli %scan3A_116, %mul3A_1556 : i32
          %add3A_1558 = arith.constant 14 : i32
          %add3A_1559 = arith.addi %mul3A_1557, %add3A_1558 : i32
          %mul3A_1560 = arith.constant 128 : i32
          %mul3A_1561 = arith.muli %add3A_1559, %mul3A_1560 : i32
          %slice3A_1562 = vector.extract_strided_slice %mul3A_125 {offsets = [14], sizes = [1], strides = [1]} : vector<16xi32> to vector<1xi32>
          %squeeze3A_1563 = vector.extract %slice3A_1562[0] : i32 from vector<1xi32>
          %slice3A_1564 = vector.extract_strided_slice %mul3A_128 {offsets = [14], sizes = [1], strides = [1]} : vector<16xi32> to vector<1xi32>
          %squeeze3A_1565 = vector.extract %slice3A_1564[0] : i32 from vector<1xi32>
          %swap3A_1566 = arith.index_cast %squeeze3A_1565 : i32 to index
          %swap3A_1567 = tpu.vector_load %arg11[%swap3A_1566] {strides = array<i32>} : memref<1024xf32, #tpu.memory_space<vmem>>, vector<16xf32>,
          %swap3A_1568 = vector.shape_cast %swap3A_1567 : vector<16xf32> to vector<16xf32>
          %swap3A_1569 = vector.shape_cast %broadcast_in_dim3A_18 : vector<16xf32> to vector<16xf32>
          tpu.vector_store %arg11[%swap3A_1566], %swap3A_1569 {add = true, strides = array<i32>} : memref<1024xf32, #tpu.memory_space<vmem>>, vector<16xf32>,
          %add3A_1570 = arith.constant 0 : i32
          %add3A_1571 = arith.addi %mul3A_1561, %add3A_1570 : i32
          %get3A_1572 = arith.index_cast %add3A_1571 : i32 to index
          %get3A_1573 = tpu.vector_load %arg6[%get3A_1572] {strides = array<i32>} : memref<51200xf32, #tpu.memory_space<vmem>>, vector<16xf32>,
          %get3A_1574 = vector.shape_cast %get3A_1573 : vector<16xf32> to vector<16xf32>
          %add3A_1575 = arith.constant 0 : i32
          %add3A_1576 = arith.addi %squeeze3A_1563, %add3A_1575 : i32
          %swap3A_1577 = arith.index_cast %add3A_1576 : i32 to index
          %swap3A_1578 = tpu.vector_load %arg10[%swap3A_1577] {strides = array<i32>} : memref<8192xf32, #tpu.memory_space<vmem>>, vector<16xf32>,
          %swap3A_1579 = vector.shape_cast %swap3A_1578 : vector<16xf32> to vector<16xf32>
          %swap3A_1580 = vector.shape_cast %get3A_1574 : vector<16xf32> to vector<16xf32>
          tpu.vector_store %arg10[%swap3A_1577], %swap3A_1580 {add = true, strides = array<i32>} : memref<8192xf32, #tpu.memory_space<vmem>>, vector<16xf32>,
          %add3A_1581 = arith.constant 16 : i32
          %add3A_1582 = arith.addi %mul3A_1561, %add3A_1581 : i32
          %get3A_1583 = arith.index_cast %add3A_1582 : i32 to index
          %get3A_1584 = tpu.vector_load %arg6[%get3A_1583] {strides = array<i32>} : memref<51200xf32, #tpu.memory_space<vmem>>, vector<16xf32>,
          %get3A_1585 = vector.shape_cast %get3A_1584 : vector<16xf32> to vector<16xf32>
          %add3A_1586 = arith.constant 16 : i32
          %add3A_1587 = arith.addi %squeeze3A_1563, %add3A_1586 : i32
          %swap3A_1588 = arith.index_cast %add3A_1587 : i32 to index
          %swap3A_1589 = tpu.vector_load %arg10[%swap3A_1588] {strides = array<i32>} : memref<8192xf32, #tpu.memory_space<vmem>>, vector<16xf32>,
          %swap3A_1590 = vector.shape_cast %swap3A_1589 : vector<16xf32> to vector<16xf32>
          %swap3A_1591 = vector.shape_cast %get3A_1585 : vector<16xf32> to vector<16xf32>
          tpu.vector_store %arg10[%swap3A_1588], %swap3A_1591 {add = true, strides = array<i32>} : memref<8192xf32, #tpu.memory_space<vmem>>, vector<16xf32>,
          %add3A_1592 = arith.constant 32 : i32
          %add3A_1593 = arith.addi %mul3A_1561, %add3A_1592 : i32
          %get3A_1594 = arith.index_cast %add3A_1593 : i32 to index
          %get3A_1595 = tpu.vector_load %arg6[%get3A_1594] {strides = array<i32>} : memref<51200xf32, #tpu.memory_space<vmem>>, vector<16xf32>,
          %get3A_1596 = vector.shape_cast %get3A_1595 : vector<16xf32> to vector<16xf32>
          %add3A_1597 = arith.constant 32 : i32
          %add3A_1598 = arith.addi %squeeze3A_1563, %add3A_1597 : i32
          %swap3A_1599 = arith.index_cast %add3A_1598 : i32 to index
          %swap3A_1600 = tpu.vector_load %arg10[%swap3A_1599] {strides = array<i32>} : memref<8192xf32, #tpu.memory_space<vmem>>, vector<16xf32>,
          %swap3A_1601 = vector.shape_cast %swap3A_1600 : vector<16xf32> to vector<16xf32>
          %swap3A_1602 = vector.shape_cast %get3A_1596 : vector<16xf32> to vector<16xf32>
          tpu.vector_store %arg10[%swap3A_1599], %swap3A_1602 {add = true, strides = array<i32>} : memref<8192xf32, #tpu.memory_space<vmem>>, vector<16xf32>,
          %add3A_1603 = arith.constant 48 : i32
          %add3A_1604 = arith.addi %mul3A_1561, %add3A_1603 : i32
          %get3A_1605 = arith.index_cast %add3A_1604 : i32 to index
          %get3A_1606 = tpu.vector_load %arg6[%get3A_1605] {strides = array<i32>} : memref<51200xf32, #tpu.memory_space<vmem>>, vector<16xf32>,
          %get3A_1607 = vector.shape_cast %get3A_1606 : vector<16xf32> to vector<16xf32>
          %add3A_1608 = arith.constant 48 : i32
          %add3A_1609 = arith.addi %squeeze3A_1563, %add3A_1608 : i32
          %swap3A_1610 = arith.index_cast %add3A_1609 : i32 to index
          %swap3A_1611 = tpu.vector_load %arg10[%swap3A_1610] {strides = array<i32>} : memref<8192xf32, #tpu.memory_space<vmem>>, vector<16xf32>,
          %swap3A_1612 = vector.shape_cast %swap3A_1611 : vector<16xf32> to vector<16xf32>
          %swap3A_1613 = vector.shape_cast %get3A_1607 : vector<16xf32> to vector<16xf32>
          tpu.vector_store %arg10[%swap3A_1610], %swap3A_1613 {add = true, strides = array<i32>} : memref<8192xf32, #tpu.memory_space<vmem>>, vector<16xf32>,
          %add3A_1614 = arith.constant 64 : i32
          %add3A_1615 = arith.addi %mul3A_1561, %add3A_1614 : i32
          %get3A_1616 = arith.index_cast %add3A_1615 : i32 to index
          %get3A_1617 = tpu.vector_load %arg6[%get3A_1616] {strides = array<i32>} : memref<51200xf32, #tpu.memory_space<vmem>>, vector<16xf32>,
          %get3A_1618 = vector.shape_cast %get3A_1617 : vector<16xf32> to vector<16xf32>
          %add3A_1619 = arith.constant 64 : i32
          %add3A_1620 = arith.addi %squeeze3A_1563, %add3A_1619 : i32
          %swap3A_1621 = arith.index_cast %add3A_1620 : i32 to index
          %swap3A_1622 = tpu.vector_load %arg10[%swap3A_1621] {strides = array<i32>} : memref<8192xf32, #tpu.memory_space<vmem>>, vector<16xf32>,
          %swap3A_1623 = vector.shape_cast %swap3A_1622 : vector<16xf32> to vector<16xf32>
          %swap3A_1624 = vector.shape_cast %get3A_1618 : vector<16xf32> to vector<16xf32>
          tpu.vector_store %arg10[%swap3A_1621], %swap3A_1624 {add = true, strides = array<i32>} : memref<8192xf32, #tpu.memory_space<vmem>>, vector<16xf32>,
          %add3A_1625 = arith.constant 80 : i32
          %add3A_1626 = arith.addi %mul3A_1561, %add3A_1625 : i32
          %get3A_1627 = arith.index_cast %add3A_1626 : i32 to index
          %get3A_1628 = tpu.vector_load %arg6[%get3A_1627] {strides = array<i32>} : memref<51200xf32, #tpu.memory_space<vmem>>, vector<16xf32>,
          %get3A_1629 = vector.shape_cast %get3A_1628 : vector<16xf32> to vector<16xf32>
          %add3A_1630 = arith.constant 80 : i32
          %add3A_1631 = arith.addi %squeeze3A_1563, %add3A_1630 : i32
          %swap3A_1632 = arith.index_cast %add3A_1631 : i32 to index
          %swap3A_1633 = tpu.vector_load %arg10[%swap3A_1632] {strides = array<i32>} : memref<8192xf32, #tpu.memory_space<vmem>>, vector<16xf32>,
          %swap3A_1634 = vector.shape_cast %swap3A_1633 : vector<16xf32> to vector<16xf32>
          %swap3A_1635 = vector.shape_cast %get3A_1629 : vector<16xf32> to vector<16xf32>
          tpu.vector_store %arg10[%swap3A_1632], %swap3A_1635 {add = true, strides = array<i32>} : memref<8192xf32, #tpu.memory_space<vmem>>, vector<16xf32>,
          %add3A_1636 = arith.constant 96 : i32
          %add3A_1637 = arith.addi %mul3A_1561, %add3A_1636 : i32
          %get3A_1638 = arith.index_cast %add3A_1637 : i32 to index
          %get3A_1639 = tpu.vector_load %arg6[%get3A_1638] {strides = array<i32>} : memref<51200xf32, #tpu.memory_space<vmem>>, vector<16xf32>,
          %get3A_1640 = vector.shape_cast %get3A_1639 : vector<16xf32> to vector<16xf32>
          %add3A_1641 = arith.constant 96 : i32
          %add3A_1642 = arith.addi %squeeze3A_1563, %add3A_1641 : i32
          %swap3A_1643 = arith.index_cast %add3A_1642 : i32 to index
          %swap3A_1644 = tpu.vector_load %arg10[%swap3A_1643] {strides = array<i32>} : memref<8192xf32, #tpu.memory_space<vmem>>, vector<16xf32>,
          %swap3A_1645 = vector.shape_cast %swap3A_1644 : vector<16xf32> to vector<16xf32>
          %swap3A_1646 = vector.shape_cast %get3A_1640 : vector<16xf32> to vector<16xf32>
          tpu.vector_store %arg10[%swap3A_1643], %swap3A_1646 {add = true, strides = array<i32>} : memref<8192xf32, #tpu.memory_space<vmem>>, vector<16xf32>,
          %add3A_1647 = arith.constant 112 : i32
          %add3A_1648 = arith.addi %mul3A_1561, %add3A_1647 : i32
          %get3A_1649 = arith.index_cast %add3A_1648 : i32 to index
          %get3A_1650 = tpu.vector_load %arg6[%get3A_1649] {strides = array<i32>} : memref<51200xf32, #tpu.memory_space<vmem>>, vector<16xf32>,
          %get3A_1651 = vector.shape_cast %get3A_1650 : vector<16xf32> to vector<16xf32>
          %add3A_1652 = arith.constant 112 : i32
          %add3A_1653 = arith.addi %squeeze3A_1563, %add3A_1652 : i32
          %swap3A_1654 = arith.index_cast %add3A_1653 : i32 to index
          %swap3A_1655 = tpu.vector_load %arg10[%swap3A_1654] {strides = array<i32>} : memref<8192xf32, #tpu.memory_space<vmem>>, vector<16xf32>,
          %swap3A_1656 = vector.shape_cast %swap3A_1655 : vector<16xf32> to vector<16xf32>
          %swap3A_1657 = vector.shape_cast %get3A_1651 : vector<16xf32> to vector<16xf32>
          tpu.vector_store %arg10[%swap3A_1654], %swap3A_1657 {add = true, strides = array<i32>} : memref<8192xf32, #tpu.memory_space<vmem>>, vector<16xf32>,
          %mul3A_1658 = arith.constant 16 : i32
          %mul3A_1659 = arith.muli %scan3A_116, %mul3A_1658 : i32
          %add3A_1660 = arith.constant 15 : i32
          %add3A_1661 = arith.addi %mul3A_1659, %add3A_1660 : i32
          %mul3A_1662 = arith.constant 128 : i32
          %mul3A_1663 = arith.muli %add3A_1661, %mul3A_1662 : i32
          %slice3A_1664 = vector.extract_strided_slice %mul3A_125 {offsets = [15], sizes = [1], strides = [1]} : vector<16xi32> to vector<1xi32>
          %squeeze3A_1665 = vector.extract %slice3A_1664[0] : i32 from vector<1xi32>
          %slice3A_1666 = vector.extract_strided_slice %mul3A_128 {offsets = [15], sizes = [1], strides = [1]} : vector<16xi32> to vector<1xi32>
          %squeeze3A_1667 = vector.extract %slice3A_1666[0] : i32 from vector<1xi32>
          %swap3A_1668 = arith.index_cast %squeeze3A_1667 : i32 to index
          %swap3A_1669 = tpu.vector_load %arg11[%swap3A_1668] {strides = array<i32>} : memref<1024xf32, #tpu.memory_space<vmem>>, vector<16xf32>,
          %swap3A_1670 = vector.shape_cast %swap3A_1669 : vector<16xf32> to vector<16xf32>
          %swap3A_1671 = vector.shape_cast %broadcast_in_dim3A_18 : vector<16xf32> to vector<16xf32>
          tpu.vector_store %arg11[%swap3A_1668], %swap3A_1671 {add = true, strides = array<i32>} : memref<1024xf32, #tpu.memory_space<vmem>>, vector<16xf32>,
          %add3A_1672 = arith.constant 0 : i32
          %add3A_1673 = arith.addi %mul3A_1663, %add3A_1672 : i32
          %get3A_1674 = arith.index_cast %add3A_1673 : i32 to index
          %get3A_1675 = tpu.vector_load %arg6[%get3A_1674] {strides = array<i32>} : memref<51200xf32, #tpu.memory_space<vmem>>, vector<16xf32>,
          %get3A_1676 = vector.shape_cast %get3A_1675 : vector<16xf32> to vector<16xf32>
          %add3A_1677 = arith.constant 0 : i32
          %add3A_1678 = arith.addi %squeeze3A_1665, %add3A_1677 : i32
          %swap3A_1679 = arith.index_cast %add3A_1678 : i32 to index
          %swap3A_1680 = tpu.vector_load %arg10[%swap3A_1679] {strides = array<i32>} : memref<8192xf32, #tpu.memory_space<vmem>>, vector<16xf32>,
          %swap3A_1681 = vector.shape_cast %swap3A_1680 : vector<16xf32> to vector<16xf32>
          %swap3A_1682 = vector.shape_cast %get3A_1676 : vector<16xf32> to vector<16xf32>
          tpu.vector_store %arg10[%swap3A_1679], %swap3A_1682 {add = true, strides = array<i32>} : memref<8192xf32, #tpu.memory_space<vmem>>, vector<16xf32>,
          %add3A_1683 = arith.constant 16 : i32
          %add3A_1684 = arith.addi %mul3A_1663, %add3A_1683 : i32
          %get3A_1685 = arith.index_cast %add3A_1684 : i32 to index
          %get3A_1686 = tpu.vector_load %arg6[%get3A_1685] {strides = array<i32>} : memref<51200xf32, #tpu.memory_space<vmem>>, vector<16xf32>,
          %get3A_1687 = vector.shape_cast %get3A_1686 : vector<16xf32> to vector<16xf32>
          %add3A_1688 = arith.constant 16 : i32
          %add3A_1689 = arith.addi %squeeze3A_1665, %add3A_1688 : i32
          %swap3A_1690 = arith.index_cast %add3A_1689 : i32 to index
          %swap3A_1691 = tpu.vector_load %arg10[%swap3A_1690] {strides = array<i32>} : memref<8192xf32, #tpu.memory_space<vmem>>, vector<16xf32>,
          %swap3A_1692 = vector.shape_cast %swap3A_1691 : vector<16xf32> to vector<16xf32>
          %swap3A_1693 = vector.shape_cast %get3A_1687 : vector<16xf32> to vector<16xf32>
          tpu.vector_store %arg10[%swap3A_1690], %swap3A_1693 {add = true, strides = array<i32>} : memref<8192xf32, #tpu.memory_space<vmem>>, vector<16xf32>,
          %add3A_1694 = arith.constant 32 : i32
          %add3A_1695 = arith.addi %mul3A_1663, %add3A_1694 : i32
          %get3A_1696 = arith.index_cast %add3A_1695 : i32 to index
          %get3A_1697 = tpu.vector_load %arg6[%get3A_1696] {strides = array<i32>} : memref<51200xf32, #tpu.memory_space<vmem>>, vector<16xf32>,
          %get3A_1698 = vector.shape_cast %get3A_1697 : vector<16xf32> to vector<16xf32>
          %add3A_1699 = arith.constant 32 : i32
          %add3A_1700 = arith.addi %squeeze3A_1665, %add3A_1699 : i32
          %swap3A_1701 = arith.index_cast %add3A_1700 : i32 to index
          %swap3A_1702 = tpu.vector_load %arg10[%swap3A_1701] {strides = array<i32>} : memref<8192xf32, #tpu.memory_space<vmem>>, vector<16xf32>,
          %swap3A_1703 = vector.shape_cast %swap3A_1702 : vector<16xf32> to vector<16xf32>
          %swap3A_1704 = vector.shape_cast %get3A_1698 : vector<16xf32> to vector<16xf32>
          tpu.vector_store %arg10[%swap3A_1701], %swap3A_1704 {add = true, strides = array<i32>} : memref<8192xf32, #tpu.memory_space<vmem>>, vector<16xf32>,
          %add3A_1705 = arith.constant 48 : i32
          %add3A_1706 = arith.addi %mul3A_1663, %add3A_1705 : i32
          %get3A_1707 = arith.index_cast %add3A_1706 : i32 to index
          %get3A_1708 = tpu.vector_load %arg6[%get3A_1707] {strides = array<i32>} : memref<51200xf32, #tpu.memory_space<vmem>>, vector<16xf32>,
          %get3A_1709 = vector.shape_cast %get3A_1708 : vector<16xf32> to vector<16xf32>
          %add3A_1710 = arith.constant 48 : i32
          %add3A_1711 = arith.addi %squeeze3A_1665, %add3A_1710 : i32
          %swap3A_1712 = arith.index_cast %add3A_1711 : i32 to index
          %swap3A_1713 = tpu.vector_load %arg10[%swap3A_1712] {strides = array<i32>} : memref<8192xf32, #tpu.memory_space<vmem>>, vector<16xf32>,
          %swap3A_1714 = vector.shape_cast %swap3A_1713 : vector<16xf32> to vector<16xf32>
          %swap3A_1715 = vector.shape_cast %get3A_1709 : vector<16xf32> to vector<16xf32>
          tpu.vector_store %arg10[%swap3A_1712], %swap3A_1715 {add = true, strides = array<i32>} : memref<8192xf32, #tpu.memory_space<vmem>>, vector<16xf32>,
          %add3A_1716 = arith.constant 64 : i32
          %add3A_1717 = arith.addi %mul3A_1663, %add3A_1716 : i32
          %get3A_1718 = arith.index_cast %add3A_1717 : i32 to index
          %get3A_1719 = tpu.vector_load %arg6[%get3A_1718] {strides = array<i32>} : memref<51200xf32, #tpu.memory_space<vmem>>, vector<16xf32>,
          %get3A_1720 = vector.shape_cast %get3A_1719 : vector<16xf32> to vector<16xf32>
          %add3A_1721 = arith.constant 64 : i32
          %add3A_1722 = arith.addi %squeeze3A_1665, %add3A_1721 : i32
          %swap3A_1723 = arith.index_cast %add3A_1722 : i32 to index
          %swap3A_1724 = tpu.vector_load %arg10[%swap3A_1723] {strides = array<i32>} : memref<8192xf32, #tpu.memory_space<vmem>>, vector<16xf32>,
          %swap3A_1725 = vector.shape_cast %swap3A_1724 : vector<16xf32> to vector<16xf32>
          %swap3A_1726 = vector.shape_cast %get3A_1720 : vector<16xf32> to vector<16xf32>
          tpu.vector_store %arg10[%swap3A_1723], %swap3A_1726 {add = true, strides = array<i32>} : memref<8192xf32, #tpu.memory_space<vmem>>, vector<16xf32>,
          %add3A_1727 = arith.constant 80 : i32
          %add3A_1728 = arith.addi %mul3A_1663, %add3A_1727 : i32
          %get3A_1729 = arith.index_cast %add3A_1728 : i32 to index
          %get3A_1730 = tpu.vector_load %arg6[%get3A_1729] {strides = array<i32>} : memref<51200xf32, #tpu.memory_space<vmem>>, vector<16xf32>,
          %get3A_1731 = vector.shape_cast %get3A_1730 : vector<16xf32> to vector<16xf32>
          %add3A_1732 = arith.constant 80 : i32
          %add3A_1733 = arith.addi %squeeze3A_1665, %add3A_1732 : i32
          %swap3A_1734 = arith.index_cast %add3A_1733 : i32 to index
          %swap3A_1735 = tpu.vector_load %arg10[%swap3A_1734] {strides = array<i32>} : memref<8192xf32, #tpu.memory_space<vmem>>, vector<16xf32>,
          %swap3A_1736 = vector.shape_cast %swap3A_1735 : vector<16xf32> to vector<16xf32>
          %swap3A_1737 = vector.shape_cast %get3A_1731 : vector<16xf32> to vector<16xf32>
          tpu.vector_store %arg10[%swap3A_1734], %swap3A_1737 {add = true, strides = array<i32>} : memref<8192xf32, #tpu.memory_space<vmem>>, vector<16xf32>,
          %add3A_1738 = arith.constant 96 : i32
          %add3A_1739 = arith.addi %mul3A_1663, %add3A_1738 : i32
          %get3A_1740 = arith.index_cast %add3A_1739 : i32 to index
          %get3A_1741 = tpu.vector_load %arg6[%get3A_1740] {strides = array<i32>} : memref<51200xf32, #tpu.memory_space<vmem>>, vector<16xf32>,
          %get3A_1742 = vector.shape_cast %get3A_1741 : vector<16xf32> to vector<16xf32>
          %add3A_1743 = arith.constant 96 : i32
          %add3A_1744 = arith.addi %squeeze3A_1665, %add3A_1743 : i32
          %swap3A_1745 = arith.index_cast %add3A_1744 : i32 to index
          %swap3A_1746 = tpu.vector_load %arg10[%swap3A_1745] {strides = array<i32>} : memref<8192xf32, #tpu.memory_space<vmem>>, vector<16xf32>,
          %swap3A_1747 = vector.shape_cast %swap3A_1746 : vector<16xf32> to vector<16xf32>
          %swap3A_1748 = vector.shape_cast %get3A_1742 : vector<16xf32> to vector<16xf32>
          tpu.vector_store %arg10[%swap3A_1745], %swap3A_1748 {add = true, strides = array<i32>} : memref<8192xf32, #tpu.memory_space<vmem>>, vector<16xf32>,
          %add3A_1749 = arith.constant 112 : i32
          %add3A_1750 = arith.addi %mul3A_1663, %add3A_1749 : i32
          %get3A_1751 = arith.index_cast %add3A_1750 : i32 to index
          %get3A_1752 = tpu.vector_load %arg6[%get3A_1751] {strides = array<i32>} : memref<51200xf32, #tpu.memory_space<vmem>>, vector<16xf32>,
          %get3A_1753 = vector.shape_cast %get3A_1752 : vector<16xf32> to vector<16xf32>
          %add3A_1754 = arith.constant 112 : i32
          %add3A_1755 = arith.addi %squeeze3A_1665, %add3A_1754 : i32
          %swap3A_1756 = arith.index_cast %add3A_1755 : i32 to index
          %swap3A_1757 = tpu.vector_load %arg10[%swap3A_1756] {strides = array<i32>} : memref<8192xf32, #tpu.memory_space<vmem>>, vector<16xf32>,
          %swap3A_1758 = vector.shape_cast %swap3A_1757 : vector<16xf32> to vector<16xf32>
          %swap3A_1759 = vector.shape_cast %get3A_1753 : vector<16xf32> to vector<16xf32>
          tpu.vector_store %arg10[%swap3A_1756], %swap3A_1759 {add = true, strides = array<i32>} : memref<8192xf32, #tpu.memory_space<vmem>>, vector<16xf32>,
          %scan3A_1760 = arith.constant 0 : i32
          scf.yield %scan3A_1760 : i32
        }
        %scan3A_115 = arith.constant 25 : i32
      } else {
      }
      %add3A_75 = arith.constant 2 : i32
      %add3A_76 = arith.addi %mul3A_44, %add3A_75 : i32
      %lt3A = arith.constant 26 : i32
      %lt3A_77 = arith.cmpi slt, %add3A_76, %lt3A : i32
      %convert_element_type3A_78 = arith.extui %lt3A_77 : i1 to i32
      %cond3A_79 = arith.constant 0 : i32
      %cond3A_80 = arith.cmpi ne, %convert_element_type3A_78, %cond3A_79 : i32
      scf.if %cond3A_80 {
        %add3A_109 = arith.constant 2 : i32
        %add3A_110 = arith.addi %mul3A_44, %add3A_109 : i32
        %mul3A_111 = arith.constant 400 : i32
        %mul3A_112 = arith.muli %add3A_110, %mul3A_111 : i32
        %add3A_113 = arith.addi %mul3A_2, %mul3A_112 : i32
        %mul3A_114 = arith.constant 128 : i32
        %mul3A_115 = arith.muli %add3A_113, %mul3A_114 : i32
        %dma_start3A_116 = tpu.memref_slice %arg2[%mul3A_115] : memref<81920000xf32, #tpu.memory_space<hbm>> -> memref<51200xf32, #tpu.memory_space<hbm>>
        %dma_start3A_117 = tpu.memref_slice %arg2[%mul3A_115] : memref<81920000xf32, #tpu.memory_space<hbm>> -> memref<51200xf32, #tpu.memory_space<hbm>>
        tpu.enqueue_dma source(%dma_start3A_117 : memref<51200xf32, #tpu.memory_space<hbm>>) target(%arg6 : memref<51200xf32, #tpu.memory_space<vmem>>) target_semaphore(%arg12 : memref<!tpu.dma_semaphore, #tpu.memory_space<semaphore_mem>>)
        %dma_start3A_118 = tpu.memref_slice %arg3[%add3A_113] : memref<640000xi32, #tpu.memory_space<hbm>> -> memref<400xi32, #tpu.memory_space<hbm>>
        %dma_start3A_119 = tpu.memref_slice %arg3[%add3A_113] : memref<640000xi32, #tpu.memory_space<hbm>> -> memref<400xi32, #tpu.memory_space<hbm>>
        tpu.enqueue_dma source(%dma_start3A_119 : memref<400xi32, #tpu.memory_space<hbm>>) target(%arg8 : memref<400xi32, #tpu.memory_space<vmem>>) target_semaphore(%arg12 : memref<!tpu.dma_semaphore, #tpu.memory_space<semaphore_mem>>)
      } else {
      }
      %dma_wait3A_81 = arith.constant 0 : i32
      %dma_wait3A_82 = tpu.memref_slice %arg2[%dma_wait3A_81] : memref<81920000xf32, #tpu.memory_space<hbm>> -> memref<51200xf32, #tpu.memory_space<hbm>>
      %dma_wait3A_83 = arith.constant 0 : i32
      %dma_wait3A_84 = tpu.memref_slice %arg2[%dma_wait3A_83] : memref<81920000xf32, #tpu.memory_space<hbm>> -> memref<51200xf32, #tpu.memory_space<hbm>>
      tpu.wait_dma2 semaphore(%arg13 : memref<!tpu.dma_semaphore, #tpu.memory_space<semaphore_mem>>) src(%dma_wait3A_84 : memref<51200xf32, #tpu.memory_space<hbm>>) dst(%arg7 : memref<51200xf32, #tpu.memory_space<vmem>>)
      %dma_wait3A_85 = arith.constant 0 : i32
      %dma_wait3A_86 = tpu.memref_slice %arg3[%dma_wait3A_85] : memref<640000xi32, #tpu.memory_space<hbm>> -> memref<400xi32, #tpu.memory_space<hbm>>
      %dma_wait3A_87 = arith.constant 0 : i32
      %dma_wait3A_88 = tpu.memref_slice %arg3[%dma_wait3A_87] : memref<640000xi32, #tpu.memory_space<hbm>> -> memref<400xi32, #tpu.memory_space<hbm>>
      tpu.wait_dma2 semaphore(%arg13 : memref<!tpu.dma_semaphore, #tpu.memory_space<semaphore_mem>>) src(%dma_wait3A_88 : memref<400xi32, #tpu.memory_space<hbm>>) dst(%arg9 : memref<400xi32, #tpu.memory_space<vmem>>)
      %get3A_89 = arith.constant 0 : index
      %get3A_90 = tpu.vector_load %arg9[%get3A_89] {strides = array<i32>} : memref<400xi32, #tpu.memory_space<vmem>>, vector<16xi32>,
      %get3A_91 = vector.shape_cast %get3A_90 : vector<16xi32> to vector<16xi32>
      %get3A_92 = arith.constant 384 : index
      %get3A_93 = tpu.vector_load %arg9[%get3A_92] {strides = array<i32>} : memref<400xi32, #tpu.memory_space<vmem>>, vector<16xi32>,
      %get3A_94 = vector.shape_cast %get3A_93 : vector<16xi32> to vector<16xi32>
      %slice3A_95 = vector.extract_strided_slice %get3A_91 {offsets = [0], sizes = [1], strides = [1]} : vector<16xi32> to vector<1xi32>
      %squeeze3A_96 = vector.extract %slice3A_95[0] : i32 from vector<1xi32>
      %slice3A_97 = vector.extract_strided_slice %get3A_94 {offsets = [15], sizes = [1], strides = [1]} : vector<16xi32> to vector<1xi32>
      %squeeze3A_98 = vector.extract %slice3A_97[0] : i32 from vector<1xi32>
      %eq3A_99 = arith.cmpi eq, %squeeze3A_96, %squeeze3A_98 : i32
      %convert_element_type3A_100 = arith.extui %eq3A_99 : i1 to i32
      %cond3A_101 = arith.constant 0 : i32
      %cond3A_102 = arith.cmpi ne, %convert_element_type3A_100, %cond3A_101 : i32
      scf.if %cond3A_102 {
        %scan3A_109 = arith.constant 0 : i32
        %scan3A_110 = arith.constant 50 : i32
        %scan3A_111 = arith.addi %scan3A_109, %scan3A_110 : i32
        %scan3A_112 = arith.constant 1 : i32
        %scan3A_113:8 = scf.for %scan3A_173 = %scan3A_109 to %scan3A_111 step %scan3A_112 iter_args(%scan3A_174 = %broadcast_in_dim3A_3, %scan3A_175 = %broadcast_in_dim3A_3, %scan3A_176 = %broadcast_in_dim3A_3, %scan3A_177 = %broadcast_in_dim3A_3, %scan3A_178 = %broadcast_in_dim3A_3, %scan3A_179 = %broadcast_in_dim3A_3, %scan3A_180 = %broadcast_in_dim3A_3, %scan3A_181 = %broadcast_in_dim3A_3) -> (vector<16xf32>, vector<16xf32>, vector<16xf32>, vector<16xf32>, vector<16xf32>, vector<16xf32>, vector<16xf32>, vector<16xf32>)  : i32 {
          %mul3A_182 = arith.constant 8 : i32
          %mul3A_183 = arith.muli %mul3A_182, %scan3A_173 : i32
          %add3A_184 = arith.constant 0 : i32
          %add3A_185 = arith.addi %mul3A_183, %add3A_184 : i32
          %mul3A_186 = arith.constant 128 : i32
          %mul3A_187 = arith.muli %add3A_185, %mul3A_186 : i32
          %add3A_188 = arith.constant 0 : i32
          %add3A_189 = arith.addi %mul3A_187, %add3A_188 : i32
          %get3A_190 = arith.index_cast %add3A_189 : i32 to index
          %get3A_191 = tpu.vector_load %arg7[%get3A_190] {strides = array<i32>} : memref<51200xf32, #tpu.memory_space<vmem>>, vector<16xf32>,
          %get3A_192 = vector.shape_cast %get3A_191 : vector<16xf32> to vector<16xf32>
          %add3A_193 = arith.addf %scan3A_174, %get3A_192 : vector<16xf32>
          %add3A_194 = arith.constant 16 : i32
          %add3A_195 = arith.addi %mul3A_187, %add3A_194 : i32
          %get3A_196 = arith.index_cast %add3A_195 : i32 to index
          %get3A_197 = tpu.vector_load %arg7[%get3A_196] {strides = array<i32>} : memref<51200xf32, #tpu.memory_space<vmem>>, vector<16xf32>,
          %get3A_198 = vector.shape_cast %get3A_197 : vector<16xf32> to vector<16xf32>
          %add3A_199 = arith.addf %scan3A_175, %get3A_198 : vector<16xf32>
          %add3A_200 = arith.constant 32 : i32
          %add3A_201 = arith.addi %mul3A_187, %add3A_200 : i32
          %get3A_202 = arith.index_cast %add3A_201 : i32 to index
          %get3A_203 = tpu.vector_load %arg7[%get3A_202] {strides = array<i32>} : memref<51200xf32, #tpu.memory_space<vmem>>, vector<16xf32>,
          %get3A_204 = vector.shape_cast %get3A_203 : vector<16xf32> to vector<16xf32>
          %add3A_205 = arith.addf %scan3A_176, %get3A_204 : vector<16xf32>
          %add3A_206 = arith.constant 48 : i32
          %add3A_207 = arith.addi %mul3A_187, %add3A_206 : i32
          %get3A_208 = arith.index_cast %add3A_207 : i32 to index
          %get3A_209 = tpu.vector_load %arg7[%get3A_208] {strides = array<i32>} : memref<51200xf32, #tpu.memory_space<vmem>>, vector<16xf32>,
          %get3A_210 = vector.shape_cast %get3A_209 : vector<16xf32> to vector<16xf32>
          %add3A_211 = arith.addf %scan3A_177, %get3A_210 : vector<16xf32>
          %add3A_212 = arith.constant 64 : i32
          %add3A_213 = arith.addi %mul3A_187, %add3A_212 : i32
          %get3A_214 = arith.index_cast %add3A_213 : i32 to index
          %get3A_215 = tpu.vector_load %arg7[%get3A_214] {strides = array<i32>} : memref<51200xf32, #tpu.memory_space<vmem>>, vector<16xf32>,
          %get3A_216 = vector.shape_cast %get3A_215 : vector<16xf32> to vector<16xf32>
          %add3A_217 = arith.addf %scan3A_178, %get3A_216 : vector<16xf32>
          %add3A_218 = arith.constant 80 : i32
          %add3A_219 = arith.addi %mul3A_187, %add3A_218 : i32
          %get3A_220 = arith.index_cast %add3A_219 : i32 to index
          %get3A_221 = tpu.vector_load %arg7[%get3A_220] {strides = array<i32>} : memref<51200xf32, #tpu.memory_space<vmem>>, vector<16xf32>,
          %get3A_222 = vector.shape_cast %get3A_221 : vector<16xf32> to vector<16xf32>
          %add3A_223 = arith.addf %scan3A_179, %get3A_222 : vector<16xf32>
          %add3A_224 = arith.constant 96 : i32
          %add3A_225 = arith.addi %mul3A_187, %add3A_224 : i32
          %get3A_226 = arith.index_cast %add3A_225 : i32 to index
          %get3A_227 = tpu.vector_load %arg7[%get3A_226] {strides = array<i32>} : memref<51200xf32, #tpu.memory_space<vmem>>, vector<16xf32>,
          %get3A_228 = vector.shape_cast %get3A_227 : vector<16xf32> to vector<16xf32>
          %add3A_229 = arith.addf %scan3A_180, %get3A_228 : vector<16xf32>
          %add3A_230 = arith.constant 112 : i32
          %add3A_231 = arith.addi %mul3A_187, %add3A_230 : i32
          %get3A_232 = arith.index_cast %add3A_231 : i32 to index
          %get3A_233 = tpu.vector_load %arg7[%get3A_232] {strides = array<i32>} : memref<51200xf32, #tpu.memory_space<vmem>>, vector<16xf32>,
          %get3A_234 = vector.shape_cast %get3A_233 : vector<16xf32> to vector<16xf32>
          %add3A_235 = arith.addf %scan3A_181, %get3A_234 : vector<16xf32>
          %mul3A_236 = arith.constant 8 : i32
          %mul3A_237 = arith.muli %mul3A_236, %scan3A_173 : i32
          %add3A_238 = arith.constant 1 : i32
          %add3A_239 = arith.addi %mul3A_237, %add3A_238 : i32
          %mul3A_240 = arith.constant 128 : i32
          %mul3A_241 = arith.muli %add3A_239, %mul3A_240 : i32
          %add3A_242 = arith.constant 0 : i32
          %add3A_243 = arith.addi %mul3A_241, %add3A_242 : i32
          %get3A_244 = arith.index_cast %add3A_243 : i32 to index
          %get3A_245 = tpu.vector_load %arg7[%get3A_244] {strides = array<i32>} : memref<51200xf32, #tpu.memory_space<vmem>>, vector<16xf32>,
          %get3A_246 = vector.shape_cast %get3A_245 : vector<16xf32> to vector<16xf32>
          %add3A_247 = arith.addf %add3A_193, %get3A_246 : vector<16xf32>
          %add3A_248 = arith.constant 16 : i32
          %add3A_249 = arith.addi %mul3A_241, %add3A_248 : i32
          %get3A_250 = arith.index_cast %add3A_249 : i32 to index
          %get3A_251 = tpu.vector_load %arg7[%get3A_250] {strides = array<i32>} : memref<51200xf32, #tpu.memory_space<vmem>>, vector<16xf32>,
          %get3A_252 = vector.shape_cast %get3A_251 : vector<16xf32> to vector<16xf32>
          %add3A_253 = arith.addf %add3A_199, %get3A_252 : vector<16xf32>
          %add3A_254 = arith.constant 32 : i32
          %add3A_255 = arith.addi %mul3A_241, %add3A_254 : i32
          %get3A_256 = arith.index_cast %add3A_255 : i32 to index
          %get3A_257 = tpu.vector_load %arg7[%get3A_256] {strides = array<i32>} : memref<51200xf32, #tpu.memory_space<vmem>>, vector<16xf32>,
          %get3A_258 = vector.shape_cast %get3A_257 : vector<16xf32> to vector<16xf32>
          %add3A_259 = arith.addf %add3A_205, %get3A_258 : vector<16xf32>
          %add3A_260 = arith.constant 48 : i32
          %add3A_261 = arith.addi %mul3A_241, %add3A_260 : i32
          %get3A_262 = arith.index_cast %add3A_261 : i32 to index
          %get3A_263 = tpu.vector_load %arg7[%get3A_262] {strides = array<i32>} : memref<51200xf32, #tpu.memory_space<vmem>>, vector<16xf32>,
          %get3A_264 = vector.shape_cast %get3A_263 : vector<16xf32> to vector<16xf32>
          %add3A_265 = arith.addf %add3A_211, %get3A_264 : vector<16xf32>
          %add3A_266 = arith.constant 64 : i32
          %add3A_267 = arith.addi %mul3A_241, %add3A_266 : i32
          %get3A_268 = arith.index_cast %add3A_267 : i32 to index
          %get3A_269 = tpu.vector_load %arg7[%get3A_268] {strides = array<i32>} : memref<51200xf32, #tpu.memory_space<vmem>>, vector<16xf32>,
          %get3A_270 = vector.shape_cast %get3A_269 : vector<16xf32> to vector<16xf32>
          %add3A_271 = arith.addf %add3A_217, %get3A_270 : vector<16xf32>
          %add3A_272 = arith.constant 80 : i32
          %add3A_273 = arith.addi %mul3A_241, %add3A_272 : i32
          %get3A_274 = arith.index_cast %add3A_273 : i32 to index
          %get3A_275 = tpu.vector_load %arg7[%get3A_274] {strides = array<i32>} : memref<51200xf32, #tpu.memory_space<vmem>>, vector<16xf32>,
          %get3A_276 = vector.shape_cast %get3A_275 : vector<16xf32> to vector<16xf32>
          %add3A_277 = arith.addf %add3A_223, %get3A_276 : vector<16xf32>
          %add3A_278 = arith.constant 96 : i32
          %add3A_279 = arith.addi %mul3A_241, %add3A_278 : i32
          %get3A_280 = arith.index_cast %add3A_279 : i32 to index
          %get3A_281 = tpu.vector_load %arg7[%get3A_280] {strides = array<i32>} : memref<51200xf32, #tpu.memory_space<vmem>>, vector<16xf32>,
          %get3A_282 = vector.shape_cast %get3A_281 : vector<16xf32> to vector<16xf32>
          %add3A_283 = arith.addf %add3A_229, %get3A_282 : vector<16xf32>
          %add3A_284 = arith.constant 112 : i32
          %add3A_285 = arith.addi %mul3A_241, %add3A_284 : i32
          %get3A_286 = arith.index_cast %add3A_285 : i32 to index
          %get3A_287 = tpu.vector_load %arg7[%get3A_286] {strides = array<i32>} : memref<51200xf32, #tpu.memory_space<vmem>>, vector<16xf32>,
          %get3A_288 = vector.shape_cast %get3A_287 : vector<16xf32> to vector<16xf32>
          %add3A_289 = arith.addf %add3A_235, %get3A_288 : vector<16xf32>
          %mul3A_290 = arith.constant 8 : i32
          %mul3A_291 = arith.muli %mul3A_290, %scan3A_173 : i32
          %add3A_292 = arith.constant 2 : i32
          %add3A_293 = arith.addi %mul3A_291, %add3A_292 : i32
          %mul3A_294 = arith.constant 128 : i32
          %mul3A_295 = arith.muli %add3A_293, %mul3A_294 : i32
          %add3A_296 = arith.constant 0 : i32
          %add3A_297 = arith.addi %mul3A_295, %add3A_296 : i32
          %get3A_298 = arith.index_cast %add3A_297 : i32 to index
          %get3A_299 = tpu.vector_load %arg7[%get3A_298] {strides = array<i32>} : memref<51200xf32, #tpu.memory_space<vmem>>, vector<16xf32>,
          %get3A_300 = vector.shape_cast %get3A_299 : vector<16xf32> to vector<16xf32>
          %add3A_301 = arith.addf %add3A_247, %get3A_300 : vector<16xf32>
          %add3A_302 = arith.constant 16 : i32
          %add3A_303 = arith.addi %mul3A_295, %add3A_302 : i32
          %get3A_304 = arith.index_cast %add3A_303 : i32 to index
          %get3A_305 = tpu.vector_load %arg7[%get3A_304] {strides = array<i32>} : memref<51200xf32, #tpu.memory_space<vmem>>, vector<16xf32>,
          %get3A_306 = vector.shape_cast %get3A_305 : vector<16xf32> to vector<16xf32>
          %add3A_307 = arith.addf %add3A_253, %get3A_306 : vector<16xf32>
          %add3A_308 = arith.constant 32 : i32
          %add3A_309 = arith.addi %mul3A_295, %add3A_308 : i32
          %get3A_310 = arith.index_cast %add3A_309 : i32 to index
          %get3A_311 = tpu.vector_load %arg7[%get3A_310] {strides = array<i32>} : memref<51200xf32, #tpu.memory_space<vmem>>, vector<16xf32>,
          %get3A_312 = vector.shape_cast %get3A_311 : vector<16xf32> to vector<16xf32>
          %add3A_313 = arith.addf %add3A_259, %get3A_312 : vector<16xf32>
          %add3A_314 = arith.constant 48 : i32
          %add3A_315 = arith.addi %mul3A_295, %add3A_314 : i32
          %get3A_316 = arith.index_cast %add3A_315 : i32 to index
          %get3A_317 = tpu.vector_load %arg7[%get3A_316] {strides = array<i32>} : memref<51200xf32, #tpu.memory_space<vmem>>, vector<16xf32>,
          %get3A_318 = vector.shape_cast %get3A_317 : vector<16xf32> to vector<16xf32>
          %add3A_319 = arith.addf %add3A_265, %get3A_318 : vector<16xf32>
          %add3A_320 = arith.constant 64 : i32
          %add3A_321 = arith.addi %mul3A_295, %add3A_320 : i32
          %get3A_322 = arith.index_cast %add3A_321 : i32 to index
          %get3A_323 = tpu.vector_load %arg7[%get3A_322] {strides = array<i32>} : memref<51200xf32, #tpu.memory_space<vmem>>, vector<16xf32>,
          %get3A_324 = vector.shape_cast %get3A_323 : vector<16xf32> to vector<16xf32>
          %add3A_325 = arith.addf %add3A_271, %get3A_324 : vector<16xf32>
          %add3A_326 = arith.constant 80 : i32
          %add3A_327 = arith.addi %mul3A_295, %add3A_326 : i32
          %get3A_328 = arith.index_cast %add3A_327 : i32 to index
          %get3A_329 = tpu.vector_load %arg7[%get3A_328] {strides = array<i32>} : memref<51200xf32, #tpu.memory_space<vmem>>, vector<16xf32>,
          %get3A_330 = vector.shape_cast %get3A_329 : vector<16xf32> to vector<16xf32>
          %add3A_331 = arith.addf %add3A_277, %get3A_330 : vector<16xf32>
          %add3A_332 = arith.constant 96 : i32
          %add3A_333 = arith.addi %mul3A_295, %add3A_332 : i32
          %get3A_334 = arith.index_cast %add3A_333 : i32 to index
          %get3A_335 = tpu.vector_load %arg7[%get3A_334] {strides = array<i32>} : memref<51200xf32, #tpu.memory_space<vmem>>, vector<16xf32>,
          %get3A_336 = vector.shape_cast %get3A_335 : vector<16xf32> to vector<16xf32>
          %add3A_337 = arith.addf %add3A_283, %get3A_336 : vector<16xf32>
          %add3A_338 = arith.constant 112 : i32
          %add3A_339 = arith.addi %mul3A_295, %add3A_338 : i32
          %get3A_340 = arith.index_cast %add3A_339 : i32 to index
          %get3A_341 = tpu.vector_load %arg7[%get3A_340] {strides = array<i32>} : memref<51200xf32, #tpu.memory_space<vmem>>, vector<16xf32>,
          %get3A_342 = vector.shape_cast %get3A_341 : vector<16xf32> to vector<16xf32>
          %add3A_343 = arith.addf %add3A_289, %get3A_342 : vector<16xf32>
          %mul3A_344 = arith.constant 8 : i32
          %mul3A_345 = arith.muli %mul3A_344, %scan3A_173 : i32
          %add3A_346 = arith.constant 3 : i32
          %add3A_347 = arith.addi %mul3A_345, %add3A_346 : i32
          %mul3A_348 = arith.constant 128 : i32
          %mul3A_349 = arith.muli %add3A_347, %mul3A_348 : i32
          %add3A_350 = arith.constant 0 : i32
          %add3A_351 = arith.addi %mul3A_349, %add3A_350 : i32
          %get3A_352 = arith.index_cast %add3A_351 : i32 to index
          %get3A_353 = tpu.vector_load %arg7[%get3A_352] {strides = array<i32>} : memref<51200xf32, #tpu.memory_space<vmem>>, vector<16xf32>,
          %get3A_354 = vector.shape_cast %get3A_353 : vector<16xf32> to vector<16xf32>
          %add3A_355 = arith.addf %add3A_301, %get3A_354 : vector<16xf32>
          %add3A_356 = arith.constant 16 : i32
          %add3A_357 = arith.addi %mul3A_349, %add3A_356 : i32
          %get3A_358 = arith.index_cast %add3A_357 : i32 to index
          %get3A_359 = tpu.vector_load %arg7[%get3A_358] {strides = array<i32>} : memref<51200xf32, #tpu.memory_space<vmem>>, vector<16xf32>,
          %get3A_360 = vector.shape_cast %get3A_359 : vector<16xf32> to vector<16xf32>
          %add3A_361 = arith.addf %add3A_307, %get3A_360 : vector<16xf32>
          %add3A_362 = arith.constant 32 : i32
          %add3A_363 = arith.addi %mul3A_349, %add3A_362 : i32
          %get3A_364 = arith.index_cast %add3A_363 : i32 to index
          %get3A_365 = tpu.vector_load %arg7[%get3A_364] {strides = array<i32>} : memref<51200xf32, #tpu.memory_space<vmem>>, vector<16xf32>,
          %get3A_366 = vector.shape_cast %get3A_365 : vector<16xf32> to vector<16xf32>
          %add3A_367 = arith.addf %add3A_313, %get3A_366 : vector<16xf32>
          %add3A_368 = arith.constant 48 : i32
          %add3A_369 = arith.addi %mul3A_349, %add3A_368 : i32
          %get3A_370 = arith.index_cast %add3A_369 : i32 to index
          %get3A_371 = tpu.vector_load %arg7[%get3A_370] {strides = array<i32>} : memref<51200xf32, #tpu.memory_space<vmem>>, vector<16xf32>,
          %get3A_372 = vector.shape_cast %get3A_371 : vector<16xf32> to vector<16xf32>
          %add3A_373 = arith.addf %add3A_319, %get3A_372 : vector<16xf32>
          %add3A_374 = arith.constant 64 : i32
          %add3A_375 = arith.addi %mul3A_349, %add3A_374 : i32
          %get3A_376 = arith.index_cast %add3A_375 : i32 to index
          %get3A_377 = tpu.vector_load %arg7[%get3A_376] {strides = array<i32>} : memref<51200xf32, #tpu.memory_space<vmem>>, vector<16xf32>,
          %get3A_378 = vector.shape_cast %get3A_377 : vector<16xf32> to vector<16xf32>
          %add3A_379 = arith.addf %add3A_325, %get3A_378 : vector<16xf32>
          %add3A_380 = arith.constant 80 : i32
          %add3A_381 = arith.addi %mul3A_349, %add3A_380 : i32
          %get3A_382 = arith.index_cast %add3A_381 : i32 to index
          %get3A_383 = tpu.vector_load %arg7[%get3A_382] {strides = array<i32>} : memref<51200xf32, #tpu.memory_space<vmem>>, vector<16xf32>,
          %get3A_384 = vector.shape_cast %get3A_383 : vector<16xf32> to vector<16xf32>
          %add3A_385 = arith.addf %add3A_331, %get3A_384 : vector<16xf32>
          %add3A_386 = arith.constant 96 : i32
          %add3A_387 = arith.addi %mul3A_349, %add3A_386 : i32
          %get3A_388 = arith.index_cast %add3A_387 : i32 to index
          %get3A_389 = tpu.vector_load %arg7[%get3A_388] {strides = array<i32>} : memref<51200xf32, #tpu.memory_space<vmem>>, vector<16xf32>,
          %get3A_390 = vector.shape_cast %get3A_389 : vector<16xf32> to vector<16xf32>
          %add3A_391 = arith.addf %add3A_337, %get3A_390 : vector<16xf32>
          %add3A_392 = arith.constant 112 : i32
          %add3A_393 = arith.addi %mul3A_349, %add3A_392 : i32
          %get3A_394 = arith.index_cast %add3A_393 : i32 to index
          %get3A_395 = tpu.vector_load %arg7[%get3A_394] {strides = array<i32>} : memref<51200xf32, #tpu.memory_space<vmem>>, vector<16xf32>,
          %get3A_396 = vector.shape_cast %get3A_395 : vector<16xf32> to vector<16xf32>
          %add3A_397 = arith.addf %add3A_343, %get3A_396 : vector<16xf32>
          %mul3A_398 = arith.constant 8 : i32
          %mul3A_399 = arith.muli %mul3A_398, %scan3A_173 : i32
          %add3A_400 = arith.constant 4 : i32
          %add3A_401 = arith.addi %mul3A_399, %add3A_400 : i32
          %mul3A_402 = arith.constant 128 : i32
          %mul3A_403 = arith.muli %add3A_401, %mul3A_402 : i32
          %add3A_404 = arith.constant 0 : i32
          %add3A_405 = arith.addi %mul3A_403, %add3A_404 : i32
          %get3A_406 = arith.index_cast %add3A_405 : i32 to index
          %get3A_407 = tpu.vector_load %arg7[%get3A_406] {strides = array<i32>} : memref<51200xf32, #tpu.memory_space<vmem>>, vector<16xf32>,
          %get3A_408 = vector.shape_cast %get3A_407 : vector<16xf32> to vector<16xf32>
          %add3A_409 = arith.addf %add3A_355, %get3A_408 : vector<16xf32>
          %add3A_410 = arith.constant 16 : i32
          %add3A_411 = arith.addi %mul3A_403, %add3A_410 : i32
          %get3A_412 = arith.index_cast %add3A_411 : i32 to index
          %get3A_413 = tpu.vector_load %arg7[%get3A_412] {strides = array<i32>} : memref<51200xf32, #tpu.memory_space<vmem>>, vector<16xf32>,
          %get3A_414 = vector.shape_cast %get3A_413 : vector<16xf32> to vector<16xf32>
          %add3A_415 = arith.addf %add3A_361, %get3A_414 : vector<16xf32>
          %add3A_416 = arith.constant 32 : i32
          %add3A_417 = arith.addi %mul3A_403, %add3A_416 : i32
          %get3A_418 = arith.index_cast %add3A_417 : i32 to index
          %get3A_419 = tpu.vector_load %arg7[%get3A_418] {strides = array<i32>} : memref<51200xf32, #tpu.memory_space<vmem>>, vector<16xf32>,
          %get3A_420 = vector.shape_cast %get3A_419 : vector<16xf32> to vector<16xf32>
          %add3A_421 = arith.addf %add3A_367, %get3A_420 : vector<16xf32>
          %add3A_422 = arith.constant 48 : i32
          %add3A_423 = arith.addi %mul3A_403, %add3A_422 : i32
          %get3A_424 = arith.index_cast %add3A_423 : i32 to index
          %get3A_425 = tpu.vector_load %arg7[%get3A_424] {strides = array<i32>} : memref<51200xf32, #tpu.memory_space<vmem>>, vector<16xf32>,
          %get3A_426 = vector.shape_cast %get3A_425 : vector<16xf32> to vector<16xf32>
          %add3A_427 = arith.addf %add3A_373, %get3A_426 : vector<16xf32>
          %add3A_428 = arith.constant 64 : i32
          %add3A_429 = arith.addi %mul3A_403, %add3A_428 : i32
          %get3A_430 = arith.index_cast %add3A_429 : i32 to index
          %get3A_431 = tpu.vector_load %arg7[%get3A_430] {strides = array<i32>} : memref<51200xf32, #tpu.memory_space<vmem>>, vector<16xf32>,
          %get3A_432 = vector.shape_cast %get3A_431 : vector<16xf32> to vector<16xf32>
          %add3A_433 = arith.addf %add3A_379, %get3A_432 : vector<16xf32>
          %add3A_434 = arith.constant 80 : i32
          %add3A_435 = arith.addi %mul3A_403, %add3A_434 : i32
          %get3A_436 = arith.index_cast %add3A_435 : i32 to index
          %get3A_437 = tpu.vector_load %arg7[%get3A_436] {strides = array<i32>} : memref<51200xf32, #tpu.memory_space<vmem>>, vector<16xf32>,
          %get3A_438 = vector.shape_cast %get3A_437 : vector<16xf32> to vector<16xf32>
          %add3A_439 = arith.addf %add3A_385, %get3A_438 : vector<16xf32>
          %add3A_440 = arith.constant 96 : i32
          %add3A_441 = arith.addi %mul3A_403, %add3A_440 : i32
          %get3A_442 = arith.index_cast %add3A_441 : i32 to index
          %get3A_443 = tpu.vector_load %arg7[%get3A_442] {strides = array<i32>} : memref<51200xf32, #tpu.memory_space<vmem>>, vector<16xf32>,
          %get3A_444 = vector.shape_cast %get3A_443 : vector<16xf32> to vector<16xf32>
          %add3A_445 = arith.addf %add3A_391, %get3A_444 : vector<16xf32>
          %add3A_446 = arith.constant 112 : i32
          %add3A_447 = arith.addi %mul3A_403, %add3A_446 : i32
          %get3A_448 = arith.index_cast %add3A_447 : i32 to index
          %get3A_449 = tpu.vector_load %arg7[%get3A_448] {strides = array<i32>} : memref<51200xf32, #tpu.memory_space<vmem>>, vector<16xf32>,
          %get3A_450 = vector.shape_cast %get3A_449 : vector<16xf32> to vector<16xf32>
          %add3A_451 = arith.addf %add3A_397, %get3A_450 : vector<16xf32>
          %mul3A_452 = arith.constant 8 : i32
          %mul3A_453 = arith.muli %mul3A_452, %scan3A_173 : i32
          %add3A_454 = arith.constant 5 : i32
          %add3A_455 = arith.addi %mul3A_453, %add3A_454 : i32
          %mul3A_456 = arith.constant 128 : i32
          %mul3A_457 = arith.muli %add3A_455, %mul3A_456 : i32
          %add3A_458 = arith.constant 0 : i32
          %add3A_459 = arith.addi %mul3A_457, %add3A_458 : i32
          %get3A_460 = arith.index_cast %add3A_459 : i32 to index
          %get3A_461 = tpu.vector_load %arg7[%get3A_460] {strides = array<i32>} : memref<51200xf32, #tpu.memory_space<vmem>>, vector<16xf32>,
          %get3A_462 = vector.shape_cast %get3A_461 : vector<16xf32> to vector<16xf32>
          %add3A_463 = arith.addf %add3A_409, %get3A_462 : vector<16xf32>
          %add3A_464 = arith.constant 16 : i32
          %add3A_465 = arith.addi %mul3A_457, %add3A_464 : i32
          %get3A_466 = arith.index_cast %add3A_465 : i32 to index
          %get3A_467 = tpu.vector_load %arg7[%get3A_466] {strides = array<i32>} : memref<51200xf32, #tpu.memory_space<vmem>>, vector<16xf32>,
          %get3A_468 = vector.shape_cast %get3A_467 : vector<16xf32> to vector<16xf32>
          %add3A_469 = arith.addf %add3A_415, %get3A_468 : vector<16xf32>
          %add3A_470 = arith.constant 32 : i32
          %add3A_471 = arith.addi %mul3A_457, %add3A_470 : i32
          %get3A_472 = arith.index_cast %add3A_471 : i32 to index
          %get3A_473 = tpu.vector_load %arg7[%get3A_472] {strides = array<i32>} : memref<51200xf32, #tpu.memory_space<vmem>>, vector<16xf32>,
          %get3A_474 = vector.shape_cast %get3A_473 : vector<16xf32> to vector<16xf32>
          %add3A_475 = arith.addf %add3A_421, %get3A_474 : vector<16xf32>
          %add3A_476 = arith.constant 48 : i32
          %add3A_477 = arith.addi %mul3A_457, %add3A_476 : i32
          %get3A_478 = arith.index_cast %add3A_477 : i32 to index
          %get3A_479 = tpu.vector_load %arg7[%get3A_478] {strides = array<i32>} : memref<51200xf32, #tpu.memory_space<vmem>>, vector<16xf32>,
          %get3A_480 = vector.shape_cast %get3A_479 : vector<16xf32> to vector<16xf32>
          %add3A_481 = arith.addf %add3A_427, %get3A_480 : vector<16xf32>
          %add3A_482 = arith.constant 64 : i32
          %add3A_483 = arith.addi %mul3A_457, %add3A_482 : i32
          %get3A_484 = arith.index_cast %add3A_483 : i32 to index
          %get3A_485 = tpu.vector_load %arg7[%get3A_484] {strides = array<i32>} : memref<51200xf32, #tpu.memory_space<vmem>>, vector<16xf32>,
          %get3A_486 = vector.shape_cast %get3A_485 : vector<16xf32> to vector<16xf32>
          %add3A_487 = arith.addf %add3A_433, %get3A_486 : vector<16xf32>
          %add3A_488 = arith.constant 80 : i32
          %add3A_489 = arith.addi %mul3A_457, %add3A_488 : i32
          %get3A_490 = arith.index_cast %add3A_489 : i32 to index
          %get3A_491 = tpu.vector_load %arg7[%get3A_490] {strides = array<i32>} : memref<51200xf32, #tpu.memory_space<vmem>>, vector<16xf32>,
          %get3A_492 = vector.shape_cast %get3A_491 : vector<16xf32> to vector<16xf32>
          %add3A_493 = arith.addf %add3A_439, %get3A_492 : vector<16xf32>
          %add3A_494 = arith.constant 96 : i32
          %add3A_495 = arith.addi %mul3A_457, %add3A_494 : i32
          %get3A_496 = arith.index_cast %add3A_495 : i32 to index
          %get3A_497 = tpu.vector_load %arg7[%get3A_496] {strides = array<i32>} : memref<51200xf32, #tpu.memory_space<vmem>>, vector<16xf32>,
          %get3A_498 = vector.shape_cast %get3A_497 : vector<16xf32> to vector<16xf32>
          %add3A_499 = arith.addf %add3A_445, %get3A_498 : vector<16xf32>
          %add3A_500 = arith.constant 112 : i32
          %add3A_501 = arith.addi %mul3A_457, %add3A_500 : i32
          %get3A_502 = arith.index_cast %add3A_501 : i32 to index
          %get3A_503 = tpu.vector_load %arg7[%get3A_502] {strides = array<i32>} : memref<51200xf32, #tpu.memory_space<vmem>>, vector<16xf32>,
          %get3A_504 = vector.shape_cast %get3A_503 : vector<16xf32> to vector<16xf32>
          %add3A_505 = arith.addf %add3A_451, %get3A_504 : vector<16xf32>
          %mul3A_506 = arith.constant 8 : i32
          %mul3A_507 = arith.muli %mul3A_506, %scan3A_173 : i32
          %add3A_508 = arith.constant 6 : i32
          %add3A_509 = arith.addi %mul3A_507, %add3A_508 : i32
          %mul3A_510 = arith.constant 128 : i32
          %mul3A_511 = arith.muli %add3A_509, %mul3A_510 : i32
          %add3A_512 = arith.constant 0 : i32
          %add3A_513 = arith.addi %mul3A_511, %add3A_512 : i32
          %get3A_514 = arith.index_cast %add3A_513 : i32 to index
          %get3A_515 = tpu.vector_load %arg7[%get3A_514] {strides = array<i32>} : memref<51200xf32, #tpu.memory_space<vmem>>, vector<16xf32>,
          %get3A_516 = vector.shape_cast %get3A_515 : vector<16xf32> to vector<16xf32>
          %add3A_517 = arith.addf %add3A_463, %get3A_516 : vector<16xf32>
          %add3A_518 = arith.constant 16 : i32
          %add3A_519 = arith.addi %mul3A_511, %add3A_518 : i32
          %get3A_520 = arith.index_cast %add3A_519 : i32 to index
          %get3A_521 = tpu.vector_load %arg7[%get3A_520] {strides = array<i32>} : memref<51200xf32, #tpu.memory_space<vmem>>, vector<16xf32>,
          %get3A_522 = vector.shape_cast %get3A_521 : vector<16xf32> to vector<16xf32>
          %add3A_523 = arith.addf %add3A_469, %get3A_522 : vector<16xf32>
          %add3A_524 = arith.constant 32 : i32
          %add3A_525 = arith.addi %mul3A_511, %add3A_524 : i32
          %get3A_526 = arith.index_cast %add3A_525 : i32 to index
          %get3A_527 = tpu.vector_load %arg7[%get3A_526] {strides = array<i32>} : memref<51200xf32, #tpu.memory_space<vmem>>, vector<16xf32>,
          %get3A_528 = vector.shape_cast %get3A_527 : vector<16xf32> to vector<16xf32>
          %add3A_529 = arith.addf %add3A_475, %get3A_528 : vector<16xf32>
          %add3A_530 = arith.constant 48 : i32
          %add3A_531 = arith.addi %mul3A_511, %add3A_530 : i32
          %get3A_532 = arith.index_cast %add3A_531 : i32 to index
          %get3A_533 = tpu.vector_load %arg7[%get3A_532] {strides = array<i32>} : memref<51200xf32, #tpu.memory_space<vmem>>, vector<16xf32>,
          %get3A_534 = vector.shape_cast %get3A_533 : vector<16xf32> to vector<16xf32>
          %add3A_535 = arith.addf %add3A_481, %get3A_534 : vector<16xf32>
          %add3A_536 = arith.constant 64 : i32
          %add3A_537 = arith.addi %mul3A_511, %add3A_536 : i32
          %get3A_538 = arith.index_cast %add3A_537 : i32 to index
          %get3A_539 = tpu.vector_load %arg7[%get3A_538] {strides = array<i32>} : memref<51200xf32, #tpu.memory_space<vmem>>, vector<16xf32>,
          %get3A_540 = vector.shape_cast %get3A_539 : vector<16xf32> to vector<16xf32>
          %add3A_541 = arith.addf %add3A_487, %get3A_540 : vector<16xf32>
          %add3A_542 = arith.constant 80 : i32
          %add3A_543 = arith.addi %mul3A_511, %add3A_542 : i32
          %get3A_544 = arith.index_cast %add3A_543 : i32 to index
          %get3A_545 = tpu.vector_load %arg7[%get3A_544] {strides = array<i32>} : memref<51200xf32, #tpu.memory_space<vmem>>, vector<16xf32>,
          %get3A_546 = vector.shape_cast %get3A_545 : vector<16xf32> to vector<16xf32>
          %add3A_547 = arith.addf %add3A_493, %get3A_546 : vector<16xf32>
          %add3A_548 = arith.constant 96 : i32
          %add3A_549 = arith.addi %mul3A_511, %add3A_548 : i32
          %get3A_550 = arith.index_cast %add3A_549 : i32 to index
          %get3A_551 = tpu.vector_load %arg7[%get3A_550] {strides = array<i32>} : memref<51200xf32, #tpu.memory_space<vmem>>, vector<16xf32>,
          %get3A_552 = vector.shape_cast %get3A_551 : vector<16xf32> to vector<16xf32>
          %add3A_553 = arith.addf %add3A_499, %get3A_552 : vector<16xf32>
          %add3A_554 = arith.constant 112 : i32
          %add3A_555 = arith.addi %mul3A_511, %add3A_554 : i32
          %get3A_556 = arith.index_cast %add3A_555 : i32 to index
          %get3A_557 = tpu.vector_load %arg7[%get3A_556] {strides = array<i32>} : memref<51200xf32, #tpu.memory_space<vmem>>, vector<16xf32>,
          %get3A_558 = vector.shape_cast %get3A_557 : vector<16xf32> to vector<16xf32>
          %add3A_559 = arith.addf %add3A_505, %get3A_558 : vector<16xf32>
          %mul3A_560 = arith.constant 8 : i32
          %mul3A_561 = arith.muli %mul3A_560, %scan3A_173 : i32
          %add3A_562 = arith.constant 7 : i32
          %add3A_563 = arith.addi %mul3A_561, %add3A_562 : i32
          %mul3A_564 = arith.constant 128 : i32
          %mul3A_565 = arith.muli %add3A_563, %mul3A_564 : i32
          %add3A_566 = arith.constant 0 : i32
          %add3A_567 = arith.addi %mul3A_565, %add3A_566 : i32
          %get3A_568 = arith.index_cast %add3A_567 : i32 to index
          %get3A_569 = tpu.vector_load %arg7[%get3A_568] {strides = array<i32>} : memref<51200xf32, #tpu.memory_space<vmem>>, vector<16xf32>,
          %get3A_570 = vector.shape_cast %get3A_569 : vector<16xf32> to vector<16xf32>
          %add3A_571 = arith.addf %add3A_517, %get3A_570 : vector<16xf32>
          %add3A_572 = arith.constant 16 : i32
          %add3A_573 = arith.addi %mul3A_565, %add3A_572 : i32
          %get3A_574 = arith.index_cast %add3A_573 : i32 to index
          %get3A_575 = tpu.vector_load %arg7[%get3A_574] {strides = array<i32>} : memref<51200xf32, #tpu.memory_space<vmem>>, vector<16xf32>,
          %get3A_576 = vector.shape_cast %get3A_575 : vector<16xf32> to vector<16xf32>
          %add3A_577 = arith.addf %add3A_523, %get3A_576 : vector<16xf32>
          %add3A_578 = arith.constant 32 : i32
          %add3A_579 = arith.addi %mul3A_565, %add3A_578 : i32
          %get3A_580 = arith.index_cast %add3A_579 : i32 to index
          %get3A_581 = tpu.vector_load %arg7[%get3A_580] {strides = array<i32>} : memref<51200xf32, #tpu.memory_space<vmem>>, vector<16xf32>,
          %get3A_582 = vector.shape_cast %get3A_581 : vector<16xf32> to vector<16xf32>
          %add3A_583 = arith.addf %add3A_529, %get3A_582 : vector<16xf32>
          %add3A_584 = arith.constant 48 : i32
          %add3A_585 = arith.addi %mul3A_565, %add3A_584 : i32
          %get3A_586 = arith.index_cast %add3A_585 : i32 to index
          %get3A_587 = tpu.vector_load %arg7[%get3A_586] {strides = array<i32>} : memref<51200xf32, #tpu.memory_space<vmem>>, vector<16xf32>,
          %get3A_588 = vector.shape_cast %get3A_587 : vector<16xf32> to vector<16xf32>
          %add3A_589 = arith.addf %add3A_535, %get3A_588 : vector<16xf32>
          %add3A_590 = arith.constant 64 : i32
          %add3A_591 = arith.addi %mul3A_565, %add3A_590 : i32
          %get3A_592 = arith.index_cast %add3A_591 : i32 to index
          %get3A_593 = tpu.vector_load %arg7[%get3A_592] {strides = array<i32>} : memref<51200xf32, #tpu.memory_space<vmem>>, vector<16xf32>,
          %get3A_594 = vector.shape_cast %get3A_593 : vector<16xf32> to vector<16xf32>
          %add3A_595 = arith.addf %add3A_541, %get3A_594 : vector<16xf32>
          %add3A_596 = arith.constant 80 : i32
          %add3A_597 = arith.addi %mul3A_565, %add3A_596 : i32
          %get3A_598 = arith.index_cast %add3A_597 : i32 to index
          %get3A_599 = tpu.vector_load %arg7[%get3A_598] {strides = array<i32>} : memref<51200xf32, #tpu.memory_space<vmem>>, vector<16xf32>,
          %get3A_600 = vector.shape_cast %get3A_599 : vector<16xf32> to vector<16xf32>
          %add3A_601 = arith.addf %add3A_547, %get3A_600 : vector<16xf32>
          %add3A_602 = arith.constant 96 : i32
          %add3A_603 = arith.addi %mul3A_565, %add3A_602 : i32
          %get3A_604 = arith.index_cast %add3A_603 : i32 to index
          %get3A_605 = tpu.vector_load %arg7[%get3A_604] {strides = array<i32>} : memref<51200xf32, #tpu.memory_space<vmem>>, vector<16xf32>,
          %get3A_606 = vector.shape_cast %get3A_605 : vector<16xf32> to vector<16xf32>
          %add3A_607 = arith.addf %add3A_553, %get3A_606 : vector<16xf32>
          %add3A_608 = arith.constant 112 : i32
          %add3A_609 = arith.addi %mul3A_565, %add3A_608 : i32
          %get3A_610 = arith.index_cast %add3A_609 : i32 to index
          %get3A_611 = tpu.vector_load %arg7[%get3A_610] {strides = array<i32>} : memref<51200xf32, #tpu.memory_space<vmem>>, vector<16xf32>,
          %get3A_612 = vector.shape_cast %get3A_611 : vector<16xf32> to vector<16xf32>
          %add3A_613 = arith.addf %add3A_559, %get3A_612 : vector<16xf32>
          scf.yield %add3A_571, %add3A_577, %add3A_583, %add3A_589, %add3A_595, %add3A_601, %add3A_607, %add3A_613 : vector<16xf32>, vector<16xf32>, vector<16xf32>, vector<16xf32>, vector<16xf32>, vector<16xf32>, vector<16xf32>, vector<16xf32>
        }
        %scan3A_114 = arith.constant 50 : i32
        %mul3A_115 = arith.constant 128 : i32
        %mul3A_116 = arith.muli %squeeze3A_96, %mul3A_115 : i32
        %add3A_117 = arith.constant 0 : i32
        %add3A_118 = arith.addi %mul3A_116, %add3A_117 : i32
        %swap3A = arith.index_cast %add3A_118 : i32 to index
        %swap3A_119 = tpu.vector_load %arg10[%swap3A] {strides = array<i32>} : memref<8192xf32, #tpu.memory_space<vmem>>, vector<16xf32>,
        %swap3A_120 = vector.shape_cast %swap3A_119 : vector<16xf32> to vector<16xf32>
        %swap3A_121 = vector.shape_cast %scan3A_113#0 : vector<16xf32> to vector<16xf32>
        tpu.vector_store %arg10[%swap3A], %swap3A_121 {add = true, strides = array<i32>} : memref<8192xf32, #tpu.memory_space<vmem>>, vector<16xf32>,
        %add3A_122 = arith.constant 16 : i32
        %add3A_123 = arith.addi %mul3A_116, %add3A_122 : i32
        %swap3A_124 = arith.index_cast %add3A_123 : i32 to index
        %swap3A_125 = tpu.vector_load %arg10[%swap3A_124] {strides = array<i32>} : memref<8192xf32, #tpu.memory_space<vmem>>, vector<16xf32>,
        %swap3A_126 = vector.shape_cast %swap3A_125 : vector<16xf32> to vector<16xf32>
        %swap3A_127 = vector.shape_cast %scan3A_113#1 : vector<16xf32> to vector<16xf32>
        tpu.vector_store %arg10[%swap3A_124], %swap3A_127 {add = true, strides = array<i32>} : memref<8192xf32, #tpu.memory_space<vmem>>, vector<16xf32>,
        %add3A_128 = arith.constant 32 : i32
        %add3A_129 = arith.addi %mul3A_116, %add3A_128 : i32
        %swap3A_130 = arith.index_cast %add3A_129 : i32 to index
        %swap3A_131 = tpu.vector_load %arg10[%swap3A_130] {strides = array<i32>} : memref<8192xf32, #tpu.memory_space<vmem>>, vector<16xf32>,
        %swap3A_132 = vector.shape_cast %swap3A_131 : vector<16xf32> to vector<16xf32>
        %swap3A_133 = vector.shape_cast %scan3A_113#2 : vector<16xf32> to vector<16xf32>
        tpu.vector_store %arg10[%swap3A_130], %swap3A_133 {add = true, strides = array<i32>} : memref<8192xf32, #tpu.memory_space<vmem>>, vector<16xf32>,
        %add3A_134 = arith.constant 48 : i32
        %add3A_135 = arith.addi %mul3A_116, %add3A_134 : i32
        %swap3A_136 = arith.index_cast %add3A_135 : i32 to index
        %swap3A_137 = tpu.vector_load %arg10[%swap3A_136] {strides = array<i32>} : memref<8192xf32, #tpu.memory_space<vmem>>, vector<16xf32>,
        %swap3A_138 = vector.shape_cast %swap3A_137 : vector<16xf32> to vector<16xf32>
        %swap3A_139 = vector.shape_cast %scan3A_113#3 : vector<16xf32> to vector<16xf32>
        tpu.vector_store %arg10[%swap3A_136], %swap3A_139 {add = true, strides = array<i32>} : memref<8192xf32, #tpu.memory_space<vmem>>, vector<16xf32>,
        %add3A_140 = arith.constant 64 : i32
        %add3A_141 = arith.addi %mul3A_116, %add3A_140 : i32
        %swap3A_142 = arith.index_cast %add3A_141 : i32 to index
        %swap3A_143 = tpu.vector_load %arg10[%swap3A_142] {strides = array<i32>} : memref<8192xf32, #tpu.memory_space<vmem>>, vector<16xf32>,
        %swap3A_144 = vector.shape_cast %swap3A_143 : vector<16xf32> to vector<16xf32>
        %swap3A_145 = vector.shape_cast %scan3A_113#4 : vector<16xf32> to vector<16xf32>
        tpu.vector_store %arg10[%swap3A_142], %swap3A_145 {add = true, strides = array<i32>} : memref<8192xf32, #tpu.memory_space<vmem>>, vector<16xf32>,
        %add3A_146 = arith.constant 80 : i32
        %add3A_147 = arith.addi %mul3A_116, %add3A_146 : i32
        %swap3A_148 = arith.index_cast %add3A_147 : i32 to index
        %swap3A_149 = tpu.vector_load %arg10[%swap3A_148] {strides = array<i32>} : memref<8192xf32, #tpu.memory_space<vmem>>, vector<16xf32>,
        %swap3A_150 = vector.shape_cast %swap3A_149 : vector<16xf32> to vector<16xf32>
        %swap3A_151 = vector.shape_cast %scan3A_113#5 : vector<16xf32> to vector<16xf32>
        tpu.vector_store %arg10[%swap3A_148], %swap3A_151 {add = true, strides = array<i32>} : memref<8192xf32, #tpu.memory_space<vmem>>, vector<16xf32>,
        %add3A_152 = arith.constant 96 : i32
        %add3A_153 = arith.addi %mul3A_116, %add3A_152 : i32
        %swap3A_154 = arith.index_cast %add3A_153 : i32 to index
        %swap3A_155 = tpu.vector_load %arg10[%swap3A_154] {strides = array<i32>} : memref<8192xf32, #tpu.memory_space<vmem>>, vector<16xf32>,
        %swap3A_156 = vector.shape_cast %swap3A_155 : vector<16xf32> to vector<16xf32>
        %swap3A_157 = vector.shape_cast %scan3A_113#6 : vector<16xf32> to vector<16xf32>
        tpu.vector_store %arg10[%swap3A_154], %swap3A_157 {add = true, strides = array<i32>} : memref<8192xf32, #tpu.memory_space<vmem>>, vector<16xf32>,
        %add3A_158 = arith.constant 112 : i32
        %add3A_159 = arith.addi %mul3A_116, %add3A_158 : i32
        %swap3A_160 = arith.index_cast %add3A_159 : i32 to index
        %swap3A_161 = tpu.vector_load %arg10[%swap3A_160] {strides = array<i32>} : memref<8192xf32, #tpu.memory_space<vmem>>, vector<16xf32>,
        %swap3A_162 = vector.shape_cast %swap3A_161 : vector<16xf32> to vector<16xf32>
        %swap3A_163 = vector.shape_cast %scan3A_113#7 : vector<16xf32> to vector<16xf32>
        tpu.vector_store %arg10[%swap3A_160], %swap3A_163 {add = true, strides = array<i32>} : memref<8192xf32, #tpu.memory_space<vmem>>, vector<16xf32>,
        %mul3A_164 = arith.constant 16 : i32
        %mul3A_165 = arith.muli %squeeze3A_96, %mul3A_164 : i32
        %mul3A_166 = arith.constant 4.000000e+02 : f32
        %mul3A_167 = vector.broadcast %mul3A_166 : f32 to vector<16xf32>
        %mul3A_168 = arith.mulf %broadcast_in_dim3A_18, %mul3A_167 : vector<16xf32>
        %swap3A_169 = arith.index_cast %mul3A_165 : i32 to index
        %swap3A_170 = tpu.vector_load %arg11[%swap3A_169] {strides = array<i32>} : memref<1024xf32, #tpu.memory_space<vmem>>, vector<16xf32>,
        %swap3A_171 = vector.shape_cast %swap3A_170 : vector<16xf32> to vector<16xf32>
        %swap3A_172 = vector.shape_cast %mul3A_168 : vector<16xf32> to vector<16xf32>
        tpu.vector_store %arg11[%swap3A_169], %swap3A_172 {add = true, strides = array<i32>} : memref<1024xf32, #tpu.memory_space<vmem>>, vector<16xf32>,
      } else {
      }
      %not3A_103 = arith.constant true
      %not3A_104 = arith.xori %eq3A_99, %not3A_103 : i1
      %convert_element_type3A_105 = arith.extui %not3A_104 : i1 to i32
      %cond3A_106 = arith.constant 0 : i32
      %cond3A_107 = arith.cmpi ne, %convert_element_type3A_105, %cond3A_106 : i32
      scf.if %cond3A_107 {
        %scan3A_109 = arith.constant 0 : i32
        %scan3A_110 = arith.constant 0 : i32
        %scan3A_111 = arith.constant 25 : i32
        %scan3A_112 = arith.addi %scan3A_110, %scan3A_111 : i32
        %scan3A_113 = arith.constant 1 : i32
        %scan3A_114 = scf.for %scan3A_116 = %scan3A_110 to %scan3A_112 step %scan3A_113 iter_args(%scan3A_117 = %scan3A_109) -> (i32)  : i32 {
          %mul3A_118 = arith.constant 16 : i32
          %mul3A_119 = arith.muli %scan3A_116, %mul3A_118 : i32
          %get3A_120 = arith.index_cast %mul3A_119 : i32 to index
          %get3A_121 = tpu.vector_load %arg9[%get3A_120] {strides = array<i32>} : memref<400xi32, #tpu.memory_space<vmem>>, vector<16xi32>,
          %get3A_122 = vector.shape_cast %get3A_121 : vector<16xi32> to vector<16xi32>
          %mul3A_123 = arith.constant 128 : i32
          %mul3A_124 = vector.broadcast %mul3A_123 : i32 to vector<16xi32>
          %mul3A_125 = arith.muli %get3A_122, %mul3A_124 : vector<16xi32>
          %mul3A_126 = arith.constant 16 : i32
          %mul3A_127 = vector.broadcast %mul3A_126 : i32 to vector<16xi32>
          %mul3A_128 = arith.muli %get3A_122, %mul3A_127 : vector<16xi32>
          %mul3A_129 = arith.constant 16 : i32
          %mul3A_130 = arith.muli %scan3A_116, %mul3A_129 : i32
          %add3A_131 = arith.constant 0 : i32
          %add3A_132 = arith.addi %mul3A_130, %add3A_131 : i32
          %mul3A_133 = arith.constant 128 : i32
          %mul3A_134 = arith.muli %add3A_132, %mul3A_133 : i32
          %slice3A_135 = vector.extract_strided_slice %mul3A_125 {offsets = [0], sizes = [1], strides = [1]} : vector<16xi32> to vector<1xi32>
          %squeeze3A_136 = vector.extract %slice3A_135[0] : i32 from vector<1xi32>
          %slice3A_137 = vector.extract_strided_slice %mul3A_128 {offsets = [0], sizes = [1], strides = [1]} : vector<16xi32> to vector<1xi32>
          %squeeze3A_138 = vector.extract %slice3A_137[0] : i32 from vector<1xi32>
          %swap3A = arith.index_cast %squeeze3A_138 : i32 to index
          %swap3A_139 = tpu.vector_load %arg11[%swap3A] {strides = array<i32>} : memref<1024xf32, #tpu.memory_space<vmem>>, vector<16xf32>,
          %swap3A_140 = vector.shape_cast %swap3A_139 : vector<16xf32> to vector<16xf32>
          %swap3A_141 = vector.shape_cast %broadcast_in_dim3A_18 : vector<16xf32> to vector<16xf32>
          tpu.vector_store %arg11[%swap3A], %swap3A_141 {add = true, strides = array<i32>} : memref<1024xf32, #tpu.memory_space<vmem>>, vector<16xf32>,
          %add3A_142 = arith.constant 0 : i32
          %add3A_143 = arith.addi %mul3A_134, %add3A_142 : i32
          %get3A_144 = arith.index_cast %add3A_143 : i32 to index
          %get3A_145 = tpu.vector_load %arg7[%get3A_144] {strides = array<i32>} : memref<51200xf32, #tpu.memory_space<vmem>>, vector<16xf32>,
          %get3A_146 = vector.shape_cast %get3A_145 : vector<16xf32> to vector<16xf32>
          %add3A_147 = arith.constant 0 : i32
          %add3A_148 = arith.addi %squeeze3A_136, %add3A_147 : i32
          %swap3A_149 = arith.index_cast %add3A_148 : i32 to index
          %swap3A_150 = tpu.vector_load %arg10[%swap3A_149] {strides = array<i32>} : memref<8192xf32, #tpu.memory_space<vmem>>, vector<16xf32>,
          %swap3A_151 = vector.shape_cast %swap3A_150 : vector<16xf32> to vector<16xf32>
          %swap3A_152 = vector.shape_cast %get3A_146 : vector<16xf32> to vector<16xf32>
          tpu.vector_store %arg10[%swap3A_149], %swap3A_152 {add = true, strides = array<i32>} : memref<8192xf32, #tpu.memory_space<vmem>>, vector<16xf32>,
          %add3A_153 = arith.constant 16 : i32
          %add3A_154 = arith.addi %mul3A_134, %add3A_153 : i32
          %get3A_155 = arith.index_cast %add3A_154 : i32 to index
          %get3A_156 = tpu.vector_load %arg7[%get3A_155] {strides = array<i32>} : memref<51200xf32, #tpu.memory_space<vmem>>, vector<16xf32>,
          %get3A_157 = vector.shape_cast %get3A_156 : vector<16xf32> to vector<16xf32>
          %add3A_158 = arith.constant 16 : i32
          %add3A_159 = arith.addi %squeeze3A_136, %add3A_158 : i32
          %swap3A_160 = arith.index_cast %add3A_159 : i32 to index
          %swap3A_161 = tpu.vector_load %arg10[%swap3A_160] {strides = array<i32>} : memref<8192xf32, #tpu.memory_space<vmem>>, vector<16xf32>,
          %swap3A_162 = vector.shape_cast %swap3A_161 : vector<16xf32> to vector<16xf32>
          %swap3A_163 = vector.shape_cast %get3A_157 : vector<16xf32> to vector<16xf32>
          tpu.vector_store %arg10[%swap3A_160], %swap3A_163 {add = true, strides = array<i32>} : memref<8192xf32, #tpu.memory_space<vmem>>, vector<16xf32>,
          %add3A_164 = arith.constant 32 : i32
          %add3A_165 = arith.addi %mul3A_134, %add3A_164 : i32
          %get3A_166 = arith.index_cast %add3A_165 : i32 to index
          %get3A_167 = tpu.vector_load %arg7[%get3A_166] {strides = array<i32>} : memref<51200xf32, #tpu.memory_space<vmem>>, vector<16xf32>,
          %get3A_168 = vector.shape_cast %get3A_167 : vector<16xf32> to vector<16xf32>
          %add3A_169 = arith.constant 32 : i32
          %add3A_170 = arith.addi %squeeze3A_136, %add3A_169 : i32
          %swap3A_171 = arith.index_cast %add3A_170 : i32 to index
          %swap3A_172 = tpu.vector_load %arg10[%swap3A_171] {strides = array<i32>} : memref<8192xf32, #tpu.memory_space<vmem>>, vector<16xf32>,
          %swap3A_173 = vector.shape_cast %swap3A_172 : vector<16xf32> to vector<16xf32>
          %swap3A_174 = vector.shape_cast %get3A_168 : vector<16xf32> to vector<16xf32>
          tpu.vector_store %arg10[%swap3A_171], %swap3A_174 {add = true, strides = array<i32>} : memref<8192xf32, #tpu.memory_space<vmem>>, vector<16xf32>,
          %add3A_175 = arith.constant 48 : i32
          %add3A_176 = arith.addi %mul3A_134, %add3A_175 : i32
          %get3A_177 = arith.index_cast %add3A_176 : i32 to index
          %get3A_178 = tpu.vector_load %arg7[%get3A_177] {strides = array<i32>} : memref<51200xf32, #tpu.memory_space<vmem>>, vector<16xf32>,
          %get3A_179 = vector.shape_cast %get3A_178 : vector<16xf32> to vector<16xf32>
          %add3A_180 = arith.constant 48 : i32
          %add3A_181 = arith.addi %squeeze3A_136, %add3A_180 : i32
          %swap3A_182 = arith.index_cast %add3A_181 : i32 to index
          %swap3A_183 = tpu.vector_load %arg10[%swap3A_182] {strides = array<i32>} : memref<8192xf32, #tpu.memory_space<vmem>>, vector<16xf32>,
          %swap3A_184 = vector.shape_cast %swap3A_183 : vector<16xf32> to vector<16xf32>
          %swap3A_185 = vector.shape_cast %get3A_179 : vector<16xf32> to vector<16xf32>
          tpu.vector_store %arg10[%swap3A_182], %swap3A_185 {add = true, strides = array<i32>} : memref<8192xf32, #tpu.memory_space<vmem>>, vector<16xf32>,
          %add3A_186 = arith.constant 64 : i32
          %add3A_187 = arith.addi %mul3A_134, %add3A_186 : i32
          %get3A_188 = arith.index_cast %add3A_187 : i32 to index
          %get3A_189 = tpu.vector_load %arg7[%get3A_188] {strides = array<i32>} : memref<51200xf32, #tpu.memory_space<vmem>>, vector<16xf32>,
          %get3A_190 = vector.shape_cast %get3A_189 : vector<16xf32> to vector<16xf32>
          %add3A_191 = arith.constant 64 : i32
          %add3A_192 = arith.addi %squeeze3A_136, %add3A_191 : i32
          %swap3A_193 = arith.index_cast %add3A_192 : i32 to index
          %swap3A_194 = tpu.vector_load %arg10[%swap3A_193] {strides = array<i32>} : memref<8192xf32, #tpu.memory_space<vmem>>, vector<16xf32>,
          %swap3A_195 = vector.shape_cast %swap3A_194 : vector<16xf32> to vector<16xf32>
          %swap3A_196 = vector.shape_cast %get3A_190 : vector<16xf32> to vector<16xf32>
          tpu.vector_store %arg10[%swap3A_193], %swap3A_196 {add = true, strides = array<i32>} : memref<8192xf32, #tpu.memory_space<vmem>>, vector<16xf32>,
          %add3A_197 = arith.constant 80 : i32
          %add3A_198 = arith.addi %mul3A_134, %add3A_197 : i32
          %get3A_199 = arith.index_cast %add3A_198 : i32 to index
          %get3A_200 = tpu.vector_load %arg7[%get3A_199] {strides = array<i32>} : memref<51200xf32, #tpu.memory_space<vmem>>, vector<16xf32>,
          %get3A_201 = vector.shape_cast %get3A_200 : vector<16xf32> to vector<16xf32>
          %add3A_202 = arith.constant 80 : i32
          %add3A_203 = arith.addi %squeeze3A_136, %add3A_202 : i32
          %swap3A_204 = arith.index_cast %add3A_203 : i32 to index
          %swap3A_205 = tpu.vector_load %arg10[%swap3A_204] {strides = array<i32>} : memref<8192xf32, #tpu.memory_space<vmem>>, vector<16xf32>,
          %swap3A_206 = vector.shape_cast %swap3A_205 : vector<16xf32> to vector<16xf32>
          %swap3A_207 = vector.shape_cast %get3A_201 : vector<16xf32> to vector<16xf32>
          tpu.vector_store %arg10[%swap3A_204], %swap3A_207 {add = true, strides = array<i32>} : memref<8192xf32, #tpu.memory_space<vmem>>, vector<16xf32>,
          %add3A_208 = arith.constant 96 : i32
          %add3A_209 = arith.addi %mul3A_134, %add3A_208 : i32
          %get3A_210 = arith.index_cast %add3A_209 : i32 to index
          %get3A_211 = tpu.vector_load %arg7[%get3A_210] {strides = array<i32>} : memref<51200xf32, #tpu.memory_space<vmem>>, vector<16xf32>,
          %get3A_212 = vector.shape_cast %get3A_211 : vector<16xf32> to vector<16xf32>
          %add3A_213 = arith.constant 96 : i32
          %add3A_214 = arith.addi %squeeze3A_136, %add3A_213 : i32
          %swap3A_215 = arith.index_cast %add3A_214 : i32 to index
          %swap3A_216 = tpu.vector_load %arg10[%swap3A_215] {strides = array<i32>} : memref<8192xf32, #tpu.memory_space<vmem>>, vector<16xf32>,
          %swap3A_217 = vector.shape_cast %swap3A_216 : vector<16xf32> to vector<16xf32>
          %swap3A_218 = vector.shape_cast %get3A_212 : vector<16xf32> to vector<16xf32>
          tpu.vector_store %arg10[%swap3A_215], %swap3A_218 {add = true, strides = array<i32>} : memref<8192xf32, #tpu.memory_space<vmem>>, vector<16xf32>,
          %add3A_219 = arith.constant 112 : i32
          %add3A_220 = arith.addi %mul3A_134, %add3A_219 : i32
          %get3A_221 = arith.index_cast %add3A_220 : i32 to index
          %get3A_222 = tpu.vector_load %arg7[%get3A_221] {strides = array<i32>} : memref<51200xf32, #tpu.memory_space<vmem>>, vector<16xf32>,
          %get3A_223 = vector.shape_cast %get3A_222 : vector<16xf32> to vector<16xf32>
          %add3A_224 = arith.constant 112 : i32
          %add3A_225 = arith.addi %squeeze3A_136, %add3A_224 : i32
          %swap3A_226 = arith.index_cast %add3A_225 : i32 to index
          %swap3A_227 = tpu.vector_load %arg10[%swap3A_226] {strides = array<i32>} : memref<8192xf32, #tpu.memory_space<vmem>>, vector<16xf32>,
          %swap3A_228 = vector.shape_cast %swap3A_227 : vector<16xf32> to vector<16xf32>
          %swap3A_229 = vector.shape_cast %get3A_223 : vector<16xf32> to vector<16xf32>
          tpu.vector_store %arg10[%swap3A_226], %swap3A_229 {add = true, strides = array<i32>} : memref<8192xf32, #tpu.memory_space<vmem>>, vector<16xf32>,
          %mul3A_230 = arith.constant 16 : i32
          %mul3A_231 = arith.muli %scan3A_116, %mul3A_230 : i32
          %add3A_232 = arith.constant 1 : i32
          %add3A_233 = arith.addi %mul3A_231, %add3A_232 : i32
          %mul3A_234 = arith.constant 128 : i32
          %mul3A_235 = arith.muli %add3A_233, %mul3A_234 : i32
          %slice3A_236 = vector.extract_strided_slice %mul3A_125 {offsets = [1], sizes = [1], strides = [1]} : vector<16xi32> to vector<1xi32>
          %squeeze3A_237 = vector.extract %slice3A_236[0] : i32 from vector<1xi32>
          %slice3A_238 = vector.extract_strided_slice %mul3A_128 {offsets = [1], sizes = [1], strides = [1]} : vector<16xi32> to vector<1xi32>
          %squeeze3A_239 = vector.extract %slice3A_238[0] : i32 from vector<1xi32>
          %swap3A_240 = arith.index_cast %squeeze3A_239 : i32 to index
          %swap3A_241 = tpu.vector_load %arg11[%swap3A_240] {strides = array<i32>} : memref<1024xf32, #tpu.memory_space<vmem>>, vector<16xf32>,
          %swap3A_242 = vector.shape_cast %swap3A_241 : vector<16xf32> to vector<16xf32>
          %swap3A_243 = vector.shape_cast %broadcast_in_dim3A_18 : vector<16xf32> to vector<16xf32>
          tpu.vector_store %arg11[%swap3A_240], %swap3A_243 {add = true, strides = array<i32>} : memref<1024xf32, #tpu.memory_space<vmem>>, vector<16xf32>,
          %add3A_244 = arith.constant 0 : i32
          %add3A_245 = arith.addi %mul3A_235, %add3A_244 : i32
          %get3A_246 = arith.index_cast %add3A_245 : i32 to index
          %get3A_247 = tpu.vector_load %arg7[%get3A_246] {strides = array<i32>} : memref<51200xf32, #tpu.memory_space<vmem>>, vector<16xf32>,
          %get3A_248 = vector.shape_cast %get3A_247 : vector<16xf32> to vector<16xf32>
          %add3A_249 = arith.constant 0 : i32
          %add3A_250 = arith.addi %squeeze3A_237, %add3A_249 : i32
          %swap3A_251 = arith.index_cast %add3A_250 : i32 to index
          %swap3A_252 = tpu.vector_load %arg10[%swap3A_251] {strides = array<i32>} : memref<8192xf32, #tpu.memory_space<vmem>>, vector<16xf32>,
          %swap3A_253 = vector.shape_cast %swap3A_252 : vector<16xf32> to vector<16xf32>
          %swap3A_254 = vector.shape_cast %get3A_248 : vector<16xf32> to vector<16xf32>
          tpu.vector_store %arg10[%swap3A_251], %swap3A_254 {add = true, strides = array<i32>} : memref<8192xf32, #tpu.memory_space<vmem>>, vector<16xf32>,
          %add3A_255 = arith.constant 16 : i32
          %add3A_256 = arith.addi %mul3A_235, %add3A_255 : i32
          %get3A_257 = arith.index_cast %add3A_256 : i32 to index
          %get3A_258 = tpu.vector_load %arg7[%get3A_257] {strides = array<i32>} : memref<51200xf32, #tpu.memory_space<vmem>>, vector<16xf32>,
          %get3A_259 = vector.shape_cast %get3A_258 : vector<16xf32> to vector<16xf32>
          %add3A_260 = arith.constant 16 : i32
          %add3A_261 = arith.addi %squeeze3A_237, %add3A_260 : i32
          %swap3A_262 = arith.index_cast %add3A_261 : i32 to index
          %swap3A_263 = tpu.vector_load %arg10[%swap3A_262] {strides = array<i32>} : memref<8192xf32, #tpu.memory_space<vmem>>, vector<16xf32>,
          %swap3A_264 = vector.shape_cast %swap3A_263 : vector<16xf32> to vector<16xf32>
          %swap3A_265 = vector.shape_cast %get3A_259 : vector<16xf32> to vector<16xf32>
          tpu.vector_store %arg10[%swap3A_262], %swap3A_265 {add = true, strides = array<i32>} : memref<8192xf32, #tpu.memory_space<vmem>>, vector<16xf32>,
          %add3A_266 = arith.constant 32 : i32
          %add3A_267 = arith.addi %mul3A_235, %add3A_266 : i32
          %get3A_268 = arith.index_cast %add3A_267 : i32 to index
          %get3A_269 = tpu.vector_load %arg7[%get3A_268] {strides = array<i32>} : memref<51200xf32, #tpu.memory_space<vmem>>, vector<16xf32>,
          %get3A_270 = vector.shape_cast %get3A_269 : vector<16xf32> to vector<16xf32>
          %add3A_271 = arith.constant 32 : i32
          %add3A_272 = arith.addi %squeeze3A_237, %add3A_271 : i32
          %swap3A_273 = arith.index_cast %add3A_272 : i32 to index
          %swap3A_274 = tpu.vector_load %arg10[%swap3A_273] {strides = array<i32>} : memref<8192xf32, #tpu.memory_space<vmem>>, vector<16xf32>,
          %swap3A_275 = vector.shape_cast %swap3A_274 : vector<16xf32> to vector<16xf32>
          %swap3A_276 = vector.shape_cast %get3A_270 : vector<16xf32> to vector<16xf32>
          tpu.vector_store %arg10[%swap3A_273], %swap3A_276 {add = true, strides = array<i32>} : memref<8192xf32, #tpu.memory_space<vmem>>, vector<16xf32>,
          %add3A_277 = arith.constant 48 : i32
          %add3A_278 = arith.addi %mul3A_235, %add3A_277 : i32
          %get3A_279 = arith.index_cast %add3A_278 : i32 to index
          %get3A_280 = tpu.vector_load %arg7[%get3A_279] {strides = array<i32>} : memref<51200xf32, #tpu.memory_space<vmem>>, vector<16xf32>,
          %get3A_281 = vector.shape_cast %get3A_280 : vector<16xf32> to vector<16xf32>
          %add3A_282 = arith.constant 48 : i32
          %add3A_283 = arith.addi %squeeze3A_237, %add3A_282 : i32
          %swap3A_284 = arith.index_cast %add3A_283 : i32 to index
          %swap3A_285 = tpu.vector_load %arg10[%swap3A_284] {strides = array<i32>} : memref<8192xf32, #tpu.memory_space<vmem>>, vector<16xf32>,
          %swap3A_286 = vector.shape_cast %swap3A_285 : vector<16xf32> to vector<16xf32>
          %swap3A_287 = vector.shape_cast %get3A_281 : vector<16xf32> to vector<16xf32>
          tpu.vector_store %arg10[%swap3A_284], %swap3A_287 {add = true, strides = array<i32>} : memref<8192xf32, #tpu.memory_space<vmem>>, vector<16xf32>,
          %add3A_288 = arith.constant 64 : i32
          %add3A_289 = arith.addi %mul3A_235, %add3A_288 : i32
          %get3A_290 = arith.index_cast %add3A_289 : i32 to index
          %get3A_291 = tpu.vector_load %arg7[%get3A_290] {strides = array<i32>} : memref<51200xf32, #tpu.memory_space<vmem>>, vector<16xf32>,
          %get3A_292 = vector.shape_cast %get3A_291 : vector<16xf32> to vector<16xf32>
          %add3A_293 = arith.constant 64 : i32
          %add3A_294 = arith.addi %squeeze3A_237, %add3A_293 : i32
          %swap3A_295 = arith.index_cast %add3A_294 : i32 to index
          %swap3A_296 = tpu.vector_load %arg10[%swap3A_295] {strides = array<i32>} : memref<8192xf32, #tpu.memory_space<vmem>>, vector<16xf32>,
          %swap3A_297 = vector.shape_cast %swap3A_296 : vector<16xf32> to vector<16xf32>
          %swap3A_298 = vector.shape_cast %get3A_292 : vector<16xf32> to vector<16xf32>
          tpu.vector_store %arg10[%swap3A_295], %swap3A_298 {add = true, strides = array<i32>} : memref<8192xf32, #tpu.memory_space<vmem>>, vector<16xf32>,
          %add3A_299 = arith.constant 80 : i32
          %add3A_300 = arith.addi %mul3A_235, %add3A_299 : i32
          %get3A_301 = arith.index_cast %add3A_300 : i32 to index
          %get3A_302 = tpu.vector_load %arg7[%get3A_301] {strides = array<i32>} : memref<51200xf32, #tpu.memory_space<vmem>>, vector<16xf32>,
          %get3A_303 = vector.shape_cast %get3A_302 : vector<16xf32> to vector<16xf32>
          %add3A_304 = arith.constant 80 : i32
          %add3A_305 = arith.addi %squeeze3A_237, %add3A_304 : i32
          %swap3A_306 = arith.index_cast %add3A_305 : i32 to index
          %swap3A_307 = tpu.vector_load %arg10[%swap3A_306] {strides = array<i32>} : memref<8192xf32, #tpu.memory_space<vmem>>, vector<16xf32>,
          %swap3A_308 = vector.shape_cast %swap3A_307 : vector<16xf32> to vector<16xf32>
          %swap3A_309 = vector.shape_cast %get3A_303 : vector<16xf32> to vector<16xf32>
          tpu.vector_store %arg10[%swap3A_306], %swap3A_309 {add = true, strides = array<i32>} : memref<8192xf32, #tpu.memory_space<vmem>>, vector<16xf32>,
          %add3A_310 = arith.constant 96 : i32
          %add3A_311 = arith.addi %mul3A_235, %add3A_310 : i32
          %get3A_312 = arith.index_cast %add3A_311 : i32 to index
          %get3A_313 = tpu.vector_load %arg7[%get3A_312] {strides = array<i32>} : memref<51200xf32, #tpu.memory_space<vmem>>, vector<16xf32>,
          %get3A_314 = vector.shape_cast %get3A_313 : vector<16xf32> to vector<16xf32>
          %add3A_315 = arith.constant 96 : i32
          %add3A_316 = arith.addi %squeeze3A_237, %add3A_315 : i32
          %swap3A_317 = arith.index_cast %add3A_316 : i32 to index
          %swap3A_318 = tpu.vector_load %arg10[%swap3A_317] {strides = array<i32>} : memref<8192xf32, #tpu.memory_space<vmem>>, vector<16xf32>,
          %swap3A_319 = vector.shape_cast %swap3A_318 : vector<16xf32> to vector<16xf32>
          %swap3A_320 = vector.shape_cast %get3A_314 : vector<16xf32> to vector<16xf32>
          tpu.vector_store %arg10[%swap3A_317], %swap3A_320 {add = true, strides = array<i32>} : memref<8192xf32, #tpu.memory_space<vmem>>, vector<16xf32>,
          %add3A_321 = arith.constant 112 : i32
          %add3A_322 = arith.addi %mul3A_235, %add3A_321 : i32
          %get3A_323 = arith.index_cast %add3A_322 : i32 to index
          %get3A_324 = tpu.vector_load %arg7[%get3A_323] {strides = array<i32>} : memref<51200xf32, #tpu.memory_space<vmem>>, vector<16xf32>,
          %get3A_325 = vector.shape_cast %get3A_324 : vector<16xf32> to vector<16xf32>
          %add3A_326 = arith.constant 112 : i32
          %add3A_327 = arith.addi %squeeze3A_237, %add3A_326 : i32
          %swap3A_328 = arith.index_cast %add3A_327 : i32 to index
          %swap3A_329 = tpu.vector_load %arg10[%swap3A_328] {strides = array<i32>} : memref<8192xf32, #tpu.memory_space<vmem>>, vector<16xf32>,
          %swap3A_330 = vector.shape_cast %swap3A_329 : vector<16xf32> to vector<16xf32>
          %swap3A_331 = vector.shape_cast %get3A_325 : vector<16xf32> to vector<16xf32>
          tpu.vector_store %arg10[%swap3A_328], %swap3A_331 {add = true, strides = array<i32>} : memref<8192xf32, #tpu.memory_space<vmem>>, vector<16xf32>,
          %mul3A_332 = arith.constant 16 : i32
          %mul3A_333 = arith.muli %scan3A_116, %mul3A_332 : i32
          %add3A_334 = arith.constant 2 : i32
          %add3A_335 = arith.addi %mul3A_333, %add3A_334 : i32
          %mul3A_336 = arith.constant 128 : i32
          %mul3A_337 = arith.muli %add3A_335, %mul3A_336 : i32
          %slice3A_338 = vector.extract_strided_slice %mul3A_125 {offsets = [2], sizes = [1], strides = [1]} : vector<16xi32> to vector<1xi32>
          %squeeze3A_339 = vector.extract %slice3A_338[0] : i32 from vector<1xi32>
          %slice3A_340 = vector.extract_strided_slice %mul3A_128 {offsets = [2], sizes = [1], strides = [1]} : vector<16xi32> to vector<1xi32>
          %squeeze3A_341 = vector.extract %slice3A_340[0] : i32 from vector<1xi32>
          %swap3A_342 = arith.index_cast %squeeze3A_341 : i32 to index
          %swap3A_343 = tpu.vector_load %arg11[%swap3A_342] {strides = array<i32>} : memref<1024xf32, #tpu.memory_space<vmem>>, vector<16xf32>,
          %swap3A_344 = vector.shape_cast %swap3A_343 : vector<16xf32> to vector<16xf32>
          %swap3A_345 = vector.shape_cast %broadcast_in_dim3A_18 : vector<16xf32> to vector<16xf32>
          tpu.vector_store %arg11[%swap3A_342], %swap3A_345 {add = true, strides = array<i32>} : memref<1024xf32, #tpu.memory_space<vmem>>, vector<16xf32>,
          %add3A_346 = arith.constant 0 : i32
          %add3A_347 = arith.addi %mul3A_337, %add3A_346 : i32
          %get3A_348 = arith.index_cast %add3A_347 : i32 to index
          %get3A_349 = tpu.vector_load %arg7[%get3A_348] {strides = array<i32>} : memref<51200xf32, #tpu.memory_space<vmem>>, vector<16xf32>,
          %get3A_350 = vector.shape_cast %get3A_349 : vector<16xf32> to vector<16xf32>
          %add3A_351 = arith.constant 0 : i32
          %add3A_352 = arith.addi %squeeze3A_339, %add3A_351 : i32
          %swap3A_353 = arith.index_cast %add3A_352 : i32 to index
          %swap3A_354 = tpu.vector_load %arg10[%swap3A_353] {strides = array<i32>} : memref<8192xf32, #tpu.memory_space<vmem>>, vector<16xf32>,
          %swap3A_355 = vector.shape_cast %swap3A_354 : vector<16xf32> to vector<16xf32>
          %swap3A_356 = vector.shape_cast %get3A_350 : vector<16xf32> to vector<16xf32>
          tpu.vector_store %arg10[%swap3A_353], %swap3A_356 {add = true, strides = array<i32>} : memref<8192xf32, #tpu.memory_space<vmem>>, vector<16xf32>,
          %add3A_357 = arith.constant 16 : i32
          %add3A_358 = arith.addi %mul3A_337, %add3A_357 : i32
          %get3A_359 = arith.index_cast %add3A_358 : i32 to index
          %get3A_360 = tpu.vector_load %arg7[%get3A_359] {strides = array<i32>} : memref<51200xf32, #tpu.memory_space<vmem>>, vector<16xf32>,
          %get3A_361 = vector.shape_cast %get3A_360 : vector<16xf32> to vector<16xf32>
          %add3A_362 = arith.constant 16 : i32
          %add3A_363 = arith.addi %squeeze3A_339, %add3A_362 : i32
          %swap3A_364 = arith.index_cast %add3A_363 : i32 to index
          %swap3A_365 = tpu.vector_load %arg10[%swap3A_364] {strides = array<i32>} : memref<8192xf32, #tpu.memory_space<vmem>>, vector<16xf32>,
          %swap3A_366 = vector.shape_cast %swap3A_365 : vector<16xf32> to vector<16xf32>
          %swap3A_367 = vector.shape_cast %get3A_361 : vector<16xf32> to vector<16xf32>
          tpu.vector_store %arg10[%swap3A_364], %swap3A_367 {add = true, strides = array<i32>} : memref<8192xf32, #tpu.memory_space<vmem>>, vector<16xf32>,
          %add3A_368 = arith.constant 32 : i32
          %add3A_369 = arith.addi %mul3A_337, %add3A_368 : i32
          %get3A_370 = arith.index_cast %add3A_369 : i32 to index
          %get3A_371 = tpu.vector_load %arg7[%get3A_370] {strides = array<i32>} : memref<51200xf32, #tpu.memory_space<vmem>>, vector<16xf32>,
          %get3A_372 = vector.shape_cast %get3A_371 : vector<16xf32> to vector<16xf32>
          %add3A_373 = arith.constant 32 : i32
          %add3A_374 = arith.addi %squeeze3A_339, %add3A_373 : i32
          %swap3A_375 = arith.index_cast %add3A_374 : i32 to index
          %swap3A_376 = tpu.vector_load %arg10[%swap3A_375] {strides = array<i32>} : memref<8192xf32, #tpu.memory_space<vmem>>, vector<16xf32>,
          %swap3A_377 = vector.shape_cast %swap3A_376 : vector<16xf32> to vector<16xf32>
          %swap3A_378 = vector.shape_cast %get3A_372 : vector<16xf32> to vector<16xf32>
          tpu.vector_store %arg10[%swap3A_375], %swap3A_378 {add = true, strides = array<i32>} : memref<8192xf32, #tpu.memory_space<vmem>>, vector<16xf32>,
          %add3A_379 = arith.constant 48 : i32
          %add3A_380 = arith.addi %mul3A_337, %add3A_379 : i32
          %get3A_381 = arith.index_cast %add3A_380 : i32 to index
          %get3A_382 = tpu.vector_load %arg7[%get3A_381] {strides = array<i32>} : memref<51200xf32, #tpu.memory_space<vmem>>, vector<16xf32>,
          %get3A_383 = vector.shape_cast %get3A_382 : vector<16xf32> to vector<16xf32>
          %add3A_384 = arith.constant 48 : i32
          %add3A_385 = arith.addi %squeeze3A_339, %add3A_384 : i32
          %swap3A_386 = arith.index_cast %add3A_385 : i32 to index
          %swap3A_387 = tpu.vector_load %arg10[%swap3A_386] {strides = array<i32>} : memref<8192xf32, #tpu.memory_space<vmem>>, vector<16xf32>,
          %swap3A_388 = vector.shape_cast %swap3A_387 : vector<16xf32> to vector<16xf32>
          %swap3A_389 = vector.shape_cast %get3A_383 : vector<16xf32> to vector<16xf32>
          tpu.vector_store %arg10[%swap3A_386], %swap3A_389 {add = true, strides = array<i32>} : memref<8192xf32, #tpu.memory_space<vmem>>, vector<16xf32>,
          %add3A_390 = arith.constant 64 : i32
          %add3A_391 = arith.addi %mul3A_337, %add3A_390 : i32
          %get3A_392 = arith.index_cast %add3A_391 : i32 to index
          %get3A_393 = tpu.vector_load %arg7[%get3A_392] {strides = array<i32>} : memref<51200xf32, #tpu.memory_space<vmem>>, vector<16xf32>,
          %get3A_394 = vector.shape_cast %get3A_393 : vector<16xf32> to vector<16xf32>
          %add3A_395 = arith.constant 64 : i32
          %add3A_396 = arith.addi %squeeze3A_339, %add3A_395 : i32
          %swap3A_397 = arith.index_cast %add3A_396 : i32 to index
          %swap3A_398 = tpu.vector_load %arg10[%swap3A_397] {strides = array<i32>} : memref<8192xf32, #tpu.memory_space<vmem>>, vector<16xf32>,
          %swap3A_399 = vector.shape_cast %swap3A_398 : vector<16xf32> to vector<16xf32>
          %swap3A_400 = vector.shape_cast %get3A_394 : vector<16xf32> to vector<16xf32>
          tpu.vector_store %arg10[%swap3A_397], %swap3A_400 {add = true, strides = array<i32>} : memref<8192xf32, #tpu.memory_space<vmem>>, vector<16xf32>,
          %add3A_401 = arith.constant 80 : i32
          %add3A_402 = arith.addi %mul3A_337, %add3A_401 : i32
          %get3A_403 = arith.index_cast %add3A_402 : i32 to index
          %get3A_404 = tpu.vector_load %arg7[%get3A_403] {strides = array<i32>} : memref<51200xf32, #tpu.memory_space<vmem>>, vector<16xf32>,
          %get3A_405 = vector.shape_cast %get3A_404 : vector<16xf32> to vector<16xf32>
          %add3A_406 = arith.constant 80 : i32
          %add3A_407 = arith.addi %squeeze3A_339, %add3A_406 : i32
          %swap3A_408 = arith.index_cast %add3A_407 : i32 to index
          %swap3A_409 = tpu.vector_load %arg10[%swap3A_408] {strides = array<i32>} : memref<8192xf32, #tpu.memory_space<vmem>>, vector<16xf32>,
          %swap3A_410 = vector.shape_cast %swap3A_409 : vector<16xf32> to vector<16xf32>
          %swap3A_411 = vector.shape_cast %get3A_405 : vector<16xf32> to vector<16xf32>
          tpu.vector_store %arg10[%swap3A_408], %swap3A_411 {add = true, strides = array<i32>} : memref<8192xf32, #tpu.memory_space<vmem>>, vector<16xf32>,
          %add3A_412 = arith.constant 96 : i32
          %add3A_413 = arith.addi %mul3A_337, %add3A_412 : i32
          %get3A_414 = arith.index_cast %add3A_413 : i32 to index
          %get3A_415 = tpu.vector_load %arg7[%get3A_414] {strides = array<i32>} : memref<51200xf32, #tpu.memory_space<vmem>>, vector<16xf32>,
          %get3A_416 = vector.shape_cast %get3A_415 : vector<16xf32> to vector<16xf32>
          %add3A_417 = arith.constant 96 : i32
          %add3A_418 = arith.addi %squeeze3A_339, %add3A_417 : i32
          %swap3A_419 = arith.index_cast %add3A_418 : i32 to index
          %swap3A_420 = tpu.vector_load %arg10[%swap3A_419] {strides = array<i32>} : memref<8192xf32, #tpu.memory_space<vmem>>, vector<16xf32>,
          %swap3A_421 = vector.shape_cast %swap3A_420 : vector<16xf32> to vector<16xf32>
          %swap3A_422 = vector.shape_cast %get3A_416 : vector<16xf32> to vector<16xf32>
          tpu.vector_store %arg10[%swap3A_419], %swap3A_422 {add = true, strides = array<i32>} : memref<8192xf32, #tpu.memory_space<vmem>>, vector<16xf32>,
          %add3A_423 = arith.constant 112 : i32
          %add3A_424 = arith.addi %mul3A_337, %add3A_423 : i32
          %get3A_425 = arith.index_cast %add3A_424 : i32 to index
          %get3A_426 = tpu.vector_load %arg7[%get3A_425] {strides = array<i32>} : memref<51200xf32, #tpu.memory_space<vmem>>, vector<16xf32>,
          %get3A_427 = vector.shape_cast %get3A_426 : vector<16xf32> to vector<16xf32>
          %add3A_428 = arith.constant 112 : i32
          %add3A_429 = arith.addi %squeeze3A_339, %add3A_428 : i32
          %swap3A_430 = arith.index_cast %add3A_429 : i32 to index
          %swap3A_431 = tpu.vector_load %arg10[%swap3A_430] {strides = array<i32>} : memref<8192xf32, #tpu.memory_space<vmem>>, vector<16xf32>,
          %swap3A_432 = vector.shape_cast %swap3A_431 : vector<16xf32> to vector<16xf32>
          %swap3A_433 = vector.shape_cast %get3A_427 : vector<16xf32> to vector<16xf32>
          tpu.vector_store %arg10[%swap3A_430], %swap3A_433 {add = true, strides = array<i32>} : memref<8192xf32, #tpu.memory_space<vmem>>, vector<16xf32>,
          %mul3A_434 = arith.constant 16 : i32
          %mul3A_435 = arith.muli %scan3A_116, %mul3A_434 : i32
          %add3A_436 = arith.constant 3 : i32
          %add3A_437 = arith.addi %mul3A_435, %add3A_436 : i32
          %mul3A_438 = arith.constant 128 : i32
          %mul3A_439 = arith.muli %add3A_437, %mul3A_438 : i32
          %slice3A_440 = vector.extract_strided_slice %mul3A_125 {offsets = [3], sizes = [1], strides = [1]} : vector<16xi32> to vector<1xi32>
          %squeeze3A_441 = vector.extract %slice3A_440[0] : i32 from vector<1xi32>
          %slice3A_442 = vector.extract_strided_slice %mul3A_128 {offsets = [3], sizes = [1], strides = [1]} : vector<16xi32> to vector<1xi32>
          %squeeze3A_443 = vector.extract %slice3A_442[0] : i32 from vector<1xi32>
          %swap3A_444 = arith.index_cast %squeeze3A_443 : i32 to index
          %swap3A_445 = tpu.vector_load %arg11[%swap3A_444] {strides = array<i32>} : memref<1024xf32, #tpu.memory_space<vmem>>, vector<16xf32>,
          %swap3A_446 = vector.shape_cast %swap3A_445 : vector<16xf32> to vector<16xf32>
          %swap3A_447 = vector.shape_cast %broadcast_in_dim3A_18 : vector<16xf32> to vector<16xf32>
          tpu.vector_store %arg11[%swap3A_444], %swap3A_447 {add = true, strides = array<i32>} : memref<1024xf32, #tpu.memory_space<vmem>>, vector<16xf32>,
          %add3A_448 = arith.constant 0 : i32
          %add3A_449 = arith.addi %mul3A_439, %add3A_448 : i32
          %get3A_450 = arith.index_cast %add3A_449 : i32 to index
          %get3A_451 = tpu.vector_load %arg7[%get3A_450] {strides = array<i32>} : memref<51200xf32, #tpu.memory_space<vmem>>, vector<16xf32>,
          %get3A_452 = vector.shape_cast %get3A_451 : vector<16xf32> to vector<16xf32>
          %add3A_453 = arith.constant 0 : i32
          %add3A_454 = arith.addi %squeeze3A_441, %add3A_453 : i32
          %swap3A_455 = arith.index_cast %add3A_454 : i32 to index
          %swap3A_456 = tpu.vector_load %arg10[%swap3A_455] {strides = array<i32>} : memref<8192xf32, #tpu.memory_space<vmem>>, vector<16xf32>,
          %swap3A_457 = vector.shape_cast %swap3A_456 : vector<16xf32> to vector<16xf32>
          %swap3A_458 = vector.shape_cast %get3A_452 : vector<16xf32> to vector<16xf32>
          tpu.vector_store %arg10[%swap3A_455], %swap3A_458 {add = true, strides = array<i32>} : memref<8192xf32, #tpu.memory_space<vmem>>, vector<16xf32>,
          %add3A_459 = arith.constant 16 : i32
          %add3A_460 = arith.addi %mul3A_439, %add3A_459 : i32
          %get3A_461 = arith.index_cast %add3A_460 : i32 to index
          %get3A_462 = tpu.vector_load %arg7[%get3A_461] {strides = array<i32>} : memref<51200xf32, #tpu.memory_space<vmem>>, vector<16xf32>,
          %get3A_463 = vector.shape_cast %get3A_462 : vector<16xf32> to vector<16xf32>
          %add3A_464 = arith.constant 16 : i32
          %add3A_465 = arith.addi %squeeze3A_441, %add3A_464 : i32
          %swap3A_466 = arith.index_cast %add3A_465 : i32 to index
          %swap3A_467 = tpu.vector_load %arg10[%swap3A_466] {strides = array<i32>} : memref<8192xf32, #tpu.memory_space<vmem>>, vector<16xf32>,
          %swap3A_468 = vector.shape_cast %swap3A_467 : vector<16xf32> to vector<16xf32>
          %swap3A_469 = vector.shape_cast %get3A_463 : vector<16xf32> to vector<16xf32>
          tpu.vector_store %arg10[%swap3A_466], %swap3A_469 {add = true, strides = array<i32>} : memref<8192xf32, #tpu.memory_space<vmem>>, vector<16xf32>,
          %add3A_470 = arith.constant 32 : i32
          %add3A_471 = arith.addi %mul3A_439, %add3A_470 : i32
          %get3A_472 = arith.index_cast %add3A_471 : i32 to index
          %get3A_473 = tpu.vector_load %arg7[%get3A_472] {strides = array<i32>} : memref<51200xf32, #tpu.memory_space<vmem>>, vector<16xf32>,
          %get3A_474 = vector.shape_cast %get3A_473 : vector<16xf32> to vector<16xf32>
          %add3A_475 = arith.constant 32 : i32
          %add3A_476 = arith.addi %squeeze3A_441, %add3A_475 : i32
          %swap3A_477 = arith.index_cast %add3A_476 : i32 to index
          %swap3A_478 = tpu.vector_load %arg10[%swap3A_477] {strides = array<i32>} : memref<8192xf32, #tpu.memory_space<vmem>>, vector<16xf32>,
          %swap3A_479 = vector.shape_cast %swap3A_478 : vector<16xf32> to vector<16xf32>
          %swap3A_480 = vector.shape_cast %get3A_474 : vector<16xf32> to vector<16xf32>
          tpu.vector_store %arg10[%swap3A_477], %swap3A_480 {add = true, strides = array<i32>} : memref<8192xf32, #tpu.memory_space<vmem>>, vector<16xf32>,
          %add3A_481 = arith.constant 48 : i32
          %add3A_482 = arith.addi %mul3A_439, %add3A_481 : i32
          %get3A_483 = arith.index_cast %add3A_482 : i32 to index
          %get3A_484 = tpu.vector_load %arg7[%get3A_483] {strides = array<i32>} : memref<51200xf32, #tpu.memory_space<vmem>>, vector<16xf32>,
          %get3A_485 = vector.shape_cast %get3A_484 : vector<16xf32> to vector<16xf32>
          %add3A_486 = arith.constant 48 : i32
          %add3A_487 = arith.addi %squeeze3A_441, %add3A_486 : i32
          %swap3A_488 = arith.index_cast %add3A_487 : i32 to index
          %swap3A_489 = tpu.vector_load %arg10[%swap3A_488] {strides = array<i32>} : memref<8192xf32, #tpu.memory_space<vmem>>, vector<16xf32>,
          %swap3A_490 = vector.shape_cast %swap3A_489 : vector<16xf32> to vector<16xf32>
          %swap3A_491 = vector.shape_cast %get3A_485 : vector<16xf32> to vector<16xf32>
          tpu.vector_store %arg10[%swap3A_488], %swap3A_491 {add = true, strides = array<i32>} : memref<8192xf32, #tpu.memory_space<vmem>>, vector<16xf32>,
          %add3A_492 = arith.constant 64 : i32
          %add3A_493 = arith.addi %mul3A_439, %add3A_492 : i32
          %get3A_494 = arith.index_cast %add3A_493 : i32 to index
          %get3A_495 = tpu.vector_load %arg7[%get3A_494] {strides = array<i32>} : memref<51200xf32, #tpu.memory_space<vmem>>, vector<16xf32>,
          %get3A_496 = vector.shape_cast %get3A_495 : vector<16xf32> to vector<16xf32>
          %add3A_497 = arith.constant 64 : i32
          %add3A_498 = arith.addi %squeeze3A_441, %add3A_497 : i32
          %swap3A_499 = arith.index_cast %add3A_498 : i32 to index
          %swap3A_500 = tpu.vector_load %arg10[%swap3A_499] {strides = array<i32>} : memref<8192xf32, #tpu.memory_space<vmem>>, vector<16xf32>,
          %swap3A_501 = vector.shape_cast %swap3A_500 : vector<16xf32> to vector<16xf32>
          %swap3A_502 = vector.shape_cast %get3A_496 : vector<16xf32> to vector<16xf32>
          tpu.vector_store %arg10[%swap3A_499], %swap3A_502 {add = true, strides = array<i32>} : memref<8192xf32, #tpu.memory_space<vmem>>, vector<16xf32>,
          %add3A_503 = arith.constant 80 : i32
          %add3A_504 = arith.addi %mul3A_439, %add3A_503 : i32
          %get3A_505 = arith.index_cast %add3A_504 : i32 to index
          %get3A_506 = tpu.vector_load %arg7[%get3A_505] {strides = array<i32>} : memref<51200xf32, #tpu.memory_space<vmem>>, vector<16xf32>,
          %get3A_507 = vector.shape_cast %get3A_506 : vector<16xf32> to vector<16xf32>
          %add3A_508 = arith.constant 80 : i32
          %add3A_509 = arith.addi %squeeze3A_441, %add3A_508 : i32
          %swap3A_510 = arith.index_cast %add3A_509 : i32 to index
          %swap3A_511 = tpu.vector_load %arg10[%swap3A_510] {strides = array<i32>} : memref<8192xf32, #tpu.memory_space<vmem>>, vector<16xf32>,
          %swap3A_512 = vector.shape_cast %swap3A_511 : vector<16xf32> to vector<16xf32>
          %swap3A_513 = vector.shape_cast %get3A_507 : vector<16xf32> to vector<16xf32>
          tpu.vector_store %arg10[%swap3A_510], %swap3A_513 {add = true, strides = array<i32>} : memref<8192xf32, #tpu.memory_space<vmem>>, vector<16xf32>,
          %add3A_514 = arith.constant 96 : i32
          %add3A_515 = arith.addi %mul3A_439, %add3A_514 : i32
          %get3A_516 = arith.index_cast %add3A_515 : i32 to index
          %get3A_517 = tpu.vector_load %arg7[%get3A_516] {strides = array<i32>} : memref<51200xf32, #tpu.memory_space<vmem>>, vector<16xf32>,
          %get3A_518 = vector.shape_cast %get3A_517 : vector<16xf32> to vector<16xf32>
          %add3A_519 = arith.constant 96 : i32
          %add3A_520 = arith.addi %squeeze3A_441, %add3A_519 : i32
          %swap3A_521 = arith.index_cast %add3A_520 : i32 to index
          %swap3A_522 = tpu.vector_load %arg10[%swap3A_521] {strides = array<i32>} : memref<8192xf32, #tpu.memory_space<vmem>>, vector<16xf32>,
          %swap3A_523 = vector.shape_cast %swap3A_522 : vector<16xf32> to vector<16xf32>
          %swap3A_524 = vector.shape_cast %get3A_518 : vector<16xf32> to vector<16xf32>
          tpu.vector_store %arg10[%swap3A_521], %swap3A_524 {add = true, strides = array<i32>} : memref<8192xf32, #tpu.memory_space<vmem>>, vector<16xf32>,
          %add3A_525 = arith.constant 112 : i32
          %add3A_526 = arith.addi %mul3A_439, %add3A_525 : i32
          %get3A_527 = arith.index_cast %add3A_526 : i32 to index
          %get3A_528 = tpu.vector_load %arg7[%get3A_527] {strides = array<i32>} : memref<51200xf32, #tpu.memory_space<vmem>>, vector<16xf32>,
          %get3A_529 = vector.shape_cast %get3A_528 : vector<16xf32> to vector<16xf32>
          %add3A_530 = arith.constant 112 : i32
          %add3A_531 = arith.addi %squeeze3A_441, %add3A_530 : i32
          %swap3A_532 = arith.index_cast %add3A_531 : i32 to index
          %swap3A_533 = tpu.vector_load %arg10[%swap3A_532] {strides = array<i32>} : memref<8192xf32, #tpu.memory_space<vmem>>, vector<16xf32>,
          %swap3A_534 = vector.shape_cast %swap3A_533 : vector<16xf32> to vector<16xf32>
          %swap3A_535 = vector.shape_cast %get3A_529 : vector<16xf32> to vector<16xf32>
          tpu.vector_store %arg10[%swap3A_532], %swap3A_535 {add = true, strides = array<i32>} : memref<8192xf32, #tpu.memory_space<vmem>>, vector<16xf32>,
          %mul3A_536 = arith.constant 16 : i32
          %mul3A_537 = arith.muli %scan3A_116, %mul3A_536 : i32
          %add3A_538 = arith.constant 4 : i32
          %add3A_539 = arith.addi %mul3A_537, %add3A_538 : i32
          %mul3A_540 = arith.constant 128 : i32
          %mul3A_541 = arith.muli %add3A_539, %mul3A_540 : i32
          %slice3A_542 = vector.extract_strided_slice %mul3A_125 {offsets = [4], sizes = [1], strides = [1]} : vector<16xi32> to vector<1xi32>
          %squeeze3A_543 = vector.extract %slice3A_542[0] : i32 from vector<1xi32>
          %slice3A_544 = vector.extract_strided_slice %mul3A_128 {offsets = [4], sizes = [1], strides = [1]} : vector<16xi32> to vector<1xi32>
          %squeeze3A_545 = vector.extract %slice3A_544[0] : i32 from vector<1xi32>
          %swap3A_546 = arith.index_cast %squeeze3A_545 : i32 to index
          %swap3A_547 = tpu.vector_load %arg11[%swap3A_546] {strides = array<i32>} : memref<1024xf32, #tpu.memory_space<vmem>>, vector<16xf32>,
          %swap3A_548 = vector.shape_cast %swap3A_547 : vector<16xf32> to vector<16xf32>
          %swap3A_549 = vector.shape_cast %broadcast_in_dim3A_18 : vector<16xf32> to vector<16xf32>
          tpu.vector_store %arg11[%swap3A_546], %swap3A_549 {add = true, strides = array<i32>} : memref<1024xf32, #tpu.memory_space<vmem>>, vector<16xf32>,
          %add3A_550 = arith.constant 0 : i32
          %add3A_551 = arith.addi %mul3A_541, %add3A_550 : i32
          %get3A_552 = arith.index_cast %add3A_551 : i32 to index
          %get3A_553 = tpu.vector_load %arg7[%get3A_552] {strides = array<i32>} : memref<51200xf32, #tpu.memory_space<vmem>>, vector<16xf32>,
          %get3A_554 = vector.shape_cast %get3A_553 : vector<16xf32> to vector<16xf32>
          %add3A_555 = arith.constant 0 : i32
          %add3A_556 = arith.addi %squeeze3A_543, %add3A_555 : i32
          %swap3A_557 = arith.index_cast %add3A_556 : i32 to index
          %swap3A_558 = tpu.vector_load %arg10[%swap3A_557] {strides = array<i32>} : memref<8192xf32, #tpu.memory_space<vmem>>, vector<16xf32>,
          %swap3A_559 = vector.shape_cast %swap3A_558 : vector<16xf32> to vector<16xf32>
          %swap3A_560 = vector.shape_cast %get3A_554 : vector<16xf32> to vector<16xf32>
          tpu.vector_store %arg10[%swap3A_557], %swap3A_560 {add = true, strides = array<i32>} : memref<8192xf32, #tpu.memory_space<vmem>>, vector<16xf32>,
          %add3A_561 = arith.constant 16 : i32
          %add3A_562 = arith.addi %mul3A_541, %add3A_561 : i32
          %get3A_563 = arith.index_cast %add3A_562 : i32 to index
          %get3A_564 = tpu.vector_load %arg7[%get3A_563] {strides = array<i32>} : memref<51200xf32, #tpu.memory_space<vmem>>, vector<16xf32>,
          %get3A_565 = vector.shape_cast %get3A_564 : vector<16xf32> to vector<16xf32>
          %add3A_566 = arith.constant 16 : i32
          %add3A_567 = arith.addi %squeeze3A_543, %add3A_566 : i32
          %swap3A_568 = arith.index_cast %add3A_567 : i32 to index
          %swap3A_569 = tpu.vector_load %arg10[%swap3A_568] {strides = array<i32>} : memref<8192xf32, #tpu.memory_space<vmem>>, vector<16xf32>,
          %swap3A_570 = vector.shape_cast %swap3A_569 : vector<16xf32> to vector<16xf32>
          %swap3A_571 = vector.shape_cast %get3A_565 : vector<16xf32> to vector<16xf32>
          tpu.vector_store %arg10[%swap3A_568], %swap3A_571 {add = true, strides = array<i32>} : memref<8192xf32, #tpu.memory_space<vmem>>, vector<16xf32>,
          %add3A_572 = arith.constant 32 : i32
          %add3A_573 = arith.addi %mul3A_541, %add3A_572 : i32
          %get3A_574 = arith.index_cast %add3A_573 : i32 to index
          %get3A_575 = tpu.vector_load %arg7[%get3A_574] {strides = array<i32>} : memref<51200xf32, #tpu.memory_space<vmem>>, vector<16xf32>,
          %get3A_576 = vector.shape_cast %get3A_575 : vector<16xf32> to vector<16xf32>
          %add3A_577 = arith.constant 32 : i32
          %add3A_578 = arith.addi %squeeze3A_543, %add3A_577 : i32
          %swap3A_579 = arith.index_cast %add3A_578 : i32 to index
          %swap3A_580 = tpu.vector_load %arg10[%swap3A_579] {strides = array<i32>} : memref<8192xf32, #tpu.memory_space<vmem>>, vector<16xf32>,
          %swap3A_581 = vector.shape_cast %swap3A_580 : vector<16xf32> to vector<16xf32>
          %swap3A_582 = vector.shape_cast %get3A_576 : vector<16xf32> to vector<16xf32>
          tpu.vector_store %arg10[%swap3A_579], %swap3A_582 {add = true, strides = array<i32>} : memref<8192xf32, #tpu.memory_space<vmem>>, vector<16xf32>,
          %add3A_583 = arith.constant 48 : i32
          %add3A_584 = arith.addi %mul3A_541, %add3A_583 : i32
          %get3A_585 = arith.index_cast %add3A_584 : i32 to index
          %get3A_586 = tpu.vector_load %arg7[%get3A_585] {strides = array<i32>} : memref<51200xf32, #tpu.memory_space<vmem>>, vector<16xf32>,
          %get3A_587 = vector.shape_cast %get3A_586 : vector<16xf32> to vector<16xf32>
          %add3A_588 = arith.constant 48 : i32
          %add3A_589 = arith.addi %squeeze3A_543, %add3A_588 : i32
          %swap3A_590 = arith.index_cast %add3A_589 : i32 to index
          %swap3A_591 = tpu.vector_load %arg10[%swap3A_590] {strides = array<i32>} : memref<8192xf32, #tpu.memory_space<vmem>>, vector<16xf32>,
          %swap3A_592 = vector.shape_cast %swap3A_591 : vector<16xf32> to vector<16xf32>
          %swap3A_593 = vector.shape_cast %get3A_587 : vector<16xf32> to vector<16xf32>
          tpu.vector_store %arg10[%swap3A_590], %swap3A_593 {add = true, strides = array<i32>} : memref<8192xf32, #tpu.memory_space<vmem>>, vector<16xf32>,
          %add3A_594 = arith.constant 64 : i32
          %add3A_595 = arith.addi %mul3A_541, %add3A_594 : i32
          %get3A_596 = arith.index_cast %add3A_595 : i32 to index
          %get3A_597 = tpu.vector_load %arg7[%get3A_596] {strides = array<i32>} : memref<51200xf32, #tpu.memory_space<vmem>>, vector<16xf32>,
          %get3A_598 = vector.shape_cast %get3A_597 : vector<16xf32> to vector<16xf32>
          %add3A_599 = arith.constant 64 : i32
          %add3A_600 = arith.addi %squeeze3A_543, %add3A_599 : i32
          %swap3A_601 = arith.index_cast %add3A_600 : i32 to index
          %swap3A_602 = tpu.vector_load %arg10[%swap3A_601] {strides = array<i32>} : memref<8192xf32, #tpu.memory_space<vmem>>, vector<16xf32>,
          %swap3A_603 = vector.shape_cast %swap3A_602 : vector<16xf32> to vector<16xf32>
          %swap3A_604 = vector.shape_cast %get3A_598 : vector<16xf32> to vector<16xf32>
          tpu.vector_store %arg10[%swap3A_601], %swap3A_604 {add = true, strides = array<i32>} : memref<8192xf32, #tpu.memory_space<vmem>>, vector<16xf32>,
          %add3A_605 = arith.constant 80 : i32
          %add3A_606 = arith.addi %mul3A_541, %add3A_605 : i32
          %get3A_607 = arith.index_cast %add3A_606 : i32 to index
          %get3A_608 = tpu.vector_load %arg7[%get3A_607] {strides = array<i32>} : memref<51200xf32, #tpu.memory_space<vmem>>, vector<16xf32>,
          %get3A_609 = vector.shape_cast %get3A_608 : vector<16xf32> to vector<16xf32>
          %add3A_610 = arith.constant 80 : i32
          %add3A_611 = arith.addi %squeeze3A_543, %add3A_610 : i32
          %swap3A_612 = arith.index_cast %add3A_611 : i32 to index
          %swap3A_613 = tpu.vector_load %arg10[%swap3A_612] {strides = array<i32>} : memref<8192xf32, #tpu.memory_space<vmem>>, vector<16xf32>,
          %swap3A_614 = vector.shape_cast %swap3A_613 : vector<16xf32> to vector<16xf32>
          %swap3A_615 = vector.shape_cast %get3A_609 : vector<16xf32> to vector<16xf32>
          tpu.vector_store %arg10[%swap3A_612], %swap3A_615 {add = true, strides = array<i32>} : memref<8192xf32, #tpu.memory_space<vmem>>, vector<16xf32>,
          %add3A_616 = arith.constant 96 : i32
          %add3A_617 = arith.addi %mul3A_541, %add3A_616 : i32
          %get3A_618 = arith.index_cast %add3A_617 : i32 to index
          %get3A_619 = tpu.vector_load %arg7[%get3A_618] {strides = array<i32>} : memref<51200xf32, #tpu.memory_space<vmem>>, vector<16xf32>,
          %get3A_620 = vector.shape_cast %get3A_619 : vector<16xf32> to vector<16xf32>
          %add3A_621 = arith.constant 96 : i32
          %add3A_622 = arith.addi %squeeze3A_543, %add3A_621 : i32
          %swap3A_623 = arith.index_cast %add3A_622 : i32 to index
          %swap3A_624 = tpu.vector_load %arg10[%swap3A_623] {strides = array<i32>} : memref<8192xf32, #tpu.memory_space<vmem>>, vector<16xf32>,
          %swap3A_625 = vector.shape_cast %swap3A_624 : vector<16xf32> to vector<16xf32>
          %swap3A_626 = vector.shape_cast %get3A_620 : vector<16xf32> to vector<16xf32>
          tpu.vector_store %arg10[%swap3A_623], %swap3A_626 {add = true, strides = array<i32>} : memref<8192xf32, #tpu.memory_space<vmem>>, vector<16xf32>,
          %add3A_627 = arith.constant 112 : i32
          %add3A_628 = arith.addi %mul3A_541, %add3A_627 : i32
          %get3A_629 = arith.index_cast %add3A_628 : i32 to index
          %get3A_630 = tpu.vector_load %arg7[%get3A_629] {strides = array<i32>} : memref<51200xf32, #tpu.memory_space<vmem>>, vector<16xf32>,
          %get3A_631 = vector.shape_cast %get3A_630 : vector<16xf32> to vector<16xf32>
          %add3A_632 = arith.constant 112 : i32
          %add3A_633 = arith.addi %squeeze3A_543, %add3A_632 : i32
          %swap3A_634 = arith.index_cast %add3A_633 : i32 to index
          %swap3A_635 = tpu.vector_load %arg10[%swap3A_634] {strides = array<i32>} : memref<8192xf32, #tpu.memory_space<vmem>>, vector<16xf32>,
          %swap3A_636 = vector.shape_cast %swap3A_635 : vector<16xf32> to vector<16xf32>
          %swap3A_637 = vector.shape_cast %get3A_631 : vector<16xf32> to vector<16xf32>
          tpu.vector_store %arg10[%swap3A_634], %swap3A_637 {add = true, strides = array<i32>} : memref<8192xf32, #tpu.memory_space<vmem>>, vector<16xf32>,
          %mul3A_638 = arith.constant 16 : i32
          %mul3A_639 = arith.muli %scan3A_116, %mul3A_638 : i32
          %add3A_640 = arith.constant 5 : i32
          %add3A_641 = arith.addi %mul3A_639, %add3A_640 : i32
          %mul3A_642 = arith.constant 128 : i32
          %mul3A_643 = arith.muli %add3A_641, %mul3A_642 : i32
          %slice3A_644 = vector.extract_strided_slice %mul3A_125 {offsets = [5], sizes = [1], strides = [1]} : vector<16xi32> to vector<1xi32>
          %squeeze3A_645 = vector.extract %slice3A_644[0] : i32 from vector<1xi32>
          %slice3A_646 = vector.extract_strided_slice %mul3A_128 {offsets = [5], sizes = [1], strides = [1]} : vector<16xi32> to vector<1xi32>
          %squeeze3A_647 = vector.extract %slice3A_646[0] : i32 from vector<1xi32>
          %swap3A_648 = arith.index_cast %squeeze3A_647 : i32 to index
          %swap3A_649 = tpu.vector_load %arg11[%swap3A_648] {strides = array<i32>} : memref<1024xf32, #tpu.memory_space<vmem>>, vector<16xf32>,
          %swap3A_650 = vector.shape_cast %swap3A_649 : vector<16xf32> to vector<16xf32>
          %swap3A_651 = vector.shape_cast %broadcast_in_dim3A_18 : vector<16xf32> to vector<16xf32>
          tpu.vector_store %arg11[%swap3A_648], %swap3A_651 {add = true, strides = array<i32>} : memref<1024xf32, #tpu.memory_space<vmem>>, vector<16xf32>,
          %add3A_652 = arith.constant 0 : i32
          %add3A_653 = arith.addi %mul3A_643, %add3A_652 : i32
          %get3A_654 = arith.index_cast %add3A_653 : i32 to index
          %get3A_655 = tpu.vector_load %arg7[%get3A_654] {strides = array<i32>} : memref<51200xf32, #tpu.memory_space<vmem>>, vector<16xf32>,
          %get3A_656 = vector.shape_cast %get3A_655 : vector<16xf32> to vector<16xf32>
          %add3A_657 = arith.constant 0 : i32
          %add3A_658 = arith.addi %squeeze3A_645, %add3A_657 : i32
          %swap3A_659 = arith.index_cast %add3A_658 : i32 to index
          %swap3A_660 = tpu.vector_load %arg10[%swap3A_659] {strides = array<i32>} : memref<8192xf32, #tpu.memory_space<vmem>>, vector<16xf32>,
          %swap3A_661 = vector.shape_cast %swap3A_660 : vector<16xf32> to vector<16xf32>
          %swap3A_662 = vector.shape_cast %get3A_656 : vector<16xf32> to vector<16xf32>
          tpu.vector_store %arg10[%swap3A_659], %swap3A_662 {add = true, strides = array<i32>} : memref<8192xf32, #tpu.memory_space<vmem>>, vector<16xf32>,
          %add3A_663 = arith.constant 16 : i32
          %add3A_664 = arith.addi %mul3A_643, %add3A_663 : i32
          %get3A_665 = arith.index_cast %add3A_664 : i32 to index
          %get3A_666 = tpu.vector_load %arg7[%get3A_665] {strides = array<i32>} : memref<51200xf32, #tpu.memory_space<vmem>>, vector<16xf32>,
          %get3A_667 = vector.shape_cast %get3A_666 : vector<16xf32> to vector<16xf32>
          %add3A_668 = arith.constant 16 : i32
          %add3A_669 = arith.addi %squeeze3A_645, %add3A_668 : i32
          %swap3A_670 = arith.index_cast %add3A_669 : i32 to index
          %swap3A_671 = tpu.vector_load %arg10[%swap3A_670] {strides = array<i32>} : memref<8192xf32, #tpu.memory_space<vmem>>, vector<16xf32>,
          %swap3A_672 = vector.shape_cast %swap3A_671 : vector<16xf32> to vector<16xf32>
          %swap3A_673 = vector.shape_cast %get3A_667 : vector<16xf32> to vector<16xf32>
          tpu.vector_store %arg10[%swap3A_670], %swap3A_673 {add = true, strides = array<i32>} : memref<8192xf32, #tpu.memory_space<vmem>>, vector<16xf32>,
          %add3A_674 = arith.constant 32 : i32
          %add3A_675 = arith.addi %mul3A_643, %add3A_674 : i32
          %get3A_676 = arith.index_cast %add3A_675 : i32 to index
          %get3A_677 = tpu.vector_load %arg7[%get3A_676] {strides = array<i32>} : memref<51200xf32, #tpu.memory_space<vmem>>, vector<16xf32>,
          %get3A_678 = vector.shape_cast %get3A_677 : vector<16xf32> to vector<16xf32>
          %add3A_679 = arith.constant 32 : i32
          %add3A_680 = arith.addi %squeeze3A_645, %add3A_679 : i32
          %swap3A_681 = arith.index_cast %add3A_680 : i32 to index
          %swap3A_682 = tpu.vector_load %arg10[%swap3A_681] {strides = array<i32>} : memref<8192xf32, #tpu.memory_space<vmem>>, vector<16xf32>,
          %swap3A_683 = vector.shape_cast %swap3A_682 : vector<16xf32> to vector<16xf32>
          %swap3A_684 = vector.shape_cast %get3A_678 : vector<16xf32> to vector<16xf32>
          tpu.vector_store %arg10[%swap3A_681], %swap3A_684 {add = true, strides = array<i32>} : memref<8192xf32, #tpu.memory_space<vmem>>, vector<16xf32>,
          %add3A_685 = arith.constant 48 : i32
          %add3A_686 = arith.addi %mul3A_643, %add3A_685 : i32
          %get3A_687 = arith.index_cast %add3A_686 : i32 to index
          %get3A_688 = tpu.vector_load %arg7[%get3A_687] {strides = array<i32>} : memref<51200xf32, #tpu.memory_space<vmem>>, vector<16xf32>,
          %get3A_689 = vector.shape_cast %get3A_688 : vector<16xf32> to vector<16xf32>
          %add3A_690 = arith.constant 48 : i32
          %add3A_691 = arith.addi %squeeze3A_645, %add3A_690 : i32
          %swap3A_692 = arith.index_cast %add3A_691 : i32 to index
          %swap3A_693 = tpu.vector_load %arg10[%swap3A_692] {strides = array<i32>} : memref<8192xf32, #tpu.memory_space<vmem>>, vector<16xf32>,
          %swap3A_694 = vector.shape_cast %swap3A_693 : vector<16xf32> to vector<16xf32>
          %swap3A_695 = vector.shape_cast %get3A_689 : vector<16xf32> to vector<16xf32>
          tpu.vector_store %arg10[%swap3A_692], %swap3A_695 {add = true, strides = array<i32>} : memref<8192xf32, #tpu.memory_space<vmem>>, vector<16xf32>,
          %add3A_696 = arith.constant 64 : i32
          %add3A_697 = arith.addi %mul3A_643, %add3A_696 : i32
          %get3A_698 = arith.index_cast %add3A_697 : i32 to index
          %get3A_699 = tpu.vector_load %arg7[%get3A_698] {strides = array<i32>} : memref<51200xf32, #tpu.memory_space<vmem>>, vector<16xf32>,
          %get3A_700 = vector.shape_cast %get3A_699 : vector<16xf32> to vector<16xf32>
          %add3A_701 = arith.constant 64 : i32
          %add3A_702 = arith.addi %squeeze3A_645, %add3A_701 : i32
          %swap3A_703 = arith.index_cast %add3A_702 : i32 to index
          %swap3A_704 = tpu.vector_load %arg10[%swap3A_703] {strides = array<i32>} : memref<8192xf32, #tpu.memory_space<vmem>>, vector<16xf32>,
          %swap3A_705 = vector.shape_cast %swap3A_704 : vector<16xf32> to vector<16xf32>
          %swap3A_706 = vector.shape_cast %get3A_700 : vector<16xf32> to vector<16xf32>
          tpu.vector_store %arg10[%swap3A_703], %swap3A_706 {add = true, strides = array<i32>} : memref<8192xf32, #tpu.memory_space<vmem>>, vector<16xf32>,
          %add3A_707 = arith.constant 80 : i32
          %add3A_708 = arith.addi %mul3A_643, %add3A_707 : i32
          %get3A_709 = arith.index_cast %add3A_708 : i32 to index
          %get3A_710 = tpu.vector_load %arg7[%get3A_709] {strides = array<i32>} : memref<51200xf32, #tpu.memory_space<vmem>>, vector<16xf32>,
          %get3A_711 = vector.shape_cast %get3A_710 : vector<16xf32> to vector<16xf32>
          %add3A_712 = arith.constant 80 : i32
          %add3A_713 = arith.addi %squeeze3A_645, %add3A_712 : i32
          %swap3A_714 = arith.index_cast %add3A_713 : i32 to index
          %swap3A_715 = tpu.vector_load %arg10[%swap3A_714] {strides = array<i32>} : memref<8192xf32, #tpu.memory_space<vmem>>, vector<16xf32>,
          %swap3A_716 = vector.shape_cast %swap3A_715 : vector<16xf32> to vector<16xf32>
          %swap3A_717 = vector.shape_cast %get3A_711 : vector<16xf32> to vector<16xf32>
          tpu.vector_store %arg10[%swap3A_714], %swap3A_717 {add = true, strides = array<i32>} : memref<8192xf32, #tpu.memory_space<vmem>>, vector<16xf32>,
          %add3A_718 = arith.constant 96 : i32
          %add3A_719 = arith.addi %mul3A_643, %add3A_718 : i32
          %get3A_720 = arith.index_cast %add3A_719 : i32 to index
          %get3A_721 = tpu.vector_load %arg7[%get3A_720] {strides = array<i32>} : memref<51200xf32, #tpu.memory_space<vmem>>, vector<16xf32>,
          %get3A_722 = vector.shape_cast %get3A_721 : vector<16xf32> to vector<16xf32>
          %add3A_723 = arith.constant 96 : i32
          %add3A_724 = arith.addi %squeeze3A_645, %add3A_723 : i32
          %swap3A_725 = arith.index_cast %add3A_724 : i32 to index
          %swap3A_726 = tpu.vector_load %arg10[%swap3A_725] {strides = array<i32>} : memref<8192xf32, #tpu.memory_space<vmem>>, vector<16xf32>,
          %swap3A_727 = vector.shape_cast %swap3A_726 : vector<16xf32> to vector<16xf32>
          %swap3A_728 = vector.shape_cast %get3A_722 : vector<16xf32> to vector<16xf32>
          tpu.vector_store %arg10[%swap3A_725], %swap3A_728 {add = true, strides = array<i32>} : memref<8192xf32, #tpu.memory_space<vmem>>, vector<16xf32>,
          %add3A_729 = arith.constant 112 : i32
          %add3A_730 = arith.addi %mul3A_643, %add3A_729 : i32
          %get3A_731 = arith.index_cast %add3A_730 : i32 to index
          %get3A_732 = tpu.vector_load %arg7[%get3A_731] {strides = array<i32>} : memref<51200xf32, #tpu.memory_space<vmem>>, vector<16xf32>,
          %get3A_733 = vector.shape_cast %get3A_732 : vector<16xf32> to vector<16xf32>
          %add3A_734 = arith.constant 112 : i32
          %add3A_735 = arith.addi %squeeze3A_645, %add3A_734 : i32
          %swap3A_736 = arith.index_cast %add3A_735 : i32 to index
          %swap3A_737 = tpu.vector_load %arg10[%swap3A_736] {strides = array<i32>} : memref<8192xf32, #tpu.memory_space<vmem>>, vector<16xf32>,
          %swap3A_738 = vector.shape_cast %swap3A_737 : vector<16xf32> to vector<16xf32>
          %swap3A_739 = vector.shape_cast %get3A_733 : vector<16xf32> to vector<16xf32>
          tpu.vector_store %arg10[%swap3A_736], %swap3A_739 {add = true, strides = array<i32>} : memref<8192xf32, #tpu.memory_space<vmem>>, vector<16xf32>,
          %mul3A_740 = arith.constant 16 : i32
          %mul3A_741 = arith.muli %scan3A_116, %mul3A_740 : i32
          %add3A_742 = arith.constant 6 : i32
          %add3A_743 = arith.addi %mul3A_741, %add3A_742 : i32
          %mul3A_744 = arith.constant 128 : i32
          %mul3A_745 = arith.muli %add3A_743, %mul3A_744 : i32
          %slice3A_746 = vector.extract_strided_slice %mul3A_125 {offsets = [6], sizes = [1], strides = [1]} : vector<16xi32> to vector<1xi32>
          %squeeze3A_747 = vector.extract %slice3A_746[0] : i32 from vector<1xi32>
          %slice3A_748 = vector.extract_strided_slice %mul3A_128 {offsets = [6], sizes = [1], strides = [1]} : vector<16xi32> to vector<1xi32>
          %squeeze3A_749 = vector.extract %slice3A_748[0] : i32 from vector<1xi32>
          %swap3A_750 = arith.index_cast %squeeze3A_749 : i32 to index
          %swap3A_751 = tpu.vector_load %arg11[%swap3A_750] {strides = array<i32>} : memref<1024xf32, #tpu.memory_space<vmem>>, vector<16xf32>,
          %swap3A_752 = vector.shape_cast %swap3A_751 : vector<16xf32> to vector<16xf32>
          %swap3A_753 = vector.shape_cast %broadcast_in_dim3A_18 : vector<16xf32> to vector<16xf32>
          tpu.vector_store %arg11[%swap3A_750], %swap3A_753 {add = true, strides = array<i32>} : memref<1024xf32, #tpu.memory_space<vmem>>, vector<16xf32>,
          %add3A_754 = arith.constant 0 : i32
          %add3A_755 = arith.addi %mul3A_745, %add3A_754 : i32
          %get3A_756 = arith.index_cast %add3A_755 : i32 to index
          %get3A_757 = tpu.vector_load %arg7[%get3A_756] {strides = array<i32>} : memref<51200xf32, #tpu.memory_space<vmem>>, vector<16xf32>,
          %get3A_758 = vector.shape_cast %get3A_757 : vector<16xf32> to vector<16xf32>
          %add3A_759 = arith.constant 0 : i32
          %add3A_760 = arith.addi %squeeze3A_747, %add3A_759 : i32
          %swap3A_761 = arith.index_cast %add3A_760 : i32 to index
          %swap3A_762 = tpu.vector_load %arg10[%swap3A_761] {strides = array<i32>} : memref<8192xf32, #tpu.memory_space<vmem>>, vector<16xf32>,
          %swap3A_763 = vector.shape_cast %swap3A_762 : vector<16xf32> to vector<16xf32>
          %swap3A_764 = vector.shape_cast %get3A_758 : vector<16xf32> to vector<16xf32>
          tpu.vector_store %arg10[%swap3A_761], %swap3A_764 {add = true, strides = array<i32>} : memref<8192xf32, #tpu.memory_space<vmem>>, vector<16xf32>,
          %add3A_765 = arith.constant 16 : i32
          %add3A_766 = arith.addi %mul3A_745, %add3A_765 : i32
          %get3A_767 = arith.index_cast %add3A_766 : i32 to index
          %get3A_768 = tpu.vector_load %arg7[%get3A_767] {strides = array<i32>} : memref<51200xf32, #tpu.memory_space<vmem>>, vector<16xf32>,
          %get3A_769 = vector.shape_cast %get3A_768 : vector<16xf32> to vector<16xf32>
          %add3A_770 = arith.constant 16 : i32
          %add3A_771 = arith.addi %squeeze3A_747, %add3A_770 : i32
          %swap3A_772 = arith.index_cast %add3A_771 : i32 to index
          %swap3A_773 = tpu.vector_load %arg10[%swap3A_772] {strides = array<i32>} : memref<8192xf32, #tpu.memory_space<vmem>>, vector<16xf32>,
          %swap3A_774 = vector.shape_cast %swap3A_773 : vector<16xf32> to vector<16xf32>
          %swap3A_775 = vector.shape_cast %get3A_769 : vector<16xf32> to vector<16xf32>
          tpu.vector_store %arg10[%swap3A_772], %swap3A_775 {add = true, strides = array<i32>} : memref<8192xf32, #tpu.memory_space<vmem>>, vector<16xf32>,
          %add3A_776 = arith.constant 32 : i32
          %add3A_777 = arith.addi %mul3A_745, %add3A_776 : i32
          %get3A_778 = arith.index_cast %add3A_777 : i32 to index
          %get3A_779 = tpu.vector_load %arg7[%get3A_778] {strides = array<i32>} : memref<51200xf32, #tpu.memory_space<vmem>>, vector<16xf32>,
          %get3A_780 = vector.shape_cast %get3A_779 : vector<16xf32> to vector<16xf32>
          %add3A_781 = arith.constant 32 : i32
          %add3A_782 = arith.addi %squeeze3A_747, %add3A_781 : i32
          %swap3A_783 = arith.index_cast %add3A_782 : i32 to index
          %swap3A_784 = tpu.vector_load %arg10[%swap3A_783] {strides = array<i32>} : memref<8192xf32, #tpu.memory_space<vmem>>, vector<16xf32>,
          %swap3A_785 = vector.shape_cast %swap3A_784 : vector<16xf32> to vector<16xf32>
          %swap3A_786 = vector.shape_cast %get3A_780 : vector<16xf32> to vector<16xf32>
          tpu.vector_store %arg10[%swap3A_783], %swap3A_786 {add = true, strides = array<i32>} : memref<8192xf32, #tpu.memory_space<vmem>>, vector<16xf32>,
          %add3A_787 = arith.constant 48 : i32
          %add3A_788 = arith.addi %mul3A_745, %add3A_787 : i32
          %get3A_789 = arith.index_cast %add3A_788 : i32 to index
          %get3A_790 = tpu.vector_load %arg7[%get3A_789] {strides = array<i32>} : memref<51200xf32, #tpu.memory_space<vmem>>, vector<16xf32>,
          %get3A_791 = vector.shape_cast %get3A_790 : vector<16xf32> to vector<16xf32>
          %add3A_792 = arith.constant 48 : i32
          %add3A_793 = arith.addi %squeeze3A_747, %add3A_792 : i32
          %swap3A_794 = arith.index_cast %add3A_793 : i32 to index
          %swap3A_795 = tpu.vector_load %arg10[%swap3A_794] {strides = array<i32>} : memref<8192xf32, #tpu.memory_space<vmem>>, vector<16xf32>,
          %swap3A_796 = vector.shape_cast %swap3A_795 : vector<16xf32> to vector<16xf32>
          %swap3A_797 = vector.shape_cast %get3A_791 : vector<16xf32> to vector<16xf32>
          tpu.vector_store %arg10[%swap3A_794], %swap3A_797 {add = true, strides = array<i32>} : memref<8192xf32, #tpu.memory_space<vmem>>, vector<16xf32>,
          %add3A_798 = arith.constant 64 : i32
          %add3A_799 = arith.addi %mul3A_745, %add3A_798 : i32
          %get3A_800 = arith.index_cast %add3A_799 : i32 to index
          %get3A_801 = tpu.vector_load %arg7[%get3A_800] {strides = array<i32>} : memref<51200xf32, #tpu.memory_space<vmem>>, vector<16xf32>,
          %get3A_802 = vector.shape_cast %get3A_801 : vector<16xf32> to vector<16xf32>
          %add3A_803 = arith.constant 64 : i32
          %add3A_804 = arith.addi %squeeze3A_747, %add3A_803 : i32
          %swap3A_805 = arith.index_cast %add3A_804 : i32 to index
          %swap3A_806 = tpu.vector_load %arg10[%swap3A_805] {strides = array<i32>} : memref<8192xf32, #tpu.memory_space<vmem>>, vector<16xf32>,
          %swap3A_807 = vector.shape_cast %swap3A_806 : vector<16xf32> to vector<16xf32>
          %swap3A_808 = vector.shape_cast %get3A_802 : vector<16xf32> to vector<16xf32>
          tpu.vector_store %arg10[%swap3A_805], %swap3A_808 {add = true, strides = array<i32>} : memref<8192xf32, #tpu.memory_space<vmem>>, vector<16xf32>,
          %add3A_809 = arith.constant 80 : i32
          %add3A_810 = arith.addi %mul3A_745, %add3A_809 : i32
          %get3A_811 = arith.index_cast %add3A_810 : i32 to index
          %get3A_812 = tpu.vector_load %arg7[%get3A_811] {strides = array<i32>} : memref<51200xf32, #tpu.memory_space<vmem>>, vector<16xf32>,
          %get3A_813 = vector.shape_cast %get3A_812 : vector<16xf32> to vector<16xf32>
          %add3A_814 = arith.constant 80 : i32
          %add3A_815 = arith.addi %squeeze3A_747, %add3A_814 : i32
          %swap3A_816 = arith.index_cast %add3A_815 : i32 to index
          %swap3A_817 = tpu.vector_load %arg10[%swap3A_816] {strides = array<i32>} : memref<8192xf32, #tpu.memory_space<vmem>>, vector<16xf32>,
          %swap3A_818 = vector.shape_cast %swap3A_817 : vector<16xf32> to vector<16xf32>
          %swap3A_819 = vector.shape_cast %get3A_813 : vector<16xf32> to vector<16xf32>
          tpu.vector_store %arg10[%swap3A_816], %swap3A_819 {add = true, strides = array<i32>} : memref<8192xf32, #tpu.memory_space<vmem>>, vector<16xf32>,
          %add3A_820 = arith.constant 96 : i32
          %add3A_821 = arith.addi %mul3A_745, %add3A_820 : i32
          %get3A_822 = arith.index_cast %add3A_821 : i32 to index
          %get3A_823 = tpu.vector_load %arg7[%get3A_822] {strides = array<i32>} : memref<51200xf32, #tpu.memory_space<vmem>>, vector<16xf32>,
          %get3A_824 = vector.shape_cast %get3A_823 : vector<16xf32> to vector<16xf32>
          %add3A_825 = arith.constant 96 : i32
          %add3A_826 = arith.addi %squeeze3A_747, %add3A_825 : i32
          %swap3A_827 = arith.index_cast %add3A_826 : i32 to index
          %swap3A_828 = tpu.vector_load %arg10[%swap3A_827] {strides = array<i32>} : memref<8192xf32, #tpu.memory_space<vmem>>, vector<16xf32>,
          %swap3A_829 = vector.shape_cast %swap3A_828 : vector<16xf32> to vector<16xf32>
          %swap3A_830 = vector.shape_cast %get3A_824 : vector<16xf32> to vector<16xf32>
          tpu.vector_store %arg10[%swap3A_827], %swap3A_830 {add = true, strides = array<i32>} : memref<8192xf32, #tpu.memory_space<vmem>>, vector<16xf32>,
          %add3A_831 = arith.constant 112 : i32
          %add3A_832 = arith.addi %mul3A_745, %add3A_831 : i32
          %get3A_833 = arith.index_cast %add3A_832 : i32 to index
          %get3A_834 = tpu.vector_load %arg7[%get3A_833] {strides = array<i32>} : memref<51200xf32, #tpu.memory_space<vmem>>, vector<16xf32>,
          %get3A_835 = vector.shape_cast %get3A_834 : vector<16xf32> to vector<16xf32>
          %add3A_836 = arith.constant 112 : i32
          %add3A_837 = arith.addi %squeeze3A_747, %add3A_836 : i32
          %swap3A_838 = arith.index_cast %add3A_837 : i32 to index
          %swap3A_839 = tpu.vector_load %arg10[%swap3A_838] {strides = array<i32>} : memref<8192xf32, #tpu.memory_space<vmem>>, vector<16xf32>,
          %swap3A_840 = vector.shape_cast %swap3A_839 : vector<16xf32> to vector<16xf32>
          %swap3A_841 = vector.shape_cast %get3A_835 : vector<16xf32> to vector<16xf32>
          tpu.vector_store %arg10[%swap3A_838], %swap3A_841 {add = true, strides = array<i32>} : memref<8192xf32, #tpu.memory_space<vmem>>, vector<16xf32>,
          %mul3A_842 = arith.constant 16 : i32
          %mul3A_843 = arith.muli %scan3A_116, %mul3A_842 : i32
          %add3A_844 = arith.constant 7 : i32
          %add3A_845 = arith.addi %mul3A_843, %add3A_844 : i32
          %mul3A_846 = arith.constant 128 : i32
          %mul3A_847 = arith.muli %add3A_845, %mul3A_846 : i32
          %slice3A_848 = vector.extract_strided_slice %mul3A_125 {offsets = [7], sizes = [1], strides = [1]} : vector<16xi32> to vector<1xi32>
          %squeeze3A_849 = vector.extract %slice3A_848[0] : i32 from vector<1xi32>
          %slice3A_850 = vector.extract_strided_slice %mul3A_128 {offsets = [7], sizes = [1], strides = [1]} : vector<16xi32> to vector<1xi32>
          %squeeze3A_851 = vector.extract %slice3A_850[0] : i32 from vector<1xi32>
          %swap3A_852 = arith.index_cast %squeeze3A_851 : i32 to index
          %swap3A_853 = tpu.vector_load %arg11[%swap3A_852] {strides = array<i32>} : memref<1024xf32, #tpu.memory_space<vmem>>, vector<16xf32>,
          %swap3A_854 = vector.shape_cast %swap3A_853 : vector<16xf32> to vector<16xf32>
          %swap3A_855 = vector.shape_cast %broadcast_in_dim3A_18 : vector<16xf32> to vector<16xf32>
          tpu.vector_store %arg11[%swap3A_852], %swap3A_855 {add = true, strides = array<i32>} : memref<1024xf32, #tpu.memory_space<vmem>>, vector<16xf32>,
          %add3A_856 = arith.constant 0 : i32
          %add3A_857 = arith.addi %mul3A_847, %add3A_856 : i32
          %get3A_858 = arith.index_cast %add3A_857 : i32 to index
          %get3A_859 = tpu.vector_load %arg7[%get3A_858] {strides = array<i32>} : memref<51200xf32, #tpu.memory_space<vmem>>, vector<16xf32>,
          %get3A_860 = vector.shape_cast %get3A_859 : vector<16xf32> to vector<16xf32>
          %add3A_861 = arith.constant 0 : i32
          %add3A_862 = arith.addi %squeeze3A_849, %add3A_861 : i32
          %swap3A_863 = arith.index_cast %add3A_862 : i32 to index
          %swap3A_864 = tpu.vector_load %arg10[%swap3A_863] {strides = array<i32>} : memref<8192xf32, #tpu.memory_space<vmem>>, vector<16xf32>,
          %swap3A_865 = vector.shape_cast %swap3A_864 : vector<16xf32> to vector<16xf32>
          %swap3A_866 = vector.shape_cast %get3A_860 : vector<16xf32> to vector<16xf32>
          tpu.vector_store %arg10[%swap3A_863], %swap3A_866 {add = true, strides = array<i32>} : memref<8192xf32, #tpu.memory_space<vmem>>, vector<16xf32>,
          %add3A_867 = arith.constant 16 : i32
          %add3A_868 = arith.addi %mul3A_847, %add3A_867 : i32
          %get3A_869 = arith.index_cast %add3A_868 : i32 to index
          %get3A_870 = tpu.vector_load %arg7[%get3A_869] {strides = array<i32>} : memref<51200xf32, #tpu.memory_space<vmem>>, vector<16xf32>,
          %get3A_871 = vector.shape_cast %get3A_870 : vector<16xf32> to vector<16xf32>
          %add3A_872 = arith.constant 16 : i32
          %add3A_873 = arith.addi %squeeze3A_849, %add3A_872 : i32
          %swap3A_874 = arith.index_cast %add3A_873 : i32 to index
          %swap3A_875 = tpu.vector_load %arg10[%swap3A_874] {strides = array<i32>} : memref<8192xf32, #tpu.memory_space<vmem>>, vector<16xf32>,
          %swap3A_876 = vector.shape_cast %swap3A_875 : vector<16xf32> to vector<16xf32>
          %swap3A_877 = vector.shape_cast %get3A_871 : vector<16xf32> to vector<16xf32>
          tpu.vector_store %arg10[%swap3A_874], %swap3A_877 {add = true, strides = array<i32>} : memref<8192xf32, #tpu.memory_space<vmem>>, vector<16xf32>,
          %add3A_878 = arith.constant 32 : i32
          %add3A_879 = arith.addi %mul3A_847, %add3A_878 : i32
          %get3A_880 = arith.index_cast %add3A_879 : i32 to index
          %get3A_881 = tpu.vector_load %arg7[%get3A_880] {strides = array<i32>} : memref<51200xf32, #tpu.memory_space<vmem>>, vector<16xf32>,
          %get3A_882 = vector.shape_cast %get3A_881 : vector<16xf32> to vector<16xf32>
          %add3A_883 = arith.constant 32 : i32
          %add3A_884 = arith.addi %squeeze3A_849, %add3A_883 : i32
          %swap3A_885 = arith.index_cast %add3A_884 : i32 to index
          %swap3A_886 = tpu.vector_load %arg10[%swap3A_885] {strides = array<i32>} : memref<8192xf32, #tpu.memory_space<vmem>>, vector<16xf32>,
          %swap3A_887 = vector.shape_cast %swap3A_886 : vector<16xf32> to vector<16xf32>
          %swap3A_888 = vector.shape_cast %get3A_882 : vector<16xf32> to vector<16xf32>
          tpu.vector_store %arg10[%swap3A_885], %swap3A_888 {add = true, strides = array<i32>} : memref<8192xf32, #tpu.memory_space<vmem>>, vector<16xf32>,
          %add3A_889 = arith.constant 48 : i32
          %add3A_890 = arith.addi %mul3A_847, %add3A_889 : i32
          %get3A_891 = arith.index_cast %add3A_890 : i32 to index
          %get3A_892 = tpu.vector_load %arg7[%get3A_891] {strides = array<i32>} : memref<51200xf32, #tpu.memory_space<vmem>>, vector<16xf32>,
          %get3A_893 = vector.shape_cast %get3A_892 : vector<16xf32> to vector<16xf32>
          %add3A_894 = arith.constant 48 : i32
          %add3A_895 = arith.addi %squeeze3A_849, %add3A_894 : i32
          %swap3A_896 = arith.index_cast %add3A_895 : i32 to index
          %swap3A_897 = tpu.vector_load %arg10[%swap3A_896] {strides = array<i32>} : memref<8192xf32, #tpu.memory_space<vmem>>, vector<16xf32>,
          %swap3A_898 = vector.shape_cast %swap3A_897 : vector<16xf32> to vector<16xf32>
          %swap3A_899 = vector.shape_cast %get3A_893 : vector<16xf32> to vector<16xf32>
          tpu.vector_store %arg10[%swap3A_896], %swap3A_899 {add = true, strides = array<i32>} : memref<8192xf32, #tpu.memory_space<vmem>>, vector<16xf32>,
          %add3A_900 = arith.constant 64 : i32
          %add3A_901 = arith.addi %mul3A_847, %add3A_900 : i32
          %get3A_902 = arith.index_cast %add3A_901 : i32 to index
          %get3A_903 = tpu.vector_load %arg7[%get3A_902] {strides = array<i32>} : memref<51200xf32, #tpu.memory_space<vmem>>, vector<16xf32>,
          %get3A_904 = vector.shape_cast %get3A_903 : vector<16xf32> to vector<16xf32>
          %add3A_905 = arith.constant 64 : i32
          %add3A_906 = arith.addi %squeeze3A_849, %add3A_905 : i32
          %swap3A_907 = arith.index_cast %add3A_906 : i32 to index
          %swap3A_908 = tpu.vector_load %arg10[%swap3A_907] {strides = array<i32>} : memref<8192xf32, #tpu.memory_space<vmem>>, vector<16xf32>,
          %swap3A_909 = vector.shape_cast %swap3A_908 : vector<16xf32> to vector<16xf32>
          %swap3A_910 = vector.shape_cast %get3A_904 : vector<16xf32> to vector<16xf32>
          tpu.vector_store %arg10[%swap3A_907], %swap3A_910 {add = true, strides = array<i32>} : memref<8192xf32, #tpu.memory_space<vmem>>, vector<16xf32>,
          %add3A_911 = arith.constant 80 : i32
          %add3A_912 = arith.addi %mul3A_847, %add3A_911 : i32
          %get3A_913 = arith.index_cast %add3A_912 : i32 to index
          %get3A_914 = tpu.vector_load %arg7[%get3A_913] {strides = array<i32>} : memref<51200xf32, #tpu.memory_space<vmem>>, vector<16xf32>,
          %get3A_915 = vector.shape_cast %get3A_914 : vector<16xf32> to vector<16xf32>
          %add3A_916 = arith.constant 80 : i32
          %add3A_917 = arith.addi %squeeze3A_849, %add3A_916 : i32
          %swap3A_918 = arith.index_cast %add3A_917 : i32 to index
          %swap3A_919 = tpu.vector_load %arg10[%swap3A_918] {strides = array<i32>} : memref<8192xf32, #tpu.memory_space<vmem>>, vector<16xf32>,
          %swap3A_920 = vector.shape_cast %swap3A_919 : vector<16xf32> to vector<16xf32>
          %swap3A_921 = vector.shape_cast %get3A_915 : vector<16xf32> to vector<16xf32>
          tpu.vector_store %arg10[%swap3A_918], %swap3A_921 {add = true, strides = array<i32>} : memref<8192xf32, #tpu.memory_space<vmem>>, vector<16xf32>,
          %add3A_922 = arith.constant 96 : i32
          %add3A_923 = arith.addi %mul3A_847, %add3A_922 : i32
          %get3A_924 = arith.index_cast %add3A_923 : i32 to index
          %get3A_925 = tpu.vector_load %arg7[%get3A_924] {strides = array<i32>} : memref<51200xf32, #tpu.memory_space<vmem>>, vector<16xf32>,
          %get3A_926 = vector.shape_cast %get3A_925 : vector<16xf32> to vector<16xf32>
          %add3A_927 = arith.constant 96 : i32
          %add3A_928 = arith.addi %squeeze3A_849, %add3A_927 : i32
          %swap3A_929 = arith.index_cast %add3A_928 : i32 to index
          %swap3A_930 = tpu.vector_load %arg10[%swap3A_929] {strides = array<i32>} : memref<8192xf32, #tpu.memory_space<vmem>>, vector<16xf32>,
          %swap3A_931 = vector.shape_cast %swap3A_930 : vector<16xf32> to vector<16xf32>
          %swap3A_932 = vector.shape_cast %get3A_926 : vector<16xf32> to vector<16xf32>
          tpu.vector_store %arg10[%swap3A_929], %swap3A_932 {add = true, strides = array<i32>} : memref<8192xf32, #tpu.memory_space<vmem>>, vector<16xf32>,
          %add3A_933 = arith.constant 112 : i32
          %add3A_934 = arith.addi %mul3A_847, %add3A_933 : i32
          %get3A_935 = arith.index_cast %add3A_934 : i32 to index
          %get3A_936 = tpu.vector_load %arg7[%get3A_935] {strides = array<i32>} : memref<51200xf32, #tpu.memory_space<vmem>>, vector<16xf32>,
          %get3A_937 = vector.shape_cast %get3A_936 : vector<16xf32> to vector<16xf32>
          %add3A_938 = arith.constant 112 : i32
          %add3A_939 = arith.addi %squeeze3A_849, %add3A_938 : i32
          %swap3A_940 = arith.index_cast %add3A_939 : i32 to index
          %swap3A_941 = tpu.vector_load %arg10[%swap3A_940] {strides = array<i32>} : memref<8192xf32, #tpu.memory_space<vmem>>, vector<16xf32>,
          %swap3A_942 = vector.shape_cast %swap3A_941 : vector<16xf32> to vector<16xf32>
          %swap3A_943 = vector.shape_cast %get3A_937 : vector<16xf32> to vector<16xf32>
          tpu.vector_store %arg10[%swap3A_940], %swap3A_943 {add = true, strides = array<i32>} : memref<8192xf32, #tpu.memory_space<vmem>>, vector<16xf32>,
          %mul3A_944 = arith.constant 16 : i32
          %mul3A_945 = arith.muli %scan3A_116, %mul3A_944 : i32
          %add3A_946 = arith.constant 8 : i32
          %add3A_947 = arith.addi %mul3A_945, %add3A_946 : i32
          %mul3A_948 = arith.constant 128 : i32
          %mul3A_949 = arith.muli %add3A_947, %mul3A_948 : i32
          %slice3A_950 = vector.extract_strided_slice %mul3A_125 {offsets = [8], sizes = [1], strides = [1]} : vector<16xi32> to vector<1xi32>
          %squeeze3A_951 = vector.extract %slice3A_950[0] : i32 from vector<1xi32>
          %slice3A_952 = vector.extract_strided_slice %mul3A_128 {offsets = [8], sizes = [1], strides = [1]} : vector<16xi32> to vector<1xi32>
          %squeeze3A_953 = vector.extract %slice3A_952[0] : i32 from vector<1xi32>
          %swap3A_954 = arith.index_cast %squeeze3A_953 : i32 to index
          %swap3A_955 = tpu.vector_load %arg11[%swap3A_954] {strides = array<i32>} : memref<1024xf32, #tpu.memory_space<vmem>>, vector<16xf32>,
          %swap3A_956 = vector.shape_cast %swap3A_955 : vector<16xf32> to vector<16xf32>
          %swap3A_957 = vector.shape_cast %broadcast_in_dim3A_18 : vector<16xf32> to vector<16xf32>
          tpu.vector_store %arg11[%swap3A_954], %swap3A_957 {add = true, strides = array<i32>} : memref<1024xf32, #tpu.memory_space<vmem>>, vector<16xf32>,
          %add3A_958 = arith.constant 0 : i32
          %add3A_959 = arith.addi %mul3A_949, %add3A_958 : i32
          %get3A_960 = arith.index_cast %add3A_959 : i32 to index
          %get3A_961 = tpu.vector_load %arg7[%get3A_960] {strides = array<i32>} : memref<51200xf32, #tpu.memory_space<vmem>>, vector<16xf32>,
          %get3A_962 = vector.shape_cast %get3A_961 : vector<16xf32> to vector<16xf32>
          %add3A_963 = arith.constant 0 : i32
          %add3A_964 = arith.addi %squeeze3A_951, %add3A_963 : i32
          %swap3A_965 = arith.index_cast %add3A_964 : i32 to index
          %swap3A_966 = tpu.vector_load %arg10[%swap3A_965] {strides = array<i32>} : memref<8192xf32, #tpu.memory_space<vmem>>, vector<16xf32>,
          %swap3A_967 = vector.shape_cast %swap3A_966 : vector<16xf32> to vector<16xf32>
          %swap3A_968 = vector.shape_cast %get3A_962 : vector<16xf32> to vector<16xf32>
          tpu.vector_store %arg10[%swap3A_965], %swap3A_968 {add = true, strides = array<i32>} : memref<8192xf32, #tpu.memory_space<vmem>>, vector<16xf32>,
          %add3A_969 = arith.constant 16 : i32
          %add3A_970 = arith.addi %mul3A_949, %add3A_969 : i32
          %get3A_971 = arith.index_cast %add3A_970 : i32 to index
          %get3A_972 = tpu.vector_load %arg7[%get3A_971] {strides = array<i32>} : memref<51200xf32, #tpu.memory_space<vmem>>, vector<16xf32>,
          %get3A_973 = vector.shape_cast %get3A_972 : vector<16xf32> to vector<16xf32>
          %add3A_974 = arith.constant 16 : i32
          %add3A_975 = arith.addi %squeeze3A_951, %add3A_974 : i32
          %swap3A_976 = arith.index_cast %add3A_975 : i32 to index
          %swap3A_977 = tpu.vector_load %arg10[%swap3A_976] {strides = array<i32>} : memref<8192xf32, #tpu.memory_space<vmem>>, vector<16xf32>,
          %swap3A_978 = vector.shape_cast %swap3A_977 : vector<16xf32> to vector<16xf32>
          %swap3A_979 = vector.shape_cast %get3A_973 : vector<16xf32> to vector<16xf32>
          tpu.vector_store %arg10[%swap3A_976], %swap3A_979 {add = true, strides = array<i32>} : memref<8192xf32, #tpu.memory_space<vmem>>, vector<16xf32>,
          %add3A_980 = arith.constant 32 : i32
          %add3A_981 = arith.addi %mul3A_949, %add3A_980 : i32
          %get3A_982 = arith.index_cast %add3A_981 : i32 to index
          %get3A_983 = tpu.vector_load %arg7[%get3A_982] {strides = array<i32>} : memref<51200xf32, #tpu.memory_space<vmem>>, vector<16xf32>,
          %get3A_984 = vector.shape_cast %get3A_983 : vector<16xf32> to vector<16xf32>
          %add3A_985 = arith.constant 32 : i32
          %add3A_986 = arith.addi %squeeze3A_951, %add3A_985 : i32
          %swap3A_987 = arith.index_cast %add3A_986 : i32 to index
          %swap3A_988 = tpu.vector_load %arg10[%swap3A_987] {strides = array<i32>} : memref<8192xf32, #tpu.memory_space<vmem>>, vector<16xf32>,
          %swap3A_989 = vector.shape_cast %swap3A_988 : vector<16xf32> to vector<16xf32>
          %swap3A_990 = vector.shape_cast %get3A_984 : vector<16xf32> to vector<16xf32>
          tpu.vector_store %arg10[%swap3A_987], %swap3A_990 {add = true, strides = array<i32>} : memref<8192xf32, #tpu.memory_space<vmem>>, vector<16xf32>,
          %add3A_991 = arith.constant 48 : i32
          %add3A_992 = arith.addi %mul3A_949, %add3A_991 : i32
          %get3A_993 = arith.index_cast %add3A_992 : i32 to index
          %get3A_994 = tpu.vector_load %arg7[%get3A_993] {strides = array<i32>} : memref<51200xf32, #tpu.memory_space<vmem>>, vector<16xf32>,
          %get3A_995 = vector.shape_cast %get3A_994 : vector<16xf32> to vector<16xf32>
          %add3A_996 = arith.constant 48 : i32
          %add3A_997 = arith.addi %squeeze3A_951, %add3A_996 : i32
          %swap3A_998 = arith.index_cast %add3A_997 : i32 to index
          %swap3A_999 = tpu.vector_load %arg10[%swap3A_998] {strides = array<i32>} : memref<8192xf32, #tpu.memory_space<vmem>>, vector<16xf32>,
          %swap3A_1000 = vector.shape_cast %swap3A_999 : vector<16xf32> to vector<16xf32>
          %swap3A_1001 = vector.shape_cast %get3A_995 : vector<16xf32> to vector<16xf32>
          tpu.vector_store %arg10[%swap3A_998], %swap3A_1001 {add = true, strides = array<i32>} : memref<8192xf32, #tpu.memory_space<vmem>>, vector<16xf32>,
          %add3A_1002 = arith.constant 64 : i32
          %add3A_1003 = arith.addi %mul3A_949, %add3A_1002 : i32
          %get3A_1004 = arith.index_cast %add3A_1003 : i32 to index
          %get3A_1005 = tpu.vector_load %arg7[%get3A_1004] {strides = array<i32>} : memref<51200xf32, #tpu.memory_space<vmem>>, vector<16xf32>,
          %get3A_1006 = vector.shape_cast %get3A_1005 : vector<16xf32> to vector<16xf32>
          %add3A_1007 = arith.constant 64 : i32
          %add3A_1008 = arith.addi %squeeze3A_951, %add3A_1007 : i32
          %swap3A_1009 = arith.index_cast %add3A_1008 : i32 to index
          %swap3A_1010 = tpu.vector_load %arg10[%swap3A_1009] {strides = array<i32>} : memref<8192xf32, #tpu.memory_space<vmem>>, vector<16xf32>,
          %swap3A_1011 = vector.shape_cast %swap3A_1010 : vector<16xf32> to vector<16xf32>
          %swap3A_1012 = vector.shape_cast %get3A_1006 : vector<16xf32> to vector<16xf32>
          tpu.vector_store %arg10[%swap3A_1009], %swap3A_1012 {add = true, strides = array<i32>} : memref<8192xf32, #tpu.memory_space<vmem>>, vector<16xf32>,
          %add3A_1013 = arith.constant 80 : i32
          %add3A_1014 = arith.addi %mul3A_949, %add3A_1013 : i32
          %get3A_1015 = arith.index_cast %add3A_1014 : i32 to index
          %get3A_1016 = tpu.vector_load %arg7[%get3A_1015] {strides = array<i32>} : memref<51200xf32, #tpu.memory_space<vmem>>, vector<16xf32>,
          %get3A_1017 = vector.shape_cast %get3A_1016 : vector<16xf32> to vector<16xf32>
          %add3A_1018 = arith.constant 80 : i32
          %add3A_1019 = arith.addi %squeeze3A_951, %add3A_1018 : i32
          %swap3A_1020 = arith.index_cast %add3A_1019 : i32 to index
          %swap3A_1021 = tpu.vector_load %arg10[%swap3A_1020] {strides = array<i32>} : memref<8192xf32, #tpu.memory_space<vmem>>, vector<16xf32>,
          %swap3A_1022 = vector.shape_cast %swap3A_1021 : vector<16xf32> to vector<16xf32>
          %swap3A_1023 = vector.shape_cast %get3A_1017 : vector<16xf32> to vector<16xf32>
          tpu.vector_store %arg10[%swap3A_1020], %swap3A_1023 {add = true, strides = array<i32>} : memref<8192xf32, #tpu.memory_space<vmem>>, vector<16xf32>,
          %add3A_1024 = arith.constant 96 : i32
          %add3A_1025 = arith.addi %mul3A_949, %add3A_1024 : i32
          %get3A_1026 = arith.index_cast %add3A_1025 : i32 to index
          %get3A_1027 = tpu.vector_load %arg7[%get3A_1026] {strides = array<i32>} : memref<51200xf32, #tpu.memory_space<vmem>>, vector<16xf32>,
          %get3A_1028 = vector.shape_cast %get3A_1027 : vector<16xf32> to vector<16xf32>
          %add3A_1029 = arith.constant 96 : i32
          %add3A_1030 = arith.addi %squeeze3A_951, %add3A_1029 : i32
          %swap3A_1031 = arith.index_cast %add3A_1030 : i32 to index
          %swap3A_1032 = tpu.vector_load %arg10[%swap3A_1031] {strides = array<i32>} : memref<8192xf32, #tpu.memory_space<vmem>>, vector<16xf32>,
          %swap3A_1033 = vector.shape_cast %swap3A_1032 : vector<16xf32> to vector<16xf32>
          %swap3A_1034 = vector.shape_cast %get3A_1028 : vector<16xf32> to vector<16xf32>
          tpu.vector_store %arg10[%swap3A_1031], %swap3A_1034 {add = true, strides = array<i32>} : memref<8192xf32, #tpu.memory_space<vmem>>, vector<16xf32>,
          %add3A_1035 = arith.constant 112 : i32
          %add3A_1036 = arith.addi %mul3A_949, %add3A_1035 : i32
          %get3A_1037 = arith.index_cast %add3A_1036 : i32 to index
          %get3A_1038 = tpu.vector_load %arg7[%get3A_1037] {strides = array<i32>} : memref<51200xf32, #tpu.memory_space<vmem>>, vector<16xf32>,
          %get3A_1039 = vector.shape_cast %get3A_1038 : vector<16xf32> to vector<16xf32>
          %add3A_1040 = arith.constant 112 : i32
          %add3A_1041 = arith.addi %squeeze3A_951, %add3A_1040 : i32
          %swap3A_1042 = arith.index_cast %add3A_1041 : i32 to index
          %swap3A_1043 = tpu.vector_load %arg10[%swap3A_1042] {strides = array<i32>} : memref<8192xf32, #tpu.memory_space<vmem>>, vector<16xf32>,
          %swap3A_1044 = vector.shape_cast %swap3A_1043 : vector<16xf32> to vector<16xf32>
          %swap3A_1045 = vector.shape_cast %get3A_1039 : vector<16xf32> to vector<16xf32>
          tpu.vector_store %arg10[%swap3A_1042], %swap3A_1045 {add = true, strides = array<i32>} : memref<8192xf32, #tpu.memory_space<vmem>>, vector<16xf32>,
          %mul3A_1046 = arith.constant 16 : i32
          %mul3A_1047 = arith.muli %scan3A_116, %mul3A_1046 : i32
          %add3A_1048 = arith.constant 9 : i32
          %add3A_1049 = arith.addi %mul3A_1047, %add3A_1048 : i32
          %mul3A_1050 = arith.constant 128 : i32
          %mul3A_1051 = arith.muli %add3A_1049, %mul3A_1050 : i32
          %slice3A_1052 = vector.extract_strided_slice %mul3A_125 {offsets = [9], sizes = [1], strides = [1]} : vector<16xi32> to vector<1xi32>
          %squeeze3A_1053 = vector.extract %slice3A_1052[0] : i32 from vector<1xi32>
          %slice3A_1054 = vector.extract_strided_slice %mul3A_128 {offsets = [9], sizes = [1], strides = [1]} : vector<16xi32> to vector<1xi32>
          %squeeze3A_1055 = vector.extract %slice3A_1054[0] : i32 from vector<1xi32>
          %swap3A_1056 = arith.index_cast %squeeze3A_1055 : i32 to index
          %swap3A_1057 = tpu.vector_load %arg11[%swap3A_1056] {strides = array<i32>} : memref<1024xf32, #tpu.memory_space<vmem>>, vector<16xf32>,
          %swap3A_1058 = vector.shape_cast %swap3A_1057 : vector<16xf32> to vector<16xf32>
          %swap3A_1059 = vector.shape_cast %broadcast_in_dim3A_18 : vector<16xf32> to vector<16xf32>
          tpu.vector_store %arg11[%swap3A_1056], %swap3A_1059 {add = true, strides = array<i32>} : memref<1024xf32, #tpu.memory_space<vmem>>, vector<16xf32>,
          %add3A_1060 = arith.constant 0 : i32
          %add3A_1061 = arith.addi %mul3A_1051, %add3A_1060 : i32
          %get3A_1062 = arith.index_cast %add3A_1061 : i32 to index
          %get3A_1063 = tpu.vector_load %arg7[%get3A_1062] {strides = array<i32>} : memref<51200xf32, #tpu.memory_space<vmem>>, vector<16xf32>,
          %get3A_1064 = vector.shape_cast %get3A_1063 : vector<16xf32> to vector<16xf32>
          %add3A_1065 = arith.constant 0 : i32
          %add3A_1066 = arith.addi %squeeze3A_1053, %add3A_1065 : i32
          %swap3A_1067 = arith.index_cast %add3A_1066 : i32 to index
          %swap3A_1068 = tpu.vector_load %arg10[%swap3A_1067] {strides = array<i32>} : memref<8192xf32, #tpu.memory_space<vmem>>, vector<16xf32>,
          %swap3A_1069 = vector.shape_cast %swap3A_1068 : vector<16xf32> to vector<16xf32>
          %swap3A_1070 = vector.shape_cast %get3A_1064 : vector<16xf32> to vector<16xf32>
          tpu.vector_store %arg10[%swap3A_1067], %swap3A_1070 {add = true, strides = array<i32>} : memref<8192xf32, #tpu.memory_space<vmem>>, vector<16xf32>,
          %add3A_1071 = arith.constant 16 : i32
          %add3A_1072 = arith.addi %mul3A_1051, %add3A_1071 : i32
          %get3A_1073 = arith.index_cast %add3A_1072 : i32 to index
          %get3A_1074 = tpu.vector_load %arg7[%get3A_1073] {strides = array<i32>} : memref<51200xf32, #tpu.memory_space<vmem>>, vector<16xf32>,
          %get3A_1075 = vector.shape_cast %get3A_1074 : vector<16xf32> to vector<16xf32>
          %add3A_1076 = arith.constant 16 : i32
          %add3A_1077 = arith.addi %squeeze3A_1053, %add3A_1076 : i32
          %swap3A_1078 = arith.index_cast %add3A_1077 : i32 to index
          %swap3A_1079 = tpu.vector_load %arg10[%swap3A_1078] {strides = array<i32>} : memref<8192xf32, #tpu.memory_space<vmem>>, vector<16xf32>,
          %swap3A_1080 = vector.shape_cast %swap3A_1079 : vector<16xf32> to vector<16xf32>
          %swap3A_1081 = vector.shape_cast %get3A_1075 : vector<16xf32> to vector<16xf32>
          tpu.vector_store %arg10[%swap3A_1078], %swap3A_1081 {add = true, strides = array<i32>} : memref<8192xf32, #tpu.memory_space<vmem>>, vector<16xf32>,
          %add3A_1082 = arith.constant 32 : i32
          %add3A_1083 = arith.addi %mul3A_1051, %add3A_1082 : i32
          %get3A_1084 = arith.index_cast %add3A_1083 : i32 to index
          %get3A_1085 = tpu.vector_load %arg7[%get3A_1084] {strides = array<i32>} : memref<51200xf32, #tpu.memory_space<vmem>>, vector<16xf32>,
          %get3A_1086 = vector.shape_cast %get3A_1085 : vector<16xf32> to vector<16xf32>
          %add3A_1087 = arith.constant 32 : i32
          %add3A_1088 = arith.addi %squeeze3A_1053, %add3A_1087 : i32
          %swap3A_1089 = arith.index_cast %add3A_1088 : i32 to index
          %swap3A_1090 = tpu.vector_load %arg10[%swap3A_1089] {strides = array<i32>} : memref<8192xf32, #tpu.memory_space<vmem>>, vector<16xf32>,
          %swap3A_1091 = vector.shape_cast %swap3A_1090 : vector<16xf32> to vector<16xf32>
          %swap3A_1092 = vector.shape_cast %get3A_1086 : vector<16xf32> to vector<16xf32>
          tpu.vector_store %arg10[%swap3A_1089], %swap3A_1092 {add = true, strides = array<i32>} : memref<8192xf32, #tpu.memory_space<vmem>>, vector<16xf32>,
          %add3A_1093 = arith.constant 48 : i32
          %add3A_1094 = arith.addi %mul3A_1051, %add3A_1093 : i32
          %get3A_1095 = arith.index_cast %add3A_1094 : i32 to index
          %get3A_1096 = tpu.vector_load %arg7[%get3A_1095] {strides = array<i32>} : memref<51200xf32, #tpu.memory_space<vmem>>, vector<16xf32>,
          %get3A_1097 = vector.shape_cast %get3A_1096 : vector<16xf32> to vector<16xf32>
          %add3A_1098 = arith.constant 48 : i32
          %add3A_1099 = arith.addi %squeeze3A_1053, %add3A_1098 : i32
          %swap3A_1100 = arith.index_cast %add3A_1099 : i32 to index
          %swap3A_1101 = tpu.vector_load %arg10[%swap3A_1100] {strides = array<i32>} : memref<8192xf32, #tpu.memory_space<vmem>>, vector<16xf32>,
          %swap3A_1102 = vector.shape_cast %swap3A_1101 : vector<16xf32> to vector<16xf32>
          %swap3A_1103 = vector.shape_cast %get3A_1097 : vector<16xf32> to vector<16xf32>
          tpu.vector_store %arg10[%swap3A_1100], %swap3A_1103 {add = true, strides = array<i32>} : memref<8192xf32, #tpu.memory_space<vmem>>, vector<16xf32>,
          %add3A_1104 = arith.constant 64 : i32
          %add3A_1105 = arith.addi %mul3A_1051, %add3A_1104 : i32
          %get3A_1106 = arith.index_cast %add3A_1105 : i32 to index
          %get3A_1107 = tpu.vector_load %arg7[%get3A_1106] {strides = array<i32>} : memref<51200xf32, #tpu.memory_space<vmem>>, vector<16xf32>,
          %get3A_1108 = vector.shape_cast %get3A_1107 : vector<16xf32> to vector<16xf32>
          %add3A_1109 = arith.constant 64 : i32
          %add3A_1110 = arith.addi %squeeze3A_1053, %add3A_1109 : i32
          %swap3A_1111 = arith.index_cast %add3A_1110 : i32 to index
          %swap3A_1112 = tpu.vector_load %arg10[%swap3A_1111] {strides = array<i32>} : memref<8192xf32, #tpu.memory_space<vmem>>, vector<16xf32>,
          %swap3A_1113 = vector.shape_cast %swap3A_1112 : vector<16xf32> to vector<16xf32>
          %swap3A_1114 = vector.shape_cast %get3A_1108 : vector<16xf32> to vector<16xf32>
          tpu.vector_store %arg10[%swap3A_1111], %swap3A_1114 {add = true, strides = array<i32>} : memref<8192xf32, #tpu.memory_space<vmem>>, vector<16xf32>,
          %add3A_1115 = arith.constant 80 : i32
          %add3A_1116 = arith.addi %mul3A_1051, %add3A_1115 : i32
          %get3A_1117 = arith.index_cast %add3A_1116 : i32 to index
          %get3A_1118 = tpu.vector_load %arg7[%get3A_1117] {strides = array<i32>} : memref<51200xf32, #tpu.memory_space<vmem>>, vector<16xf32>,
          %get3A_1119 = vector.shape_cast %get3A_1118 : vector<16xf32> to vector<16xf32>
          %add3A_1120 = arith.constant 80 : i32
          %add3A_1121 = arith.addi %squeeze3A_1053, %add3A_1120 : i32
          %swap3A_1122 = arith.index_cast %add3A_1121 : i32 to index
          %swap3A_1123 = tpu.vector_load %arg10[%swap3A_1122] {strides = array<i32>} : memref<8192xf32, #tpu.memory_space<vmem>>, vector<16xf32>,
          %swap3A_1124 = vector.shape_cast %swap3A_1123 : vector<16xf32> to vector<16xf32>
          %swap3A_1125 = vector.shape_cast %get3A_1119 : vector<16xf32> to vector<16xf32>
          tpu.vector_store %arg10[%swap3A_1122], %swap3A_1125 {add = true, strides = array<i32>} : memref<8192xf32, #tpu.memory_space<vmem>>, vector<16xf32>,
          %add3A_1126 = arith.constant 96 : i32
          %add3A_1127 = arith.addi %mul3A_1051, %add3A_1126 : i32
          %get3A_1128 = arith.index_cast %add3A_1127 : i32 to index
          %get3A_1129 = tpu.vector_load %arg7[%get3A_1128] {strides = array<i32>} : memref<51200xf32, #tpu.memory_space<vmem>>, vector<16xf32>,
          %get3A_1130 = vector.shape_cast %get3A_1129 : vector<16xf32> to vector<16xf32>
          %add3A_1131 = arith.constant 96 : i32
          %add3A_1132 = arith.addi %squeeze3A_1053, %add3A_1131 : i32
          %swap3A_1133 = arith.index_cast %add3A_1132 : i32 to index
          %swap3A_1134 = tpu.vector_load %arg10[%swap3A_1133] {strides = array<i32>} : memref<8192xf32, #tpu.memory_space<vmem>>, vector<16xf32>,
          %swap3A_1135 = vector.shape_cast %swap3A_1134 : vector<16xf32> to vector<16xf32>
          %swap3A_1136 = vector.shape_cast %get3A_1130 : vector<16xf32> to vector<16xf32>
          tpu.vector_store %arg10[%swap3A_1133], %swap3A_1136 {add = true, strides = array<i32>} : memref<8192xf32, #tpu.memory_space<vmem>>, vector<16xf32>,
          %add3A_1137 = arith.constant 112 : i32
          %add3A_1138 = arith.addi %mul3A_1051, %add3A_1137 : i32
          %get3A_1139 = arith.index_cast %add3A_1138 : i32 to index
          %get3A_1140 = tpu.vector_load %arg7[%get3A_1139] {strides = array<i32>} : memref<51200xf32, #tpu.memory_space<vmem>>, vector<16xf32>,
          %get3A_1141 = vector.shape_cast %get3A_1140 : vector<16xf32> to vector<16xf32>
          %add3A_1142 = arith.constant 112 : i32
          %add3A_1143 = arith.addi %squeeze3A_1053, %add3A_1142 : i32
          %swap3A_1144 = arith.index_cast %add3A_1143 : i32 to index
          %swap3A_1145 = tpu.vector_load %arg10[%swap3A_1144] {strides = array<i32>} : memref<8192xf32, #tpu.memory_space<vmem>>, vector<16xf32>,
          %swap3A_1146 = vector.shape_cast %swap3A_1145 : vector<16xf32> to vector<16xf32>
          %swap3A_1147 = vector.shape_cast %get3A_1141 : vector<16xf32> to vector<16xf32>
          tpu.vector_store %arg10[%swap3A_1144], %swap3A_1147 {add = true, strides = array<i32>} : memref<8192xf32, #tpu.memory_space<vmem>>, vector<16xf32>,
          %mul3A_1148 = arith.constant 16 : i32
          %mul3A_1149 = arith.muli %scan3A_116, %mul3A_1148 : i32
          %add3A_1150 = arith.constant 10 : i32
          %add3A_1151 = arith.addi %mul3A_1149, %add3A_1150 : i32
          %mul3A_1152 = arith.constant 128 : i32
          %mul3A_1153 = arith.muli %add3A_1151, %mul3A_1152 : i32
          %slice3A_1154 = vector.extract_strided_slice %mul3A_125 {offsets = [10], sizes = [1], strides = [1]} : vector<16xi32> to vector<1xi32>
          %squeeze3A_1155 = vector.extract %slice3A_1154[0] : i32 from vector<1xi32>
          %slice3A_1156 = vector.extract_strided_slice %mul3A_128 {offsets = [10], sizes = [1], strides = [1]} : vector<16xi32> to vector<1xi32>
          %squeeze3A_1157 = vector.extract %slice3A_1156[0] : i32 from vector<1xi32>
          %swap3A_1158 = arith.index_cast %squeeze3A_1157 : i32 to index
          %swap3A_1159 = tpu.vector_load %arg11[%swap3A_1158] {strides = array<i32>} : memref<1024xf32, #tpu.memory_space<vmem>>, vector<16xf32>,
          %swap3A_1160 = vector.shape_cast %swap3A_1159 : vector<16xf32> to vector<16xf32>
          %swap3A_1161 = vector.shape_cast %broadcast_in_dim3A_18 : vector<16xf32> to vector<16xf32>
          tpu.vector_store %arg11[%swap3A_1158], %swap3A_1161 {add = true, strides = array<i32>} : memref<1024xf32, #tpu.memory_space<vmem>>, vector<16xf32>,
          %add3A_1162 = arith.constant 0 : i32
          %add3A_1163 = arith.addi %mul3A_1153, %add3A_1162 : i32
          %get3A_1164 = arith.index_cast %add3A_1163 : i32 to index
          %get3A_1165 = tpu.vector_load %arg7[%get3A_1164] {strides = array<i32>} : memref<51200xf32, #tpu.memory_space<vmem>>, vector<16xf32>,
          %get3A_1166 = vector.shape_cast %get3A_1165 : vector<16xf32> to vector<16xf32>
          %add3A_1167 = arith.constant 0 : i32
          %add3A_1168 = arith.addi %squeeze3A_1155, %add3A_1167 : i32
          %swap3A_1169 = arith.index_cast %add3A_1168 : i32 to index
          %swap3A_1170 = tpu.vector_load %arg10[%swap3A_1169] {strides = array<i32>} : memref<8192xf32, #tpu.memory_space<vmem>>, vector<16xf32>,
          %swap3A_1171 = vector.shape_cast %swap3A_1170 : vector<16xf32> to vector<16xf32>
          %swap3A_1172 = vector.shape_cast %get3A_1166 : vector<16xf32> to vector<16xf32>
          tpu.vector_store %arg10[%swap3A_1169], %swap3A_1172 {add = true, strides = array<i32>} : memref<8192xf32, #tpu.memory_space<vmem>>, vector<16xf32>,
          %add3A_1173 = arith.constant 16 : i32
          %add3A_1174 = arith.addi %mul3A_1153, %add3A_1173 : i32
          %get3A_1175 = arith.index_cast %add3A_1174 : i32 to index
          %get3A_1176 = tpu.vector_load %arg7[%get3A_1175] {strides = array<i32>} : memref<51200xf32, #tpu.memory_space<vmem>>, vector<16xf32>,
          %get3A_1177 = vector.shape_cast %get3A_1176 : vector<16xf32> to vector<16xf32>
          %add3A_1178 = arith.constant 16 : i32
          %add3A_1179 = arith.addi %squeeze3A_1155, %add3A_1178 : i32
          %swap3A_1180 = arith.index_cast %add3A_1179 : i32 to index
          %swap3A_1181 = tpu.vector_load %arg10[%swap3A_1180] {strides = array<i32>} : memref<8192xf32, #tpu.memory_space<vmem>>, vector<16xf32>,
          %swap3A_1182 = vector.shape_cast %swap3A_1181 : vector<16xf32> to vector<16xf32>
          %swap3A_1183 = vector.shape_cast %get3A_1177 : vector<16xf32> to vector<16xf32>
          tpu.vector_store %arg10[%swap3A_1180], %swap3A_1183 {add = true, strides = array<i32>} : memref<8192xf32, #tpu.memory_space<vmem>>, vector<16xf32>,
          %add3A_1184 = arith.constant 32 : i32
          %add3A_1185 = arith.addi %mul3A_1153, %add3A_1184 : i32
          %get3A_1186 = arith.index_cast %add3A_1185 : i32 to index
          %get3A_1187 = tpu.vector_load %arg7[%get3A_1186] {strides = array<i32>} : memref<51200xf32, #tpu.memory_space<vmem>>, vector<16xf32>,
          %get3A_1188 = vector.shape_cast %get3A_1187 : vector<16xf32> to vector<16xf32>
          %add3A_1189 = arith.constant 32 : i32
          %add3A_1190 = arith.addi %squeeze3A_1155, %add3A_1189 : i32
          %swap3A_1191 = arith.index_cast %add3A_1190 : i32 to index
          %swap3A_1192 = tpu.vector_load %arg10[%swap3A_1191] {strides = array<i32>} : memref<8192xf32, #tpu.memory_space<vmem>>, vector<16xf32>,
          %swap3A_1193 = vector.shape_cast %swap3A_1192 : vector<16xf32> to vector<16xf32>
          %swap3A_1194 = vector.shape_cast %get3A_1188 : vector<16xf32> to vector<16xf32>
          tpu.vector_store %arg10[%swap3A_1191], %swap3A_1194 {add = true, strides = array<i32>} : memref<8192xf32, #tpu.memory_space<vmem>>, vector<16xf32>,
          %add3A_1195 = arith.constant 48 : i32
          %add3A_1196 = arith.addi %mul3A_1153, %add3A_1195 : i32
          %get3A_1197 = arith.index_cast %add3A_1196 : i32 to index
          %get3A_1198 = tpu.vector_load %arg7[%get3A_1197] {strides = array<i32>} : memref<51200xf32, #tpu.memory_space<vmem>>, vector<16xf32>,
          %get3A_1199 = vector.shape_cast %get3A_1198 : vector<16xf32> to vector<16xf32>
          %add3A_1200 = arith.constant 48 : i32
          %add3A_1201 = arith.addi %squeeze3A_1155, %add3A_1200 : i32
          %swap3A_1202 = arith.index_cast %add3A_1201 : i32 to index
          %swap3A_1203 = tpu.vector_load %arg10[%swap3A_1202] {strides = array<i32>} : memref<8192xf32, #tpu.memory_space<vmem>>, vector<16xf32>,
          %swap3A_1204 = vector.shape_cast %swap3A_1203 : vector<16xf32> to vector<16xf32>
          %swap3A_1205 = vector.shape_cast %get3A_1199 : vector<16xf32> to vector<16xf32>
          tpu.vector_store %arg10[%swap3A_1202], %swap3A_1205 {add = true, strides = array<i32>} : memref<8192xf32, #tpu.memory_space<vmem>>, vector<16xf32>,
          %add3A_1206 = arith.constant 64 : i32
          %add3A_1207 = arith.addi %mul3A_1153, %add3A_1206 : i32
          %get3A_1208 = arith.index_cast %add3A_1207 : i32 to index
          %get3A_1209 = tpu.vector_load %arg7[%get3A_1208] {strides = array<i32>} : memref<51200xf32, #tpu.memory_space<vmem>>, vector<16xf32>,
          %get3A_1210 = vector.shape_cast %get3A_1209 : vector<16xf32> to vector<16xf32>
          %add3A_1211 = arith.constant 64 : i32
          %add3A_1212 = arith.addi %squeeze3A_1155, %add3A_1211 : i32
          %swap3A_1213 = arith.index_cast %add3A_1212 : i32 to index
          %swap3A_1214 = tpu.vector_load %arg10[%swap3A_1213] {strides = array<i32>} : memref<8192xf32, #tpu.memory_space<vmem>>, vector<16xf32>,
          %swap3A_1215 = vector.shape_cast %swap3A_1214 : vector<16xf32> to vector<16xf32>
          %swap3A_1216 = vector.shape_cast %get3A_1210 : vector<16xf32> to vector<16xf32>
          tpu.vector_store %arg10[%swap3A_1213], %swap3A_1216 {add = true, strides = array<i32>} : memref<8192xf32, #tpu.memory_space<vmem>>, vector<16xf32>,
          %add3A_1217 = arith.constant 80 : i32
          %add3A_1218 = arith.addi %mul3A_1153, %add3A_1217 : i32
          %get3A_1219 = arith.index_cast %add3A_1218 : i32 to index
          %get3A_1220 = tpu.vector_load %arg7[%get3A_1219] {strides = array<i32>} : memref<51200xf32, #tpu.memory_space<vmem>>, vector<16xf32>,
          %get3A_1221 = vector.shape_cast %get3A_1220 : vector<16xf32> to vector<16xf32>
          %add3A_1222 = arith.constant 80 : i32
          %add3A_1223 = arith.addi %squeeze3A_1155, %add3A_1222 : i32
          %swap3A_1224 = arith.index_cast %add3A_1223 : i32 to index
          %swap3A_1225 = tpu.vector_load %arg10[%swap3A_1224] {strides = array<i32>} : memref<8192xf32, #tpu.memory_space<vmem>>, vector<16xf32>,
          %swap3A_1226 = vector.shape_cast %swap3A_1225 : vector<16xf32> to vector<16xf32>
          %swap3A_1227 = vector.shape_cast %get3A_1221 : vector<16xf32> to vector<16xf32>
          tpu.vector_store %arg10[%swap3A_1224], %swap3A_1227 {add = true, strides = array<i32>} : memref<8192xf32, #tpu.memory_space<vmem>>, vector<16xf32>,
          %add3A_1228 = arith.constant 96 : i32
          %add3A_1229 = arith.addi %mul3A_1153, %add3A_1228 : i32
          %get3A_1230 = arith.index_cast %add3A_1229 : i32 to index
          %get3A_1231 = tpu.vector_load %arg7[%get3A_1230] {strides = array<i32>} : memref<51200xf32, #tpu.memory_space<vmem>>, vector<16xf32>,
          %get3A_1232 = vector.shape_cast %get3A_1231 : vector<16xf32> to vector<16xf32>
          %add3A_1233 = arith.constant 96 : i32
          %add3A_1234 = arith.addi %squeeze3A_1155, %add3A_1233 : i32
          %swap3A_1235 = arith.index_cast %add3A_1234 : i32 to index
          %swap3A_1236 = tpu.vector_load %arg10[%swap3A_1235] {strides = array<i32>} : memref<8192xf32, #tpu.memory_space<vmem>>, vector<16xf32>,
          %swap3A_1237 = vector.shape_cast %swap3A_1236 : vector<16xf32> to vector<16xf32>
          %swap3A_1238 = vector.shape_cast %get3A_1232 : vector<16xf32> to vector<16xf32>
          tpu.vector_store %arg10[%swap3A_1235], %swap3A_1238 {add = true, strides = array<i32>} : memref<8192xf32, #tpu.memory_space<vmem>>, vector<16xf32>,
          %add3A_1239 = arith.constant 112 : i32
          %add3A_1240 = arith.addi %mul3A_1153, %add3A_1239 : i32
          %get3A_1241 = arith.index_cast %add3A_1240 : i32 to index
          %get3A_1242 = tpu.vector_load %arg7[%get3A_1241] {strides = array<i32>} : memref<51200xf32, #tpu.memory_space<vmem>>, vector<16xf32>,
          %get3A_1243 = vector.shape_cast %get3A_1242 : vector<16xf32> to vector<16xf32>
          %add3A_1244 = arith.constant 112 : i32
          %add3A_1245 = arith.addi %squeeze3A_1155, %add3A_1244 : i32
          %swap3A_1246 = arith.index_cast %add3A_1245 : i32 to index
          %swap3A_1247 = tpu.vector_load %arg10[%swap3A_1246] {strides = array<i32>} : memref<8192xf32, #tpu.memory_space<vmem>>, vector<16xf32>,
          %swap3A_1248 = vector.shape_cast %swap3A_1247 : vector<16xf32> to vector<16xf32>
          %swap3A_1249 = vector.shape_cast %get3A_1243 : vector<16xf32> to vector<16xf32>
          tpu.vector_store %arg10[%swap3A_1246], %swap3A_1249 {add = true, strides = array<i32>} : memref<8192xf32, #tpu.memory_space<vmem>>, vector<16xf32>,
          %mul3A_1250 = arith.constant 16 : i32
          %mul3A_1251 = arith.muli %scan3A_116, %mul3A_1250 : i32
          %add3A_1252 = arith.constant 11 : i32
          %add3A_1253 = arith.addi %mul3A_1251, %add3A_1252 : i32
          %mul3A_1254 = arith.constant 128 : i32
          %mul3A_1255 = arith.muli %add3A_1253, %mul3A_1254 : i32
          %slice3A_1256 = vector.extract_strided_slice %mul3A_125 {offsets = [11], sizes = [1], strides = [1]} : vector<16xi32> to vector<1xi32>
          %squeeze3A_1257 = vector.extract %slice3A_1256[0] : i32 from vector<1xi32>
          %slice3A_1258 = vector.extract_strided_slice %mul3A_128 {offsets = [11], sizes = [1], strides = [1]} : vector<16xi32> to vector<1xi32>
          %squeeze3A_1259 = vector.extract %slice3A_1258[0] : i32 from vector<1xi32>
          %swap3A_1260 = arith.index_cast %squeeze3A_1259 : i32 to index
          %swap3A_1261 = tpu.vector_load %arg11[%swap3A_1260] {strides = array<i32>} : memref<1024xf32, #tpu.memory_space<vmem>>, vector<16xf32>,
          %swap3A_1262 = vector.shape_cast %swap3A_1261 : vector<16xf32> to vector<16xf32>
          %swap3A_1263 = vector.shape_cast %broadcast_in_dim3A_18 : vector<16xf32> to vector<16xf32>
          tpu.vector_store %arg11[%swap3A_1260], %swap3A_1263 {add = true, strides = array<i32>} : memref<1024xf32, #tpu.memory_space<vmem>>, vector<16xf32>,
          %add3A_1264 = arith.constant 0 : i32
          %add3A_1265 = arith.addi %mul3A_1255, %add3A_1264 : i32
          %get3A_1266 = arith.index_cast %add3A_1265 : i32 to index
          %get3A_1267 = tpu.vector_load %arg7[%get3A_1266] {strides = array<i32>} : memref<51200xf32, #tpu.memory_space<vmem>>, vector<16xf32>,
          %get3A_1268 = vector.shape_cast %get3A_1267 : vector<16xf32> to vector<16xf32>
          %add3A_1269 = arith.constant 0 : i32
          %add3A_1270 = arith.addi %squeeze3A_1257, %add3A_1269 : i32
          %swap3A_1271 = arith.index_cast %add3A_1270 : i32 to index
          %swap3A_1272 = tpu.vector_load %arg10[%swap3A_1271] {strides = array<i32>} : memref<8192xf32, #tpu.memory_space<vmem>>, vector<16xf32>,
          %swap3A_1273 = vector.shape_cast %swap3A_1272 : vector<16xf32> to vector<16xf32>
          %swap3A_1274 = vector.shape_cast %get3A_1268 : vector<16xf32> to vector<16xf32>
          tpu.vector_store %arg10[%swap3A_1271], %swap3A_1274 {add = true, strides = array<i32>} : memref<8192xf32, #tpu.memory_space<vmem>>, vector<16xf32>,
          %add3A_1275 = arith.constant 16 : i32
          %add3A_1276 = arith.addi %mul3A_1255, %add3A_1275 : i32
          %get3A_1277 = arith.index_cast %add3A_1276 : i32 to index
          %get3A_1278 = tpu.vector_load %arg7[%get3A_1277] {strides = array<i32>} : memref<51200xf32, #tpu.memory_space<vmem>>, vector<16xf32>,
          %get3A_1279 = vector.shape_cast %get3A_1278 : vector<16xf32> to vector<16xf32>
          %add3A_1280 = arith.constant 16 : i32
          %add3A_1281 = arith.addi %squeeze3A_1257, %add3A_1280 : i32
          %swap3A_1282 = arith.index_cast %add3A_1281 : i32 to index
          %swap3A_1283 = tpu.vector_load %arg10[%swap3A_1282] {strides = array<i32>} : memref<8192xf32, #tpu.memory_space<vmem>>, vector<16xf32>,
          %swap3A_1284 = vector.shape_cast %swap3A_1283 : vector<16xf32> to vector<16xf32>
          %swap3A_1285 = vector.shape_cast %get3A_1279 : vector<16xf32> to vector<16xf32>
          tpu.vector_store %arg10[%swap3A_1282], %swap3A_1285 {add = true, strides = array<i32>} : memref<8192xf32, #tpu.memory_space<vmem>>, vector<16xf32>,
          %add3A_1286 = arith.constant 32 : i32
          %add3A_1287 = arith.addi %mul3A_1255, %add3A_1286 : i32
          %get3A_1288 = arith.index_cast %add3A_1287 : i32 to index
          %get3A_1289 = tpu.vector_load %arg7[%get3A_1288] {strides = array<i32>} : memref<51200xf32, #tpu.memory_space<vmem>>, vector<16xf32>,
          %get3A_1290 = vector.shape_cast %get3A_1289 : vector<16xf32> to vector<16xf32>
          %add3A_1291 = arith.constant 32 : i32
          %add3A_1292 = arith.addi %squeeze3A_1257, %add3A_1291 : i32
          %swap3A_1293 = arith.index_cast %add3A_1292 : i32 to index
          %swap3A_1294 = tpu.vector_load %arg10[%swap3A_1293] {strides = array<i32>} : memref<8192xf32, #tpu.memory_space<vmem>>, vector<16xf32>,
          %swap3A_1295 = vector.shape_cast %swap3A_1294 : vector<16xf32> to vector<16xf32>
          %swap3A_1296 = vector.shape_cast %get3A_1290 : vector<16xf32> to vector<16xf32>
          tpu.vector_store %arg10[%swap3A_1293], %swap3A_1296 {add = true, strides = array<i32>} : memref<8192xf32, #tpu.memory_space<vmem>>, vector<16xf32>,
          %add3A_1297 = arith.constant 48 : i32
          %add3A_1298 = arith.addi %mul3A_1255, %add3A_1297 : i32
          %get3A_1299 = arith.index_cast %add3A_1298 : i32 to index
          %get3A_1300 = tpu.vector_load %arg7[%get3A_1299] {strides = array<i32>} : memref<51200xf32, #tpu.memory_space<vmem>>, vector<16xf32>,
          %get3A_1301 = vector.shape_cast %get3A_1300 : vector<16xf32> to vector<16xf32>
          %add3A_1302 = arith.constant 48 : i32
          %add3A_1303 = arith.addi %squeeze3A_1257, %add3A_1302 : i32
          %swap3A_1304 = arith.index_cast %add3A_1303 : i32 to index
          %swap3A_1305 = tpu.vector_load %arg10[%swap3A_1304] {strides = array<i32>} : memref<8192xf32, #tpu.memory_space<vmem>>, vector<16xf32>,
          %swap3A_1306 = vector.shape_cast %swap3A_1305 : vector<16xf32> to vector<16xf32>
          %swap3A_1307 = vector.shape_cast %get3A_1301 : vector<16xf32> to vector<16xf32>
          tpu.vector_store %arg10[%swap3A_1304], %swap3A_1307 {add = true, strides = array<i32>} : memref<8192xf32, #tpu.memory_space<vmem>>, vector<16xf32>,
          %add3A_1308 = arith.constant 64 : i32
          %add3A_1309 = arith.addi %mul3A_1255, %add3A_1308 : i32
          %get3A_1310 = arith.index_cast %add3A_1309 : i32 to index
          %get3A_1311 = tpu.vector_load %arg7[%get3A_1310] {strides = array<i32>} : memref<51200xf32, #tpu.memory_space<vmem>>, vector<16xf32>,
          %get3A_1312 = vector.shape_cast %get3A_1311 : vector<16xf32> to vector<16xf32>
          %add3A_1313 = arith.constant 64 : i32
          %add3A_1314 = arith.addi %squeeze3A_1257, %add3A_1313 : i32
          %swap3A_1315 = arith.index_cast %add3A_1314 : i32 to index
          %swap3A_1316 = tpu.vector_load %arg10[%swap3A_1315] {strides = array<i32>} : memref<8192xf32, #tpu.memory_space<vmem>>, vector<16xf32>,
          %swap3A_1317 = vector.shape_cast %swap3A_1316 : vector<16xf32> to vector<16xf32>
          %swap3A_1318 = vector.shape_cast %get3A_1312 : vector<16xf32> to vector<16xf32>
          tpu.vector_store %arg10[%swap3A_1315], %swap3A_1318 {add = true, strides = array<i32>} : memref<8192xf32, #tpu.memory_space<vmem>>, vector<16xf32>,
          %add3A_1319 = arith.constant 80 : i32
          %add3A_1320 = arith.addi %mul3A_1255, %add3A_1319 : i32
          %get3A_1321 = arith.index_cast %add3A_1320 : i32 to index
          %get3A_1322 = tpu.vector_load %arg7[%get3A_1321] {strides = array<i32>} : memref<51200xf32, #tpu.memory_space<vmem>>, vector<16xf32>,
          %get3A_1323 = vector.shape_cast %get3A_1322 : vector<16xf32> to vector<16xf32>
          %add3A_1324 = arith.constant 80 : i32
          %add3A_1325 = arith.addi %squeeze3A_1257, %add3A_1324 : i32
          %swap3A_1326 = arith.index_cast %add3A_1325 : i32 to index
          %swap3A_1327 = tpu.vector_load %arg10[%swap3A_1326] {strides = array<i32>} : memref<8192xf32, #tpu.memory_space<vmem>>, vector<16xf32>,
          %swap3A_1328 = vector.shape_cast %swap3A_1327 : vector<16xf32> to vector<16xf32>
          %swap3A_1329 = vector.shape_cast %get3A_1323 : vector<16xf32> to vector<16xf32>
          tpu.vector_store %arg10[%swap3A_1326], %swap3A_1329 {add = true, strides = array<i32>} : memref<8192xf32, #tpu.memory_space<vmem>>, vector<16xf32>,
          %add3A_1330 = arith.constant 96 : i32
          %add3A_1331 = arith.addi %mul3A_1255, %add3A_1330 : i32
          %get3A_1332 = arith.index_cast %add3A_1331 : i32 to index
          %get3A_1333 = tpu.vector_load %arg7[%get3A_1332] {strides = array<i32>} : memref<51200xf32, #tpu.memory_space<vmem>>, vector<16xf32>,
          %get3A_1334 = vector.shape_cast %get3A_1333 : vector<16xf32> to vector<16xf32>
          %add3A_1335 = arith.constant 96 : i32
          %add3A_1336 = arith.addi %squeeze3A_1257, %add3A_1335 : i32
          %swap3A_1337 = arith.index_cast %add3A_1336 : i32 to index
          %swap3A_1338 = tpu.vector_load %arg10[%swap3A_1337] {strides = array<i32>} : memref<8192xf32, #tpu.memory_space<vmem>>, vector<16xf32>,
          %swap3A_1339 = vector.shape_cast %swap3A_1338 : vector<16xf32> to vector<16xf32>
          %swap3A_1340 = vector.shape_cast %get3A_1334 : vector<16xf32> to vector<16xf32>
          tpu.vector_store %arg10[%swap3A_1337], %swap3A_1340 {add = true, strides = array<i32>} : memref<8192xf32, #tpu.memory_space<vmem>>, vector<16xf32>,
          %add3A_1341 = arith.constant 112 : i32
          %add3A_1342 = arith.addi %mul3A_1255, %add3A_1341 : i32
          %get3A_1343 = arith.index_cast %add3A_1342 : i32 to index
          %get3A_1344 = tpu.vector_load %arg7[%get3A_1343] {strides = array<i32>} : memref<51200xf32, #tpu.memory_space<vmem>>, vector<16xf32>,
          %get3A_1345 = vector.shape_cast %get3A_1344 : vector<16xf32> to vector<16xf32>
          %add3A_1346 = arith.constant 112 : i32
          %add3A_1347 = arith.addi %squeeze3A_1257, %add3A_1346 : i32
          %swap3A_1348 = arith.index_cast %add3A_1347 : i32 to index
          %swap3A_1349 = tpu.vector_load %arg10[%swap3A_1348] {strides = array<i32>} : memref<8192xf32, #tpu.memory_space<vmem>>, vector<16xf32>,
          %swap3A_1350 = vector.shape_cast %swap3A_1349 : vector<16xf32> to vector<16xf32>
          %swap3A_1351 = vector.shape_cast %get3A_1345 : vector<16xf32> to vector<16xf32>
          tpu.vector_store %arg10[%swap3A_1348], %swap3A_1351 {add = true, strides = array<i32>} : memref<8192xf32, #tpu.memory_space<vmem>>, vector<16xf32>,
          %mul3A_1352 = arith.constant 16 : i32
          %mul3A_1353 = arith.muli %scan3A_116, %mul3A_1352 : i32
          %add3A_1354 = arith.constant 12 : i32
          %add3A_1355 = arith.addi %mul3A_1353, %add3A_1354 : i32
          %mul3A_1356 = arith.constant 128 : i32
          %mul3A_1357 = arith.muli %add3A_1355, %mul3A_1356 : i32
          %slice3A_1358 = vector.extract_strided_slice %mul3A_125 {offsets = [12], sizes = [1], strides = [1]} : vector<16xi32> to vector<1xi32>
          %squeeze3A_1359 = vector.extract %slice3A_1358[0] : i32 from vector<1xi32>
          %slice3A_1360 = vector.extract_strided_slice %mul3A_128 {offsets = [12], sizes = [1], strides = [1]} : vector<16xi32> to vector<1xi32>
          %squeeze3A_1361 = vector.extract %slice3A_1360[0] : i32 from vector<1xi32>
          %swap3A_1362 = arith.index_cast %squeeze3A_1361 : i32 to index
          %swap3A_1363 = tpu.vector_load %arg11[%swap3A_1362] {strides = array<i32>} : memref<1024xf32, #tpu.memory_space<vmem>>, vector<16xf32>,
          %swap3A_1364 = vector.shape_cast %swap3A_1363 : vector<16xf32> to vector<16xf32>
          %swap3A_1365 = vector.shape_cast %broadcast_in_dim3A_18 : vector<16xf32> to vector<16xf32>
          tpu.vector_store %arg11[%swap3A_1362], %swap3A_1365 {add = true, strides = array<i32>} : memref<1024xf32, #tpu.memory_space<vmem>>, vector<16xf32>,
          %add3A_1366 = arith.constant 0 : i32
          %add3A_1367 = arith.addi %mul3A_1357, %add3A_1366 : i32
          %get3A_1368 = arith.index_cast %add3A_1367 : i32 to index
          %get3A_1369 = tpu.vector_load %arg7[%get3A_1368] {strides = array<i32>} : memref<51200xf32, #tpu.memory_space<vmem>>, vector<16xf32>,
          %get3A_1370 = vector.shape_cast %get3A_1369 : vector<16xf32> to vector<16xf32>
          %add3A_1371 = arith.constant 0 : i32
          %add3A_1372 = arith.addi %squeeze3A_1359, %add3A_1371 : i32
          %swap3A_1373 = arith.index_cast %add3A_1372 : i32 to index
          %swap3A_1374 = tpu.vector_load %arg10[%swap3A_1373] {strides = array<i32>} : memref<8192xf32, #tpu.memory_space<vmem>>, vector<16xf32>,
          %swap3A_1375 = vector.shape_cast %swap3A_1374 : vector<16xf32> to vector<16xf32>
          %swap3A_1376 = vector.shape_cast %get3A_1370 : vector<16xf32> to vector<16xf32>
          tpu.vector_store %arg10[%swap3A_1373], %swap3A_1376 {add = true, strides = array<i32>} : memref<8192xf32, #tpu.memory_space<vmem>>, vector<16xf32>,
          %add3A_1377 = arith.constant 16 : i32
          %add3A_1378 = arith.addi %mul3A_1357, %add3A_1377 : i32
          %get3A_1379 = arith.index_cast %add3A_1378 : i32 to index
          %get3A_1380 = tpu.vector_load %arg7[%get3A_1379] {strides = array<i32>} : memref<51200xf32, #tpu.memory_space<vmem>>, vector<16xf32>,
          %get3A_1381 = vector.shape_cast %get3A_1380 : vector<16xf32> to vector<16xf32>
          %add3A_1382 = arith.constant 16 : i32
          %add3A_1383 = arith.addi %squeeze3A_1359, %add3A_1382 : i32
          %swap3A_1384 = arith.index_cast %add3A_1383 : i32 to index
          %swap3A_1385 = tpu.vector_load %arg10[%swap3A_1384] {strides = array<i32>} : memref<8192xf32, #tpu.memory_space<vmem>>, vector<16xf32>,
          %swap3A_1386 = vector.shape_cast %swap3A_1385 : vector<16xf32> to vector<16xf32>
          %swap3A_1387 = vector.shape_cast %get3A_1381 : vector<16xf32> to vector<16xf32>
          tpu.vector_store %arg10[%swap3A_1384], %swap3A_1387 {add = true, strides = array<i32>} : memref<8192xf32, #tpu.memory_space<vmem>>, vector<16xf32>,
          %add3A_1388 = arith.constant 32 : i32
          %add3A_1389 = arith.addi %mul3A_1357, %add3A_1388 : i32
          %get3A_1390 = arith.index_cast %add3A_1389 : i32 to index
          %get3A_1391 = tpu.vector_load %arg7[%get3A_1390] {strides = array<i32>} : memref<51200xf32, #tpu.memory_space<vmem>>, vector<16xf32>,
          %get3A_1392 = vector.shape_cast %get3A_1391 : vector<16xf32> to vector<16xf32>
          %add3A_1393 = arith.constant 32 : i32
          %add3A_1394 = arith.addi %squeeze3A_1359, %add3A_1393 : i32
          %swap3A_1395 = arith.index_cast %add3A_1394 : i32 to index
          %swap3A_1396 = tpu.vector_load %arg10[%swap3A_1395] {strides = array<i32>} : memref<8192xf32, #tpu.memory_space<vmem>>, vector<16xf32>,
          %swap3A_1397 = vector.shape_cast %swap3A_1396 : vector<16xf32> to vector<16xf32>
          %swap3A_1398 = vector.shape_cast %get3A_1392 : vector<16xf32> to vector<16xf32>
          tpu.vector_store %arg10[%swap3A_1395], %swap3A_1398 {add = true, strides = array<i32>} : memref<8192xf32, #tpu.memory_space<vmem>>, vector<16xf32>,
          %add3A_1399 = arith.constant 48 : i32
          %add3A_1400 = arith.addi %mul3A_1357, %add3A_1399 : i32
          %get3A_1401 = arith.index_cast %add3A_1400 : i32 to index
          %get3A_1402 = tpu.vector_load %arg7[%get3A_1401] {strides = array<i32>} : memref<51200xf32, #tpu.memory_space<vmem>>, vector<16xf32>,
          %get3A_1403 = vector.shape_cast %get3A_1402 : vector<16xf32> to vector<16xf32>
          %add3A_1404 = arith.constant 48 : i32
          %add3A_1405 = arith.addi %squeeze3A_1359, %add3A_1404 : i32
          %swap3A_1406 = arith.index_cast %add3A_1405 : i32 to index
          %swap3A_1407 = tpu.vector_load %arg10[%swap3A_1406] {strides = array<i32>} : memref<8192xf32, #tpu.memory_space<vmem>>, vector<16xf32>,
          %swap3A_1408 = vector.shape_cast %swap3A_1407 : vector<16xf32> to vector<16xf32>
          %swap3A_1409 = vector.shape_cast %get3A_1403 : vector<16xf32> to vector<16xf32>
          tpu.vector_store %arg10[%swap3A_1406], %swap3A_1409 {add = true, strides = array<i32>} : memref<8192xf32, #tpu.memory_space<vmem>>, vector<16xf32>,
          %add3A_1410 = arith.constant 64 : i32
          %add3A_1411 = arith.addi %mul3A_1357, %add3A_1410 : i32
          %get3A_1412 = arith.index_cast %add3A_1411 : i32 to index
          %get3A_1413 = tpu.vector_load %arg7[%get3A_1412] {strides = array<i32>} : memref<51200xf32, #tpu.memory_space<vmem>>, vector<16xf32>,
          %get3A_1414 = vector.shape_cast %get3A_1413 : vector<16xf32> to vector<16xf32>
          %add3A_1415 = arith.constant 64 : i32
          %add3A_1416 = arith.addi %squeeze3A_1359, %add3A_1415 : i32
          %swap3A_1417 = arith.index_cast %add3A_1416 : i32 to index
          %swap3A_1418 = tpu.vector_load %arg10[%swap3A_1417] {strides = array<i32>} : memref<8192xf32, #tpu.memory_space<vmem>>, vector<16xf32>,
          %swap3A_1419 = vector.shape_cast %swap3A_1418 : vector<16xf32> to vector<16xf32>
          %swap3A_1420 = vector.shape_cast %get3A_1414 : vector<16xf32> to vector<16xf32>
          tpu.vector_store %arg10[%swap3A_1417], %swap3A_1420 {add = true, strides = array<i32>} : memref<8192xf32, #tpu.memory_space<vmem>>, vector<16xf32>,
          %add3A_1421 = arith.constant 80 : i32
          %add3A_1422 = arith.addi %mul3A_1357, %add3A_1421 : i32
          %get3A_1423 = arith.index_cast %add3A_1422 : i32 to index
          %get3A_1424 = tpu.vector_load %arg7[%get3A_1423] {strides = array<i32>} : memref<51200xf32, #tpu.memory_space<vmem>>, vector<16xf32>,
          %get3A_1425 = vector.shape_cast %get3A_1424 : vector<16xf32> to vector<16xf32>
          %add3A_1426 = arith.constant 80 : i32
          %add3A_1427 = arith.addi %squeeze3A_1359, %add3A_1426 : i32
          %swap3A_1428 = arith.index_cast %add3A_1427 : i32 to index
          %swap3A_1429 = tpu.vector_load %arg10[%swap3A_1428] {strides = array<i32>} : memref<8192xf32, #tpu.memory_space<vmem>>, vector<16xf32>,
          %swap3A_1430 = vector.shape_cast %swap3A_1429 : vector<16xf32> to vector<16xf32>
          %swap3A_1431 = vector.shape_cast %get3A_1425 : vector<16xf32> to vector<16xf32>
          tpu.vector_store %arg10[%swap3A_1428], %swap3A_1431 {add = true, strides = array<i32>} : memref<8192xf32, #tpu.memory_space<vmem>>, vector<16xf32>,
          %add3A_1432 = arith.constant 96 : i32
          %add3A_1433 = arith.addi %mul3A_1357, %add3A_1432 : i32
          %get3A_1434 = arith.index_cast %add3A_1433 : i32 to index
          %get3A_1435 = tpu.vector_load %arg7[%get3A_1434] {strides = array<i32>} : memref<51200xf32, #tpu.memory_space<vmem>>, vector<16xf32>,
          %get3A_1436 = vector.shape_cast %get3A_1435 : vector<16xf32> to vector<16xf32>
          %add3A_1437 = arith.constant 96 : i32
          %add3A_1438 = arith.addi %squeeze3A_1359, %add3A_1437 : i32
          %swap3A_1439 = arith.index_cast %add3A_1438 : i32 to index
          %swap3A_1440 = tpu.vector_load %arg10[%swap3A_1439] {strides = array<i32>} : memref<8192xf32, #tpu.memory_space<vmem>>, vector<16xf32>,
          %swap3A_1441 = vector.shape_cast %swap3A_1440 : vector<16xf32> to vector<16xf32>
          %swap3A_1442 = vector.shape_cast %get3A_1436 : vector<16xf32> to vector<16xf32>
          tpu.vector_store %arg10[%swap3A_1439], %swap3A_1442 {add = true, strides = array<i32>} : memref<8192xf32, #tpu.memory_space<vmem>>, vector<16xf32>,
          %add3A_1443 = arith.constant 112 : i32
          %add3A_1444 = arith.addi %mul3A_1357, %add3A_1443 : i32
          %get3A_1445 = arith.index_cast %add3A_1444 : i32 to index
          %get3A_1446 = tpu.vector_load %arg7[%get3A_1445] {strides = array<i32>} : memref<51200xf32, #tpu.memory_space<vmem>>, vector<16xf32>,
          %get3A_1447 = vector.shape_cast %get3A_1446 : vector<16xf32> to vector<16xf32>
          %add3A_1448 = arith.constant 112 : i32
          %add3A_1449 = arith.addi %squeeze3A_1359, %add3A_1448 : i32
          %swap3A_1450 = arith.index_cast %add3A_1449 : i32 to index
          %swap3A_1451 = tpu.vector_load %arg10[%swap3A_1450] {strides = array<i32>} : memref<8192xf32, #tpu.memory_space<vmem>>, vector<16xf32>,
          %swap3A_1452 = vector.shape_cast %swap3A_1451 : vector<16xf32> to vector<16xf32>
          %swap3A_1453 = vector.shape_cast %get3A_1447 : vector<16xf32> to vector<16xf32>
          tpu.vector_store %arg10[%swap3A_1450], %swap3A_1453 {add = true, strides = array<i32>} : memref<8192xf32, #tpu.memory_space<vmem>>, vector<16xf32>,
          %mul3A_1454 = arith.constant 16 : i32
          %mul3A_1455 = arith.muli %scan3A_116, %mul3A_1454 : i32
          %add3A_1456 = arith.constant 13 : i32
          %add3A_1457 = arith.addi %mul3A_1455, %add3A_1456 : i32
          %mul3A_1458 = arith.constant 128 : i32
          %mul3A_1459 = arith.muli %add3A_1457, %mul3A_1458 : i32
          %slice3A_1460 = vector.extract_strided_slice %mul3A_125 {offsets = [13], sizes = [1], strides = [1]} : vector<16xi32> to vector<1xi32>
          %squeeze3A_1461 = vector.extract %slice3A_1460[0] : i32 from vector<1xi32>
          %slice3A_1462 = vector.extract_strided_slice %mul3A_128 {offsets = [13], sizes = [1], strides = [1]} : vector<16xi32> to vector<1xi32>
          %squeeze3A_1463 = vector.extract %slice3A_1462[0] : i32 from vector<1xi32>
          %swap3A_1464 = arith.index_cast %squeeze3A_1463 : i32 to index
          %swap3A_1465 = tpu.vector_load %arg11[%swap3A_1464] {strides = array<i32>} : memref<1024xf32, #tpu.memory_space<vmem>>, vector<16xf32>,
          %swap3A_1466 = vector.shape_cast %swap3A_1465 : vector<16xf32> to vector<16xf32>
          %swap3A_1467 = vector.shape_cast %broadcast_in_dim3A_18 : vector<16xf32> to vector<16xf32>
          tpu.vector_store %arg11[%swap3A_1464], %swap3A_1467 {add = true, strides = array<i32>} : memref<1024xf32, #tpu.memory_space<vmem>>, vector<16xf32>,
          %add3A_1468 = arith.constant 0 : i32
          %add3A_1469 = arith.addi %mul3A_1459, %add3A_1468 : i32
          %get3A_1470 = arith.index_cast %add3A_1469 : i32 to index
          %get3A_1471 = tpu.vector_load %arg7[%get3A_1470] {strides = array<i32>} : memref<51200xf32, #tpu.memory_space<vmem>>, vector<16xf32>,
          %get3A_1472 = vector.shape_cast %get3A_1471 : vector<16xf32> to vector<16xf32>
          %add3A_1473 = arith.constant 0 : i32
          %add3A_1474 = arith.addi %squeeze3A_1461, %add3A_1473 : i32
          %swap3A_1475 = arith.index_cast %add3A_1474 : i32 to index
          %swap3A_1476 = tpu.vector_load %arg10[%swap3A_1475] {strides = array<i32>} : memref<8192xf32, #tpu.memory_space<vmem>>, vector<16xf32>,
          %swap3A_1477 = vector.shape_cast %swap3A_1476 : vector<16xf32> to vector<16xf32>
          %swap3A_1478 = vector.shape_cast %get3A_1472 : vector<16xf32> to vector<16xf32>
          tpu.vector_store %arg10[%swap3A_1475], %swap3A_1478 {add = true, strides = array<i32>} : memref<8192xf32, #tpu.memory_space<vmem>>, vector<16xf32>,
          %add3A_1479 = arith.constant 16 : i32
          %add3A_1480 = arith.addi %mul3A_1459, %add3A_1479 : i32
          %get3A_1481 = arith.index_cast %add3A_1480 : i32 to index
          %get3A_1482 = tpu.vector_load %arg7[%get3A_1481] {strides = array<i32>} : memref<51200xf32, #tpu.memory_space<vmem>>, vector<16xf32>,
          %get3A_1483 = vector.shape_cast %get3A_1482 : vector<16xf32> to vector<16xf32>
          %add3A_1484 = arith.constant 16 : i32
          %add3A_1485 = arith.addi %squeeze3A_1461, %add3A_1484 : i32
          %swap3A_1486 = arith.index_cast %add3A_1485 : i32 to index
          %swap3A_1487 = tpu.vector_load %arg10[%swap3A_1486] {strides = array<i32>} : memref<8192xf32, #tpu.memory_space<vmem>>, vector<16xf32>,
          %swap3A_1488 = vector.shape_cast %swap3A_1487 : vector<16xf32> to vector<16xf32>
          %swap3A_1489 = vector.shape_cast %get3A_1483 : vector<16xf32> to vector<16xf32>
          tpu.vector_store %arg10[%swap3A_1486], %swap3A_1489 {add = true, strides = array<i32>} : memref<8192xf32, #tpu.memory_space<vmem>>, vector<16xf32>,
          %add3A_1490 = arith.constant 32 : i32
          %add3A_1491 = arith.addi %mul3A_1459, %add3A_1490 : i32
          %get3A_1492 = arith.index_cast %add3A_1491 : i32 to index
          %get3A_1493 = tpu.vector_load %arg7[%get3A_1492] {strides = array<i32>} : memref<51200xf32, #tpu.memory_space<vmem>>, vector<16xf32>,
          %get3A_1494 = vector.shape_cast %get3A_1493 : vector<16xf32> to vector<16xf32>
          %add3A_1495 = arith.constant 32 : i32
          %add3A_1496 = arith.addi %squeeze3A_1461, %add3A_1495 : i32
          %swap3A_1497 = arith.index_cast %add3A_1496 : i32 to index
          %swap3A_1498 = tpu.vector_load %arg10[%swap3A_1497] {strides = array<i32>} : memref<8192xf32, #tpu.memory_space<vmem>>, vector<16xf32>,
          %swap3A_1499 = vector.shape_cast %swap3A_1498 : vector<16xf32> to vector<16xf32>
          %swap3A_1500 = vector.shape_cast %get3A_1494 : vector<16xf32> to vector<16xf32>
          tpu.vector_store %arg10[%swap3A_1497], %swap3A_1500 {add = true, strides = array<i32>} : memref<8192xf32, #tpu.memory_space<vmem>>, vector<16xf32>,
          %add3A_1501 = arith.constant 48 : i32
          %add3A_1502 = arith.addi %mul3A_1459, %add3A_1501 : i32
          %get3A_1503 = arith.index_cast %add3A_1502 : i32 to index
          %get3A_1504 = tpu.vector_load %arg7[%get3A_1503] {strides = array<i32>} : memref<51200xf32, #tpu.memory_space<vmem>>, vector<16xf32>,
          %get3A_1505 = vector.shape_cast %get3A_1504 : vector<16xf32> to vector<16xf32>
          %add3A_1506 = arith.constant 48 : i32
          %add3A_1507 = arith.addi %squeeze3A_1461, %add3A_1506 : i32
          %swap3A_1508 = arith.index_cast %add3A_1507 : i32 to index
          %swap3A_1509 = tpu.vector_load %arg10[%swap3A_1508] {strides = array<i32>} : memref<8192xf32, #tpu.memory_space<vmem>>, vector<16xf32>,
          %swap3A_1510 = vector.shape_cast %swap3A_1509 : vector<16xf32> to vector<16xf32>
          %swap3A_1511 = vector.shape_cast %get3A_1505 : vector<16xf32> to vector<16xf32>
          tpu.vector_store %arg10[%swap3A_1508], %swap3A_1511 {add = true, strides = array<i32>} : memref<8192xf32, #tpu.memory_space<vmem>>, vector<16xf32>,
          %add3A_1512 = arith.constant 64 : i32
          %add3A_1513 = arith.addi %mul3A_1459, %add3A_1512 : i32
          %get3A_1514 = arith.index_cast %add3A_1513 : i32 to index
          %get3A_1515 = tpu.vector_load %arg7[%get3A_1514] {strides = array<i32>} : memref<51200xf32, #tpu.memory_space<vmem>>, vector<16xf32>,
          %get3A_1516 = vector.shape_cast %get3A_1515 : vector<16xf32> to vector<16xf32>
          %add3A_1517 = arith.constant 64 : i32
          %add3A_1518 = arith.addi %squeeze3A_1461, %add3A_1517 : i32
          %swap3A_1519 = arith.index_cast %add3A_1518 : i32 to index
          %swap3A_1520 = tpu.vector_load %arg10[%swap3A_1519] {strides = array<i32>} : memref<8192xf32, #tpu.memory_space<vmem>>, vector<16xf32>,
          %swap3A_1521 = vector.shape_cast %swap3A_1520 : vector<16xf32> to vector<16xf32>
          %swap3A_1522 = vector.shape_cast %get3A_1516 : vector<16xf32> to vector<16xf32>
          tpu.vector_store %arg10[%swap3A_1519], %swap3A_1522 {add = true, strides = array<i32>} : memref<8192xf32, #tpu.memory_space<vmem>>, vector<16xf32>,
          %add3A_1523 = arith.constant 80 : i32
          %add3A_1524 = arith.addi %mul3A_1459, %add3A_1523 : i32
          %get3A_1525 = arith.index_cast %add3A_1524 : i32 to index
          %get3A_1526 = tpu.vector_load %arg7[%get3A_1525] {strides = array<i32>} : memref<51200xf32, #tpu.memory_space<vmem>>, vector<16xf32>,
          %get3A_1527 = vector.shape_cast %get3A_1526 : vector<16xf32> to vector<16xf32>
          %add3A_1528 = arith.constant 80 : i32
          %add3A_1529 = arith.addi %squeeze3A_1461, %add3A_1528 : i32
          %swap3A_1530 = arith.index_cast %add3A_1529 : i32 to index
          %swap3A_1531 = tpu.vector_load %arg10[%swap3A_1530] {strides = array<i32>} : memref<8192xf32, #tpu.memory_space<vmem>>, vector<16xf32>,
          %swap3A_1532 = vector.shape_cast %swap3A_1531 : vector<16xf32> to vector<16xf32>
          %swap3A_1533 = vector.shape_cast %get3A_1527 : vector<16xf32> to vector<16xf32>
          tpu.vector_store %arg10[%swap3A_1530], %swap3A_1533 {add = true, strides = array<i32>} : memref<8192xf32, #tpu.memory_space<vmem>>, vector<16xf32>,
          %add3A_1534 = arith.constant 96 : i32
          %add3A_1535 = arith.addi %mul3A_1459, %add3A_1534 : i32
          %get3A_1536 = arith.index_cast %add3A_1535 : i32 to index
          %get3A_1537 = tpu.vector_load %arg7[%get3A_1536] {strides = array<i32>} : memref<51200xf32, #tpu.memory_space<vmem>>, vector<16xf32>,
          %get3A_1538 = vector.shape_cast %get3A_1537 : vector<16xf32> to vector<16xf32>
          %add3A_1539 = arith.constant 96 : i32
          %add3A_1540 = arith.addi %squeeze3A_1461, %add3A_1539 : i32
          %swap3A_1541 = arith.index_cast %add3A_1540 : i32 to index
          %swap3A_1542 = tpu.vector_load %arg10[%swap3A_1541] {strides = array<i32>} : memref<8192xf32, #tpu.memory_space<vmem>>, vector<16xf32>,
          %swap3A_1543 = vector.shape_cast %swap3A_1542 : vector<16xf32> to vector<16xf32>
          %swap3A_1544 = vector.shape_cast %get3A_1538 : vector<16xf32> to vector<16xf32>
          tpu.vector_store %arg10[%swap3A_1541], %swap3A_1544 {add = true, strides = array<i32>} : memref<8192xf32, #tpu.memory_space<vmem>>, vector<16xf32>,
          %add3A_1545 = arith.constant 112 : i32
          %add3A_1546 = arith.addi %mul3A_1459, %add3A_1545 : i32
          %get3A_1547 = arith.index_cast %add3A_1546 : i32 to index
          %get3A_1548 = tpu.vector_load %arg7[%get3A_1547] {strides = array<i32>} : memref<51200xf32, #tpu.memory_space<vmem>>, vector<16xf32>,
          %get3A_1549 = vector.shape_cast %get3A_1548 : vector<16xf32> to vector<16xf32>
          %add3A_1550 = arith.constant 112 : i32
          %add3A_1551 = arith.addi %squeeze3A_1461, %add3A_1550 : i32
          %swap3A_1552 = arith.index_cast %add3A_1551 : i32 to index
          %swap3A_1553 = tpu.vector_load %arg10[%swap3A_1552] {strides = array<i32>} : memref<8192xf32, #tpu.memory_space<vmem>>, vector<16xf32>,
          %swap3A_1554 = vector.shape_cast %swap3A_1553 : vector<16xf32> to vector<16xf32>
          %swap3A_1555 = vector.shape_cast %get3A_1549 : vector<16xf32> to vector<16xf32>
          tpu.vector_store %arg10[%swap3A_1552], %swap3A_1555 {add = true, strides = array<i32>} : memref<8192xf32, #tpu.memory_space<vmem>>, vector<16xf32>,
          %mul3A_1556 = arith.constant 16 : i32
          %mul3A_1557 = arith.muli %scan3A_116, %mul3A_1556 : i32
          %add3A_1558 = arith.constant 14 : i32
          %add3A_1559 = arith.addi %mul3A_1557, %add3A_1558 : i32
          %mul3A_1560 = arith.constant 128 : i32
          %mul3A_1561 = arith.muli %add3A_1559, %mul3A_1560 : i32
          %slice3A_1562 = vector.extract_strided_slice %mul3A_125 {offsets = [14], sizes = [1], strides = [1]} : vector<16xi32> to vector<1xi32>
          %squeeze3A_1563 = vector.extract %slice3A_1562[0] : i32 from vector<1xi32>
          %slice3A_1564 = vector.extract_strided_slice %mul3A_128 {offsets = [14], sizes = [1], strides = [1]} : vector<16xi32> to vector<1xi32>
          %squeeze3A_1565 = vector.extract %slice3A_1564[0] : i32 from vector<1xi32>
          %swap3A_1566 = arith.index_cast %squeeze3A_1565 : i32 to index
          %swap3A_1567 = tpu.vector_load %arg11[%swap3A_1566] {strides = array<i32>} : memref<1024xf32, #tpu.memory_space<vmem>>, vector<16xf32>,
          %swap3A_1568 = vector.shape_cast %swap3A_1567 : vector<16xf32> to vector<16xf32>
          %swap3A_1569 = vector.shape_cast %broadcast_in_dim3A_18 : vector<16xf32> to vector<16xf32>
          tpu.vector_store %arg11[%swap3A_1566], %swap3A_1569 {add = true, strides = array<i32>} : memref<1024xf32, #tpu.memory_space<vmem>>, vector<16xf32>,
          %add3A_1570 = arith.constant 0 : i32
          %add3A_1571 = arith.addi %mul3A_1561, %add3A_1570 : i32
          %get3A_1572 = arith.index_cast %add3A_1571 : i32 to index
          %get3A_1573 = tpu.vector_load %arg7[%get3A_1572] {strides = array<i32>} : memref<51200xf32, #tpu.memory_space<vmem>>, vector<16xf32>,
          %get3A_1574 = vector.shape_cast %get3A_1573 : vector<16xf32> to vector<16xf32>
          %add3A_1575 = arith.constant 0 : i32
          %add3A_1576 = arith.addi %squeeze3A_1563, %add3A_1575 : i32
          %swap3A_1577 = arith.index_cast %add3A_1576 : i32 to index
          %swap3A_1578 = tpu.vector_load %arg10[%swap3A_1577] {strides = array<i32>} : memref<8192xf32, #tpu.memory_space<vmem>>, vector<16xf32>,
          %swap3A_1579 = vector.shape_cast %swap3A_1578 : vector<16xf32> to vector<16xf32>
          %swap3A_1580 = vector.shape_cast %get3A_1574 : vector<16xf32> to vector<16xf32>
          tpu.vector_store %arg10[%swap3A_1577], %swap3A_1580 {add = true, strides = array<i32>} : memref<8192xf32, #tpu.memory_space<vmem>>, vector<16xf32>,
          %add3A_1581 = arith.constant 16 : i32
          %add3A_1582 = arith.addi %mul3A_1561, %add3A_1581 : i32
          %get3A_1583 = arith.index_cast %add3A_1582 : i32 to index
          %get3A_1584 = tpu.vector_load %arg7[%get3A_1583] {strides = array<i32>} : memref<51200xf32, #tpu.memory_space<vmem>>, vector<16xf32>,
          %get3A_1585 = vector.shape_cast %get3A_1584 : vector<16xf32> to vector<16xf32>
          %add3A_1586 = arith.constant 16 : i32
          %add3A_1587 = arith.addi %squeeze3A_1563, %add3A_1586 : i32
          %swap3A_1588 = arith.index_cast %add3A_1587 : i32 to index
          %swap3A_1589 = tpu.vector_load %arg10[%swap3A_1588] {strides = array<i32>} : memref<8192xf32, #tpu.memory_space<vmem>>, vector<16xf32>,
          %swap3A_1590 = vector.shape_cast %swap3A_1589 : vector<16xf32> to vector<16xf32>
          %swap3A_1591 = vector.shape_cast %get3A_1585 : vector<16xf32> to vector<16xf32>
          tpu.vector_store %arg10[%swap3A_1588], %swap3A_1591 {add = true, strides = array<i32>} : memref<8192xf32, #tpu.memory_space<vmem>>, vector<16xf32>,
          %add3A_1592 = arith.constant 32 : i32
          %add3A_1593 = arith.addi %mul3A_1561, %add3A_1592 : i32
          %get3A_1594 = arith.index_cast %add3A_1593 : i32 to index
          %get3A_1595 = tpu.vector_load %arg7[%get3A_1594] {strides = array<i32>} : memref<51200xf32, #tpu.memory_space<vmem>>, vector<16xf32>,
          %get3A_1596 = vector.shape_cast %get3A_1595 : vector<16xf32> to vector<16xf32>
          %add3A_1597 = arith.constant 32 : i32
          %add3A_1598 = arith.addi %squeeze3A_1563, %add3A_1597 : i32
          %swap3A_1599 = arith.index_cast %add3A_1598 : i32 to index
          %swap3A_1600 = tpu.vector_load %arg10[%swap3A_1599] {strides = array<i32>} : memref<8192xf32, #tpu.memory_space<vmem>>, vector<16xf32>,
          %swap3A_1601 = vector.shape_cast %swap3A_1600 : vector<16xf32> to vector<16xf32>
          %swap3A_1602 = vector.shape_cast %get3A_1596 : vector<16xf32> to vector<16xf32>
          tpu.vector_store %arg10[%swap3A_1599], %swap3A_1602 {add = true, strides = array<i32>} : memref<8192xf32, #tpu.memory_space<vmem>>, vector<16xf32>,
          %add3A_1603 = arith.constant 48 : i32
          %add3A_1604 = arith.addi %mul3A_1561, %add3A_1603 : i32
          %get3A_1605 = arith.index_cast %add3A_1604 : i32 to index
          %get3A_1606 = tpu.vector_load %arg7[%get3A_1605] {strides = array<i32>} : memref<51200xf32, #tpu.memory_space<vmem>>, vector<16xf32>,
          %get3A_1607 = vector.shape_cast %get3A_1606 : vector<16xf32> to vector<16xf32>
          %add3A_1608 = arith.constant 48 : i32
          %add3A_1609 = arith.addi %squeeze3A_1563, %add3A_1608 : i32
          %swap3A_1610 = arith.index_cast %add3A_1609 : i32 to index
          %swap3A_1611 = tpu.vector_load %arg10[%swap3A_1610] {strides = array<i32>} : memref<8192xf32, #tpu.memory_space<vmem>>, vector<16xf32>,
          %swap3A_1612 = vector.shape_cast %swap3A_1611 : vector<16xf32> to vector<16xf32>
          %swap3A_1613 = vector.shape_cast %get3A_1607 : vector<16xf32> to vector<16xf32>
          tpu.vector_store %arg10[%swap3A_1610], %swap3A_1613 {add = true, strides = array<i32>} : memref<8192xf32, #tpu.memory_space<vmem>>, vector<16xf32>,
          %add3A_1614 = arith.constant 64 : i32
          %add3A_1615 = arith.addi %mul3A_1561, %add3A_1614 : i32
          %get3A_1616 = arith.index_cast %add3A_1615 : i32 to index
          %get3A_1617 = tpu.vector_load %arg7[%get3A_1616] {strides = array<i32>} : memref<51200xf32, #tpu.memory_space<vmem>>, vector<16xf32>,
          %get3A_1618 = vector.shape_cast %get3A_1617 : vector<16xf32> to vector<16xf32>
          %add3A_1619 = arith.constant 64 : i32
          %add3A_1620 = arith.addi %squeeze3A_1563, %add3A_1619 : i32
          %swap3A_1621 = arith.index_cast %add3A_1620 : i32 to index
          %swap3A_1622 = tpu.vector_load %arg10[%swap3A_1621] {strides = array<i32>} : memref<8192xf32, #tpu.memory_space<vmem>>, vector<16xf32>,
          %swap3A_1623 = vector.shape_cast %swap3A_1622 : vector<16xf32> to vector<16xf32>
          %swap3A_1624 = vector.shape_cast %get3A_1618 : vector<16xf32> to vector<16xf32>
          tpu.vector_store %arg10[%swap3A_1621], %swap3A_1624 {add = true, strides = array<i32>} : memref<8192xf32, #tpu.memory_space<vmem>>, vector<16xf32>,
          %add3A_1625 = arith.constant 80 : i32
          %add3A_1626 = arith.addi %mul3A_1561, %add3A_1625 : i32
          %get3A_1627 = arith.index_cast %add3A_1626 : i32 to index
          %get3A_1628 = tpu.vector_load %arg7[%get3A_1627] {strides = array<i32>} : memref<51200xf32, #tpu.memory_space<vmem>>, vector<16xf32>,
          %get3A_1629 = vector.shape_cast %get3A_1628 : vector<16xf32> to vector<16xf32>
          %add3A_1630 = arith.constant 80 : i32
          %add3A_1631 = arith.addi %squeeze3A_1563, %add3A_1630 : i32
          %swap3A_1632 = arith.index_cast %add3A_1631 : i32 to index
          %swap3A_1633 = tpu.vector_load %arg10[%swap3A_1632] {strides = array<i32>} : memref<8192xf32, #tpu.memory_space<vmem>>, vector<16xf32>,
          %swap3A_1634 = vector.shape_cast %swap3A_1633 : vector<16xf32> to vector<16xf32>
          %swap3A_1635 = vector.shape_cast %get3A_1629 : vector<16xf32> to vector<16xf32>
          tpu.vector_store %arg10[%swap3A_1632], %swap3A_1635 {add = true, strides = array<i32>} : memref<8192xf32, #tpu.memory_space<vmem>>, vector<16xf32>,
          %add3A_1636 = arith.constant 96 : i32
          %add3A_1637 = arith.addi %mul3A_1561, %add3A_1636 : i32
          %get3A_1638 = arith.index_cast %add3A_1637 : i32 to index
          %get3A_1639 = tpu.vector_load %arg7[%get3A_1638] {strides = array<i32>} : memref<51200xf32, #tpu.memory_space<vmem>>, vector<16xf32>,
          %get3A_1640 = vector.shape_cast %get3A_1639 : vector<16xf32> to vector<16xf32>
          %add3A_1641 = arith.constant 96 : i32
          %add3A_1642 = arith.addi %squeeze3A_1563, %add3A_1641 : i32
          %swap3A_1643 = arith.index_cast %add3A_1642 : i32 to index
          %swap3A_1644 = tpu.vector_load %arg10[%swap3A_1643] {strides = array<i32>} : memref<8192xf32, #tpu.memory_space<vmem>>, vector<16xf32>,
          %swap3A_1645 = vector.shape_cast %swap3A_1644 : vector<16xf32> to vector<16xf32>
          %swap3A_1646 = vector.shape_cast %get3A_1640 : vector<16xf32> to vector<16xf32>
          tpu.vector_store %arg10[%swap3A_1643], %swap3A_1646 {add = true, strides = array<i32>} : memref<8192xf32, #tpu.memory_space<vmem>>, vector<16xf32>,
          %add3A_1647 = arith.constant 112 : i32
          %add3A_1648 = arith.addi %mul3A_1561, %add3A_1647 : i32
          %get3A_1649 = arith.index_cast %add3A_1648 : i32 to index
          %get3A_1650 = tpu.vector_load %arg7[%get3A_1649] {strides = array<i32>} : memref<51200xf32, #tpu.memory_space<vmem>>, vector<16xf32>,
          %get3A_1651 = vector.shape_cast %get3A_1650 : vector<16xf32> to vector<16xf32>
          %add3A_1652 = arith.constant 112 : i32
          %add3A_1653 = arith.addi %squeeze3A_1563, %add3A_1652 : i32
          %swap3A_1654 = arith.index_cast %add3A_1653 : i32 to index
          %swap3A_1655 = tpu.vector_load %arg10[%swap3A_1654] {strides = array<i32>} : memref<8192xf32, #tpu.memory_space<vmem>>, vector<16xf32>,
          %swap3A_1656 = vector.shape_cast %swap3A_1655 : vector<16xf32> to vector<16xf32>
          %swap3A_1657 = vector.shape_cast %get3A_1651 : vector<16xf32> to vector<16xf32>
          tpu.vector_store %arg10[%swap3A_1654], %swap3A_1657 {add = true, strides = array<i32>} : memref<8192xf32, #tpu.memory_space<vmem>>, vector<16xf32>,
          %mul3A_1658 = arith.constant 16 : i32
          %mul3A_1659 = arith.muli %scan3A_116, %mul3A_1658 : i32
          %add3A_1660 = arith.constant 15 : i32
          %add3A_1661 = arith.addi %mul3A_1659, %add3A_1660 : i32
          %mul3A_1662 = arith.constant 128 : i32
          %mul3A_1663 = arith.muli %add3A_1661, %mul3A_1662 : i32
          %slice3A_1664 = vector.extract_strided_slice %mul3A_125 {offsets = [15], sizes = [1], strides = [1]} : vector<16xi32> to vector<1xi32>
          %squeeze3A_1665 = vector.extract %slice3A_1664[0] : i32 from vector<1xi32>
          %slice3A_1666 = vector.extract_strided_slice %mul3A_128 {offsets = [15], sizes = [1], strides = [1]} : vector<16xi32> to vector<1xi32>
          %squeeze3A_1667 = vector.extract %slice3A_1666[0] : i32 from vector<1xi32>
          %swap3A_1668 = arith.index_cast %squeeze3A_1667 : i32 to index
          %swap3A_1669 = tpu.vector_load %arg11[%swap3A_1668] {strides = array<i32>} : memref<1024xf32, #tpu.memory_space<vmem>>, vector<16xf32>,
          %swap3A_1670 = vector.shape_cast %swap3A_1669 : vector<16xf32> to vector<16xf32>
          %swap3A_1671 = vector.shape_cast %broadcast_in_dim3A_18 : vector<16xf32> to vector<16xf32>
          tpu.vector_store %arg11[%swap3A_1668], %swap3A_1671 {add = true, strides = array<i32>} : memref<1024xf32, #tpu.memory_space<vmem>>, vector<16xf32>,
          %add3A_1672 = arith.constant 0 : i32
          %add3A_1673 = arith.addi %mul3A_1663, %add3A_1672 : i32
          %get3A_1674 = arith.index_cast %add3A_1673 : i32 to index
          %get3A_1675 = tpu.vector_load %arg7[%get3A_1674] {strides = array<i32>} : memref<51200xf32, #tpu.memory_space<vmem>>, vector<16xf32>,
          %get3A_1676 = vector.shape_cast %get3A_1675 : vector<16xf32> to vector<16xf32>
          %add3A_1677 = arith.constant 0 : i32
          %add3A_1678 = arith.addi %squeeze3A_1665, %add3A_1677 : i32
          %swap3A_1679 = arith.index_cast %add3A_1678 : i32 to index
          %swap3A_1680 = tpu.vector_load %arg10[%swap3A_1679] {strides = array<i32>} : memref<8192xf32, #tpu.memory_space<vmem>>, vector<16xf32>,
          %swap3A_1681 = vector.shape_cast %swap3A_1680 : vector<16xf32> to vector<16xf32>
          %swap3A_1682 = vector.shape_cast %get3A_1676 : vector<16xf32> to vector<16xf32>
          tpu.vector_store %arg10[%swap3A_1679], %swap3A_1682 {add = true, strides = array<i32>} : memref<8192xf32, #tpu.memory_space<vmem>>, vector<16xf32>,
          %add3A_1683 = arith.constant 16 : i32
          %add3A_1684 = arith.addi %mul3A_1663, %add3A_1683 : i32
          %get3A_1685 = arith.index_cast %add3A_1684 : i32 to index
          %get3A_1686 = tpu.vector_load %arg7[%get3A_1685] {strides = array<i32>} : memref<51200xf32, #tpu.memory_space<vmem>>, vector<16xf32>,
          %get3A_1687 = vector.shape_cast %get3A_1686 : vector<16xf32> to vector<16xf32>
          %add3A_1688 = arith.constant 16 : i32
          %add3A_1689 = arith.addi %squeeze3A_1665, %add3A_1688 : i32
          %swap3A_1690 = arith.index_cast %add3A_1689 : i32 to index
          %swap3A_1691 = tpu.vector_load %arg10[%swap3A_1690] {strides = array<i32>} : memref<8192xf32, #tpu.memory_space<vmem>>, vector<16xf32>,
          %swap3A_1692 = vector.shape_cast %swap3A_1691 : vector<16xf32> to vector<16xf32>
          %swap3A_1693 = vector.shape_cast %get3A_1687 : vector<16xf32> to vector<16xf32>
          tpu.vector_store %arg10[%swap3A_1690], %swap3A_1693 {add = true, strides = array<i32>} : memref<8192xf32, #tpu.memory_space<vmem>>, vector<16xf32>,
          %add3A_1694 = arith.constant 32 : i32
          %add3A_1695 = arith.addi %mul3A_1663, %add3A_1694 : i32
          %get3A_1696 = arith.index_cast %add3A_1695 : i32 to index
          %get3A_1697 = tpu.vector_load %arg7[%get3A_1696] {strides = array<i32>} : memref<51200xf32, #tpu.memory_space<vmem>>, vector<16xf32>,
          %get3A_1698 = vector.shape_cast %get3A_1697 : vector<16xf32> to vector<16xf32>
          %add3A_1699 = arith.constant 32 : i32
          %add3A_1700 = arith.addi %squeeze3A_1665, %add3A_1699 : i32
          %swap3A_1701 = arith.index_cast %add3A_1700 : i32 to index
          %swap3A_1702 = tpu.vector_load %arg10[%swap3A_1701] {strides = array<i32>} : memref<8192xf32, #tpu.memory_space<vmem>>, vector<16xf32>,
          %swap3A_1703 = vector.shape_cast %swap3A_1702 : vector<16xf32> to vector<16xf32>
          %swap3A_1704 = vector.shape_cast %get3A_1698 : vector<16xf32> to vector<16xf32>
          tpu.vector_store %arg10[%swap3A_1701], %swap3A_1704 {add = true, strides = array<i32>} : memref<8192xf32, #tpu.memory_space<vmem>>, vector<16xf32>,
          %add3A_1705 = arith.constant 48 : i32
          %add3A_1706 = arith.addi %mul3A_1663, %add3A_1705 : i32
          %get3A_1707 = arith.index_cast %add3A_1706 : i32 to index
          %get3A_1708 = tpu.vector_load %arg7[%get3A_1707] {strides = array<i32>} : memref<51200xf32, #tpu.memory_space<vmem>>, vector<16xf32>,
          %get3A_1709 = vector.shape_cast %get3A_1708 : vector<16xf32> to vector<16xf32>
          %add3A_1710 = arith.constant 48 : i32
          %add3A_1711 = arith.addi %squeeze3A_1665, %add3A_1710 : i32
          %swap3A_1712 = arith.index_cast %add3A_1711 : i32 to index
          %swap3A_1713 = tpu.vector_load %arg10[%swap3A_1712] {strides = array<i32>} : memref<8192xf32, #tpu.memory_space<vmem>>, vector<16xf32>,
          %swap3A_1714 = vector.shape_cast %swap3A_1713 : vector<16xf32> to vector<16xf32>
          %swap3A_1715 = vector.shape_cast %get3A_1709 : vector<16xf32> to vector<16xf32>
          tpu.vector_store %arg10[%swap3A_1712], %swap3A_1715 {add = true, strides = array<i32>} : memref<8192xf32, #tpu.memory_space<vmem>>, vector<16xf32>,
          %add3A_1716 = arith.constant 64 : i32
          %add3A_1717 = arith.addi %mul3A_1663, %add3A_1716 : i32
          %get3A_1718 = arith.index_cast %add3A_1717 : i32 to index
          %get3A_1719 = tpu.vector_load %arg7[%get3A_1718] {strides = array<i32>} : memref<51200xf32, #tpu.memory_space<vmem>>, vector<16xf32>,
          %get3A_1720 = vector.shape_cast %get3A_1719 : vector<16xf32> to vector<16xf32>
          %add3A_1721 = arith.constant 64 : i32
          %add3A_1722 = arith.addi %squeeze3A_1665, %add3A_1721 : i32
          %swap3A_1723 = arith.index_cast %add3A_1722 : i32 to index
          %swap3A_1724 = tpu.vector_load %arg10[%swap3A_1723] {strides = array<i32>} : memref<8192xf32, #tpu.memory_space<vmem>>, vector<16xf32>,
          %swap3A_1725 = vector.shape_cast %swap3A_1724 : vector<16xf32> to vector<16xf32>
          %swap3A_1726 = vector.shape_cast %get3A_1720 : vector<16xf32> to vector<16xf32>
          tpu.vector_store %arg10[%swap3A_1723], %swap3A_1726 {add = true, strides = array<i32>} : memref<8192xf32, #tpu.memory_space<vmem>>, vector<16xf32>,
          %add3A_1727 = arith.constant 80 : i32
          %add3A_1728 = arith.addi %mul3A_1663, %add3A_1727 : i32
          %get3A_1729 = arith.index_cast %add3A_1728 : i32 to index
          %get3A_1730 = tpu.vector_load %arg7[%get3A_1729] {strides = array<i32>} : memref<51200xf32, #tpu.memory_space<vmem>>, vector<16xf32>,
          %get3A_1731 = vector.shape_cast %get3A_1730 : vector<16xf32> to vector<16xf32>
          %add3A_1732 = arith.constant 80 : i32
          %add3A_1733 = arith.addi %squeeze3A_1665, %add3A_1732 : i32
          %swap3A_1734 = arith.index_cast %add3A_1733 : i32 to index
          %swap3A_1735 = tpu.vector_load %arg10[%swap3A_1734] {strides = array<i32>} : memref<8192xf32, #tpu.memory_space<vmem>>, vector<16xf32>,
          %swap3A_1736 = vector.shape_cast %swap3A_1735 : vector<16xf32> to vector<16xf32>
          %swap3A_1737 = vector.shape_cast %get3A_1731 : vector<16xf32> to vector<16xf32>
          tpu.vector_store %arg10[%swap3A_1734], %swap3A_1737 {add = true, strides = array<i32>} : memref<8192xf32, #tpu.memory_space<vmem>>, vector<16xf32>,
          %add3A_1738 = arith.constant 96 : i32
          %add3A_1739 = arith.addi %mul3A_1663, %add3A_1738 : i32
          %get3A_1740 = arith.index_cast %add3A_1739 : i32 to index
          %get3A_1741 = tpu.vector_load %arg7[%get3A_1740] {strides = array<i32>} : memref<51200xf32, #tpu.memory_space<vmem>>, vector<16xf32>,
          %get3A_1742 = vector.shape_cast %get3A_1741 : vector<16xf32> to vector<16xf32>
          %add3A_1743 = arith.constant 96 : i32
          %add3A_1744 = arith.addi %squeeze3A_1665, %add3A_1743 : i32
          %swap3A_1745 = arith.index_cast %add3A_1744 : i32 to index
          %swap3A_1746 = tpu.vector_load %arg10[%swap3A_1745] {strides = array<i32>} : memref<8192xf32, #tpu.memory_space<vmem>>, vector<16xf32>,
          %swap3A_1747 = vector.shape_cast %swap3A_1746 : vector<16xf32> to vector<16xf32>
          %swap3A_1748 = vector.shape_cast %get3A_1742 : vector<16xf32> to vector<16xf32>
          tpu.vector_store %arg10[%swap3A_1745], %swap3A_1748 {add = true, strides = array<i32>} : memref<8192xf32, #tpu.memory_space<vmem>>, vector<16xf32>,
          %add3A_1749 = arith.constant 112 : i32
          %add3A_1750 = arith.addi %mul3A_1663, %add3A_1749 : i32
          %get3A_1751 = arith.index_cast %add3A_1750 : i32 to index
          %get3A_1752 = tpu.vector_load %arg7[%get3A_1751] {strides = array<i32>} : memref<51200xf32, #tpu.memory_space<vmem>>, vector<16xf32>,
          %get3A_1753 = vector.shape_cast %get3A_1752 : vector<16xf32> to vector<16xf32>
          %add3A_1754 = arith.constant 112 : i32
          %add3A_1755 = arith.addi %squeeze3A_1665, %add3A_1754 : i32
          %swap3A_1756 = arith.index_cast %add3A_1755 : i32 to index
          %swap3A_1757 = tpu.vector_load %arg10[%swap3A_1756] {strides = array<i32>} : memref<8192xf32, #tpu.memory_space<vmem>>, vector<16xf32>,
          %swap3A_1758 = vector.shape_cast %swap3A_1757 : vector<16xf32> to vector<16xf32>
          %swap3A_1759 = vector.shape_cast %get3A_1753 : vector<16xf32> to vector<16xf32>
          tpu.vector_store %arg10[%swap3A_1756], %swap3A_1759 {add = true, strides = array<i32>} : memref<8192xf32, #tpu.memory_space<vmem>>, vector<16xf32>,
          %scan3A_1760 = arith.constant 0 : i32
          scf.yield %scan3A_1760 : i32
        }
        %scan3A_115 = arith.constant 25 : i32
      } else {
      }
      %scan3A_108 = arith.constant 0 : i32
      scf.yield %scan3A_108 : i32
    }
    %scan3A_32 = arith.constant 13 : i32
    %mul3A_33 = arith.constant 64 : i32
    %mul3A_34 = arith.muli %add3A, %mul3A_33 : i32
    %mul3A_35 = arith.constant 128 : i32
    %mul3A_36 = arith.muli %mul3A_34, %mul3A_35 : i32
    "tpu.region"() ({
      %run_scoped3A = tpu.sem_alloc : memref<!tpu.dma_semaphore, #tpu.memory_space<semaphore_mem>>
      %dma_start3A_41 = tpu.memref_slice %arg4[%mul3A_36] : memref<262144xf32, #tpu.memory_space<hbm>> -> memref<8192xf32, #tpu.memory_space<hbm>>
      %dma_start3A_42 = tpu.memref_slice %arg4[%mul3A_36] : memref<262144xf32, #tpu.memory_space<hbm>> -> memref<8192xf32, #tpu.memory_space<hbm>>
      tpu.enqueue_dma source(%arg10 : memref<8192xf32, #tpu.memory_space<vmem>>) target(%dma_start3A_42 : memref<8192xf32, #tpu.memory_space<hbm>>) target_semaphore(%run_scoped3A : memref<!tpu.dma_semaphore, #tpu.memory_space<semaphore_mem>>)
      %dma_wait3A = tpu.memref_slice %arg4[%mul3A_36] : memref<262144xf32, #tpu.memory_space<hbm>> -> memref<8192xf32, #tpu.memory_space<hbm>>
      %dma_wait3A_43 = tpu.memref_slice %arg4[%mul3A_36] : memref<262144xf32, #tpu.memory_space<hbm>> -> memref<8192xf32, #tpu.memory_space<hbm>>
      tpu.wait_dma2 semaphore(%run_scoped3A : memref<!tpu.dma_semaphore, #tpu.memory_space<semaphore_mem>>) src(%arg10 : memref<8192xf32, #tpu.memory_space<vmem>>) dst(%dma_wait3A_43 : memref<8192xf32, #tpu.memory_space<hbm>>)
      tpu.yield
    }) : () -> ()
    %mul3A_37 = arith.constant 64 : i32
    %mul3A_38 = arith.muli %add3A, %mul3A_37 : i32
    %mul3A_39 = arith.constant 16 : i32
    %mul3A_40 = arith.muli %mul3A_38, %mul3A_39 : i32
    "tpu.region"() ({
      %run_scoped3A = tpu.sem_alloc : memref<!tpu.dma_semaphore, #tpu.memory_space<semaphore_mem>>
      %dma_start3A_41 = tpu.memref_slice %arg5[%mul3A_40] : memref<32768xf32, #tpu.memory_space<hbm>> -> memref<1024xf32, #tpu.memory_space<hbm>>
      %dma_start3A_42 = tpu.memref_slice %arg5[%mul3A_40] : memref<32768xf32, #tpu.memory_space<hbm>> -> memref<1024xf32, #tpu.memory_space<hbm>>
      tpu.enqueue_dma source(%arg11 : memref<1024xf32, #tpu.memory_space<vmem>>) target(%dma_start3A_42 : memref<1024xf32, #tpu.memory_space<hbm>>) target_semaphore(%run_scoped3A : memref<!tpu.dma_semaphore, #tpu.memory_space<semaphore_mem>>)
      %dma_wait3A = tpu.memref_slice %arg5[%mul3A_40] : memref<32768xf32, #tpu.memory_space<hbm>> -> memref<1024xf32, #tpu.memory_space<hbm>>
      %dma_wait3A_43 = tpu.memref_slice %arg5[%mul3A_40] : memref<32768xf32, #tpu.memory_space<hbm>> -> memref<1024xf32, #tpu.memory_space<hbm>>
      tpu.wait_dma2 semaphore(%run_scoped3A : memref<!tpu.dma_semaphore, #tpu.memory_space<semaphore_mem>>) src(%arg11 : memref<1024xf32, #tpu.memory_space<vmem>>) dst(%dma_wait3A_43 : memref<1024xf32, #tpu.memory_space<hbm>>)
      tpu.yield
    }) : () -> ()
    return
  }
}

module attributes {stable_mosaic.version = 14 : i64} {
  func.func @_combine_kernel(%arg0: memref<32x64x128xf32, #tpu.memory_space<vmem>>, %arg1: memref<32x64x16xf32, #tpu.memory_space<vmem>>, %arg2: memref<64x128xf32, #tpu.memory_space<vmem>>, %arg3: memref<64x128xf32, #tpu.memory_space<vmem>>, %arg4: memref<64x128xf32, #tpu.memory_space<vmem>>) attributes {dimension_semantics = [], scalar_prefetch = 0 : i64, scratch_operands = 0 : i64, tpu.core_type = #tpu.core_type<tc>} {
    %get3A = arith.constant 0 : index
    %get3A_0 = arith.constant 0 : index
    %get3A_1 = arith.constant 0 : index
    %get3A_2 = vector.load %arg0[%get3A, %get3A_0, %get3A_1] : memref<32x64x128xf32, #tpu.memory_space<vmem>>, vector<32x64x128xf32>
    %reduce_sum3A = arith.constant dense<0.000000e+00> : vector<64x128xf32>
    %reduce_sum3A_3 = vector.multi_reduction <add>, %get3A_2, %reduce_sum3A [0] : vector<32x64x128xf32> to vector<64x128xf32>
    %get3A_4 = arith.constant 0 : index
    %get3A_5 = arith.constant 0 : index
    %get3A_6 = vector.load %arg2[%get3A_4, %get3A_5] : memref<64x128xf32, #tpu.memory_space<vmem>>, vector<64x128xf32>
    %add3A = arith.addf %reduce_sum3A_3, %get3A_6 : vector<64x128xf32>
    %get3A_7 = arith.constant 0 : index
    %get3A_8 = arith.constant 0 : index
    %get3A_9 = arith.constant 0 : index
    %get3A_10 = vector.load %arg1[%get3A_7, %get3A_8, %get3A_9] : memref<32x64x16xf32, #tpu.memory_space<vmem>>, vector<32x64x1xf32>
    %get3A_11 = vector.shape_cast %get3A_10 : vector<32x64x1xf32> to vector<32x64xf32>
    %reduce_sum3A_12 = arith.constant dense<0.000000e+00> : vector<64xf32>
    %reduce_sum3A_13 = vector.multi_reduction <add>, %get3A_11, %reduce_sum3A_12 [0] : vector<32x64xf32> to vector<64xf32>
    %get3A_14 = arith.constant 0 : index
    %get3A_15 = arith.constant 0 : index
    %get3A_16 = vector.load %arg3[%get3A_14, %get3A_15] : memref<64x128xf32, #tpu.memory_space<vmem>>, vector<64x1xf32>
    %get3A_17 = vector.shape_cast %get3A_16 : vector<64x1xf32> to vector<64xf32>
    %add3A_18 = arith.addf %reduce_sum3A_13, %get3A_17 : vector<64xf32>
    %max3A = arith.constant 1.000000e+00 : f32
    %max3A_19 = vector.broadcast %max3A : f32 to vector<64xf32>
    %max3A_20 = arith.maximumf %add3A_18, %max3A_19 : vector<64xf32>
    %broadcast_in_dim3A = vector.shape_cast %max3A_20 : vector<64xf32> to vector<64x1xf32>
    %div3A = vector.broadcast %broadcast_in_dim3A : vector<64x1xf32> to vector<64x128xf32>
    %div3A_21 = arith.divf %add3A, %div3A : vector<64x128xf32>
    %swap3A = arith.constant 0 : index
    %swap3A_22 = arith.constant 0 : index
    %swap3A_23 = vector.load %arg4[%swap3A, %swap3A_22] : memref<64x128xf32, #tpu.memory_space<vmem>>, vector<64x128xf32>
    tpu.vector_store %arg4[%swap3A, %swap3A_22], %div3A_21 {strides = array<i32>} : memref<64x128xf32, #tpu.memory_space<vmem>>, vector<64x128xf32>,
    return
  }
}

module attributes {stable_mosaic.version = 14 : i64} {
  func.func @_tc_body(%arg0: i32, %arg1: memref<1x1x1600xi32, #tpu.memory_space<vmem>>, %arg2: memref<1600x128xf32, #tpu.memory_space<vmem>>, %arg3: memref<64x128xf32, #tpu.memory_space<vmem>>, %arg4: memref<64x128xf32, #tpu.memory_space<vmem>>) attributes {dimension_semantics = [#tpu.dimension_semantics<arbitrary>], iteration_bounds = array<i64: 192>, scalar_prefetch = 0 : i64, scratch_operands = 0 : i64, tpu.core_type = #tpu.core_type<tc>, window_params = [{transform_indices = @transform_0, window_bounds = array<i64: 1, 1, 1600>}, {transform_indices = @transform_1, window_bounds = array<i64: 1600, 128>}, {pipeline_mode = #tpu.pipeline_mode<synchronous>, transform_indices = @transform_2, window_bounds = array<i64: 64, 128>}, {pipeline_mode = #tpu.pipeline_mode<synchronous>, transform_indices = @transform_3, window_bounds = array<i64: 64, 128>}]} {
    %get3A = arith.constant 0 : index
    %get3A_0 = arith.constant 0 : index
    %get3A_1 = arith.constant 0 : index
    %get3A_2 = vector.load %arg1[%get3A, %get3A_0, %get3A_1] : memref<1x1x1600xi32, #tpu.memory_space<vmem>>, vector<1x1x1600xi32>
    %get3A_3 = vector.shape_cast %get3A_2 : vector<1x1x1600xi32> to vector<1600xi32>
    %slice3A = vector.extract_strided_slice %get3A_3 {offsets = [0], sizes = [1], strides = [1]} : vector<1600xi32> to vector<1xi32>
    %squeeze3A = vector.extract %slice3A[0] : i32 from vector<1xi32>
    %slice3A_4 = vector.extract_strided_slice %get3A_3 {offsets = [1599], sizes = [1], strides = [1]} : vector<1600xi32> to vector<1xi32>
    %squeeze3A_5 = vector.extract %slice3A_4[0] : i32 from vector<1xi32>
    %eq3A = arith.cmpi eq, %squeeze3A, %squeeze3A_5 : i32
    %eq3A_6 = arith.constant 0 : i32
    %eq3A_7 = arith.cmpi eq, %arg0, %eq3A_6 : i32
    %convert_element_type3A = arith.extui %eq3A_7 : i1 to i32
    %cond3A = arith.constant 0 : i32
    %cond3A_8 = arith.cmpi ne, %convert_element_type3A, %cond3A : i32
    scf.if %cond3A_8 {
      %broadcast_in_dim3A = arith.constant 0.000000e+00 : f32
      %broadcast_in_dim3A_16 = vector.broadcast %broadcast_in_dim3A : f32 to vector<64x128xf32>
      %swap3A = arith.constant 0 : index
      %swap3A_17 = arith.constant 0 : index
      %swap3A_18 = vector.load %arg3[%swap3A, %swap3A_17] : memref<64x128xf32, #tpu.memory_space<vmem>>, vector<64x128xf32>
      tpu.vector_store %arg3[%swap3A, %swap3A_17], %broadcast_in_dim3A_16 {strides = array<i32>} : memref<64x128xf32, #tpu.memory_space<vmem>>, vector<64x128xf32>,
      %broadcast_in_dim3A_19 = arith.constant 0.000000e+00 : f32
      %broadcast_in_dim3A_20 = vector.broadcast %broadcast_in_dim3A_19 : f32 to vector<64x128xf32>
      %swap3A_21 = arith.constant 0 : index
      %swap3A_22 = arith.constant 0 : index
      %swap3A_23 = vector.load %arg4[%swap3A_21, %swap3A_22] : memref<64x128xf32, #tpu.memory_space<vmem>>, vector<64x128xf32>
      tpu.vector_store %arg4[%swap3A_21, %swap3A_22], %broadcast_in_dim3A_20 {strides = array<i32>} : memref<64x128xf32, #tpu.memory_space<vmem>>, vector<64x128xf32>,
    } else {
    }
    %convert_element_type3A_9 = arith.extui %eq3A : i1 to i32
    %cond3A_10 = arith.constant 0 : i32
    %cond3A_11 = arith.cmpi ne, %convert_element_type3A_9, %cond3A_10 : i32
    scf.if %cond3A_11 {
      %get3A_16 = arith.constant 0 : index
      %get3A_17 = arith.constant 0 : index
      %get3A_18 = vector.load %arg2[%get3A_16, %get3A_17] : memref<1600x128xf32, #tpu.memory_space<vmem>>, vector<1600x128xf32>
      %reduce_sum3A = arith.constant dense<0.000000e+00> : vector<128xf32>
      %reduce_sum3A_19 = vector.multi_reduction <add>, %get3A_18, %reduce_sum3A [0] : vector<1600x128xf32> to vector<128xf32>
      %iota3A = tpu.iota {dimensions = array<i32: 0>} : vector<64x1xi32>
      %eq3A_20 = vector.broadcast %squeeze3A : i32 to vector<64x1xi32>
      %eq3A_21 = arith.cmpi eq, %iota3A, %eq3A_20 : vector<64x1xi32>
      %convert_element_type3A_22 = arith.extui %eq3A_21 : vector<64x1xi1> to vector<64x1xi32>
      %convert_element_type3A_23 = arith.sitofp %convert_element_type3A_22 : vector<64x1xi32> to vector<64x1xf32>
      %get3A_24 = arith.constant 0 : index
      %get3A_25 = arith.constant 0 : index
      %get3A_26 = vector.load %arg3[%get3A_24, %get3A_25] : memref<64x128xf32, #tpu.memory_space<vmem>>, vector<64x128xf32>
      %broadcast_in_dim3A = vector.shape_cast %reduce_sum3A_19 : vector<128xf32> to vector<1x128xf32>
      %mul3A = vector.broadcast %convert_element_type3A_23 : vector<64x1xf32> to vector<64x128xf32>
      %mul3A_27 = vector.broadcast %broadcast_in_dim3A : vector<1x128xf32> to vector<64x128xf32>
      %mul3A_28 = arith.mulf %mul3A, %mul3A_27 : vector<64x128xf32>
      %add3A = arith.addf %get3A_26, %mul3A_28 : vector<64x128xf32>
      %swap3A = arith.constant 0 : index
      %swap3A_29 = arith.constant 0 : index
      %swap3A_30 = vector.load %arg3[%swap3A, %swap3A_29] : memref<64x128xf32, #tpu.memory_space<vmem>>, vector<64x128xf32>
      tpu.vector_store %arg3[%swap3A, %swap3A_29], %add3A {strides = array<i32>} : memref<64x128xf32, #tpu.memory_space<vmem>>, vector<64x128xf32>,
      %get3A_31 = arith.constant 0 : index
      %get3A_32 = arith.constant 0 : index
      %get3A_33 = vector.load %arg4[%get3A_31, %get3A_32] : memref<64x128xf32, #tpu.memory_space<vmem>>, vector<64x128xf32>
      %mul3A_34 = arith.constant 1.600000e+03 : f32
      %mul3A_35 = vector.broadcast %mul3A_34 : f32 to vector<64x1xf32>
      %mul3A_36 = arith.mulf %convert_element_type3A_23, %mul3A_35 : vector<64x1xf32>
      %add3A_37 = vector.broadcast %mul3A_36 : vector<64x1xf32> to vector<64x128xf32>
      %add3A_38 = arith.addf %get3A_33, %add3A_37 : vector<64x128xf32>
      %swap3A_39 = arith.constant 0 : index
      %swap3A_40 = arith.constant 0 : index
      %swap3A_41 = vector.load %arg4[%swap3A_39, %swap3A_40] : memref<64x128xf32, #tpu.memory_space<vmem>>, vector<64x128xf32>
      tpu.vector_store %arg4[%swap3A_39, %swap3A_40], %add3A_38 {strides = array<i32>} : memref<64x128xf32, #tpu.memory_space<vmem>>, vector<64x128xf32>,
    } else {
    }
    %not3A = arith.constant true
    %not3A_12 = arith.xori %eq3A, %not3A : i1
    %convert_element_type3A_13 = arith.extui %not3A_12 : i1 to i32
    %cond3A_14 = arith.constant 0 : i32
    %cond3A_15 = arith.cmpi ne, %convert_element_type3A_13, %cond3A_14 : i32
    scf.if %cond3A_15 {
      %iota3A = tpu.iota {dimensions = array<i32: 0>} : vector<64x1600xi32>
      %broadcast_in_dim3A = vector.shape_cast %get3A_3 : vector<1600xi32> to vector<1x1600xi32>
      %eq3A_16 = vector.broadcast %broadcast_in_dim3A : vector<1x1600xi32> to vector<64x1600xi32>
      %eq3A_17 = arith.cmpi eq, %eq3A_16, %iota3A : vector<64x1600xi32>
      %convert_element_type3A_18 = arith.extui %eq3A_17 : vector<64x1600xi1> to vector<64x1600xi32>
      %convert_element_type3A_19 = arith.sitofp %convert_element_type3A_18 : vector<64x1600xi32> to vector<64x1600xf32>
      %get3A_20 = arith.constant 0 : index
      %get3A_21 = arith.constant 0 : index
      %get3A_22 = vector.load %arg3[%get3A_20, %get3A_21] : memref<64x128xf32, #tpu.memory_space<vmem>>, vector<64x128xf32>
      %get3A_23 = arith.constant 0 : index
      %get3A_24 = arith.constant 0 : index
      %get3A_25 = vector.load %arg2[%get3A_23, %get3A_24] : memref<1600x128xf32, #tpu.memory_space<vmem>>, vector<1600x128xf32>
      %dot_general3A = arith.constant dense<0.000000e+00> : vector<64x128xf32>
      %dot_general3A_26 = tpu.matmul %convert_element_type3A_19, %get3A_25, %dot_general3A {dimension_numbers = #tpu.dot_dimension_numbers<[1], [0], [0], [1], [0, 0, 1, 1], [], []>, transpose_lhs_hint = false} : vector<64x1600xf32>, vector<1600x128xf32>, vector<64x128xf32> -> vector<64x128xf32>
      %add3A = arith.addf %get3A_22, %dot_general3A_26 : vector<64x128xf32>
      %swap3A = arith.constant 0 : index
      %swap3A_27 = arith.constant 0 : index
      %swap3A_28 = vector.load %arg3[%swap3A, %swap3A_27] : memref<64x128xf32, #tpu.memory_space<vmem>>, vector<64x128xf32>
      tpu.vector_store %arg3[%swap3A, %swap3A_27], %add3A {strides = array<i32>} : memref<64x128xf32, #tpu.memory_space<vmem>>, vector<64x128xf32>,
      %get3A_29 = arith.constant 0 : index
      %get3A_30 = arith.constant 0 : index
      %get3A_31 = vector.load %arg4[%get3A_29, %get3A_30] : memref<64x128xf32, #tpu.memory_space<vmem>>, vector<64x128xf32>
      %reduce_sum3A = arith.constant dense<0.000000e+00> : vector<64xf32>
      %reduce_sum3A_32 = vector.multi_reduction <add>, %convert_element_type3A_19, %reduce_sum3A [1] : vector<64x1600xf32> to vector<64xf32>
      %broadcast_in_dim3A_33 = vector.shape_cast %reduce_sum3A_32 : vector<64xf32> to vector<64x1xf32>
      %broadcast_in_dim3A_34 = vector.shape_cast %broadcast_in_dim3A_33 : vector<64x1xf32> to vector<64x1xf32>
      %broadcast_in_dim3A_35 = vector.broadcast %broadcast_in_dim3A_34 : vector<64x1xf32> to vector<64x128xf32>
      %add3A_36 = arith.addf %get3A_31, %broadcast_in_dim3A_35 : vector<64x128xf32>
      %swap3A_37 = arith.constant 0 : index
      %swap3A_38 = arith.constant 0 : index
      %swap3A_39 = vector.load %arg4[%swap3A_37, %swap3A_38] : memref<64x128xf32, #tpu.memory_space<vmem>>, vector<64x128xf32>
      tpu.vector_store %arg4[%swap3A_37, %swap3A_38], %add3A_36 {strides = array<i32>} : memref<64x128xf32, #tpu.memory_space<vmem>>, vector<64x128xf32>,
    } else {
    }
    return
  }
  func.func @transform_0(%arg0: i32) -> (i32, i32, i32) {
    %add3A = arith.constant 208 : i32
    %add3A_0 = arith.addi %arg0, %add3A : i32
    %c0_i32 = arith.constant 0 : i32
    %c0_i32_1 = arith.constant 0 : i32
    %c0_i32_2 = arith.constant 0 : i32
    return %add3A_0, %c0_i32, %c0_i32_1 : i32, i32, i32
  }
  func.func @transform_1(%arg0: i32) -> (i32, i32) {
    %add3A = arith.constant 208 : i32
    %add3A_0 = arith.addi %arg0, %add3A : i32
    %c0_i32 = arith.constant 0 : i32
    %c0_i32_1 = arith.constant 0 : i32
    return %add3A_0, %c0_i32 : i32, i32
  }
  func.func @transform_2(%arg0: i32) -> (i32, i32) {
    %c0_i32 = arith.constant 0 : i32
    %c0_i32_0 = arith.constant 0 : i32
    %c0_i32_1 = arith.constant 0 : i32
    return %c0_i32, %c0_i32_0 : i32, i32
  }
  func.func @transform_3(%arg0: i32) -> (i32, i32) {
    %c0_i32 = arith.constant 0 : i32
    %c0_i32_0 = arith.constant 0 : i32
    %c0_i32_1 = arith.constant 0 : i32
    return %c0_i32, %c0_i32_0 : i32, i32
  }
}

</mosaic_0001>

<sc_bundles>
// kernel: kernel.5.cloned.1.call-start
scs
__scs_entry_jumppad:
0x0: {  	(pc) =	sbr.rel $0x88, $3  }
0x1: {  	(tag) =	ssettag $0x0;
	lr =	simm.s32 $0x1  }
0x2: {  	[smem:$0x3F9F] =	sst lr;
	_ =	strace $0xD0000000  }
0x3: {  	_ = 	snop  }
0x4: {  	_ = 	snop  }
0x5: {  	_ = 	snop  }
0x6: {  	_ = 	snop  }
0x7: {  	_ = 	snop  }
__scs_overlays_trampoline_lowered:
0x8: {  	[smem:$0x3FAE] =	sst s0  }
0x9: {  	[smem:$0x3FAF] =	sst s1  }
0xa: {  	[smem:$0x3FB0] =	sst s2  }
0xb: {  	[smem:$0x3FB1] =	sst s3  }
0xc: {  	[smem:$0x3FB2] =	sst s4  }
0xd: {  	[smem:$0x3FB3] =	sst s5  }
0xe: {  	[smem:$0x3FB4] =	sst s6  }
0xf: {  	[smem:$0x3FB5] =	sst s7  }
0x10: {  	[smem:$0x3FB6] =	sst s8  }
0x11: {  	[smem:$0x3FB7] =	sst s9;
	s0 =	simm.s32 @!p0 $0x0  }
0x12: {  	s1 =	sld [smem:$0x3F9D];
	s0 =	simm.s32 @p0 $0x1  }
0x13: {  	[smem:$0x3FB8] =	sst s0;
	s0 =	simm.s32 @!p1 $0x0  }
0x14: {  	s2 =	sld [smem:$0x3F9C];
	s0 =	simm.s32 @p1 $0x1  }
0x15: {  	[smem:$0x3FB9] =	sst s0;
	s0 =	simm.s32 @!p2 $0x0  }
0x16: {  	s3 =	sld [smem:$0x3FDB];
	s0 =	simm.s32 @p2 $0x1  }
0x17: {  	s4 =	simm.s32 $0x1BF5;
	[smem:$0x3FBB] =	sst s0  }
0x18: {  	s0 =	sld [smem:$0x3F9E];
	_ =	swait.ge [sflag:s4], $0x0  }
0x19: {  	s7 =	sld [smem:$0x3F9F]  }
0x1a: {  	s8 =	sadd.s32 $0xFFFFE003, lr  }
0x1b: {  	s9 =	sadd.s32 $0xFFFFFEF7, lr;
	s5 =	simm.s32 $0xFFFFFFFF;
	p2 =	slt.u32 s8, $0xFFFFF086  }
0x1c: {  	p1 =	slt.u32 s9, $0xF7A;
	s5 =	simm.s32 @!p2 $0x0  }
0x1d: {  	s5 =	simm.s32 @p1 $0x1;
	p0 =	seq.s32 s7, s2  }
0x1e: {  	s7 =	smul.u32 @!p0 $0xF7A, s2;
	p2 =	seq.s32 @!p0 s5, $0x0  }
0x1f: {  	s9 =	smul.u32 $0xF7A, s1;
	s8 =	simm.s32 @!p0 $0x1BF5;
	p2 =	por !p2, p0  }
0x20: {  	[sflag:s8] =	ssyncset.s32 @!p0 $0xFFFFF086;
	s6 =	sadd.s32 @!p0 s3, s7;
	s7 =	simm.s32 @!p0 $0x108  }
0x21: {  	s3 =	sadd.s32 s3, s9;
	s6 =	sadd.s32 @!p0 $0x88, s6;
	s7 =	simm.s32 @p2 $0x1082  }
0x22: {  	[simem:s7], [sflag:s8] =	dma.local @!p0 [hbm:s6], $0xF7A  }
0x23: {  	s9 =	sor.u32 $0xD0000000, s2;
	s6 =	simm.s32 $0x108;
	_ =	swait.ge @!p0 [sflag:s8], $0x0  }
0x24: {  	s3 =	sadd.s32 $0x88, s3;
	s6 =	simm.s32 @!p1 $0x1082;
	[sflag:s4] =	ssyncset.s32 $0xFFFFF086  }
0x25: {  	[simem:s6], [sflag:s4] =	dma.local [hbm:s3], $0xF7A  }
0x26: {  	[smem:$0x3F9F] =	sst s1;
	(tag) =	ssettag s2;
	_ =	strace s9  }
0x27: {  	s1 =	sld [smem:$0x3FAF]  }
0x28: {  	s2 =	sld [smem:$0x3FB0]  }
0x29: {  	s4 =	sld [smem:$0x3FB2]  }
0x2a: {  	p0 =	seq.s32 s5, $0x0;
	s5 =	sld [smem:$0x3FB3]  }
0x2b: {  	s6 =	sld [smem:$0x3FB4]  }
0x2c: {  	s7 =	sld [smem:$0x3FB5]  }
0x2d: {  	s3 =	simm.s32 $0x108;
	s8 =	sld [smem:$0x3FB6]  }
0x2e: {  	s3 =	simm.s32 @!p0 $0x1082;
	s9 =	sld [smem:$0x3FB7]  }
0x2f: {  	lr =	sadd.s32 s0, s3;
	s0 =	sld [smem:$0x3FAE]  }
0x30: {  	s3 =	sld [smem:$0x3FB1]  }
0x31: {  	[smem:$0x3FBA] =	sst s10  }
0x32: {  	s10 =	sld [smem:$0x3FB8];
	_ =	sdelay $0x3  }
0x33: {  	p0 =	seq.s32 s10, $0x1;
	s10 =	sld [smem:$0x3FBA];
	_ =	sdelay $0x3  }
0x34: {  	[smem:$0x3FBA] =	sst s10  }
0x35: {  	s10 =	sld [smem:$0x3FB9];
	_ =	sdelay $0x3  }
0x36: {  	p1 =	seq.s32 s10, $0x1;
	s10 =	sld [smem:$0x3FBA];
	_ =	sdelay $0x3  }
0x37: {  	[smem:$0x3FBA] =	sst s10  }
0x38: {  	s10 =	sld [smem:$0x3FBB]  }
0x39: {  	_ = 	snop;
	(pc) =	sbr.ind lr, $3  }
0x3a: {  	_ = 	snop  }
0x3b: {  	_ = 	snop  }
0x3c: {  	p2 =	seq.s32 s10, $0x1;
	s10 =	sld [smem:$0x3FBA]  }
0x3d: {  	_ =	shalt  }
0x3e: {  	_ =	shalt  }
0x3f: {  	_ =	shalt  }
0x40: {  	_ =	shalt  }
0x41: {  	_ =	shalt  }
0x42: {  	_ =	shalt  }
0x43: {  	_ =	shalt  }
0x44: {  	_ =	shalt  }
0x45: {  	_ =	shalt  }
0x46: {  	_ =	shalt  }
0x47: {  	_ =	shalt  }
0x48: {  	_ =	shalt  }
0x49: {  	_ =	shalt  }
0x4a: {  	_ =	shalt  }
0x4b: {  	_ =	shalt  }
0x4c: {  	_ =	shalt  }
0x4d: {  	_ =	shalt  }
0x4e: {  	_ =	shalt  }
0x4f: {  	_ =	shalt  }
0x50: {  	_ =	shalt  }
0x51: {  	_ =	shalt  }
0x52: {  	_ =	shalt  }
0x53: {  	_ =	shalt  }
0x54: {  	_ =	shalt  }
0x55: {  	_ =	shalt  }
0x56: {  	_ =	shalt  }
0x57: {  	_ =	shalt  }
0x58: {  	_ =	shalt  }
0x59: {  	_ =	shalt  }
0x5a: {  	_ =	shalt  }
0x5b: {  	_ =	shalt  }
0x5c: {  	_ =	shalt  }
0x5d: {  	_ =	shalt  }
0x5e: {  	_ =	shalt  }
0x5f: {  	_ =	shalt  }
0x60: {  	_ =	shalt  }
0x61: {  	_ =	shalt  }
0x62: {  	_ =	shalt  }
0x63: {  	_ =	shalt  }
0x64: {  	_ =	shalt  }
0x65: {  	_ =	shalt  }
0x66: {  	_ =	shalt  }
0x67: {  	_ =	shalt  }
0x68: {  	_ =	shalt  }
0x69: {  	_ =	shalt  }
0x6a: {  	_ =	shalt  }
0x6b: {  	_ =	shalt  }
0x6c: {  	_ =	shalt  }
0x6d: {  	_ =	shalt  }
0x6e: {  	_ =	shalt  }
0x6f: {  	_ =	shalt  }
0x70: {  	_ =	shalt  }
0x71: {  	_ =	shalt  }
0x72: {  	_ =	shalt  }
0x73: {  	_ =	shalt  }
0x74: {  	_ =	shalt  }
0x75: {  	_ =	shalt  }
0x76: {  	_ =	shalt  }
0x77: {  	_ =	shalt  }
0x78: {  	_ =	shalt  }
0x79: {  	_ =	shalt  }
0x7a: {  	_ =	shalt  }
0x7b: {  	_ =	shalt  }
0x7c: {  	_ =	shalt  }
0x7d: {  	_ =	shalt  }
0x7e: {  	_ =	shalt  }
0x7f: {  	_ =	shalt  }
0x80: {  	_ =	shalt  }
0x81: {  	_ =	shalt  }
0x82: {  	_ =	shalt  }
0x83: {  	_ =	shalt  }
0x84: {  	_ =	shalt  }
0x85: {  	_ =	shalt  }
0x86: {  	_ =	shalt  }
0x87: {  	_ =	shalt  }
.Lfunc_end0:
.L_simem_size_0:
called_computation_lowered:
.L_overlay_start_0:
0x88: {  	s2 =	sld [smem:$0x3FD9]  }
0x89: {  	s3 =	sld [smem:$0x3FFE];
	_ =	sdelay $0x1  }
0x8a: {  	s1 =	srdreg.scid  }
0x8b: {  	s0 =	sand.u32 $0x1, s1  }
0x8c: {  	s17 =	sshll.u32 s0, $0xA;
	s2 =	sadd.s32 s3, s2  }
0x8d: {  	s2 =	sadd.s32 s2, s17  }
0x8e: {  	[smem:$0x3FC6] =	sst s2  }
0x8f: {  	_ = 	snop  }
0x90: {  	s2 =	sld [smem:$0x3FC9]  }
0x91: {  	s18 =	sld [smem:$0x3FC8];
	(tm) =	ssettm $0x1  }
0x92: {  	s4 =	sld [smem:$0x3FFB];
	_ =	sdelay $0x3  }
0x93: {  	_ =	strace s4  }
0x94: {  	s4 =	sld [smem:$0x3FFC];
	_ =	sdelay $0x3  }
0x95: {  	_ =	strace s4  }
0x96: {  	s4 =	sld [smem:$0x3FFD];
	_ =	sdelay $0x3  }
0x97: {  	_ =	strace s4  }
0x98: {  	_ =	strace $0x8FFFFFFF  }
0x99: {  	s19 =	sld [smem:$0x3FDB];
	_ =	sdelay $0x1  }
0x9a: {  	s5 =	simm.s32 $_scs_section_size  }
0x9b: {  	s6 =	simm.s32 $_size__tile_overlayer_lowered;
	s7 =	simm.s32 $_tile_overlayer_lowered  }
0x9c: {  	s22 =	simm.s32 $0x1BFF;
	s21 =	sshll.u32 s7, $0x1;
	s4 =	sadd.s32 s5, s19  }
0x9d: {  	s8 =	simm.s32 $0x0;
	s20 =	sshll.u32 s6, $0x1;
	s6 =	sadd.s32 s21, s4  }
0x9e: {  	[timem:s8], [sflag:s22] =	dma.local [hbm:s6], s20  }
0x9f: {  	_ =	swait.ge [sflag:s22], s20  }
0xa0: {  	s5 =	ssub.s32 $0x0, s20;
	[sflag:s22] =	ssyncset.done $0x0  }
0xa1: {  	[sflag:s22] =	ssyncadd.s32 s5;
	_ =	sdelay $0x1  }
0xa2: {  	s23 =	simm.s32 $0x1B8B  }
0xa3: {  	_ =	swait.ge [sflag:s23], $0x1  }
0xa4: {  	[sflag:s23] =	ssyncset.done $0x0  }
0xa5: {  	s25 =	simm.s32 $0x1B8E;
	s24 =	sld [smem:$0x3FFE];
	[sflag:s23] =	ssyncadd.s32 $0xFFFFFFFF  }
0xa6: {  	s26 =	simm.s32 $execute0_lowered;
	[smem:$0x3FD2] =	sst s25  }
0xa7: {  	s6 =	sshll.u32 s26, $0x1;
	_ =	strace $0x80000046;
	[dreg:$0x1] =	wrdreg $0xFFFFFFFF  }
0xa8: {  	s28 =	simm.s32 $_size_execute0_lowered;
	s4 =	sadd.s32 s4, s6;
	[dreg:$0x0] =	wrdreg $0x0  }
0xa9: {  	s6 =	sshll.u32 s28, $0x1;
	[dreg:$0x2] =	wrdreg s4  }
0xaa: {  	[dreg:$0x3] =	wrdreg s6  }
0xab: {  	[dreg:$0x4] =	wrdreg $0xC0  }
0xac: {  	_ =	task [dreg:s8], $0x5FFFF  }
0xad: {  	[dreg:$0x1] =	wrdreg $0xFFFFFFFF  }
0xae: {  	[dreg:$0x0] =	wrdreg $0x60  }
0xaf: {  	[dreg:$0x2] =	wrdreg s2  }
0xb0: {  	[dreg:$0x3] =	wrdreg s18  }
0xb1: {  	[dreg:$0x4] =	wrdreg s24  }
0xb2: {  	[dreg:$0x5] =	wrdreg $0x9  }
0xb3: {  	_ =	task.clear_ibuf [dreg:s8], $0x6FFFF;
	_ =	strace $0x90000046  }
0xb4: {  	s29 =	simm.s32 $0x9;
	_ =	strace $0x80000048  }
0xb5: {  	_ =	swait.ge [sflag:s29], $0x1  }
0xb6: {  	[sflag:s29] =	ssyncadd.s32 $0xFFFFFFFF  }
0xb7: {  	_ =	strace $0x90000048  }
0xb8: {  	_ =	sfence  }
0xb9: {  	s30 =	sld [smem:$0x0];
	_ =	sdelay $0x2  }
0xba: {  	s31 =	sshll.u32 s1, $0xD;
	s1 =	sshrl.u32 s1, $0x2  }
0xbb: {  	s3 =	sand.u32 $0x4000, s31;
	s1 =	sadd.s32 s1, s30  }
0xbc: {  	s0 =	sor.u32 s3, s0;
	s1 =	sshll.u32 s1, $0x11  }
0xbd: {  	s0 =	sor.u32 s1, s0  }
0xbe: {  	s0 =	sadd.s32 $0x8F2B, s0  }
0xbf: {  	[sflag:s0] =	ssyncadd.remote.s32 $0x1  }
0xc0: {  	_ =	sfence.sel $0xFFFF  }
0xc1: {  	[dreg:$0x0] =	wrdreg $0xFFFFFFFF;
	(pc) =	sbr.abs _section_cstart, $3  }
0xc2: {  	[dreg:$0x1] =	wrdreg $0xFFFFFFFF  }
0xc3: {  	_ =	task.clear_ibuf [dreg:s8], $0x2FFFF;
	_ =	strace $0x9FFFFFFF  }
0xc4: {  	(tm) =	ssettm $0x7FFFFFFF  }
0xc5: {  	_ =	shalt  }
tec
execute0_lowered:
.L_overlay_start_1:
0x0: {  	(tag) =	ssettag $0x1  }
0x1: {  	s1 =	rddreg [dreg:$0x0]  }
0x2: {  	s3 =	rddreg [dreg:$0x1]  }
0x3: {  	s5 =	rddreg [dreg:$0x2]  }
0x4: {  	s0 =	rddreg [dreg:$0x3]  }
0x5: {  	s6 =	srdreg.scid;
	s2 =	stileid.u32  }
0x6: {  	s4 =	simm.s32 $0x0;
	s13 =	simm.s32 $0xC800;
	s14 =	simm.s32 $0x19200  }
0x7: {  	s15 =	simm.s32 $0x1;
	s16 =	simm.s32 $0x2;
	s17 =	simm.s32 $0x19400  }
0x8: {  	s18 =	simm.s32 $0x3;
	s6 =	sand.u32 $0x1, s6;
	s7 =	sshll.u32 s2, $0x1  }
0x9: {  	s19 =	simm.s32 $0x1B400;
	s20 =	simm.s32 $0x0;
	s7 =	sor.u32 s6, s7  }
0xa: {  	[smem:$0x7FF] =	sst s4;
	s6 =	ssub.s32 $0x2, s6;
	s9 =	smul.u32 $0x28A0, s7  }
0xb: {  	s8 =	sshll.u32 s7, $0xA;
	s10 =	sshll.u32 s7, $0x7;
	s7 =	smul.u32 $0x28A00, s7  }
.Ltmp0:
0xc: {  	_ =	strace $0x80000047;
	s30 =	sshrl.u32 s6, $0x1;
	(pc) =	sbr.rel .LBB2_1-.Ltmp0, $4  }
0xd: {  	s11 =	sadd.s32 s8, s5;
	s10 =	sadd.s32 s10, s5;
	s12 =	ssub.s32 s6, s30  }
0xe: {  	s5 =	sadd.s32 s1, s7;
	s31 =	sshrl.u32 s9, $0x3;
	s7 =	sadd.s32 $0x190, s9  }
0xf: {  	s8 =	sadd.s32 $0x320, s9;
	s9 =	sadd.s32 $0x1E00, s11;
	s10 =	sadd.s32 $0xE00, s10  }
0x10: {  	v0 =	vimm.f32 $0.0e+00;
	v1 =	vimm.f32 $4.000000000e+02;
	v2 =	vimm.f32 $1.000000000e+00;
	s11 =	smax.u32 s12, $0x1;
	s12 =	simm.s32 $0x19000;
	s6 =	sadd.s32 s3, s31  }
.LBB2_17:
0x11: {  	[hbm4b:s9+s4] =	stream.linear.scatter [tilespmem:s17], [sflag:$0x3], $0x2000, $0x38;
	[tilespmem:$0x1B800] =	vst v63  }
0x12: {  	s20 =	sadd.s32 $0x1, s20;
	_ =	swait.ge [sflag:s18], $0x2000  }
0x13: {  	p0 =	sne.s32 s20, s11;
	[sflag:s18] =	ssyncset.done $0x0  }
.Ltmp1:
0x14: {  	[sflag:s18] =	ssyncadd.s32 $0xFFFFE000;
	(pc) =	sbr.rel @!p0 .LBB2_18-.Ltmp1, $4  }
0x15: {  	[hbm4b:s10+s4] =	stream.linear.scatter [tilespmem:s19], [sflag:$0x3], $0x400, $0x38;
	[tilespmem:$0x1B800] =	vst v63  }
0x16: {  	_ =	swait.ge [sflag:s18], $0x400  }
0x17: {  	[sflag:s18] =	ssyncset.done $0x0  }
0x18: {  	[sflag:s18] =	ssyncadd.s32 $0xFFFFFC00  }
.LBB2_1:
0x19: {  	s21 =	simm.s32 $0x0  }
.LBB2_2:
0x1a: {  	p0 =	sne.s32 s21, $0x7FC0  }
.Ltmp2:
0x1b: {  	_ = 	snop;
	(pc) =	sbr.rel @p0 .LBB2_2-.Ltmp2, $3  }
0x1c: {  	_ =	sdelay $0x1  }
0x1d: {  	s22 =	sshra.s32 s21, $0x2  }
0x1e: {  	s21 =	sadd.s32 $0x40, s21;
	[tilespmem:s22+$0x19400] =	vst v0  }
0x1f: {  	s21 =	simm.s32 $0x40;
	s22 =	simm.s32 $0x0  }
.LBB2_4:
0x20: {  	p0 =	sne.s32 s21, $0xFC0;
	[tilespmem:s22+$0x1B400] =	vst v0;
	s22 =	smov.u32 s21;
	s21 =	sadd.s32 $0x40, s21  }
.Ltmp3:
0x21: {  	(pc) =	sbr.rel @p0 .LBB2_4-.Ltmp3, $2  }
0x22: {  	_ =	sdelay $0x2  }
0x23: {  	s22 =	sshra.s32 s22, $0x2  }
.Ltmp4:
0x24: {  	(pc) =	sbr.rel .LBB2_6-.Ltmp4, $4  }
0x25: {  	[tilespmem:s22+$0x1B400] =	vst v0;
	s21 =	simm.s32 $0x0  }
0x26: {  	[tilespmem:s21], [sflag:$0x1] =	stream.linear.gather [hbm4b:s5+s21], $0xC800, $0x38;
	[tilespmem:$0x1B800] =	vst v63  }
0x27: {  	s22 =	simm.s32 $0x0  }
0x28: {  	[tilespmem:s12], [sflag:$0x1] =	stream.linear.gather [hbm4b:s6+s21], $0x190, $0x38;
	[tilespmem:$0x1B800] =	vst v63  }
.LBB2_16:
0x29: {  	s22 =	sadd.s32 $0x1, s22  }
0x2a: {  	p0 =	sne.s32 s22, $0xD  }
.Ltmp5:
0x2b: {  	_ = 	snop;
	(pc) =	sbr.rel @!p0 .LBB2_17-.Ltmp5, $1  }
0x2c: {  	_ =	sdelay $0x3  }
.LBB2_6:
0x2d: {  	s23 =	smul.u32 $0x320, s22;
	_ =	sdelay $0x1  }
0x2e: {  	s24 =	sadd.s32 s23, s7  }
0x2f: {  	s25 =	sshll.u32 s24, $0x4  }
0x30: {  	s25 =	sand.u32 $0x1FFFFF00, s25  }
0x31: {  	s24 =	sshrl.u32 s24, $0x3;
	s25 =	sadd.s32 s1, s25  }
0x32: {  	[tilespmem:s13], [sflag:$0x2] =	stream.linear.gather [hbm4b:s25+s21], $0xC800, $0x38;
	[tilespmem:$0x1B800] =	vst v63  }
0x33: {  	s24 =	sadd.s32 s3, s24  }
0x34: {  	[tilespmem:s14], [sflag:$0x2] =	stream.linear.gather [hbm4b:s24+s21], $0x190, $0x38;
	[tilespmem:$0x1B800] =	vst v63  }
0x35: {  	_ =	swait.ge [sflag:s15], $0xC800  }
0x36: {  	[sflag:s15] =	ssyncset.done $0x0  }
0x37: {  	[sflag:s15] =	ssyncadd.s32 $0xFFFF3800  }
0x38: {  	_ =	swait.ge [sflag:s15], $0x190  }
0x39: {  	[sflag:s15] =	ssyncset.done $0x0  }
0x3a: {  	[sflag:s15] =	ssyncadd.s32 $0xFFFFFE70  }
0x3b: {  	v3 =	vld [tilespmem:$0x19000]  }
0x3c: {  	v4 =	vld [tilespmem:$0x19180];
	_ =	sdelay $0x3  }
0x3d: {  	(v2sf) =	vpush v3, $0x0  }
0x3e: {  	(v2sf) =	vpush v4, $0xF;
	_ =	sdelay $0xd  }
0x3f: {  	s25 =	spop (v2sf)  }
0x40: {  	s31 =	spop (v2sf)  }
0x41: {  	p0 =	sne.s32 s25, s31  }
.Ltmp6:
0x42: {  	_ = 	snop;
	(pc) =	sbr.rel @p0 .LBB2_10-.Ltmp6, $2  }
0x43: {  	_ =	sdelay $0x2  }
0x44: {  	v9 =	vimm.f32 $0.0e+00;
	s26 =	simm.s32 $0x0;
	s24 =	simm.s32 $0x400  }
0x45: {  	s24 =	sshra.s32 s21, $0x2  }
0x46: {  	v10 =	vld [tilespmem:s24+$0x380]  }
0x47: {  	v11 =	vld [tilespmem:s24+$0x390]  }
0x48: {  	v12 =	vld [tilespmem:s24+$0x3A0]  }
0x49: {  	v13 =	vld [tilespmem:s24+$0x3B0]  }
0x4a: {  	v3 =	vld [tilespmem:s24+$0x3C0]  }
0x4b: {  	v4 =	vld [tilespmem:s24+$0x3D0]  }
0x4c: {  	v17 =	vld [tilespmem:s24+$0x300]  }
0x4d: {  	v19 =	vld [tilespmem:s24+$0x310]  }
0x4e: {  	v16 =	vld [tilespmem:s24+$0x320]  }
0x4f: {  	v18 =	vld [tilespmem:s24+$0x330]  }
0x50: {  	v6 =	vld [tilespmem:s24+$0x340]  }
0x51: {  	v5 =	vld [tilespmem:s24+$0x350]  }
0x52: {  	v20 =	vld [tilespmem:s24+$0x280]  }
0x53: {  	v21 =	vld [tilespmem:s24+$0x290]  }
0x54: {  	v22 =	vld [tilespmem:s24+$0x2A0]  }
0x55: {  	v27 =	vld [tilespmem:s24+$0x2B0]  }
0x56: {  	v8 =	vld [tilespmem:s24+$0x2C0]  }
0x57: {  	v7 =	vld [tilespmem:s24+$0x2D0]  }
0x58: {  	v24 =	vld [tilespmem:s24+$0x200]  }
0x59: {  	v25 =	vld [tilespmem:s24+$0x210]  }
0x5a: {  	v26 =	vld [tilespmem:s24+$0x220]  }
0x5b: {  	v33 =	vld [tilespmem:s24+$0x230]  }
0x5c: {  	v14 =	vld [tilespmem:s24+$0x240]  }
0x5d: {  	v30 =	vld [tilespmem:s24+$0x180]  }
0x5e: {  	v31 =	vld [tilespmem:s24+$0x190]  }
0x5f: {  	v28 =	vld [tilespmem:s24+$0x100]  }
0x60: {  	v29 =	vld [tilespmem:s24+$0x110]  }
0x61: {  	v15 =	vld [tilespmem:s24+$0x80]  }
0x62: {  	v23 =	vld [tilespmem:s24+$0x90]  }
0x63: {  	v32 =	vld [tilespmem:s24+$0x0]  }
0x64: {  	v34 =	vld [tilespmem:s24+$0x10]  }
0x65: {  	v35 =	vld [tilespmem:s24+$0x20]  }
0x66: {  	v36 =	vld [tilespmem:s24+$0x30]  }
0x67: {  	v37 =	vld [tilespmem:s24+$0xA0]  }
0x68: {  	v38 =	vld [tilespmem:s24+$0xB0]  }
0x69: {  	v39 =	vld [tilespmem:s24+$0x120]  }
0x6a: {  	v40 =	vld [tilespmem:s24+$0x130];
	v32 =	vadd.f32 v32, v9;
	v34 =	vadd.f32 v34, v9  }
0x6b: {  	v41 =	vld [tilespmem:s24+$0x1A0];
	v35 =	vadd.f32 v35, v9;
	v36 =	vadd.f32 v36, v9  }
0x6c: {  	v42 =	vld [tilespmem:s24+$0x1B0];
	v32 =	vadd.f32 v15, v32;
	v34 =	vadd.f32 v23, v34  }
0x6d: {  	v15 =	vld [tilespmem:s24+$0x250];
	v35 =	vadd.f32 v37, v35;
	v36 =	vadd.f32 v38, v36  }
0x6e: {  	v23 =	vld [tilespmem:s24+$0x1C0];
	v32 =	vadd.f32 v28, v32;
	v34 =	vadd.f32 v29, v34  }
0x6f: {  	v28 =	vld [tilespmem:s24+$0x1D0];
	v35 =	vadd.f32 v39, v35;
	v36 =	vadd.f32 v40, v36  }
0x70: {  	v29 =	vld [tilespmem:s24+$0x140];
	v32 =	vadd.f32 v30, v32;
	v34 =	vadd.f32 v31, v34  }
0x71: {  	v30 =	vld [tilespmem:s24+$0x150];
	v35 =	vadd.f32 v41, v35;
	v36 =	vadd.f32 v42, v36  }
0x72: {  	v31 =	vld [tilespmem:s24+$0xC0];
	v24 =	vadd.f32 v24, v32;
	v25 =	vadd.f32 v25, v34  }
0x73: {  	v32 =	vld [tilespmem:s24+$0xD0];
	v26 =	vadd.f32 v26, v35;
	v63 =	vadd.f32 v33, v36  }
0x74: {  	v33 =	vld [tilespmem:s24+$0x40];
	v24 =	vadd.f32 v20, v24;
	v25 =	vadd.f32 v21, v25  }
0x75: {  	v34 =	vld [tilespmem:s24+$0x50];
	v26 =	vadd.f32 v22, v26;
	v27 =	vadd.f32 v27, v63  }
0x76: {  	s26 =	sadd.s32 $0x1000, s21;
	v35 =	vld [tilespmem:s24+$0x60];
	v22 =	vimm.f32 $0.0e+00;
	v21 =	vimm.f32 $0.0e+00;
	v20 =	vimm.f32 $0.0e+00  }
.LBB2_8:
0x77: {  	p0 =	sne.s32 s26, $0x31000;
	v36 =	vld [tilespmem:s24+$0x70];
	v17 =	vadd.f32 v17, v24;
	v19 =	vadd.f32 v19, v25  }
0x78: {  	v37 =	vld [tilespmem:s24+$0xE0];
	v16 =	vadd.f32 v16, v26;
	v18 =	vadd.f32 v18, v27  }
0x79: {  	v38 =	vld [tilespmem:s24+$0xF0];
	v24 =	vadd.f32 v10, v17;
	v25 =	vadd.f32 v11, v19  }
0x7a: {  	v10 =	vld [tilespmem:s24+$0x160];
	v26 =	vadd.f32 v12, v16;
	v27 =	vadd.f32 v13, v18  }
0x7b: {  	v9 =	vadd.f32 v33, v9;
	v11 =	vadd.f32 v34, v22;
	v12 =	vld [tilespmem:s24+$0x170]  }
0x7c: {  	v13 =	vadd.f32 v35, v21;
	v16 =	vadd.f32 v36, v20;
	v17 =	vld [tilespmem:s24+$0x1E0]  }
0x7d: {  	v9 =	vadd.f32 v31, v9;
	v11 =	vadd.f32 v32, v11;
	v18 =	vld [tilespmem:s24+$0x1F0]  }
0x7e: {  	v13 =	vadd.f32 v37, v13;
	v16 =	vadd.f32 v38, v16;
	v19 =	vld [tilespmem:s24+$0x260]  }
0x7f: {  	v9 =	vadd.f32 v29, v9;
	v11 =	vadd.f32 v30, v11;
	v20 =	vld [tilespmem:s24+$0x270]  }
0x80: {  	v10 =	vadd.f32 v10, v13;
	v12 =	vadd.f32 v12, v16;
	v13 =	vld [tilespmem:s24+$0x2E0]  }
0x81: {  	v9 =	vadd.f32 v23, v9;
	v11 =	vadd.f32 v28, v11;
	v16 =	vld [tilespmem:s24+$0x2F0]  }
0x82: {  	v10 =	vadd.f32 v17, v10;
	v12 =	vadd.f32 v18, v12;
	v17 =	vld [tilespmem:s24+$0x360]  }
0x83: {  	v9 =	vadd.f32 v14, v9;
	v11 =	vadd.f32 v15, v11;
	v14 =	vld [tilespmem:s24+$0x370]  }
0x84: {  	v15 =	vadd.f32 v19, v10;
	v12 =	vadd.f32 v20, v12;
	v18 =	vld [tilespmem:s24+$0x3E0]  }
0x85: {  	v8 =	vadd.f32 v8, v9;
	v7 =	vadd.f32 v7, v11;
	v19 =	vld [tilespmem:s24+$0x3F0];
	s24 =	sshra.s32 s26, $0x2  }
0x86: {  	v9 =	vadd.f32 v13, v15;
	v10 =	vld [tilespmem:s24+$0x380];
	v13 =	vadd.f32 v16, v12  }
0x87: {  	v6 =	vadd.f32 v6, v8;
	v5 =	vadd.f32 v5, v7;
	v11 =	vld [tilespmem:s24+$0x390]  }
0x88: {  	v7 =	vadd.f32 v17, v9;
	v12 =	vld [tilespmem:s24+$0x3A0];
	v8 =	vadd.f32 v14, v13  }
0x89: {  	v9 =	vadd.f32 v3, v6;
	v22 =	vadd.f32 v4, v5;
	v13 =	vld [tilespmem:s24+$0x3B0]  }
0x8a: {  	v21 =	vadd.f32 v18, v7;
	v3 =	vld [tilespmem:s24+$0x3C0];
	v20 =	vadd.f32 v19, v8  }
0x8b: {  	v4 =	vld [tilespmem:s24+$0x3D0]  }
0x8c: {  	v17 =	vld [tilespmem:s24+$0x300]  }
0x8d: {  	v19 =	vld [tilespmem:s24+$0x310]  }
0x8e: {  	v16 =	vld [tilespmem:s24+$0x320]  }
0x8f: {  	v18 =	vld [tilespmem:s24+$0x330]  }
0x90: {  	v6 =	vld [tilespmem:s24+$0x340]  }
0x91: {  	v5 =	vld [tilespmem:s24+$0x350]  }
0x92: {  	v35 =	vld [tilespmem:s24+$0x280]  }
0x93: {  	v36 =	vld [tilespmem:s24+$0x290]  }
0x94: {  	v37 =	vld [tilespmem:s24+$0x2A0]  }
0x95: {  	v38 =	vld [tilespmem:s24+$0x2B0]  }
0x96: {  	v8 =	vld [tilespmem:s24+$0x2C0]  }
0x97: {  	v7 =	vld [tilespmem:s24+$0x2D0]  }
0x98: {  	v33 =	vld [tilespmem:s24+$0x200]  }
0x99: {  	v34 =	vld [tilespmem:s24+$0x210]  }
0x9a: {  	v39 =	vld [tilespmem:s24+$0x220]  }
0x9b: {  	v40 =	vld [tilespmem:s24+$0x230]  }
0x9c: {  	v14 =	vld [tilespmem:s24+$0x240]  }
0x9d: {  	v15 =	vld [tilespmem:s24+$0x250]  }
0x9e: {  	v31 =	vld [tilespmem:s24+$0x180]  }
0x9f: {  	v32 =	vld [tilespmem:s24+$0x190]  }
0xa0: {  	v28 =	vld [tilespmem:s24+$0x100]  }
0xa1: {  	v29 =	vld [tilespmem:s24+$0x110]  }
0xa2: {  	v23 =	vld [tilespmem:s24+$0x80]  }
0xa3: {  	v30 =	vld [tilespmem:s24+$0x90]  }
0xa4: {  	v41 =	vld [tilespmem:s24+$0x0]  }
0xa5: {  	v42 =	vld [tilespmem:s24+$0x10]  }
0xa6: {  	v43 =	vld [tilespmem:s24+$0x20]  }
0xa7: {  	v44 =	vld [tilespmem:s24+$0x30]  }
0xa8: {  	v45 =	vld [tilespmem:s24+$0xA0]  }
0xa9: {  	v46 =	vld [tilespmem:s24+$0xB0]  }
0xaa: {  	v47 =	vld [tilespmem:s24+$0x120]  }
0xab: {  	v24 =	vadd.f32 v41, v24;
	v25 =	vadd.f32 v42, v25;
	v41 =	vld [tilespmem:s24+$0x130]  }
0xac: {  	v26 =	vadd.f32 v43, v26;
	v27 =	vadd.f32 v44, v27;
	v42 =	vld [tilespmem:s24+$0x1A0]  }
0xad: {  	v24 =	vadd.f32 v23, v24;
	v25 =	vadd.f32 v30, v25;
	v43 =	vld [tilespmem:s24+$0x1B0]  }
0xae: {  	v26 =	vadd.f32 v45, v26;
	v27 =	vadd.f32 v46, v27;
	v23 =	vld [tilespmem:s24+$0x1C0]  }
0xaf: {  	v24 =	vadd.f32 v28, v24;
	v25 =	vadd.f32 v29, v25;
	v28 =	vld [tilespmem:s24+$0x1D0]  }
0xb0: {  	v26 =	vadd.f32 v47, v26;
	v27 =	vadd.f32 v41, v27;
	v29 =	vld [tilespmem:s24+$0x140]  }
0xb1: {  	v24 =	vadd.f32 v31, v24;
	v25 =	vadd.f32 v32, v25;
	v30 =	vld [tilespmem:s24+$0x150]  }
.Ltmp7:
0xb2: {  	v26 =	vadd.f32 v42, v26;
	v31 =	vld [tilespmem:s24+$0xC0];
	v27 =	vadd.f32 v43, v27;
	(pc) =	sbr.rel @p0 .LBB2_8-.Ltmp7, $4  }
0xb3: {  	v24 =	vadd.f32 v33, v24;
	v25 =	vadd.f32 v34, v25;
	v32 =	vld [tilespmem:s24+$0xD0]  }
0xb4: {  	v26 =	vadd.f32 v39, v26;
	v33 =	vld [tilespmem:s24+$0x40];
	v27 =	vadd.f32 v40, v27  }
0xb5: {  	v24 =	vadd.f32 v35, v24;
	v25 =	vadd.f32 v36, v25;
	v34 =	vld [tilespmem:s24+$0x50]  }
0xb6: {  	s26 =	sadd.s32 $0x1000, s26;
	v26 =	vadd.f32 v37, v26;
	v35 =	vld [tilespmem:s24+$0x60];
	v27 =	vadd.f32 v38, v27  }
0xb7: {  	v36 =	vld [tilespmem:s24+$0x70];
	v17 =	vadd.f32 v17, v24;
	v19 =	vadd.f32 v19, v25  }
0xb8: {  	v42 =	vld [tilespmem:s24+$0xE0];
	v16 =	vadd.f32 v16, v26;
	v18 =	vadd.f32 v18, v27  }
0xb9: {  	v43 =	vld [tilespmem:s24+$0xF0];
	v10 =	vadd.f32 v10, v17;
	v11 =	vadd.f32 v11, v19  }
0xba: {  	v44 =	vld [tilespmem:s24+$0x160];
	v9 =	vadd.f32 v33, v9;
	v12 =	vadd.f32 v12, v16  }
0xbb: {  	v46 =	vld [tilespmem:s24+$0x170];
	v13 =	vadd.f32 v13, v18;
	v45 =	vadd.f32 v34, v22  }
0xbc: {  	v48 =	vld [tilespmem:s24+$0x1E0];
	v47 =	vadd.f32 v35, v21;
	v9 =	vadd.f32 v31, v9  }
0xbd: {  	v49 =	vld [tilespmem:s24+$0x1F0];
	v20 =	vadd.f32 v36, v20;
	v16 =	vadd.f32 v32, v45  }
0xbe: {  	v50 =	vld [tilespmem:s24+$0x260];
	v19 =	vadd.f32 v42, v47;
	v9 =	vadd.f32 v29, v9  }
0xbf: {  	v51 =	vld [tilespmem:s24+$0x270];
	v20 =	vadd.f32 v43, v20;
	v16 =	vadd.f32 v30, v16  }
0xc0: {  	v52 =	vld [tilespmem:s24+$0x2E0];
	v17 =	vadd.f32 v44, v19;
	v9 =	vadd.f32 v23, v9  }
0xc1: {  	v53 =	vld [tilespmem:s24+$0x2F0];
	v18 =	vadd.f32 v46, v20;
	v16 =	vadd.f32 v28, v16  }
0xc2: {  	v54 =	vld [tilespmem:s24+$0x360];
	v17 =	vadd.f32 v48, v17;
	v9 =	vadd.f32 v14, v9  }
0xc3: {  	v56 =	vld [tilespmem:s24+$0x370];
	v55 =	vadd.f32 v49, v18;
	v15 =	vadd.f32 v15, v16  }
0xc4: {  	v57 =	vld [tilespmem:s24+$0x3E0];
	s26 =	sshll.u32 s25, $0x9;
	v17 =	vadd.f32 v50, v17;
	v8 =	vadd.f32 v8, v9  }
0xc5: {  	v58 =	vld [tilespmem:s24+$0x3F0];
	s29 =	sshra.s32 s26, $0x2;
	v14 =	vadd.f32 v51, v55;
	v7 =	vadd.f32 v7, v15  }
0xc6: {  	[tilespmem:s29+$0x19400] =	vst.add.f32.msk $0xffff, v10;
	v59 =	vadd.f32 v52, v17;
	v6 =	vadd.f32 v6, v8  }
0xc7: {  	[tilespmem:s29+$0x19410] =	vst.add.f32.msk $0xffff, v11;
	v60 =	vadd.f32 v53, v14;
	v5 =	vadd.f32 v5, v7  }
0xc8: {  	[tilespmem:s29+$0x19420] =	vst.add.f32.msk $0xffff, v12;
	v61 =	vadd.f32 v54, v59;
	v3 =	vadd.f32 v3, v6  }
0xc9: {  	[tilespmem:s29+$0x19430] =	vst.add.f32.msk $0xffff, v13;
	v62 =	vadd.f32 v56, v60;
	v4 =	vadd.f32 v4, v5  }
.Ltmp8:
0xca: {  	v63 =	vadd.f32 v57, v61;
	[tilespmem:s29+$0x19440] =	vst.add.f32.msk $0xffff, v3;
	(pc) =	sbr.rel .LBB2_11-.Ltmp8, $4  }
0xcb: {  	v3 =	vadd.f32 v58, v62;
	[tilespmem:s29+$0x19450] =	vst.add.f32.msk $0xffff, v4  }
0xcc: {  	s30 =	sshll.u32 s25, $0x6;
	[tilespmem:s29+$0x19460] =	vst.add.f32.msk $0xffff, v63  }
0xcd: {  	s31 =	sshra.s32 s30, $0x2;
	[tilespmem:s29+$0x19470] =	vst.add.f32.msk $0xffff, v3  }
0xce: {  	[tilespmem:s31+$0x1B400] =	vst.add.f32.msk $0xffff, v1  }
.LBB2_10:
0xcf: {  	s25 =	sshra.s32 s26, $0x2  }
0xd0: {  	v4 =	vld [tilespmem:s25+$0x19000];
	_ =	sdelay $0x4  }
0xd1: {  	v3 =	vshll.u32 v4, $0x7;
	v4 =	vshll.u32 v4, $0x4  }
0xd2: {  	(v2sf) =	vpush v3, $0x0;
	v4 =	vadd.s32 $0x1B400, v4  }
0xd3: {  	(v2sf) =	vpush v4, $0x1  }
0xd4: {  	(v2sf) =	vpush v4, $0x0;
	_ =	sdelay $0xc  }
0xd5: {  	s31 =	spop (v2sf)  }
0xd6: {  	s28 =	spop (v2sf)  }
0xd7: {  	s29 =	spop (v2sf)  }
0xd8: {  	[tilespmem:s29+$0x0] =	vst.add.f32.msk $0xffff, v2  }
0xd9: {  	v5 =	vld [tilespmem:s24+$0xFFFFFC00];
	_ =	sdelay $0x4  }
0xda: {  	[tilespmem:s31+$0x19400] =	vst.add.f32.msk $0xffff, v5  }
0xdb: {  	v5 =	vld [tilespmem:s24+$0xFFFFFC10];
	_ =	sdelay $0x4  }
0xdc: {  	[tilespmem:s31+$0x19410] =	vst.add.f32.msk $0xffff, v5  }
0xdd: {  	v5 =	vld [tilespmem:s24+$0xFFFFFC20];
	_ =	sdelay $0x4  }
0xde: {  	[tilespmem:s31+$0x19420] =	vst.add.f32.msk $0xffff, v5  }
0xdf: {  	v5 =	vld [tilespmem:s24+$0xFFFFFC30];
	_ =	sdelay $0x4  }
0xe0: {  	[tilespmem:s31+$0x19430] =	vst.add.f32.msk $0xffff, v5  }
0xe1: {  	v5 =	vld [tilespmem:s24+$0xFFFFFC40];
	_ =	sdelay $0x4  }
0xe2: {  	[tilespmem:s31+$0x19440] =	vst.add.f32.msk $0xffff, v5  }
0xe3: {  	v5 =	vld [tilespmem:s24+$0xFFFFFC50];
	_ =	sdelay $0x4  }
0xe4: {  	[tilespmem:s31+$0x19450] =	vst.add.f32.msk $0xffff, v5  }
0xe5: {  	v5 =	vld [tilespmem:s24+$0xFFFFFC60];
	_ =	sdelay $0x1  }
0xe6: {  	(v2sf) =	vpush v3, $0x1;
	_ =	sdelay $0x2  }
0xe7: {  	[tilespmem:s31+$0x19460] =	vst.add.f32.msk $0xffff, v5  }
0xe8: {  	v5 =	vld [tilespmem:s24+$0xFFFFFC70];
	_ =	sdelay $0x4  }
0xe9: {  	[tilespmem:s31+$0x19470] =	vst.add.f32.msk $0xffff, v5  }
0xea: {  	[tilespmem:s28+$0x0] =	vst.add.f32.msk $0xffff, v2  }
0xeb: {  	v5 =	vld [tilespmem:s24+$0xFFFFFC80];
	_ =	sdelay $0x3  }
0xec: {  	s30 =	spop (v2sf)  }
0xed: {  	[tilespmem:s30+$0x19400] =	vst.add.f32.msk $0xffff, v5  }
0xee: {  	v5 =	vld [tilespmem:s24+$0xFFFFFC90];
	_ =	sdelay $0x4  }
0xef: {  	[tilespmem:s30+$0x19410] =	vst.add.f32.msk $0xffff, v5  }
0xf0: {  	v5 =	vld [tilespmem:s24+$0xFFFFFCA0];
	_ =	sdelay $0x4  }
0xf1: {  	[tilespmem:s30+$0x19420] =	vst.add.f32.msk $0xffff, v5  }
0xf2: {  	v5 =	vld [tilespmem:s24+$0xFFFFFCB0];
	_ =	sdelay $0x4  }
0xf3: {  	[tilespmem:s30+$0x19430] =	vst.add.f32.msk $0xffff, v5  }
0xf4: {  	v5 =	vld [tilespmem:s24+$0xFFFFFCC0];
	_ =	sdelay $0x4  }
0xf5: {  	[tilespmem:s30+$0x19440] =	vst.add.f32.msk $0xffff, v5  }
0xf6: {  	(v2sf) =	vpush v3, $0x2;
	v5 =	vld [tilespmem:s24+$0xFFFFFCD0]  }
0xf7: {  	(v2sf) =	vpush v4, $0x3  }
0xf8: {  	(v2sf) =	vpush v4, $0x2;
	_ =	sdelay $0x2  }
0xf9: {  	[tilespmem:s30+$0x19450] =	vst.add.f32.msk $0xffff, v5  }
0xfa: {  	v5 =	vld [tilespmem:s24+$0xFFFFFCE0];
	_ =	sdelay $0x4  }
0xfb: {  	[tilespmem:s30+$0x19460] =	vst.add.f32.msk $0xffff, v5  }
0xfc: {  	v5 =	vld [tilespmem:s24+$0xFFFFFCF0];
	_ =	sdelay $0x2  }
0xfd: {  	s28 =	spop (v2sf)  }
0xfe: {  	s31 =	spop (v2sf)  }
0xff: {  	[tilespmem:s30+$0x19470] =	vst.add.f32.msk $0xffff, v5;
	s30 =	spop (v2sf)  }
0x100: {  	[tilespmem:s30+$0x0] =	vst.add.f32.msk $0xffff, v2  }
0x101: {  	v5 =	vld [tilespmem:s24+$0xFFFFFD00];
	_ =	sdelay $0x4  }
0x102: {  	[tilespmem:s28+$0x19400] =	vst.add.f32.msk $0xffff, v5  }
0x103: {  	v5 =	vld [tilespmem:s24+$0xFFFFFD10];
	_ =	sdelay $0x4  }
0x104: {  	[tilespmem:s28+$0x19410] =	vst.add.f32.msk $0xffff, v5  }
0x105: {  	v5 =	vld [tilespmem:s24+$0xFFFFFD20];
	_ =	sdelay $0x4  }
0x106: {  	[tilespmem:s28+$0x19420] =	vst.add.f32.msk $0xffff, v5  }
0x107: {  	v5 =	vld [tilespmem:s24+$0xFFFFFD30];
	_ =	sdelay $0x4  }
0x108: {  	[tilespmem:s28+$0x19430] =	vst.add.f32.msk $0xffff, v5  }
0x109: {  	v5 =	vld [tilespmem:s24+$0xFFFFFD40];
	_ =	sdelay $0x4  }
0x10a: {  	[tilespmem:s28+$0x19440] =	vst.add.f32.msk $0xffff, v5  }
0x10b: {  	v5 =	vld [tilespmem:s24+$0xFFFFFD50];
	_ =	sdelay $0x4  }
0x10c: {  	[tilespmem:s28+$0x19450] =	vst.add.f32.msk $0xffff, v5  }
0x10d: {  	v5 =	vld [tilespmem:s24+$0xFFFFFD60];
	_ =	sdelay $0x1  }
0x10e: {  	(v2sf) =	vpush v3, $0x3;
	_ =	sdelay $0x2  }
0x10f: {  	[tilespmem:s28+$0x19460] =	vst.add.f32.msk $0xffff, v5  }
0x110: {  	v5 =	vld [tilespmem:s24+$0xFFFFFD70];
	_ =	sdelay $0x4  }
0x111: {  	[tilespmem:s28+$0x19470] =	vst.add.f32.msk $0xffff, v5  }
0x112: {  	[tilespmem:s31+$0x0] =	vst.add.f32.msk $0xffff, v2  }
0x113: {  	v5 =	vld [tilespmem:s24+$0xFFFFFD80];
	_ =	sdelay $0x3  }
0x114: {  	s31 =	spop (v2sf)  }
0x115: {  	[tilespmem:s31+$0x19400] =	vst.add.f32.msk $0xffff, v5  }
0x116: {  	v5 =	vld [tilespmem:s24+$0xFFFFFD90];
	_ =	sdelay $0x4  }
0x117: {  	[tilespmem:s31+$0x19410] =	vst.add.f32.msk $0xffff, v5  }
0x118: {  	v5 =	vld [tilespmem:s24+$0xFFFFFDA0];
	_ =	sdelay $0x4  }
0x119: {  	[tilespmem:s31+$0x19420] =	vst.add.f32.msk $0xffff, v5  }
0x11a: {  	v5 =	vld [tilespmem:s24+$0xFFFFFDB0];
	_ =	sdelay $0x4  }
0x11b: {  	[tilespmem:s31+$0x19430] =	vst.add.f32.msk $0xffff, v5  }
0x11c: {  	v5 =	vld [tilespmem:s24+$0xFFFFFDC0];
	_ =	sdelay $0x4  }
0x11d: {  	[tilespmem:s31+$0x19440] =	vst.add.f32.msk $0xffff, v5  }
0x11e: {  	(v2sf) =	vpush v3, $0x4;
	v5 =	vld [tilespmem:s24+$0xFFFFFDD0]  }
0x11f: {  	(v2sf) =	vpush v4, $0x5  }
0x120: {  	(v2sf) =	vpush v4, $0x4;
	_ =	sdelay $0x2  }
0x121: {  	[tilespmem:s31+$0x19450] =	vst.add.f32.msk $0xffff, v5  }
0x122: {  	v5 =	vld [tilespmem:s24+$0xFFFFFDE0];
	_ =	sdelay $0x4  }
0x123: {  	[tilespmem:s31+$0x19460] =	vst.add.f32.msk $0xffff, v5  }
0x124: {  	v5 =	vld [tilespmem:s24+$0xFFFFFDF0];
	_ =	sdelay $0x2  }
0x125: {  	s28 =	spop (v2sf)  }
0x126: {  	s30 =	spop (v2sf)  }
0x127: {  	[tilespmem:s31+$0x19470] =	vst.add.f32.msk $0xffff, v5;
	s31 =	spop (v2sf)  }
0x128: {  	[tilespmem:s31+$0x0] =	vst.add.f32.msk $0xffff, v2  }
0x129: {  	v5 =	vld [tilespmem:s24+$0xFFFFFE00];
	_ =	sdelay $0x4  }
0x12a: {  	[tilespmem:s28+$0x19400] =	vst.add.f32.msk $0xffff, v5  }
0x12b: {  	v5 =	vld [tilespmem:s24+$0xFFFFFE10];
	_ =	sdelay $0x4  }
0x12c: {  	[tilespmem:s28+$0x19410] =	vst.add.f32.msk $0xffff, v5  }
0x12d: {  	v5 =	vld [tilespmem:s24+$0xFFFFFE20];
	_ =	sdelay $0x4  }
0x12e: {  	[tilespmem:s28+$0x19420] =	vst.add.f32.msk $0xffff, v5  }
0x12f: {  	v5 =	vld [tilespmem:s24+$0xFFFFFE30];
	_ =	sdelay $0x4  }
0x130: {  	[tilespmem:s28+$0x19430] =	vst.add.f32.msk $0xffff, v5  }
0x131: {  	v5 =	vld [tilespmem:s24+$0xFFFFFE40];
	_ =	sdelay $0x4  }
0x132: {  	[tilespmem:s28+$0x19440] =	vst.add.f32.msk $0xffff, v5  }
0x133: {  	v5 =	vld [tilespmem:s24+$0xFFFFFE50];
	_ =	sdelay $0x4  }
0x134: {  	[tilespmem:s28+$0x19450] =	vst.add.f32.msk $0xffff, v5  }
0x135: {  	v5 =	vld [tilespmem:s24+$0xFFFFFE60];
	_ =	sdelay $0x1  }
0x136: {  	(v2sf) =	vpush v3, $0x5;
	_ =	sdelay $0x2  }
0x137: {  	[tilespmem:s28+$0x19460] =	vst.add.f32.msk $0xffff, v5  }
0x138: {  	v5 =	vld [tilespmem:s24+$0xFFFFFE70];
	_ =	sdelay $0x4  }
0x139: {  	[tilespmem:s28+$0x19470] =	vst.add.f32.msk $0xffff, v5  }
0x13a: {  	[tilespmem:s30+$0x0] =	vst.add.f32.msk $0xffff, v2  }
0x13b: {  	v5 =	vld [tilespmem:s24+$0xFFFFFE80];
	_ =	sdelay $0x3  }
0x13c: {  	s30 =	spop (v2sf)  }
0x13d: {  	[tilespmem:s30+$0x19400] =	vst.add.f32.msk $0xffff, v5  }
0x13e: {  	v5 =	vld [tilespmem:s24+$0xFFFFFE90];
	_ =	sdelay $0x4  }
0x13f: {  	[tilespmem:s30+$0x19410] =	vst.add.f32.msk $0xffff, v5  }
0x140: {  	v5 =	vld [tilespmem:s24+$0xFFFFFEA0];
	_ =	sdelay $0x4  }
0x141: {  	[tilespmem:s30+$0x19420] =	vst.add.f32.msk $0xffff, v5  }
0x142: {  	v5 =	vld [tilespmem:s24+$0xFFFFFEB0];
	_ =	sdelay $0x4  }
0x143: {  	[tilespmem:s30+$0x19430] =	vst.add.f32.msk $0xffff, v5  }
0x144: {  	v5 =	vld [tilespmem:s24+$0xFFFFFEC0];
	_ =	sdelay $0x4  }
0x145: {  	[tilespmem:s30+$0x19440] =	vst.add.f32.msk $0xffff, v5  }
0x146: {  	(v2sf) =	vpush v3, $0x6;
	v5 =	vld [tilespmem:s24+$0xFFFFFED0]  }
0x147: {  	(v2sf) =	vpush v4, $0x7  }
0x148: {  	(v2sf) =	vpush v4, $0x6;
	_ =	sdelay $0x2  }
0x149: {  	[tilespmem:s30+$0x19450] =	vst.add.f32.msk $0xffff, v5  }
0x14a: {  	v5 =	vld [tilespmem:s24+$0xFFFFFEE0];
	_ =	sdelay $0x4  }
0x14b: {  	[tilespmem:s30+$0x19460] =	vst.add.f32.msk $0xffff, v5  }
0x14c: {  	v5 =	vld [tilespmem:s24+$0xFFFFFEF0];
	_ =	sdelay $0x2  }
0x14d: {  	s28 =	spop (v2sf)  }
0x14e: {  	s31 =	spop (v2sf)  }
0x14f: {  	[tilespmem:s30+$0x19470] =	vst.add.f32.msk $0xffff, v5;
	s30 =	spop (v2sf)  }
0x150: {  	[tilespmem:s30+$0x0] =	vst.add.f32.msk $0xffff, v2  }
0x151: {  	v5 =	vld [tilespmem:s24+$0xFFFFFF00];
	_ =	sdelay $0x4  }
0x152: {  	[tilespmem:s28+$0x19400] =	vst.add.f32.msk $0xffff, v5  }
0x153: {  	v5 =	vld [tilespmem:s24+$0xFFFFFF10];
	_ =	sdelay $0x4  }
0x154: {  	[tilespmem:s28+$0x19410] =	vst.add.f32.msk $0xffff, v5  }
0x155: {  	v5 =	vld [tilespmem:s24+$0xFFFFFF20];
	_ =	sdelay $0x4  }
0x156: {  	[tilespmem:s28+$0x19420] =	vst.add.f32.msk $0xffff, v5  }
0x157: {  	v5 =	vld [tilespmem:s24+$0xFFFFFF30];
	_ =	sdelay $0x4  }
0x158: {  	[tilespmem:s28+$0x19430] =	vst.add.f32.msk $0xffff, v5  }
0x159: {  	v5 =	vld [tilespmem:s24+$0xFFFFFF40];
	_ =	sdelay $0x4  }
0x15a: {  	[tilespmem:s28+$0x19440] =	vst.add.f32.msk $0xffff, v5  }
0x15b: {  	v5 =	vld [tilespmem:s24+$0xFFFFFF50];
	_ =	sdelay $0x4  }
0x15c: {  	[tilespmem:s28+$0x19450] =	vst.add.f32.msk $0xffff, v5  }
0x15d: {  	v5 =	vld [tilespmem:s24+$0xFFFFFF60];
	_ =	sdelay $0x1  }
0x15e: {  	(v2sf) =	vpush v3, $0x7;
	_ =	sdelay $0x2  }
0x15f: {  	[tilespmem:s28+$0x19460] =	vst.add.f32.msk $0xffff, v5  }
0x160: {  	v5 =	vld [tilespmem:s24+$0xFFFFFF70];
	_ =	sdelay $0x4  }
0x161: {  	[tilespmem:s28+$0x19470] =	vst.add.f32.msk $0xffff, v5  }
0x162: {  	[tilespmem:s31+$0x0] =	vst.add.f32.msk $0xffff, v2  }
0x163: {  	v5 =	vld [tilespmem:s24+$0xFFFFFF80];
	_ =	sdelay $0x3  }
0x164: {  	s31 =	spop (v2sf)  }
0x165: {  	[tilespmem:s31+$0x19400] =	vst.add.f32.msk $0xffff, v5  }
0x166: {  	v5 =	vld [tilespmem:s24+$0xFFFFFF90];
	_ =	sdelay $0x4  }
0x167: {  	[tilespmem:s31+$0x19410] =	vst.add.f32.msk $0xffff, v5  }
0x168: {  	v5 =	vld [tilespmem:s24+$0xFFFFFFA0];
	_ =	sdelay $0x4  }
0x169: {  	[tilespmem:s31+$0x19420] =	vst.add.f32.msk $0xffff, v5  }
0x16a: {  	v5 =	vld [tilespmem:s24+$0xFFFFFFB0];
	_ =	sdelay $0x4  }
0x16b: {  	[tilespmem:s31+$0x19430] =	vst.add.f32.msk $0xffff, v5  }
0x16c: {  	v5 =	vld [tilespmem:s24+$0xFFFFFFC0];
	_ =	sdelay $0x4  }
0x16d: {  	[tilespmem:s31+$0x19440] =	vst.add.f32.msk $0xffff, v5  }
0x16e: {  	(v2sf) =	vpush v3, $0x8;
	v5 =	vld [tilespmem:s24+$0xFFFFFFD0]  }
0x16f: {  	(v2sf) =	vpush v4, $0x9  }
0x170: {  	(v2sf) =	vpush v4, $0x8;
	_ =	sdelay $0x2  }
0x171: {  	[tilespmem:s31+$0x19450] =	vst.add.f32.msk $0xffff, v5  }
0x172: {  	v5 =	vld [tilespmem:s24+$0xFFFFFFE0];
	_ =	sdelay $0x4  }
0x173: {  	[tilespmem:s31+$0x19460] =	vst.add.f32.msk $0xffff, v5  }
0x174: {  	v5 =	vld [tilespmem:s24+$0xFFFFFFF0];
	_ =	sdelay $0x2  }
0x175: {  	s28 =	spop (v2sf)  }
0x176: {  	s30 =	spop (v2sf)  }
0x177: {  	[tilespmem:s31+$0x19470] =	vst.add.f32.msk $0xffff, v5;
	s31 =	spop (v2sf)  }
0x178: {  	[tilespmem:s31+$0x0] =	vst.add.f32.msk $0xffff, v2  }
0x179: {  	v5 =	vld [tilespmem:s24+$0x0];
	_ =	sdelay $0x4  }
0x17a: {  	[tilespmem:s28+$0x19400] =	vst.add.f32.msk $0xffff, v5  }
0x17b: {  	v5 =	vld [tilespmem:s24+$0x10];
	_ =	sdelay $0x4  }
0x17c: {  	[tilespmem:s28+$0x19410] =	vst.add.f32.msk $0xffff, v5  }
0x17d: {  	v5 =	vld [tilespmem:s24+$0x20];
	_ =	sdelay $0x4  }
0x17e: {  	[tilespmem:s28+$0x19420] =	vst.add.f32.msk $0xffff, v5  }
0x17f: {  	v5 =	vld [tilespmem:s24+$0x30];
	_ =	sdelay $0x4  }
0x180: {  	[tilespmem:s28+$0x19430] =	vst.add.f32.msk $0xffff, v5  }
0x181: {  	v5 =	vld [tilespmem:s24+$0x40];
	_ =	sdelay $0x4  }
0x182: {  	[tilespmem:s28+$0x19440] =	vst.add.f32.msk $0xffff, v5  }
0x183: {  	v5 =	vld [tilespmem:s24+$0x50];
	_ =	sdelay $0x4  }
0x184: {  	[tilespmem:s28+$0x19450] =	vst.add.f32.msk $0xffff, v5  }
0x185: {  	v5 =	vld [tilespmem:s24+$0x60];
	_ =	sdelay $0x1  }
0x186: {  	(v2sf) =	vpush v3, $0x9;
	_ =	sdelay $0x2  }
0x187: {  	[tilespmem:s28+$0x19460] =	vst.add.f32.msk $0xffff, v5  }
0x188: {  	v5 =	vld [tilespmem:s24+$0x70];
	_ =	sdelay $0x4  }
0x189: {  	[tilespmem:s28+$0x19470] =	vst.add.f32.msk $0xffff, v5  }
0x18a: {  	[tilespmem:s30+$0x0] =	vst.add.f32.msk $0xffff, v2  }
0x18b: {  	v5 =	vld [tilespmem:s24+$0x80];
	_ =	sdelay $0x3  }
0x18c: {  	s30 =	spop (v2sf)  }
0x18d: {  	[tilespmem:s30+$0x19400] =	vst.add.f32.msk $0xffff, v5  }
0x18e: {  	v5 =	vld [tilespmem:s24+$0x90];
	_ =	sdelay $0x4  }
0x18f: {  	[tilespmem:s30+$0x19410] =	vst.add.f32.msk $0xffff, v5  }
0x190: {  	v5 =	vld [tilespmem:s24+$0xA0];
	_ =	sdelay $0x4  }
0x191: {  	[tilespmem:s30+$0x19420] =	vst.add.f32.msk $0xffff, v5  }
0x192: {  	v5 =	vld [tilespmem:s24+$0xB0];
	_ =	sdelay $0x4  }
0x193: {  	[tilespmem:s30+$0x19430] =	vst.add.f32.msk $0xffff, v5  }
0x194: {  	v5 =	vld [tilespmem:s24+$0xC0];
	_ =	sdelay $0x4  }
0x195: {  	[tilespmem:s30+$0x19440] =	vst.add.f32.msk $0xffff, v5  }
0x196: {  	(v2sf) =	vpush v3, $0xA;
	v5 =	vld [tilespmem:s24+$0xD0]  }
0x197: {  	(v2sf) =	vpush v4, $0xB  }
0x198: {  	(v2sf) =	vpush v4, $0xA;
	_ =	sdelay $0x2  }
0x199: {  	[tilespmem:s30+$0x19450] =	vst.add.f32.msk $0xffff, v5  }
0x19a: {  	v5 =	vld [tilespmem:s24+$0xE0];
	_ =	sdelay $0x4  }
0x19b: {  	[tilespmem:s30+$0x19460] =	vst.add.f32.msk $0xffff, v5  }
0x19c: {  	v5 =	vld [tilespmem:s24+$0xF0];
	_ =	sdelay $0x2  }
0x19d: {  	s28 =	spop (v2sf)  }
0x19e: {  	s31 =	spop (v2sf)  }
0x19f: {  	[tilespmem:s30+$0x19470] =	vst.add.f32.msk $0xffff, v5;
	s30 =	spop (v2sf)  }
0x1a0: {  	[tilespmem:s30+$0x0] =	vst.add.f32.msk $0xffff, v2  }
0x1a1: {  	v5 =	vld [tilespmem:s24+$0x100];
	_ =	sdelay $0x4  }
0x1a2: {  	[tilespmem:s28+$0x19400] =	vst.add.f32.msk $0xffff, v5  }
0x1a3: {  	v5 =	vld [tilespmem:s24+$0x110];
	_ =	sdelay $0x4  }
0x1a4: {  	[tilespmem:s28+$0x19410] =	vst.add.f32.msk $0xffff, v5  }
0x1a5: {  	v5 =	vld [tilespmem:s24+$0x120];
	_ =	sdelay $0x4  }
0x1a6: {  	[tilespmem:s28+$0x19420] =	vst.add.f32.msk $0xffff, v5  }
0x1a7: {  	v5 =	vld [tilespmem:s24+$0x130];
	_ =	sdelay $0x4  }
0x1a8: {  	[tilespmem:s28+$0x19430] =	vst.add.f32.msk $0xffff, v5  }
0x1a9: {  	v5 =	vld [tilespmem:s24+$0x140];
	_ =	sdelay $0x4  }
0x1aa: {  	[tilespmem:s28+$0x19440] =	vst.add.f32.msk $0xffff, v5  }
0x1ab: {  	v5 =	vld [tilespmem:s24+$0x150];
	_ =	sdelay $0x4  }
0x1ac: {  	[tilespmem:s28+$0x19450] =	vst.add.f32.msk $0xffff, v5  }
0x1ad: {  	v5 =	vld [tilespmem:s24+$0x160];
	_ =	sdelay $0x1  }
0x1ae: {  	(v2sf) =	vpush v3, $0xB;
	_ =	sdelay $0x2  }
0x1af: {  	[tilespmem:s28+$0x19460] =	vst.add.f32.msk $0xffff, v5  }
0x1b0: {  	v5 =	vld [tilespmem:s24+$0x170];
	_ =	sdelay $0x4  }
0x1b1: {  	[tilespmem:s28+$0x19470] =	vst.add.f32.msk $0xffff, v5  }
0x1b2: {  	[tilespmem:s31+$0x0] =	vst.add.f32.msk $0xffff, v2  }
0x1b3: {  	v5 =	vld [tilespmem:s24+$0x180];
	_ =	sdelay $0x3  }
0x1b4: {  	s31 =	spop (v2sf)  }
0x1b5: {  	[tilespmem:s31+$0x19400] =	vst.add.f32.msk $0xffff, v5  }
0x1b6: {  	v5 =	vld [tilespmem:s24+$0x190];
	_ =	sdelay $0x4  }
0x1b7: {  	[tilespmem:s31+$0x19410] =	vst.add.f32.msk $0xffff, v5  }
0x1b8: {  	v5 =	vld [tilespmem:s24+$0x1A0];
	_ =	sdelay $0x4  }
0x1b9: {  	[tilespmem:s31+$0x19420] =	vst.add.f32.msk $0xffff, v5  }
0x1ba: {  	v5 =	vld [tilespmem:s24+$0x1B0];
	_ =	sdelay $0x4  }
0x1bb: {  	[tilespmem:s31+$0x19430] =	vst.add.f32.msk $0xffff, v5  }
0x1bc: {  	v5 =	vld [tilespmem:s24+$0x1C0];
	_ =	sdelay $0x4  }
0x1bd: {  	[tilespmem:s31+$0x19440] =	vst.add.f32.msk $0xffff, v5  }
0x1be: {  	(v2sf) =	vpush v3, $0xC;
	v5 =	vld [tilespmem:s24+$0x1D0]  }
0x1bf: {  	(v2sf) =	vpush v4, $0xD  }
0x1c0: {  	(v2sf) =	vpush v4, $0xC;
	_ =	sdelay $0x2  }
0x1c1: {  	[tilespmem:s31+$0x19450] =	vst.add.f32.msk $0xffff, v5  }
0x1c2: {  	v5 =	vld [tilespmem:s24+$0x1E0];
	_ =	sdelay $0x4  }
0x1c3: {  	[tilespmem:s31+$0x19460] =	vst.add.f32.msk $0xffff, v5  }
0x1c4: {  	v5 =	vld [tilespmem:s24+$0x1F0];
	_ =	sdelay $0x2  }
0x1c5: {  	s28 =	spop (v2sf)  }
0x1c6: {  	s30 =	spop (v2sf)  }
0x1c7: {  	[tilespmem:s31+$0x19470] =	vst.add.f32.msk $0xffff, v5;
	s31 =	spop (v2sf)  }
0x1c8: {  	[tilespmem:s31+$0x0] =	vst.add.f32.msk $0xffff, v2  }
0x1c9: {  	v5 =	vld [tilespmem:s24+$0x200];
	_ =	sdelay $0x4  }
0x1ca: {  	[tilespmem:s28+$0x19400] =	vst.add.f32.msk $0xffff, v5  }
0x1cb: {  	v5 =	vld [tilespmem:s24+$0x210];
	_ =	sdelay $0x4  }
0x1cc: {  	[tilespmem:s28+$0x19410] =	vst.add.f32.msk $0xffff, v5  }
0x1cd: {  	v5 =	vld [tilespmem:s24+$0x220];
	_ =	sdelay $0x4  }
0x1ce: {  	[tilespmem:s28+$0x19420] =	vst.add.f32.msk $0xffff, v5  }
0x1cf: {  	v5 =	vld [tilespmem:s24+$0x230];
	_ =	sdelay $0x4  }
0x1d0: {  	[tilespmem:s28+$0x19430] =	vst.add.f32.msk $0xffff, v5  }
0x1d1: {  	v5 =	vld [tilespmem:s24+$0x240];
	_ =	sdelay $0x4  }
0x1d2: {  	[tilespmem:s28+$0x19440] =	vst.add.f32.msk $0xffff, v5  }
0x1d3: {  	v5 =	vld [tilespmem:s24+$0x250];
	_ =	sdelay $0x4  }
0x1d4: {  	[tilespmem:s28+$0x19450] =	vst.add.f32.msk $0xffff, v5  }
0x1d5: {  	v5 =	vld [tilespmem:s24+$0x260];
	_ =	sdelay $0x1  }
0x1d6: {  	(v2sf) =	vpush v3, $0xD;
	_ =	sdelay $0x2  }
0x1d7: {  	[tilespmem:s28+$0x19460] =	vst.add.f32.msk $0xffff, v5  }
0x1d8: {  	v5 =	vld [tilespmem:s24+$0x270];
	_ =	sdelay $0x4  }
0x1d9: {  	[tilespmem:s28+$0x19470] =	vst.add.f32.msk $0xffff, v5  }
0x1da: {  	[tilespmem:s30+$0x0] =	vst.add.f32.msk $0xffff, v2  }
0x1db: {  	v5 =	vld [tilespmem:s24+$0x280];
	_ =	sdelay $0x3  }
0x1dc: {  	s30 =	spop (v2sf)  }
0x1dd: {  	[tilespmem:s30+$0x19400] =	vst.add.f32.msk $0xffff, v5  }
0x1de: {  	v5 =	vld [tilespmem:s24+$0x290];
	_ =	sdelay $0x4  }
0x1df: {  	[tilespmem:s30+$0x19410] =	vst.add.f32.msk $0xffff, v5  }
0x1e0: {  	v5 =	vld [tilespmem:s24+$0x2A0];
	_ =	sdelay $0x4  }
0x1e1: {  	[tilespmem:s30+$0x19420] =	vst.add.f32.msk $0xffff, v5  }
0x1e2: {  	v5 =	vld [tilespmem:s24+$0x2B0];
	_ =	sdelay $0x4  }
0x1e3: {  	[tilespmem:s30+$0x19430] =	vst.add.f32.msk $0xffff, v5  }
0x1e4: {  	v5 =	vld [tilespmem:s24+$0x2C0];
	_ =	sdelay $0x4  }
0x1e5: {  	[tilespmem:s30+$0x19440] =	vst.add.f32.msk $0xffff, v5  }
0x1e6: {  	(v2sf) =	vpush v3, $0xE;
	v5 =	vld [tilespmem:s24+$0x2D0]  }
0x1e7: {  	(v2sf) =	vpush v4, $0xF  }
0x1e8: {  	(v2sf) =	vpush v4, $0xE;
	_ =	sdelay $0x2  }
0x1e9: {  	[tilespmem:s30+$0x19450] =	vst.add.f32.msk $0xffff, v5  }
0x1ea: {  	v63 =	vld [tilespmem:s24+$0x2E0];
	_ =	sdelay $0x4  }
0x1eb: {  	[tilespmem:s30+$0x19460] =	vst.add.f32.msk $0xffff, v63  }
0x1ec: {  	v4 =	vld [tilespmem:s24+$0x2F0];
	_ =	sdelay $0x2  }
0x1ed: {  	s28 =	spop (v2sf)  }
0x1ee: {  	s31 =	spop (v2sf)  }
0x1ef: {  	[tilespmem:s30+$0x19470] =	vst.add.f32.msk $0xffff, v4;
	s30 =	spop (v2sf)  }
0x1f0: {  	[tilespmem:s30+$0x0] =	vst.add.f32.msk $0xffff, v2  }
0x1f1: {  	v4 =	vld [tilespmem:s24+$0x300];
	_ =	sdelay $0x4  }
0x1f2: {  	[tilespmem:s28+$0x19400] =	vst.add.f32.msk $0xffff, v4  }
0x1f3: {  	v4 =	vld [tilespmem:s24+$0x310];
	_ =	sdelay $0x4  }
0x1f4: {  	[tilespmem:s28+$0x19410] =	vst.add.f32.msk $0xffff, v4  }
0x1f5: {  	v4 =	vld [tilespmem:s24+$0x320];
	_ =	sdelay $0x4  }
0x1f6: {  	[tilespmem:s28+$0x19420] =	vst.add.f32.msk $0xffff, v4  }
0x1f7: {  	v4 =	vld [tilespmem:s24+$0x330];
	_ =	sdelay $0x4  }
0x1f8: {  	[tilespmem:s28+$0x19430] =	vst.add.f32.msk $0xffff, v4  }
0x1f9: {  	v4 =	vld [tilespmem:s24+$0x340];
	_ =	sdelay $0x4  }
0x1fa: {  	[tilespmem:s28+$0x19440] =	vst.add.f32.msk $0xffff, v4  }
0x1fb: {  	v4 =	vld [tilespmem:s24+$0x350];
	_ =	sdelay $0x4  }
0x1fc: {  	[tilespmem:s28+$0x19450] =	vst.add.f32.msk $0xffff, v4  }
0x1fd: {  	v4 =	vld [tilespmem:s24+$0x360];
	_ =	sdelay $0x1  }
0x1fe: {  	(v2sf) =	vpush v3, $0xF;
	_ =	sdelay $0x2  }
0x1ff: {  	[tilespmem:s28+$0x19460] =	vst.add.f32.msk $0xffff, v4  }
0x200: {  	v3 =	vld [tilespmem:s24+$0x370];
	_ =	sdelay $0x4  }
0x201: {  	[tilespmem:s28+$0x19470] =	vst.add.f32.msk $0xffff, v3  }
0x202: {  	[tilespmem:s31+$0x0] =	vst.add.f32.msk $0xffff, v2  }
0x203: {  	v3 =	vld [tilespmem:s24+$0x380];
	_ =	sdelay $0x3  }
0x204: {  	s31 =	spop (v2sf)  }
0x205: {  	[tilespmem:s31+$0x19400] =	vst.add.f32.msk $0xffff, v3  }
0x206: {  	v3 =	vld [tilespmem:s24+$0x390];
	_ =	sdelay $0x4  }
0x207: {  	[tilespmem:s31+$0x19410] =	vst.add.f32.msk $0xffff, v3  }
0x208: {  	v3 =	vld [tilespmem:s24+$0x3A0];
	_ =	sdelay $0x4  }
0x209: {  	[tilespmem:s31+$0x19420] =	vst.add.f32.msk $0xffff, v3  }
0x20a: {  	v3 =	vld [tilespmem:s24+$0x3B0];
	_ =	sdelay $0x4  }
0x20b: {  	[tilespmem:s31+$0x19430] =	vst.add.f32.msk $0xffff, v3  }
0x20c: {  	v3 =	vld [tilespmem:s24+$0x3C0];
	_ =	sdelay $0x4  }
0x20d: {  	[tilespmem:s31+$0x19440] =	vst.add.f32.msk $0xffff, v3  }
0x20e: {  	v3 =	vld [tilespmem:s24+$0x3D0];
	_ =	sdelay $0x4  }
0x20f: {  	[tilespmem:s31+$0x19450] =	vst.add.f32.msk $0xffff, v3  }
0x210: {  	v3 =	vld [tilespmem:s24+$0x3E0];
	_ =	sdelay $0x4  }
0x211: {  	[tilespmem:s31+$0x19460] =	vst.add.f32.msk $0xffff, v3  }
0x212: {  	p0 =	sne.s32 s26, $0x600;
	v3 =	vld [tilespmem:s24+$0x3F0]  }
.Ltmp9:
0x213: {  	_ = 	snop;
	(pc) =	sbr.rel @p0 .LBB2_10-.Ltmp9, $2  }
0x214: {  	_ =	sdelay $0x2  }
0x215: {  	s26 =	sadd.s32 $0x40, s26;
	s24 =	sadd.s32 $0x800, s24;
	[tilespmem:s31+$0x19470] =	vst.add.f32.msk $0xffff, v3  }
.LBB2_11:
0x216: {  	p0 =	seq.s32 s22, $0xC  }
0x217: {  	s23 =	sadd.s32 @!p0 s23, s8  }
0x218: {  	s24 =	sshll.u32 @!p0 s23, $0x4  }
0x219: {  	s24 =	sand.u32 @!p0 $0x1FFFFE00, s24  }
0x21a: {  	s25 =	simm.s32 @!p0 $0x0;
	s23 =	sshrl.u32 @!p0 s23, $0x3;
	s24 =	sadd.s32 @!p0 s1, s24  }
0x21b: {  	[tilespmem:s25], [sflag:$0x1] =	stream.linear.gather @!p0 [hbm4b:s24+s25], $0xC800, $0x38;
	[tilespmem:$0x1B800] =	vst v63  }
0x21c: {  	s23 =	sadd.s32 @!p0 s3, s23;
	s24 =	simm.s32 @!p0 $0x19000  }
0x21d: {  	[tilespmem:s24], [sflag:$0x1] =	stream.linear.gather @!p0 [hbm4b:s23+s25], $0x190, $0x38;
	[tilespmem:$0x1B800] =	vst v63  }
0x21e: {  	_ =	swait.ge [sflag:s16], $0xC800  }
0x21f: {  	[sflag:s16] =	ssyncset.done $0x0  }
0x220: {  	[sflag:s16] =	ssyncadd.s32 $0xFFFF3800  }
0x221: {  	_ =	swait.ge [sflag:s16], $0x190  }
0x222: {  	[sflag:s16] =	ssyncset.done $0x0  }
0x223: {  	[sflag:s16] =	ssyncadd.s32 $0xFFFFFE70  }
0x224: {  	v3 =	vld [tilespmem:$0x19200]  }
0x225: {  	v4 =	vld [tilespmem:$0x19380];
	_ =	sdelay $0x3  }
0x226: {  	(v2sf) =	vpush v3, $0x0  }
0x227: {  	(v2sf) =	vpush v4, $0xF;
	_ =	sdelay $0xd  }
0x228: {  	s25 =	spop (v2sf)  }
0x229: {  	s31 =	spop (v2sf)  }
0x22a: {  	p0 =	sne.s32 s25, s31  }
.Ltmp10:
0x22b: {  	_ = 	snop;
	(pc) =	sbr.rel @p0 .LBB2_15-.Ltmp10, $2  }
0x22c: {  	_ =	sdelay $0x2  }
0x22d: {  	v9 =	vimm.f32 $0.0e+00;
	s24 =	simm.s32 $0xCC00;
	s23 =	simm.s32 $0x0  }
0x22e: {  	s24 =	sshra.s32 s23, $0x2  }
0x22f: {  	v10 =	vld [tilespmem:s24+$0xCB80]  }
0x230: {  	v11 =	vld [tilespmem:s24+$0xCB90]  }
0x231: {  	v12 =	vld [tilespmem:s24+$0xCBA0]  }
0x232: {  	v13 =	vld [tilespmem:s24+$0xCBB0]  }
0x233: {  	v3 =	vld [tilespmem:s24+$0xCBC0]  }
0x234: {  	v4 =	vld [tilespmem:s24+$0xCBD0]  }
0x235: {  	v17 =	vld [tilespmem:s24+$0xCB00]  }
0x236: {  	v19 =	vld [tilespmem:s24+$0xCB10]  }
0x237: {  	v16 =	vld [tilespmem:s24+$0xCB20]  }
0x238: {  	v18 =	vld [tilespmem:s24+$0xCB30]  }
0x239: {  	v6 =	vld [tilespmem:s24+$0xCB40]  }
0x23a: {  	v5 =	vld [tilespmem:s24+$0xCB50]  }
0x23b: {  	v20 =	vld [tilespmem:s24+$0xCA80]  }
0x23c: {  	v21 =	vld [tilespmem:s24+$0xCA90]  }
0x23d: {  	v22 =	vld [tilespmem:s24+$0xCAA0]  }
0x23e: {  	v27 =	vld [tilespmem:s24+$0xCAB0]  }
0x23f: {  	v8 =	vld [tilespmem:s24+$0xCAC0]  }
0x240: {  	v7 =	vld [tilespmem:s24+$0xCAD0]  }
0x241: {  	v24 =	vld [tilespmem:s24+$0xCA00]  }
0x242: {  	v25 =	vld [tilespmem:s24+$0xCA10]  }
0x243: {  	v26 =	vld [tilespmem:s24+$0xCA20]  }
0x244: {  	v33 =	vld [tilespmem:s24+$0xCA30]  }
0x245: {  	v14 =	vld [tilespmem:s24+$0xCA40]  }
0x246: {  	v30 =	vld [tilespmem:s24+$0xC980]  }
0x247: {  	v31 =	vld [tilespmem:s24+$0xC990]  }
0x248: {  	v28 =	vld [tilespmem:s24+$0xC900]  }
0x249: {  	v29 =	vld [tilespmem:s24+$0xC910]  }
0x24a: {  	v15 =	vld [tilespmem:s24+$0xC880]  }
0x24b: {  	v23 =	vld [tilespmem:s24+$0xC890]  }
0x24c: {  	v32 =	vld [tilespmem:s24+$0xC800]  }
0x24d: {  	v34 =	vld [tilespmem:s24+$0xC810]  }
0x24e: {  	v35 =	vld [tilespmem:s24+$0xC820]  }
0x24f: {  	v36 =	vld [tilespmem:s24+$0xC830]  }
0x250: {  	v37 =	vld [tilespmem:s24+$0xC8A0]  }
0x251: {  	v38 =	vld [tilespmem:s24+$0xC8B0]  }
0x252: {  	v39 =	vld [tilespmem:s24+$0xC920]  }
0x253: {  	v40 =	vld [tilespmem:s24+$0xC930];
	v32 =	vadd.f32 v32, v9;
	v34 =	vadd.f32 v34, v9  }
0x254: {  	v41 =	vld [tilespmem:s24+$0xC9A0];
	v35 =	vadd.f32 v35, v9;
	v36 =	vadd.f32 v36, v9  }
0x255: {  	v42 =	vld [tilespmem:s24+$0xC9B0];
	v32 =	vadd.f32 v15, v32;
	v34 =	vadd.f32 v23, v34  }
0x256: {  	v15 =	vld [tilespmem:s24+$0xCA50];
	v35 =	vadd.f32 v37, v35;
	v36 =	vadd.f32 v38, v36  }
0x257: {  	v23 =	vld [tilespmem:s24+$0xC9C0];
	v32 =	vadd.f32 v28, v32;
	v34 =	vadd.f32 v29, v34  }
0x258: {  	v28 =	vld [tilespmem:s24+$0xC9D0];
	v35 =	vadd.f32 v39, v35;
	v36 =	vadd.f32 v40, v36  }
0x259: {  	v29 =	vld [tilespmem:s24+$0xC940];
	v32 =	vadd.f32 v30, v32;
	v34 =	vadd.f32 v31, v34  }
0x25a: {  	v30 =	vld [tilespmem:s24+$0xC950];
	v35 =	vadd.f32 v41, v35;
	v36 =	vadd.f32 v42, v36  }
0x25b: {  	v31 =	vld [tilespmem:s24+$0xC8C0];
	v24 =	vadd.f32 v24, v32;
	v25 =	vadd.f32 v25, v34  }
0x25c: {  	v32 =	vld [tilespmem:s24+$0xC8D0];
	v26 =	vadd.f32 v26, v35;
	v63 =	vadd.f32 v33, v36  }
0x25d: {  	v33 =	vld [tilespmem:s24+$0xC840];
	v24 =	vadd.f32 v20, v24;
	v25 =	vadd.f32 v21, v25  }
0x25e: {  	v34 =	vld [tilespmem:s24+$0xC850];
	v26 =	vadd.f32 v22, v26;
	v27 =	vadd.f32 v27, v63  }
0x25f: {  	s23 =	sadd.s32 $0x1000, s23;
	v35 =	vld [tilespmem:s24+$0xC860];
	v22 =	vimm.f32 $0.0e+00;
	v21 =	vimm.f32 $0.0e+00;
	v20 =	vimm.f32 $0.0e+00  }
.LBB2_13:
0x260: {  	p0 =	sne.s32 s23, $0x31000;
	v36 =	vld [tilespmem:s24+$0xC870];
	v17 =	vadd.f32 v17, v24;
	v19 =	vadd.f32 v19, v25  }
0x261: {  	v37 =	vld [tilespmem:s24+$0xC8E0];
	v16 =	vadd.f32 v16, v26;
	v18 =	vadd.f32 v18, v27  }
0x262: {  	v38 =	vld [tilespmem:s24+$0xC8F0];
	v24 =	vadd.f32 v10, v17;
	v25 =	vadd.f32 v11, v19  }
0x263: {  	v10 =	vld [tilespmem:s24+$0xC960];
	v26 =	vadd.f32 v12, v16;
	v27 =	vadd.f32 v13, v18  }
0x264: {  	v9 =	vadd.f32 v33, v9;
	v11 =	vadd.f32 v34, v22;
	v12 =	vld [tilespmem:s24+$0xC970]  }
0x265: {  	v13 =	vadd.f32 v35, v21;
	v16 =	vadd.f32 v36, v20;
	v17 =	vld [tilespmem:s24+$0xC9E0]  }
0x266: {  	v9 =	vadd.f32 v31, v9;
	v11 =	vadd.f32 v32, v11;
	v18 =	vld [tilespmem:s24+$0xC9F0]  }
0x267: {  	v13 =	vadd.f32 v37, v13;
	v16 =	vadd.f32 v38, v16;
	v19 =	vld [tilespmem:s24+$0xCA60]  }
0x268: {  	v9 =	vadd.f32 v29, v9;
	v11 =	vadd.f32 v30, v11;
	v20 =	vld [tilespmem:s24+$0xCA70]  }
0x269: {  	v10 =	vadd.f32 v10, v13;
	v12 =	vadd.f32 v12, v16;
	v13 =	vld [tilespmem:s24+$0xCAE0]  }
0x26a: {  	v9 =	vadd.f32 v23, v9;
	v11 =	vadd.f32 v28, v11;
	v16 =	vld [tilespmem:s24+$0xCAF0]  }
0x26b: {  	v10 =	vadd.f32 v17, v10;
	v12 =	vadd.f32 v18, v12;
	v17 =	vld [tilespmem:s24+$0xCB60]  }
0x26c: {  	v9 =	vadd.f32 v14, v9;
	v11 =	vadd.f32 v15, v11;
	v14 =	vld [tilespmem:s24+$0xCB70]  }
0x26d: {  	v15 =	vadd.f32 v19, v10;
	v12 =	vadd.f32 v20, v12;
	v18 =	vld [tilespmem:s24+$0xCBE0]  }
0x26e: {  	v8 =	vadd.f32 v8, v9;
	v7 =	vadd.f32 v7, v11;
	v19 =	vld [tilespmem:s24+$0xCBF0];
	s24 =	sshra.s32 s23, $0x2  }
0x26f: {  	v9 =	vadd.f32 v13, v15;
	v10 =	vld [tilespmem:s24+$0xCB80];
	v13 =	vadd.f32 v16, v12  }
0x270: {  	v6 =	vadd.f32 v6, v8;
	v5 =	vadd.f32 v5, v7;
	v11 =	vld [tilespmem:s24+$0xCB90]  }
0x271: {  	v7 =	vadd.f32 v17, v9;
	v12 =	vld [tilespmem:s24+$0xCBA0];
	v8 =	vadd.f32 v14, v13  }
0x272: {  	v9 =	vadd.f32 v3, v6;
	v22 =	vadd.f32 v4, v5;
	v13 =	vld [tilespmem:s24+$0xCBB0]  }
0x273: {  	v21 =	vadd.f32 v18, v7;
	v3 =	vld [tilespmem:s24+$0xCBC0];
	v20 =	vadd.f32 v19, v8  }
0x274: {  	v4 =	vld [tilespmem:s24+$0xCBD0]  }
0x275: {  	v17 =	vld [tilespmem:s24+$0xCB00]  }
0x276: {  	v19 =	vld [tilespmem:s24+$0xCB10]  }
0x277: {  	v16 =	vld [tilespmem:s24+$0xCB20]  }
0x278: {  	v18 =	vld [tilespmem:s24+$0xCB30]  }
0x279: {  	v6 =	vld [tilespmem:s24+$0xCB40]  }
0x27a: {  	v5 =	vld [tilespmem:s24+$0xCB50]  }
0x27b: {  	v35 =	vld [tilespmem:s24+$0xCA80]  }
0x27c: {  	v36 =	vld [tilespmem:s24+$0xCA90]  }
0x27d: {  	v37 =	vld [tilespmem:s24+$0xCAA0]  }
0x27e: {  	v38 =	vld [tilespmem:s24+$0xCAB0]  }
0x27f: {  	v8 =	vld [tilespmem:s24+$0xCAC0]  }
0x280: {  	v7 =	vld [tilespmem:s24+$0xCAD0]  }
0x281: {  	v33 =	vld [tilespmem:s24+$0xCA00]  }
0x282: {  	v34 =	vld [tilespmem:s24+$0xCA10]  }
0x283: {  	v39 =	vld [tilespmem:s24+$0xCA20]  }
0x284: {  	v40 =	vld [tilespmem:s24+$0xCA30]  }
0x285: {  	v14 =	vld [tilespmem:s24+$0xCA40]  }
0x286: {  	v15 =	vld [tilespmem:s24+$0xCA50]  }
0x287: {  	v31 =	vld [tilespmem:s24+$0xC980]  }
0x288: {  	v32 =	vld [tilespmem:s24+$0xC990]  }
0x289: {  	v28 =	vld [tilespmem:s24+$0xC900]  }
0x28a: {  	v29 =	vld [tilespmem:s24+$0xC910]  }
0x28b: {  	v23 =	vld [tilespmem:s24+$0xC880]  }
0x28c: {  	v30 =	vld [tilespmem:s24+$0xC890]  }
0x28d: {  	v41 =	vld [tilespmem:s24+$0xC800]  }
0x28e: {  	v42 =	vld [tilespmem:s24+$0xC810]  }
0x28f: {  	v43 =	vld [tilespmem:s24+$0xC820]  }
0x290: {  	v44 =	vld [tilespmem:s24+$0xC830]  }
0x291: {  	v45 =	vld [tilespmem:s24+$0xC8A0]  }
0x292: {  	v46 =	vld [tilespmem:s24+$0xC8B0]  }
0x293: {  	v47 =	vld [tilespmem:s24+$0xC920]  }
0x294: {  	v24 =	vadd.f32 v41, v24;
	v25 =	vadd.f32 v42, v25;
	v41 =	vld [tilespmem:s24+$0xC930]  }
0x295: {  	v26 =	vadd.f32 v43, v26;
	v27 =	vadd.f32 v44, v27;
	v42 =	vld [tilespmem:s24+$0xC9A0]  }
0x296: {  	v24 =	vadd.f32 v23, v24;
	v25 =	vadd.f32 v30, v25;
	v43 =	vld [tilespmem:s24+$0xC9B0]  }
0x297: {  	v26 =	vadd.f32 v45, v26;
	v27 =	vadd.f32 v46, v27;
	v23 =	vld [tilespmem:s24+$0xC9C0]  }
0x298: {  	v24 =	vadd.f32 v28, v24;
	v25 =	vadd.f32 v29, v25;
	v28 =	vld [tilespmem:s24+$0xC9D0]  }
0x299: {  	v26 =	vadd.f32 v47, v26;
	v27 =	vadd.f32 v41, v27;
	v29 =	vld [tilespmem:s24+$0xC940]  }
0x29a: {  	v24 =	vadd.f32 v31, v24;
	v25 =	vadd.f32 v32, v25;
	v30 =	vld [tilespmem:s24+$0xC950]  }
.Ltmp11:
0x29b: {  	v26 =	vadd.f32 v42, v26;
	v31 =	vld [tilespmem:s24+$0xC8C0];
	v27 =	vadd.f32 v43, v27;
	(pc) =	sbr.rel @p0 .LBB2_13-.Ltmp11, $4  }
0x29c: {  	v24 =	vadd.f32 v33, v24;
	v25 =	vadd.f32 v34, v25;
	v32 =	vld [tilespmem:s24+$0xC8D0]  }
0x29d: {  	v26 =	vadd.f32 v39, v26;
	v33 =	vld [tilespmem:s24+$0xC840];
	v27 =	vadd.f32 v40, v27  }
0x29e: {  	v24 =	vadd.f32 v35, v24;
	v25 =	vadd.f32 v36, v25;
	v34 =	vld [tilespmem:s24+$0xC850]  }
0x29f: {  	s23 =	sadd.s32 $0x1000, s23;
	v26 =	vadd.f32 v37, v26;
	v35 =	vld [tilespmem:s24+$0xC860];
	v27 =	vadd.f32 v38, v27  }
0x2a0: {  	v36 =	vld [tilespmem:s24+$0xC870];
	v17 =	vadd.f32 v17, v24;
	v19 =	vadd.f32 v19, v25  }
0x2a1: {  	v42 =	vld [tilespmem:s24+$0xC8E0];
	v16 =	vadd.f32 v16, v26;
	v18 =	vadd.f32 v18, v27  }
0x2a2: {  	v43 =	vld [tilespmem:s24+$0xC8F0];
	v10 =	vadd.f32 v10, v17;
	v11 =	vadd.f32 v11, v19  }
0x2a3: {  	v44 =	vld [tilespmem:s24+$0xC960];
	v9 =	vadd.f32 v33, v9;
	v12 =	vadd.f32 v12, v16  }
0x2a4: {  	v46 =	vld [tilespmem:s24+$0xC970];
	v13 =	vadd.f32 v13, v18;
	v45 =	vadd.f32 v34, v22  }
0x2a5: {  	v48 =	vld [tilespmem:s24+$0xC9E0];
	v47 =	vadd.f32 v35, v21;
	v9 =	vadd.f32 v31, v9  }
0x2a6: {  	v49 =	vld [tilespmem:s24+$0xC9F0];
	v20 =	vadd.f32 v36, v20;
	v16 =	vadd.f32 v32, v45  }
0x2a7: {  	v50 =	vld [tilespmem:s24+$0xCA60];
	v19 =	vadd.f32 v42, v47;
	v9 =	vadd.f32 v29, v9  }
0x2a8: {  	v51 =	vld [tilespmem:s24+$0xCA70];
	v20 =	vadd.f32 v43, v20;
	v16 =	vadd.f32 v30, v16  }
0x2a9: {  	v52 =	vld [tilespmem:s24+$0xCAE0];
	v17 =	vadd.f32 v44, v19;
	v9 =	vadd.f32 v23, v9  }
0x2aa: {  	v53 =	vld [tilespmem:s24+$0xCAF0];
	v18 =	vadd.f32 v46, v20;
	v16 =	vadd.f32 v28, v16  }
0x2ab: {  	v54 =	vld [tilespmem:s24+$0xCB60];
	v17 =	vadd.f32 v48, v17;
	v9 =	vadd.f32 v14, v9  }
0x2ac: {  	v56 =	vld [tilespmem:s24+$0xCB70];
	v55 =	vadd.f32 v49, v18;
	v15 =	vadd.f32 v15, v16  }
0x2ad: {  	v57 =	vld [tilespmem:s24+$0xCBE0];
	s23 =	sshll.u32 s25, $0x9;
	v17 =	vadd.f32 v50, v17;
	v8 =	vadd.f32 v8, v9  }
0x2ae: {  	v58 =	vld [tilespmem:s24+$0xCBF0];
	s23 =	sshra.s32 s23, $0x2;
	v14 =	vadd.f32 v51, v55;
	v7 =	vadd.f32 v7, v15  }
0x2af: {  	[tilespmem:s23+$0x19400] =	vst.add.f32.msk $0xffff, v10;
	v59 =	vadd.f32 v52, v17;
	v6 =	vadd.f32 v6, v8  }
0x2b0: {  	[tilespmem:s23+$0x19410] =	vst.add.f32.msk $0xffff, v11;
	v60 =	vadd.f32 v53, v14;
	v5 =	vadd.f32 v5, v7  }
0x2b1: {  	[tilespmem:s23+$0x19420] =	vst.add.f32.msk $0xffff, v12;
	v61 =	vadd.f32 v54, v59;
	v3 =	vadd.f32 v3, v6  }
0x2b2: {  	[tilespmem:s23+$0x19430] =	vst.add.f32.msk $0xffff, v13;
	v62 =	vadd.f32 v56, v60;
	v4 =	vadd.f32 v4, v5  }
.Ltmp12:
0x2b3: {  	v63 =	vadd.f32 v57, v61;
	[tilespmem:s23+$0x19440] =	vst.add.f32.msk $0xffff, v3;
	(pc) =	sbr.rel .LBB2_16-.Ltmp12, $4  }
0x2b4: {  	v3 =	vadd.f32 v58, v62;
	[tilespmem:s23+$0x19450] =	vst.add.f32.msk $0xffff, v4  }
0x2b5: {  	s30 =	sshll.u32 s25, $0x6;
	[tilespmem:s23+$0x19460] =	vst.add.f32.msk $0xffff, v63  }
0x2b6: {  	s31 =	sshra.s32 s30, $0x2;
	[tilespmem:s23+$0x19470] =	vst.add.f32.msk $0xffff, v3  }
0x2b7: {  	[tilespmem:s31+$0x1B400] =	vst.add.f32.msk $0xffff, v1  }
.LBB2_15:
0x2b8: {  	s25 =	sshra.s32 s23, $0x2  }
0x2b9: {  	v4 =	vld [tilespmem:s25+$0x19200];
	_ =	sdelay $0x4  }
0x2ba: {  	v3 =	vshll.u32 v4, $0x7;
	v4 =	vshll.u32 v4, $0x4  }
0x2bb: {  	(v2sf) =	vpush v3, $0x0;
	v4 =	vadd.s32 $0x1B400, v4  }
0x2bc: {  	(v2sf) =	vpush v4, $0x1  }
0x2bd: {  	(v2sf) =	vpush v4, $0x0;
	_ =	sdelay $0xc  }
0x2be: {  	s31 =	spop (v2sf)  }
0x2bf: {  	s26 =	spop (v2sf)  }
0x2c0: {  	s28 =	spop (v2sf)  }
0x2c1: {  	[tilespmem:s28+$0x0] =	vst.add.f32.msk $0xffff, v2  }
0x2c2: {  	v5 =	vld [tilespmem:s24+$0xFFFFFC00];
	_ =	sdelay $0x4  }
0x2c3: {  	[tilespmem:s31+$0x19400] =	vst.add.f32.msk $0xffff, v5  }
0x2c4: {  	v5 =	vld [tilespmem:s24+$0xFFFFFC10];
	_ =	sdelay $0x4  }
0x2c5: {  	[tilespmem:s31+$0x19410] =	vst.add.f32.msk $0xffff, v5  }
0x2c6: {  	v5 =	vld [tilespmem:s24+$0xFFFFFC20];
	_ =	sdelay $0x4  }
0x2c7: {  	[tilespmem:s31+$0x19420] =	vst.add.f32.msk $0xffff, v5  }
0x2c8: {  	v5 =	vld [tilespmem:s24+$0xFFFFFC30];
	_ =	sdelay $0x4  }
0x2c9: {  	[tilespmem:s31+$0x19430] =	vst.add.f32.msk $0xffff, v5  }
0x2ca: {  	v5 =	vld [tilespmem:s24+$0xFFFFFC40];
	_ =	sdelay $0x4  }
0x2cb: {  	[tilespmem:s31+$0x19440] =	vst.add.f32.msk $0xffff, v5  }
0x2cc: {  	v5 =	vld [tilespmem:s24+$0xFFFFFC50];
	_ =	sdelay $0x4  }
0x2cd: {  	[tilespmem:s31+$0x19450] =	vst.add.f32.msk $0xffff, v5  }
0x2ce: {  	v5 =	vld [tilespmem:s24+$0xFFFFFC60];
	_ =	sdelay $0x1  }
0x2cf: {  	(v2sf) =	vpush v3, $0x1;
	_ =	sdelay $0x2  }
0x2d0: {  	[tilespmem:s31+$0x19460] =	vst.add.f32.msk $0xffff, v5  }
0x2d1: {  	v5 =	vld [tilespmem:s24+$0xFFFFFC70];
	_ =	sdelay $0x4  }
0x2d2: {  	[tilespmem:s31+$0x19470] =	vst.add.f32.msk $0xffff, v5  }
0x2d3: {  	[tilespmem:s26+$0x0] =	vst.add.f32.msk $0xffff, v2  }
0x2d4: {  	v5 =	vld [tilespmem:s24+$0xFFFFFC80];
	_ =	sdelay $0x3  }
0x2d5: {  	s26 =	spop (v2sf)  }
0x2d6: {  	[tilespmem:s26+$0x19400] =	vst.add.f32.msk $0xffff, v5  }
0x2d7: {  	v5 =	vld [tilespmem:s24+$0xFFFFFC90];
	_ =	sdelay $0x4  }
0x2d8: {  	[tilespmem:s26+$0x19410] =	vst.add.f32.msk $0xffff, v5  }
0x2d9: {  	v5 =	vld [tilespmem:s24+$0xFFFFFCA0];
	_ =	sdelay $0x4  }
0x2da: {  	[tilespmem:s26+$0x19420] =	vst.add.f32.msk $0xffff, v5  }
0x2db: {  	v5 =	vld [tilespmem:s24+$0xFFFFFCB0];
	_ =	sdelay $0x4  }
0x2dc: {  	[tilespmem:s26+$0x19430] =	vst.add.f32.msk $0xffff, v5  }
0x2dd: {  	v5 =	vld [tilespmem:s24+$0xFFFFFCC0];
	_ =	sdelay $0x4  }
0x2de: {  	[tilespmem:s26+$0x19440] =	vst.add.f32.msk $0xffff, v5  }
0x2df: {  	(v2sf) =	vpush v3, $0x2;
	v5 =	vld [tilespmem:s24+$0xFFFFFCD0]  }
0x2e0: {  	(v2sf) =	vpush v4, $0x3  }
0x2e1: {  	(v2sf) =	vpush v4, $0x2;
	_ =	sdelay $0x2  }
0x2e2: {  	[tilespmem:s26+$0x19450] =	vst.add.f32.msk $0xffff, v5  }
0x2e3: {  	v5 =	vld [tilespmem:s24+$0xFFFFFCE0];
	_ =	sdelay $0x4  }
0x2e4: {  	[tilespmem:s26+$0x19460] =	vst.add.f32.msk $0xffff, v5  }
0x2e5: {  	v5 =	vld [tilespmem:s24+$0xFFFFFCF0];
	_ =	sdelay $0x2  }
0x2e6: {  	s29 =	spop (v2sf)  }
0x2e7: {  	s30 =	spop (v2sf)  }
0x2e8: {  	s31 =	spop (v2sf);
	[tilespmem:s26+$0x19470] =	vst.add.f32.msk $0xffff, v5  }
0x2e9: {  	[tilespmem:s31+$0x0] =	vst.add.f32.msk $0xffff, v2  }
0x2ea: {  	v5 =	vld [tilespmem:s24+$0xFFFFFD00];
	_ =	sdelay $0x4  }
0x2eb: {  	[tilespmem:s29+$0x19400] =	vst.add.f32.msk $0xffff, v5  }
0x2ec: {  	v5 =	vld [tilespmem:s24+$0xFFFFFD10];
	_ =	sdelay $0x4  }
0x2ed: {  	[tilespmem:s29+$0x19410] =	vst.add.f32.msk $0xffff, v5  }
0x2ee: {  	v5 =	vld [tilespmem:s24+$0xFFFFFD20];
	_ =	sdelay $0x4  }
0x2ef: {  	[tilespmem:s29+$0x19420] =	vst.add.f32.msk $0xffff, v5  }
0x2f0: {  	v5 =	vld [tilespmem:s24+$0xFFFFFD30];
	_ =	sdelay $0x4  }
0x2f1: {  	[tilespmem:s29+$0x19430] =	vst.add.f32.msk $0xffff, v5  }
0x2f2: {  	v5 =	vld [tilespmem:s24+$0xFFFFFD40];
	_ =	sdelay $0x4  }
0x2f3: {  	[tilespmem:s29+$0x19440] =	vst.add.f32.msk $0xffff, v5  }
0x2f4: {  	v5 =	vld [tilespmem:s24+$0xFFFFFD50];
	_ =	sdelay $0x4  }
0x2f5: {  	[tilespmem:s29+$0x19450] =	vst.add.f32.msk $0xffff, v5  }
0x2f6: {  	v5 =	vld [tilespmem:s24+$0xFFFFFD60];
	_ =	sdelay $0x1  }
0x2f7: {  	(v2sf) =	vpush v3, $0x3;
	_ =	sdelay $0x2  }
0x2f8: {  	[tilespmem:s29+$0x19460] =	vst.add.f32.msk $0xffff, v5  }
0x2f9: {  	v5 =	vld [tilespmem:s24+$0xFFFFFD70];
	_ =	sdelay $0x4  }
0x2fa: {  	[tilespmem:s29+$0x19470] =	vst.add.f32.msk $0xffff, v5  }
0x2fb: {  	[tilespmem:s30+$0x0] =	vst.add.f32.msk $0xffff, v2  }
0x2fc: {  	v5 =	vld [tilespmem:s24+$0xFFFFFD80];
	_ =	sdelay $0x3  }
0x2fd: {  	s26 =	spop (v2sf)  }
0x2fe: {  	[tilespmem:s26+$0x19400] =	vst.add.f32.msk $0xffff, v5  }
0x2ff: {  	v5 =	vld [tilespmem:s24+$0xFFFFFD90];
	_ =	sdelay $0x4  }
0x300: {  	[tilespmem:s26+$0x19410] =	vst.add.f32.msk $0xffff, v5  }
0x301: {  	v5 =	vld [tilespmem:s24+$0xFFFFFDA0];
	_ =	sdelay $0x4  }
0x302: {  	[tilespmem:s26+$0x19420] =	vst.add.f32.msk $0xffff, v5  }
0x303: {  	v5 =	vld [tilespmem:s24+$0xFFFFFDB0];
	_ =	sdelay $0x4  }
0x304: {  	[tilespmem:s26+$0x19430] =	vst.add.f32.msk $0xffff, v5  }
0x305: {  	v5 =	vld [tilespmem:s24+$0xFFFFFDC0];
	_ =	sdelay $0x4  }
0x306: {  	[tilespmem:s26+$0x19440] =	vst.add.f32.msk $0xffff, v5  }
0x307: {  	(v2sf) =	vpush v3, $0x4;
	v5 =	vld [tilespmem:s24+$0xFFFFFDD0]  }
0x308: {  	(v2sf) =	vpush v4, $0x5  }
0x309: {  	(v2sf) =	vpush v4, $0x4;
	_ =	sdelay $0x2  }
0x30a: {  	[tilespmem:s26+$0x19450] =	vst.add.f32.msk $0xffff, v5  }
0x30b: {  	v5 =	vld [tilespmem:s24+$0xFFFFFDE0];
	_ =	sdelay $0x4  }
0x30c: {  	[tilespmem:s26+$0x19460] =	vst.add.f32.msk $0xffff, v5  }
0x30d: {  	v5 =	vld [tilespmem:s24+$0xFFFFFDF0];
	_ =	sdelay $0x2  }
0x30e: {  	s29 =	spop (v2sf)  }
0x30f: {  	s30 =	spop (v2sf)  }
0x310: {  	s31 =	spop (v2sf);
	[tilespmem:s26+$0x19470] =	vst.add.f32.msk $0xffff, v5  }
0x311: {  	[tilespmem:s31+$0x0] =	vst.add.f32.msk $0xffff, v2  }
0x312: {  	v5 =	vld [tilespmem:s24+$0xFFFFFE00];
	_ =	sdelay $0x4  }
0x313: {  	[tilespmem:s29+$0x19400] =	vst.add.f32.msk $0xffff, v5  }
0x314: {  	v5 =	vld [tilespmem:s24+$0xFFFFFE10];
	_ =	sdelay $0x4  }
0x315: {  	[tilespmem:s29+$0x19410] =	vst.add.f32.msk $0xffff, v5  }
0x316: {  	v5 =	vld [tilespmem:s24+$0xFFFFFE20];
	_ =	sdelay $0x4  }
0x317: {  	[tilespmem:s29+$0x19420] =	vst.add.f32.msk $0xffff, v5  }
0x318: {  	v5 =	vld [tilespmem:s24+$0xFFFFFE30];
	_ =	sdelay $0x4  }
0x319: {  	[tilespmem:s29+$0x19430] =	vst.add.f32.msk $0xffff, v5  }
0x31a: {  	v5 =	vld [tilespmem:s24+$0xFFFFFE40];
	_ =	sdelay $0x4  }
0x31b: {  	[tilespmem:s29+$0x19440] =	vst.add.f32.msk $0xffff, v5  }
0x31c: {  	v5 =	vld [tilespmem:s24+$0xFFFFFE50];
	_ =	sdelay $0x4  }
0x31d: {  	[tilespmem:s29+$0x19450] =	vst.add.f32.msk $0xffff, v5  }
0x31e: {  	v5 =	vld [tilespmem:s24+$0xFFFFFE60];
	_ =	sdelay $0x1  }
0x31f: {  	(v2sf) =	vpush v3, $0x5;
	_ =	sdelay $0x2  }
0x320: {  	[tilespmem:s29+$0x19460] =	vst.add.f32.msk $0xffff, v5  }
0x321: {  	v5 =	vld [tilespmem:s24+$0xFFFFFE70];
	_ =	sdelay $0x4  }
0x322: {  	[tilespmem:s29+$0x19470] =	vst.add.f32.msk $0xffff, v5  }
0x323: {  	[tilespmem:s30+$0x0] =	vst.add.f32.msk $0xffff, v2  }
0x324: {  	v5 =	vld [tilespmem:s24+$0xFFFFFE80];
	_ =	sdelay $0x3  }
0x325: {  	s26 =	spop (v2sf)  }
0x326: {  	[tilespmem:s26+$0x19400] =	vst.add.f32.msk $0xffff, v5  }
0x327: {  	v5 =	vld [tilespmem:s24+$0xFFFFFE90];
	_ =	sdelay $0x4  }
0x328: {  	[tilespmem:s26+$0x19410] =	vst.add.f32.msk $0xffff, v5  }
0x329: {  	v5 =	vld [tilespmem:s24+$0xFFFFFEA0];
	_ =	sdelay $0x4  }
0x32a: {  	[tilespmem:s26+$0x19420] =	vst.add.f32.msk $0xffff, v5  }
0x32b: {  	v5 =	vld [tilespmem:s24+$0xFFFFFEB0];
	_ =	sdelay $0x4  }
0x32c: {  	[tilespmem:s26+$0x19430] =	vst.add.f32.msk $0xffff, v5  }
0x32d: {  	v5 =	vld [tilespmem:s24+$0xFFFFFEC0];
	_ =	sdelay $0x4  }
0x32e: {  	[tilespmem:s26+$0x19440] =	vst.add.f32.msk $0xffff, v5  }
0x32f: {  	(v2sf) =	vpush v3, $0x6;
	v5 =	vld [tilespmem:s24+$0xFFFFFED0]  }
0x330: {  	(v2sf) =	vpush v4, $0x7  }
0x331: {  	(v2sf) =	vpush v4, $0x6;
	_ =	sdelay $0x2  }
0x332: {  	[tilespmem:s26+$0x19450] =	vst.add.f32.msk $0xffff, v5  }
0x333: {  	v5 =	vld [tilespmem:s24+$0xFFFFFEE0];
	_ =	sdelay $0x4  }
0x334: {  	[tilespmem:s26+$0x19460] =	vst.add.f32.msk $0xffff, v5  }
0x335: {  	v5 =	vld [tilespmem:s24+$0xFFFFFEF0];
	_ =	sdelay $0x2  }
0x336: {  	s29 =	spop (v2sf)  }
0x337: {  	s30 =	spop (v2sf)  }
0x338: {  	s31 =	spop (v2sf);
	[tilespmem:s26+$0x19470] =	vst.add.f32.msk $0xffff, v5  }
0x339: {  	[tilespmem:s31+$0x0] =	vst.add.f32.msk $0xffff, v2  }
0x33a: {  	v5 =	vld [tilespmem:s24+$0xFFFFFF00];
	_ =	sdelay $0x4  }
0x33b: {  	[tilespmem:s29+$0x19400] =	vst.add.f32.msk $0xffff, v5  }
0x33c: {  	v5 =	vld [tilespmem:s24+$0xFFFFFF10];
	_ =	sdelay $0x4  }
0x33d: {  	[tilespmem:s29+$0x19410] =	vst.add.f32.msk $0xffff, v5  }
0x33e: {  	v5 =	vld [tilespmem:s24+$0xFFFFFF20];
	_ =	sdelay $0x4  }
0x33f: {  	[tilespmem:s29+$0x19420] =	vst.add.f32.msk $0xffff, v5  }
0x340: {  	v5 =	vld [tilespmem:s24+$0xFFFFFF30];
	_ =	sdelay $0x4  }
0x341: {  	[tilespmem:s29+$0x19430] =	vst.add.f32.msk $0xffff, v5  }
0x342: {  	v5 =	vld [tilespmem:s24+$0xFFFFFF40];
	_ =	sdelay $0x4  }
0x343: {  	[tilespmem:s29+$0x19440] =	vst.add.f32.msk $0xffff, v5  }
0x344: {  	v5 =	vld [tilespmem:s24+$0xFFFFFF50];
	_ =	sdelay $0x4  }
0x345: {  	[tilespmem:s29+$0x19450] =	vst.add.f32.msk $0xffff, v5  }
0x346: {  	v5 =	vld [tilespmem:s24+$0xFFFFFF60];
	_ =	sdelay $0x1  }
0x347: {  	(v2sf) =	vpush v3, $0x7;
	_ =	sdelay $0x2  }
0x348: {  	[tilespmem:s29+$0x19460] =	vst.add.f32.msk $0xffff, v5  }
0x349: {  	v5 =	vld [tilespmem:s24+$0xFFFFFF70];
	_ =	sdelay $0x4  }
0x34a: {  	[tilespmem:s29+$0x19470] =	vst.add.f32.msk $0xffff, v5  }
0x34b: {  	[tilespmem:s30+$0x0] =	vst.add.f32.msk $0xffff, v2  }
0x34c: {  	v5 =	vld [tilespmem:s24+$0xFFFFFF80];
	_ =	sdelay $0x3  }
0x34d: {  	s26 =	spop (v2sf)  }
0x34e: {  	[tilespmem:s26+$0x19400] =	vst.add.f32.msk $0xffff, v5  }
0x34f: {  	v5 =	vld [tilespmem:s24+$0xFFFFFF90];
	_ =	sdelay $0x4  }
0x350: {  	[tilespmem:s26+$0x19410] =	vst.add.f32.msk $0xffff, v5  }
0x351: {  	v5 =	vld [tilespmem:s24+$0xFFFFFFA0];
	_ =	sdelay $0x4  }
0x352: {  	[tilespmem:s26+$0x19420] =	vst.add.f32.msk $0xffff, v5  }
0x353: {  	v5 =	vld [tilespmem:s24+$0xFFFFFFB0];
	_ =	sdelay $0x4  }
0x354: {  	[tilespmem:s26+$0x19430] =	vst.add.f32.msk $0xffff, v5  }
0x355: {  	v5 =	vld [tilespmem:s24+$0xFFFFFFC0];
	_ =	sdelay $0x4  }
0x356: {  	[tilespmem:s26+$0x19440] =	vst.add.f32.msk $0xffff, v5  }
0x357: {  	(v2sf) =	vpush v3, $0x8;
	v5 =	vld [tilespmem:s24+$0xFFFFFFD0]  }
0x358: {  	(v2sf) =	vpush v4, $0x9  }
0x359: {  	(v2sf) =	vpush v4, $0x8;
	_ =	sdelay $0x2  }
0x35a: {  	[tilespmem:s26+$0x19450] =	vst.add.f32.msk $0xffff, v5  }
0x35b: {  	v5 =	vld [tilespmem:s24+$0xFFFFFFE0];
	_ =	sdelay $0x4  }
0x35c: {  	[tilespmem:s26+$0x19460] =	vst.add.f32.msk $0xffff, v5  }
0x35d: {  	v5 =	vld [tilespmem:s24+$0xFFFFFFF0];
	_ =	sdelay $0x2  }
0x35e: {  	s29 =	spop (v2sf)  }
0x35f: {  	s30 =	spop (v2sf)  }
0x360: {  	s31 =	spop (v2sf);
	[tilespmem:s26+$0x19470] =	vst.add.f32.msk $0xffff, v5  }
0x361: {  	[tilespmem:s31+$0x0] =	vst.add.f32.msk $0xffff, v2  }
0x362: {  	v5 =	vld [tilespmem:s24+$0x0];
	_ =	sdelay $0x4  }
0x363: {  	[tilespmem:s29+$0x19400] =	vst.add.f32.msk $0xffff, v5  }
0x364: {  	v5 =	vld [tilespmem:s24+$0x10];
	_ =	sdelay $0x4  }
0x365: {  	[tilespmem:s29+$0x19410] =	vst.add.f32.msk $0xffff, v5  }
0x366: {  	v5 =	vld [tilespmem:s24+$0x20];
	_ =	sdelay $0x4  }
0x367: {  	[tilespmem:s29+$0x19420] =	vst.add.f32.msk $0xffff, v5  }
0x368: {  	v5 =	vld [tilespmem:s24+$0x30];
	_ =	sdelay $0x4  }
0x369: {  	[tilespmem:s29+$0x19430] =	vst.add.f32.msk $0xffff, v5  }
0x36a: {  	v5 =	vld [tilespmem:s24+$0x40];
	_ =	sdelay $0x4  }
0x36b: {  	[tilespmem:s29+$0x19440] =	vst.add.f32.msk $0xffff, v5  }
0x36c: {  	v5 =	vld [tilespmem:s24+$0x50];
	_ =	sdelay $0x4  }
0x36d: {  	[tilespmem:s29+$0x19450] =	vst.add.f32.msk $0xffff, v5  }
0x36e: {  	v5 =	vld [tilespmem:s24+$0x60];
	_ =	sdelay $0x1  }
0x36f: {  	(v2sf) =	vpush v3, $0x9;
	_ =	sdelay $0x2  }
0x370: {  	[tilespmem:s29+$0x19460] =	vst.add.f32.msk $0xffff, v5  }
0x371: {  	v5 =	vld [tilespmem:s24+$0x70];
	_ =	sdelay $0x4  }
0x372: {  	[tilespmem:s29+$0x19470] =	vst.add.f32.msk $0xffff, v5  }
0x373: {  	[tilespmem:s30+$0x0] =	vst.add.f32.msk $0xffff, v2  }
0x374: {  	v5 =	vld [tilespmem:s24+$0x80];
	_ =	sdelay $0x3  }
0x375: {  	s26 =	spop (v2sf)  }
0x376: {  	[tilespmem:s26+$0x19400] =	vst.add.f32.msk $0xffff, v5  }
0x377: {  	v5 =	vld [tilespmem:s24+$0x90];
	_ =	sdelay $0x4  }
0x378: {  	[tilespmem:s26+$0x19410] =	vst.add.f32.msk $0xffff, v5  }
0x379: {  	v5 =	vld [tilespmem:s24+$0xA0];
	_ =	sdelay $0x4  }
0x37a: {  	[tilespmem:s26+$0x19420] =	vst.add.f32.msk $0xffff, v5  }
0x37b: {  	v5 =	vld [tilespmem:s24+$0xB0];
	_ =	sdelay $0x4  }
0x37c: {  	[tilespmem:s26+$0x19430] =	vst.add.f32.msk $0xffff, v5  }
0x37d: {  	v5 =	vld [tilespmem:s24+$0xC0];
	_ =	sdelay $0x4  }
0x37e: {  	[tilespmem:s26+$0x19440] =	vst.add.f32.msk $0xffff, v5  }
0x37f: {  	(v2sf) =	vpush v3, $0xA;
	v5 =	vld [tilespmem:s24+$0xD0]  }
0x380: {  	(v2sf) =	vpush v4, $0xB  }
0x381: {  	(v2sf) =	vpush v4, $0xA;
	_ =	sdelay $0x2  }
0x382: {  	[tilespmem:s26+$0x19450] =	vst.add.f32.msk $0xffff, v5  }
0x383: {  	v5 =	vld [tilespmem:s24+$0xE0];
	_ =	sdelay $0x4  }
0x384: {  	[tilespmem:s26+$0x19460] =	vst.add.f32.msk $0xffff, v5  }
0x385: {  	v5 =	vld [tilespmem:s24+$0xF0];
	_ =	sdelay $0x2  }
0x386: {  	s29 =	spop (v2sf)  }
0x387: {  	s30 =	spop (v2sf)  }
0x388: {  	s31 =	spop (v2sf);
	[tilespmem:s26+$0x19470] =	vst.add.f32.msk $0xffff, v5  }
0x389: {  	[tilespmem:s31+$0x0] =	vst.add.f32.msk $0xffff, v2  }
0x38a: {  	v5 =	vld [tilespmem:s24+$0x100];
	_ =	sdelay $0x4  }
0x38b: {  	[tilespmem:s29+$0x19400] =	vst.add.f32.msk $0xffff, v5  }
0x38c: {  	v5 =	vld [tilespmem:s24+$0x110];
	_ =	sdelay $0x4  }
0x38d: {  	[tilespmem:s29+$0x19410] =	vst.add.f32.msk $0xffff, v5  }
0x38e: {  	v5 =	vld [tilespmem:s24+$0x120];
	_ =	sdelay $0x4  }
0x38f: {  	[tilespmem:s29+$0x19420] =	vst.add.f32.msk $0xffff, v5  }
0x390: {  	v5 =	vld [tilespmem:s24+$0x130];
	_ =	sdelay $0x4  }
0x391: {  	[tilespmem:s29+$0x19430] =	vst.add.f32.msk $0xffff, v5  }
0x392: {  	v5 =	vld [tilespmem:s24+$0x140];
	_ =	sdelay $0x4  }
0x393: {  	[tilespmem:s29+$0x19440] =	vst.add.f32.msk $0xffff, v5  }
0x394: {  	v5 =	vld [tilespmem:s24+$0x150];
	_ =	sdelay $0x4  }
0x395: {  	[tilespmem:s29+$0x19450] =	vst.add.f32.msk $0xffff, v5  }
0x396: {  	v5 =	vld [tilespmem:s24+$0x160];
	_ =	sdelay $0x1  }
0x397: {  	(v2sf) =	vpush v3, $0xB;
	_ =	sdelay $0x2  }
0x398: {  	[tilespmem:s29+$0x19460] =	vst.add.f32.msk $0xffff, v5  }
0x399: {  	v5 =	vld [tilespmem:s24+$0x170];
	_ =	sdelay $0x4  }
0x39a: {  	[tilespmem:s29+$0x19470] =	vst.add.f32.msk $0xffff, v5  }
0x39b: {  	[tilespmem:s30+$0x0] =	vst.add.f32.msk $0xffff, v2  }
0x39c: {  	v5 =	vld [tilespmem:s24+$0x180];
	_ =	sdelay $0x3  }
0x39d: {  	s29 =	spop (v2sf)  }
0x39e: {  	[tilespmem:s29+$0x19400] =	vst.add.f32.msk $0xffff, v5  }
0x39f: {  	v5 =	vld [tilespmem:s24+$0x190];
	_ =	sdelay $0x4  }
0x3a0: {  	[tilespmem:s29+$0x19410] =	vst.add.f32.msk $0xffff, v5  }
0x3a1: {  	v5 =	vld [tilespmem:s24+$0x1A0];
	_ =	sdelay $0x4  }
0x3a2: {  	[tilespmem:s29+$0x19420] =	vst.add.f32.msk $0xffff, v5  }
0x3a3: {  	v5 =	vld [tilespmem:s24+$0x1B0];
	_ =	sdelay $0x4  }
0x3a4: {  	[tilespmem:s29+$0x19430] =	vst.add.f32.msk $0xffff, v5  }
0x3a5: {  	v5 =	vld [tilespmem:s24+$0x1C0];
	_ =	sdelay $0x4  }
0x3a6: {  	[tilespmem:s29+$0x19440] =	vst.add.f32.msk $0xffff, v5  }
0x3a7: {  	(v2sf) =	vpush v3, $0xC;
	v5 =	vld [tilespmem:s24+$0x1D0]  }
0x3a8: {  	(v2sf) =	vpush v4, $0xD  }
0x3a9: {  	(v2sf) =	vpush v4, $0xC;
	_ =	sdelay $0x2  }
0x3aa: {  	[tilespmem:s29+$0x19450] =	vst.add.f32.msk $0xffff, v5  }
0x3ab: {  	v5 =	vld [tilespmem:s24+$0x1E0];
	_ =	sdelay $0x4  }
0x3ac: {  	[tilespmem:s29+$0x19460] =	vst.add.f32.msk $0xffff, v5  }
0x3ad: {  	v5 =	vld [tilespmem:s24+$0x1F0];
	_ =	sdelay $0x2  }
0x3ae: {  	s30 =	spop (v2sf)  }
0x3af: {  	s31 =	spop (v2sf)  }
0x3b0: {  	[tilespmem:s29+$0x19470] =	vst.add.f32.msk $0xffff, v5;
	s29 =	spop (v2sf)  }
0x3b1: {  	[tilespmem:s29+$0x0] =	vst.add.f32.msk $0xffff, v2  }
0x3b2: {  	v5 =	vld [tilespmem:s24+$0x200];
	_ =	sdelay $0x4  }
0x3b3: {  	[tilespmem:s30+$0x19400] =	vst.add.f32.msk $0xffff, v5  }
0x3b4: {  	v5 =	vld [tilespmem:s24+$0x210];
	_ =	sdelay $0x4  }
0x3b5: {  	[tilespmem:s30+$0x19410] =	vst.add.f32.msk $0xffff, v5  }
0x3b6: {  	v5 =	vld [tilespmem:s24+$0x220];
	_ =	sdelay $0x4  }
0x3b7: {  	[tilespmem:s30+$0x19420] =	vst.add.f32.msk $0xffff, v5  }
0x3b8: {  	v5 =	vld [tilespmem:s24+$0x230];
	_ =	sdelay $0x4  }
0x3b9: {  	[tilespmem:s30+$0x19430] =	vst.add.f32.msk $0xffff, v5  }
0x3ba: {  	v5 =	vld [tilespmem:s24+$0x240];
	_ =	sdelay $0x4  }
0x3bb: {  	[tilespmem:s30+$0x19440] =	vst.add.f32.msk $0xffff, v5  }
0x3bc: {  	v5 =	vld [tilespmem:s24+$0x250];
	_ =	sdelay $0x4  }
0x3bd: {  	[tilespmem:s30+$0x19450] =	vst.add.f32.msk $0xffff, v5  }
0x3be: {  	v5 =	vld [tilespmem:s24+$0x260];
	_ =	sdelay $0x1  }
0x3bf: {  	(v2sf) =	vpush v3, $0xD;
	_ =	sdelay $0x2  }
0x3c0: {  	[tilespmem:s30+$0x19460] =	vst.add.f32.msk $0xffff, v5  }
0x3c1: {  	v5 =	vld [tilespmem:s24+$0x270];
	_ =	sdelay $0x4  }
0x3c2: {  	[tilespmem:s30+$0x19470] =	vst.add.f32.msk $0xffff, v5  }
0x3c3: {  	[tilespmem:s31+$0x0] =	vst.add.f32.msk $0xffff, v2  }
0x3c4: {  	v5 =	vld [tilespmem:s24+$0x280];
	_ =	sdelay $0x3  }
0x3c5: {  	s30 =	spop (v2sf)  }
0x3c6: {  	[tilespmem:s30+$0x19400] =	vst.add.f32.msk $0xffff, v5  }
0x3c7: {  	v5 =	vld [tilespmem:s24+$0x290];
	_ =	sdelay $0x4  }
0x3c8: {  	[tilespmem:s30+$0x19410] =	vst.add.f32.msk $0xffff, v5  }
0x3c9: {  	v5 =	vld [tilespmem:s24+$0x2A0];
	_ =	sdelay $0x4  }
0x3ca: {  	[tilespmem:s30+$0x19420] =	vst.add.f32.msk $0xffff, v5  }
0x3cb: {  	v5 =	vld [tilespmem:s24+$0x2B0];
	_ =	sdelay $0x4  }
0x3cc: {  	[tilespmem:s30+$0x19430] =	vst.add.f32.msk $0xffff, v5  }
0x3cd: {  	v5 =	vld [tilespmem:s24+$0x2C0];
	_ =	sdelay $0x4  }
0x3ce: {  	[tilespmem:s30+$0x19440] =	vst.add.f32.msk $0xffff, v5  }
0x3cf: {  	(v2sf) =	vpush v3, $0xE;
	v5 =	vld [tilespmem:s24+$0x2D0]  }
0x3d0: {  	(v2sf) =	vpush v4, $0xF  }
0x3d1: {  	(v2sf) =	vpush v4, $0xE;
	_ =	sdelay $0x2  }
0x3d2: {  	[tilespmem:s30+$0x19450] =	vst.add.f32.msk $0xffff, v5  }
0x3d3: {  	v63 =	vld [tilespmem:s24+$0x2E0];
	_ =	sdelay $0x4  }
0x3d4: {  	[tilespmem:s30+$0x19460] =	vst.add.f32.msk $0xffff, v63  }
0x3d5: {  	v4 =	vld [tilespmem:s24+$0x2F0];
	_ =	sdelay $0x2  }
0x3d6: {  	s31 =	spop (v2sf)  }
0x3d7: {  	s29 =	spop (v2sf)  }
0x3d8: {  	[tilespmem:s30+$0x19470] =	vst.add.f32.msk $0xffff, v4;
	s30 =	spop (v2sf)  }
0x3d9: {  	[tilespmem:s30+$0x0] =	vst.add.f32.msk $0xffff, v2  }
0x3da: {  	v4 =	vld [tilespmem:s24+$0x300];
	_ =	sdelay $0x4  }
0x3db: {  	[tilespmem:s31+$0x19400] =	vst.add.f32.msk $0xffff, v4  }
0x3dc: {  	v4 =	vld [tilespmem:s24+$0x310];
	_ =	sdelay $0x4  }
0x3dd: {  	[tilespmem:s31+$0x19410] =	vst.add.f32.msk $0xffff, v4  }
0x3de: {  	v4 =	vld [tilespmem:s24+$0x320];
	_ =	sdelay $0x4  }
0x3df: {  	[tilespmem:s31+$0x19420] =	vst.add.f32.msk $0xffff, v4  }
0x3e0: {  	v4 =	vld [tilespmem:s24+$0x330];
	_ =	sdelay $0x4  }
0x3e1: {  	[tilespmem:s31+$0x19430] =	vst.add.f32.msk $0xffff, v4  }
0x3e2: {  	v4 =	vld [tilespmem:s24+$0x340];
	_ =	sdelay $0x4  }
0x3e3: {  	[tilespmem:s31+$0x19440] =	vst.add.f32.msk $0xffff, v4  }
0x3e4: {  	v4 =	vld [tilespmem:s24+$0x350];
	_ =	sdelay $0x4  }
0x3e5: {  	[tilespmem:s31+$0x19450] =	vst.add.f32.msk $0xffff, v4  }
0x3e6: {  	v4 =	vld [tilespmem:s24+$0x360];
	_ =	sdelay $0x1  }
0x3e7: {  	(v2sf) =	vpush v3, $0xF;
	_ =	sdelay $0x2  }
0x3e8: {  	[tilespmem:s31+$0x19460] =	vst.add.f32.msk $0xffff, v4  }
0x3e9: {  	v3 =	vld [tilespmem:s24+$0x370];
	_ =	sdelay $0x4  }
0x3ea: {  	[tilespmem:s31+$0x19470] =	vst.add.f32.msk $0xffff, v3  }
0x3eb: {  	[tilespmem:s29+$0x0] =	vst.add.f32.msk $0xffff, v2  }
0x3ec: {  	v3 =	vld [tilespmem:s24+$0x380];
	_ =	sdelay $0x3  }
0x3ed: {  	s31 =	spop (v2sf)  }
0x3ee: {  	[tilespmem:s31+$0x19400] =	vst.add.f32.msk $0xffff, v3  }
0x3ef: {  	v3 =	vld [tilespmem:s24+$0x390];
	_ =	sdelay $0x4  }
0x3f0: {  	[tilespmem:s31+$0x19410] =	vst.add.f32.msk $0xffff, v3  }
0x3f1: {  	v3 =	vld [tilespmem:s24+$0x3A0];
	_ =	sdelay $0x4  }
0x3f2: {  	[tilespmem:s31+$0x19420] =	vst.add.f32.msk $0xffff, v3  }
0x3f3: {  	v3 =	vld [tilespmem:s24+$0x3B0];
	_ =	sdelay $0x4  }
0x3f4: {  	[tilespmem:s31+$0x19430] =	vst.add.f32.msk $0xffff, v3  }
0x3f5: {  	v3 =	vld [tilespmem:s24+$0x3C0];
	_ =	sdelay $0x4  }
0x3f6: {  	[tilespmem:s31+$0x19440] =	vst.add.f32.msk $0xffff, v3  }
0x3f7: {  	v3 =	vld [tilespmem:s24+$0x3D0];
	_ =	sdelay $0x4  }
0x3f8: {  	[tilespmem:s31+$0x19450] =	vst.add.f32.msk $0xffff, v3  }
0x3f9: {  	v3 =	vld [tilespmem:s24+$0x3E0];
	_ =	sdelay $0x4  }
0x3fa: {  	[tilespmem:s31+$0x19460] =	vst.add.f32.msk $0xffff, v3  }
0x3fb: {  	p0 =	sne.s32 s23, $0x600;
	v3 =	vld [tilespmem:s24+$0x3F0]  }
.Ltmp13:
0x3fc: {  	_ = 	snop;
	(pc) =	sbr.rel @p0 .LBB2_15-.Ltmp13, $2  }
0x3fd: {  	_ =	sdelay $0x2  }
0x3fe: {  	s23 =	sadd.s32 $0x40, s23;
	s24 =	sadd.s32 $0x800, s24;
	[tilespmem:s31+$0x19470] =	vst.add.f32.msk $0xffff, v3  }
.Ltmp14:
0x3ff: {  	_ = 	snop;
	(pc) =	sbr.rel .LBB2_16-.Ltmp14, $1  }
0x400: {  	_ =	sdelay $0x3  }
.LBB2_18:
0x401: {  	_ =	sfence.sel $0x180000  }
0x402: {  	[bflag:$0x0] =	sbarrier.arrive $0xFFFF  }
0x403: {  	p0 =	sne.s32 s2, $0x0;
	_ =	strace $0x90000047  }
0x404: {  	s0 =	sadd.s32 @!p0 $0x100000, s0;
	[bflag:$0x2] =	sbarrier.arrive $0xFFFF  }
0x405: {  	[sflag:s0] =	ssyncadd.tile.s32 @!p0 $0x1;
	_ =	shalt  }
.Lfunc_end2:
_tile_overlayer_lowered:
.L_overlay_start_2:
0x406: {  	(tag) =	ssettag $0x2  }
0x407: {  	s0 =	rddreg [dreg:$0x0];
	s2 =	stileid.u32  }
0x408: {  	s1 =	rddreg [dreg:$0x1];
	p0 =	sne.s32 s2, $0x0  }
0x409: {  	s3 =	rddreg [dreg:$0x2];
	[bflag:$0x3] =	sbarrier.arrive $0xFFFF;
	s2 =	simm.s32 @!p0 $0x1C03  }
0x40a: {  	[timem:s3], [sflag:s2] =	dma.local @!p0 [hbm:s0], s1  }
0x40b: {  	s0 =	simm.s32 @!p0 $0x3  }
0x40c: {  	_ =	swait.ge @!p0 [sflag:s0], s1  }
0x40d: {  	s1 =	ssub.s32 @!p0 $0x0, s1;
	[sflag:s0] =	ssyncset.done @!p0 $0x0  }
0x40e: {  	[sflag:s0] =	ssyncadd.s32 @!p0 s1  }
0x40f: {  	[bflag:$0x3] =	sbarrier.arrive $0xFFFF  }
0x410: {  	_ =	shalt  }

</sc_bundles>
